<compile_context>
chip_gen: v7x
topology: tpu7x:2x2x1
jax: 0.10.2.dev20260603
libtpu: 0.0.44.dev20260713+nightly
codegen_flags: <defaults>
</compile_context>

<pallas_src>
import jax
import jax.numpy as jnp
from jax import lax
from jax.experimental import pallas as pl
from jax.experimental.pallas import tpu as pltpu
from jax.experimental.pallas import tpu_sc as plsc

L = 16
TL = 128


def _make_body(n, d, ninc, nw, chunk):
    rows_per_w = n // nw
    nchunk = rows_per_w // chunk
    tpc = chunk // TL
    gpt_shift = 3
    gpt_mask = (TL // L) - 1
    xrow = ((ninc + 1 + L - 1) // L) * L
    jac_scale = float(ninc) ** d

    def body(y_hbm, grid_hbm, inc_hbm, x_hbm, jac_hbm, grid_v, incx_v,
             y_b, x_b, jac_b, sem_in, sem_x, sem_jac):
        cid = lax.axis_index("c")
        sid = lax.axis_index("s")
        wid = sid * 2 + cid
        pltpu.sync_copy(grid_hbm, grid_v)
        lanes = lax.iota(jnp.int32, L)

        for dd in range(d):
            pltpu.sync_copy(inc_hbm.at[dd], incx_v.at[dd, pl.ds(0, ninc)])
        for dd in range(d):
            k = jnp.minimum(xrow - L + lanes, ninc - 1)
            incx_v[dd, pl.ds(xrow - L, L)] = plsc.load_gather(
                incx_v.at[dd], [k]
            )

        base0 = wid * (rows_per_w // TL)

        def tile0(c):
            return pl.multiple_of(base0 + c * tpc, tpc)

        def start_in(c, b):
            pltpu.async_copy(y_hbm.at[pl.ds(tile0(c), tpc)], y_b[b], sem_in[b])

        def wait_in(c, b):
            pltpu.make_async_copy(
                y_hbm.at[pl.ds(tile0(c), tpc)], y_b[b], sem_in[b]
            ).wait()

        def start_out(c, b):
            t0 = tile0(c)
            pltpu.async_copy(x_b[b], x_hbm.at[pl.ds(t0, tpc)], sem_x[b])
            r0 = pl.multiple_of(t0 * TL, chunk)
            pltpu.async_copy(jac_b[b], jac_hbm.at[pl.ds(r0, chunk)], sem_jac[b])

        def wait_out(c, b):
            t0 = tile0(c)
            pltpu.make_async_copy(
                x_b[b], x_hbm.at[pl.ds(t0, tpc)], sem_x[b]
            ).wait()
            r0 = pl.multiple_of(t0 * TL, chunk)
            pltpu.make_async_copy(
                jac_b[b], jac_hbm.at[pl.ds(r0, chunk)], sem_jac[b]
            ).wait()

        def compute(b):
            y_v, x_v, jac_v = y_b[b], x_b[b], jac_b[b]

            @plsc.parallel_loop(0, chunk // L, unroll=8)
            def ibody(i):
                t = i >> gpt_shift
                l0 = (i & gpt_mask) * L
                jac = None
                for dd in range(d):
                    yv = y_v[t, dd, pl.ds(l0, L)]
                    tt = yv * float(ninc)
                    iy = tt.astype(jnp.int32)
                    dy = tt - iy.astype(jnp.float32)
                    g = plsc.load_gather(grid_v.at[dd], [iy])
                    ig = plsc.load_gather(incx_v.at[dd], [iy])
                    x_v[t, dd, pl.ds(l0, L)] = g + ig * dy
                    jac = ig if jac is None else jac * ig
                jac_v[pl.ds(i * L, L)] = jac * jac_scale

        start_in(0, 0)

        def cbody(h, carry):
            for b in range(2):
                c = h * 2 + b
                wait_in(c, b)

                @pl.when(c + 1 < nchunk)
                def _():
                    start_in(c + 1, 1 - b)

                @pl.when(c >= 2)
                def _():
                    wait_out(c - 2, b)

                compute(b)
                start_out(c, b)
            return carry

        lax.fori_loop(0, nchunk // 2, cbody, 0)
        wait_out(nchunk - 2, 0)
        wait_out(nchunk - 1, 1)

    return body


def kernel(y, grid, inc):
    n, d = y.shape
    ninc = inc.shape[1]
    nw = 32
    rows_per_w = n // nw
    chunk = min(2048, rows_per_w)
    nt = n // TL
    xrow = ((ninc + 1 + L - 1) // L) * L
    y3 = y.T.reshape(d, nt, TL).transpose(1, 0, 2)
    mesh = plsc.VectorSubcoreMesh(
        core_axis_name="c", subcore_axis_name="s", num_cores=2, num_subcores=16
    )
    k = pl.kernel(
        _make_body(n, d, ninc, nw, chunk),
        out_type=[
            jax.ShapeDtypeStruct((nt, d, TL), jnp.float32),
            jax.ShapeDtypeStruct((n,), jnp.float32),
        ],
        mesh=mesh,
        compiler_params=pltpu.CompilerParams(
            needs_layout_passes=False, use_tc_tiling_on_sc=False
        ),
        scratch_types=[
            pltpu.VMEM((d, ninc + 1), jnp.float32),
            pltpu.VMEM((d, xrow), jnp.float32),
            [pltpu.VMEM((chunk // TL, d, TL), jnp.float32) for _ in range(2)],
            [pltpu.VMEM((chunk // TL, d, TL), jnp.float32) for _ in range(2)],
            [pltpu.VMEM((chunk,), jnp.float32) for _ in range(2)],
            [pltpu.SemaphoreType.DMA for _ in range(2)],
            [pltpu.SemaphoreType.DMA for _ in range(2)],
            [pltpu.SemaphoreType.DMA for _ in range(2)],
        ],
    )
    x3, jac = k(y3, grid, inc)
    x = x3.transpose(1, 0, 2).reshape(d, n).T
    return x, jac

# --- scband reference (transcript-rebuilt; emitter-appended) ---
"""Pipeline reference for scband-vegas-map-17076789969476 (READ-ONLY COPY).

The authoritative reference and input builder live on the scoring server;
editing this copy changes nothing except your own understanding.
"""

import jax, jax.numpy as jnp
import numpy as np

N = 1048576
D = 8
NINC = 1000


def setup_inputs(seed: int = 0) -> dict:
    key = jax.random.key(seed)
    k1, k2 = jax.random.split(key)
    y = jax.random.uniform(k1, (N, D), dtype=jnp.float32)
    # Learned VEGAS map buffers: per-dim increments (positive, sum to 1) and cumulative grid.
    raw = jax.random.uniform(k2, (D, NINC), dtype=jnp.float32) + 0.5
    inc = raw / jnp.sum(raw, axis=1, keepdims=True)
    grid = jnp.concatenate([jnp.zeros((D, 1), dtype=jnp.float32), jnp.cumsum(inc, axis=1)], axis=1)  # [D, NINC+1]
    return {"y": y, "grid": grid, "inc": inc}


def reference(y, grid, inc):
    # Faithful translation of VegasMap.forward: piecewise-linear map y in [0,1]^D -> x, with Jacobian.
    ninc = inc.shape[1]
    y_ninc = y * ninc                      # [N, D]
    iy = jnp.floor(y_ninc).astype(jnp.int32)
    dy_ninc = y_ninc - iy.astype(y.dtype)
    mask = iy < ninc                       # [N, D]; False only when y == 1.0 exactly
    iy_c = jnp.clip(iy, 0, ninc - 1)
    # g[n, d] = grid[d, iy[n, d]]  (gather per dimension)
    g = jnp.take_along_axis(grid.T, iy_c, axis=0)     # [N, D]
    inc_g = jnp.take_along_axis(inc.T, iy_c, axis=0)  # [N, D]
    x_in = g + inc_g * dy_ninc
    x_edge = grid[:, ninc]                 # [D]
    x = jnp.where(mask, x_in, x_edge[None, :])
    jac_in = inc_g * ninc
    jac_edge = inc[:, ninc - 1] * ninc     # [D]
    jac_factors = jnp.where(mask, jac_in, jac_edge[None, :])
    jac = jnp.prod(jac_factors, axis=1)    # [N]
    return (x, jac)

if __name__ == "__main__":
    import jax
    _d = setup_inputs()
    print(jax.jit(kernel)(*tuple(_d.values())))

</pallas_src>

<mosaic_0001>
#map = affine_map<(d0, d1) -> (0, 0, 0)>
#map1 = affine_map<(d0, d1) -> (0, 0)>
#map2 = affine_map<(d0, d1) -> (0)>
module attributes {stable_mosaic.version = 14 : i64} {
  func.func @body(%arg0: i32, %arg1: i32, %arg2: memref<8192x8x128xf32, #tpu.memory_space<hbm>>, %arg3: memref<8x1001xf32, #tpu.memory_space<hbm>>, %arg4: memref<8x1000xf32, #tpu.memory_space<hbm>>, %arg5: memref<8192x8x128xf32, #tpu.memory_space<hbm>>, %arg6: memref<1048576xf32, #tpu.memory_space<hbm>>, %arg7: memref<8x1001xf32, #tpu.memory_space<vmem>>, %arg8: memref<8x1008xf32, #tpu.memory_space<vmem>>, %arg9: memref<16x8x128xf32, #tpu.memory_space<vmem>>, %arg10: memref<16x8x128xf32, #tpu.memory_space<vmem>>, %arg11: memref<16x8x128xf32, #tpu.memory_space<vmem>>, %arg12: memref<16x8x128xf32, #tpu.memory_space<vmem>>, %arg13: memref<2048xf32, #tpu.memory_space<vmem>>, %arg14: memref<2048xf32, #tpu.memory_space<vmem>>, %arg15: memref<!tpu.dma_semaphore, #tpu.memory_space<semaphore_mem>>, %arg16: memref<!tpu.dma_semaphore, #tpu.memory_space<semaphore_mem>>, %arg17: memref<!tpu.dma_semaphore, #tpu.memory_space<semaphore_mem>>, %arg18: memref<!tpu.dma_semaphore, #tpu.memory_space<semaphore_mem>>, %arg19: memref<!tpu.dma_semaphore, #tpu.memory_space<semaphore_mem>>, %arg20: memref<!tpu.dma_semaphore, #tpu.memory_space<semaphore_mem>>) attributes {dimension_semantics = [#tpu.dimension_semantics<core_parallel>, #tpu.dimension_semantics<subcore_parallel>], iteration_bounds = array<i64: 2, 16>, scalar_prefetch = 0 : i64, scratch_operands = 14 : i64, tpu.core_type = #tpu.core_type<sc_vector_subcore>, window_params = [{transform_indices = #map}, {transform_indices = #map1}, {transform_indices = #map1}, {transform_indices = #map}, {transform_indices = #map2}]} {
    %mul3A = arith.constant 2 : i32
    %mul3A_0 = arith.muli %arg1, %mul3A : i32
    %add3A = arith.addi %mul3A_0, %arg0 : i32
    "tpu.region"() ({
      %run_scoped3A_174 = tpu.sem_alloc : memref<!tpu.dma_semaphore, #tpu.memory_space<semaphore_mem>>
      tpu.enqueue_dma source(%arg3 : memref<8x1001xf32, #tpu.memory_space<hbm>>) target(%arg7 : memref<8x1001xf32, #tpu.memory_space<vmem>>) target_semaphore(%run_scoped3A_174 : memref<!tpu.dma_semaphore, #tpu.memory_space<semaphore_mem>>)
      tpu.wait_dma2 semaphore(%run_scoped3A_174 : memref<!tpu.dma_semaphore, #tpu.memory_space<semaphore_mem>>) src(%arg3 : memref<8x1001xf32, #tpu.memory_space<hbm>>) dst(%arg7 : memref<8x1001xf32, #tpu.memory_space<vmem>>)
      tpu.yield
    }) : () -> ()
    %iota3A = tpu.iota {dimensions = array<i32: 0>} : vector<16xi32>
    %run_scoped3A = arith.constant 0 : i32
    %run_scoped3A_1 = arith.constant 0 : i32
    "tpu.region"() ({
      %run_scoped3A_174 = tpu.sem_alloc : memref<!tpu.dma_semaphore, #tpu.memory_space<semaphore_mem>>
      %dma_start3A_175 = arith.constant 0 : i32
      %dma_start3A_176 = tpu.memref_slice %arg8[%run_scoped3A_1, %dma_start3A_175] : memref<8x1008xf32, #tpu.memory_space<vmem>> -> memref<1x1000xf32, #tpu.memory_space<vmem>>
      %dma_start3A_177 = tpu.memref_squeeze %dma_start3A_176 : memref<1x1000xf32, #tpu.memory_space<vmem>> -> memref<1000xf32, #tpu.memory_space<vmem>>
      %dma_start3A_178 = arith.constant 0 : i32
      %dma_start3A_179 = tpu.memref_slice %arg4[%run_scoped3A, %dma_start3A_178] : memref<8x1000xf32, #tpu.memory_space<hbm>> -> memref<1x1000xf32, #tpu.memory_space<hbm>>
      %dma_start3A_180 = tpu.memref_squeeze %dma_start3A_179 : memref<1x1000xf32, #tpu.memory_space<hbm>> -> memref<1000xf32, #tpu.memory_space<hbm>>
      %dma_start3A_181 = arith.constant 0 : i32
      %dma_start3A_182 = tpu.memref_slice %arg8[%run_scoped3A_1, %dma_start3A_181] : memref<8x1008xf32, #tpu.memory_space<vmem>> -> memref<1x1000xf32, #tpu.memory_space<vmem>>
      %dma_start3A_183 = tpu.memref_squeeze %dma_start3A_182 : memref<1x1000xf32, #tpu.memory_space<vmem>> -> memref<1000xf32, #tpu.memory_space<vmem>>
      %dma_start3A_184 = arith.constant 0 : i32
      %dma_start3A_185 = tpu.memref_slice %arg4[%run_scoped3A, %dma_start3A_184] : memref<8x1000xf32, #tpu.memory_space<hbm>> -> memref<1x1000xf32, #tpu.memory_space<hbm>>
      %dma_start3A_186 = tpu.memref_squeeze %dma_start3A_185 : memref<1x1000xf32, #tpu.memory_space<hbm>> -> memref<1000xf32, #tpu.memory_space<hbm>>
      tpu.enqueue_dma source(%dma_start3A_186 : memref<1000xf32, #tpu.memory_space<hbm>>) target(%dma_start3A_183 : memref<1000xf32, #tpu.memory_space<vmem>>) target_semaphore(%run_scoped3A_174 : memref<!tpu.dma_semaphore, #tpu.memory_space<semaphore_mem>>)
      %dma_wait3A_187 = arith.constant 0 : i32
      %dma_wait3A_188 = tpu.memref_slice %arg8[%run_scoped3A_1, %dma_wait3A_187] : memref<8x1008xf32, #tpu.memory_space<vmem>> -> memref<1x1000xf32, #tpu.memory_space<vmem>>
      %dma_wait3A_189 = tpu.memref_squeeze %dma_wait3A_188 : memref<1x1000xf32, #tpu.memory_space<vmem>> -> memref<1000xf32, #tpu.memory_space<vmem>>
      %dma_wait3A_190 = arith.constant 0 : i32
      %dma_wait3A_191 = tpu.memref_slice %arg4[%run_scoped3A, %dma_wait3A_190] : memref<8x1000xf32, #tpu.memory_space<hbm>> -> memref<1x1000xf32, #tpu.memory_space<hbm>>
      %dma_wait3A_192 = tpu.memref_squeeze %dma_wait3A_191 : memref<1x1000xf32, #tpu.memory_space<hbm>> -> memref<1000xf32, #tpu.memory_space<hbm>>
      %dma_wait3A_193 = arith.constant 0 : i32
      %dma_wait3A_194 = tpu.memref_slice %arg8[%run_scoped3A_1, %dma_wait3A_193] : memref<8x1008xf32, #tpu.memory_space<vmem>> -> memref<1x1000xf32, #tpu.memory_space<vmem>>
      %dma_wait3A_195 = tpu.memref_squeeze %dma_wait3A_194 : memref<1x1000xf32, #tpu.memory_space<vmem>> -> memref<1000xf32, #tpu.memory_space<vmem>>
      %dma_wait3A_196 = arith.constant 0 : i32
      %dma_wait3A_197 = tpu.memref_slice %arg4[%run_scoped3A, %dma_wait3A_196] : memref<8x1000xf32, #tpu.memory_space<hbm>> -> memref<1x1000xf32, #tpu.memory_space<hbm>>
      %dma_wait3A_198 = tpu.memref_squeeze %dma_wait3A_197 : memref<1x1000xf32, #tpu.memory_space<hbm>> -> memref<1000xf32, #tpu.memory_space<hbm>>
      tpu.wait_dma2 semaphore(%run_scoped3A_174 : memref<!tpu.dma_semaphore, #tpu.memory_space<semaphore_mem>>) src(%dma_wait3A_198 : memref<1000xf32, #tpu.memory_space<hbm>>) dst(%dma_wait3A_195 : memref<1000xf32, #tpu.memory_space<vmem>>)
      tpu.yield
    }) : () -> ()
    %run_scoped3A_2 = arith.constant 1 : i32
    %run_scoped3A_3 = arith.constant 1 : i32
    "tpu.region"() ({
      %run_scoped3A_174 = tpu.sem_alloc : memref<!tpu.dma_semaphore, #tpu.memory_space<semaphore_mem>>
      %dma_start3A_175 = arith.constant 0 : i32
      %dma_start3A_176 = tpu.memref_slice %arg8[%run_scoped3A_3, %dma_start3A_175] : memref<8x1008xf32, #tpu.memory_space<vmem>> -> memref<1x1000xf32, #tpu.memory_space<vmem>>
      %dma_start3A_177 = tpu.memref_squeeze %dma_start3A_176 : memref<1x1000xf32, #tpu.memory_space<vmem>> -> memref<1000xf32, #tpu.memory_space<vmem>>
      %dma_start3A_178 = arith.constant 0 : i32
      %dma_start3A_179 = tpu.memref_slice %arg4[%run_scoped3A_2, %dma_start3A_178] : memref<8x1000xf32, #tpu.memory_space<hbm>> -> memref<1x1000xf32, #tpu.memory_space<hbm>>
      %dma_start3A_180 = tpu.memref_squeeze %dma_start3A_179 : memref<1x1000xf32, #tpu.memory_space<hbm>> -> memref<1000xf32, #tpu.memory_space<hbm>>
      %dma_start3A_181 = arith.constant 0 : i32
      %dma_start3A_182 = tpu.memref_slice %arg8[%run_scoped3A_3, %dma_start3A_181] : memref<8x1008xf32, #tpu.memory_space<vmem>> -> memref<1x1000xf32, #tpu.memory_space<vmem>>
      %dma_start3A_183 = tpu.memref_squeeze %dma_start3A_182 : memref<1x1000xf32, #tpu.memory_space<vmem>> -> memref<1000xf32, #tpu.memory_space<vmem>>
      %dma_start3A_184 = arith.constant 0 : i32
      %dma_start3A_185 = tpu.memref_slice %arg4[%run_scoped3A_2, %dma_start3A_184] : memref<8x1000xf32, #tpu.memory_space<hbm>> -> memref<1x1000xf32, #tpu.memory_space<hbm>>
      %dma_start3A_186 = tpu.memref_squeeze %dma_start3A_185 : memref<1x1000xf32, #tpu.memory_space<hbm>> -> memref<1000xf32, #tpu.memory_space<hbm>>
      tpu.enqueue_dma source(%dma_start3A_186 : memref<1000xf32, #tpu.memory_space<hbm>>) target(%dma_start3A_183 : memref<1000xf32, #tpu.memory_space<vmem>>) target_semaphore(%run_scoped3A_174 : memref<!tpu.dma_semaphore, #tpu.memory_space<semaphore_mem>>)
      %dma_wait3A_187 = arith.constant 0 : i32
      %dma_wait3A_188 = tpu.memref_slice %arg8[%run_scoped3A_3, %dma_wait3A_187] : memref<8x1008xf32, #tpu.memory_space<vmem>> -> memref<1x1000xf32, #tpu.memory_space<vmem>>
      %dma_wait3A_189 = tpu.memref_squeeze %dma_wait3A_188 : memref<1x1000xf32, #tpu.memory_space<vmem>> -> memref<1000xf32, #tpu.memory_space<vmem>>
      %dma_wait3A_190 = arith.constant 0 : i32
      %dma_wait3A_191 = tpu.memref_slice %arg4[%run_scoped3A_2, %dma_wait3A_190] : memref<8x1000xf32, #tpu.memory_space<hbm>> -> memref<1x1000xf32, #tpu.memory_space<hbm>>
      %dma_wait3A_192 = tpu.memref_squeeze %dma_wait3A_191 : memref<1x1000xf32, #tpu.memory_space<hbm>> -> memref<1000xf32, #tpu.memory_space<hbm>>
      %dma_wait3A_193 = arith.constant 0 : i32
      %dma_wait3A_194 = tpu.memref_slice %arg8[%run_scoped3A_3, %dma_wait3A_193] : memref<8x1008xf32, #tpu.memory_space<vmem>> -> memref<1x1000xf32, #tpu.memory_space<vmem>>
      %dma_wait3A_195 = tpu.memref_squeeze %dma_wait3A_194 : memref<1x1000xf32, #tpu.memory_space<vmem>> -> memref<1000xf32, #tpu.memory_space<vmem>>
      %dma_wait3A_196 = arith.constant 0 : i32
      %dma_wait3A_197 = tpu.memref_slice %arg4[%run_scoped3A_2, %dma_wait3A_196] : memref<8x1000xf32, #tpu.memory_space<hbm>> -> memref<1x1000xf32, #tpu.memory_space<hbm>>
      %dma_wait3A_198 = tpu.memref_squeeze %dma_wait3A_197 : memref<1x1000xf32, #tpu.memory_space<hbm>> -> memref<1000xf32, #tpu.memory_space<hbm>>
      tpu.wait_dma2 semaphore(%run_scoped3A_174 : memref<!tpu.dma_semaphore, #tpu.memory_space<semaphore_mem>>) src(%dma_wait3A_198 : memref<1000xf32, #tpu.memory_space<hbm>>) dst(%dma_wait3A_195 : memref<1000xf32, #tpu.memory_space<vmem>>)
      tpu.yield
    }) : () -> ()
    %run_scoped3A_4 = arith.constant 2 : i32
    %run_scoped3A_5 = arith.constant 2 : i32
    "tpu.region"() ({
      %run_scoped3A_174 = tpu.sem_alloc : memref<!tpu.dma_semaphore, #tpu.memory_space<semaphore_mem>>
      %dma_start3A_175 = arith.constant 0 : i32
      %dma_start3A_176 = tpu.memref_slice %arg8[%run_scoped3A_5, %dma_start3A_175] : memref<8x1008xf32, #tpu.memory_space<vmem>> -> memref<1x1000xf32, #tpu.memory_space<vmem>>
      %dma_start3A_177 = tpu.memref_squeeze %dma_start3A_176 : memref<1x1000xf32, #tpu.memory_space<vmem>> -> memref<1000xf32, #tpu.memory_space<vmem>>
      %dma_start3A_178 = arith.constant 0 : i32
      %dma_start3A_179 = tpu.memref_slice %arg4[%run_scoped3A_4, %dma_start3A_178] : memref<8x1000xf32, #tpu.memory_space<hbm>> -> memref<1x1000xf32, #tpu.memory_space<hbm>>
      %dma_start3A_180 = tpu.memref_squeeze %dma_start3A_179 : memref<1x1000xf32, #tpu.memory_space<hbm>> -> memref<1000xf32, #tpu.memory_space<hbm>>
      %dma_start3A_181 = arith.constant 0 : i32
      %dma_start3A_182 = tpu.memref_slice %arg8[%run_scoped3A_5, %dma_start3A_181] : memref<8x1008xf32, #tpu.memory_space<vmem>> -> memref<1x1000xf32, #tpu.memory_space<vmem>>
      %dma_start3A_183 = tpu.memref_squeeze %dma_start3A_182 : memref<1x1000xf32, #tpu.memory_space<vmem>> -> memref<1000xf32, #tpu.memory_space<vmem>>
      %dma_start3A_184 = arith.constant 0 : i32
      %dma_start3A_185 = tpu.memref_slice %arg4[%run_scoped3A_4, %dma_start3A_184] : memref<8x1000xf32, #tpu.memory_space<hbm>> -> memref<1x1000xf32, #tpu.memory_space<hbm>>
      %dma_start3A_186 = tpu.memref_squeeze %dma_start3A_185 : memref<1x1000xf32, #tpu.memory_space<hbm>> -> memref<1000xf32, #tpu.memory_space<hbm>>
      tpu.enqueue_dma source(%dma_start3A_186 : memref<1000xf32, #tpu.memory_space<hbm>>) target(%dma_start3A_183 : memref<1000xf32, #tpu.memory_space<vmem>>) target_semaphore(%run_scoped3A_174 : memref<!tpu.dma_semaphore, #tpu.memory_space<semaphore_mem>>)
      %dma_wait3A_187 = arith.constant 0 : i32
      %dma_wait3A_188 = tpu.memref_slice %arg8[%run_scoped3A_5, %dma_wait3A_187] : memref<8x1008xf32, #tpu.memory_space<vmem>> -> memref<1x1000xf32, #tpu.memory_space<vmem>>
      %dma_wait3A_189 = tpu.memref_squeeze %dma_wait3A_188 : memref<1x1000xf32, #tpu.memory_space<vmem>> -> memref<1000xf32, #tpu.memory_space<vmem>>
      %dma_wait3A_190 = arith.constant 0 : i32
      %dma_wait3A_191 = tpu.memref_slice %arg4[%run_scoped3A_4, %dma_wait3A_190] : memref<8x1000xf32, #tpu.memory_space<hbm>> -> memref<1x1000xf32, #tpu.memory_space<hbm>>
      %dma_wait3A_192 = tpu.memref_squeeze %dma_wait3A_191 : memref<1x1000xf32, #tpu.memory_space<hbm>> -> memref<1000xf32, #tpu.memory_space<hbm>>
      %dma_wait3A_193 = arith.constant 0 : i32
      %dma_wait3A_194 = tpu.memref_slice %arg8[%run_scoped3A_5, %dma_wait3A_193] : memref<8x1008xf32, #tpu.memory_space<vmem>> -> memref<1x1000xf32, #tpu.memory_space<vmem>>
      %dma_wait3A_195 = tpu.memref_squeeze %dma_wait3A_194 : memref<1x1000xf32, #tpu.memory_space<vmem>> -> memref<1000xf32, #tpu.memory_space<vmem>>
      %dma_wait3A_196 = arith.constant 0 : i32
      %dma_wait3A_197 = tpu.memref_slice %arg4[%run_scoped3A_4, %dma_wait3A_196] : memref<8x1000xf32, #tpu.memory_space<hbm>> -> memref<1x1000xf32, #tpu.memory_space<hbm>>
      %dma_wait3A_198 = tpu.memref_squeeze %dma_wait3A_197 : memref<1x1000xf32, #tpu.memory_space<hbm>> -> memref<1000xf32, #tpu.memory_space<hbm>>
      tpu.wait_dma2 semaphore(%run_scoped3A_174 : memref<!tpu.dma_semaphore, #tpu.memory_space<semaphore_mem>>) src(%dma_wait3A_198 : memref<1000xf32, #tpu.memory_space<hbm>>) dst(%dma_wait3A_195 : memref<1000xf32, #tpu.memory_space<vmem>>)
      tpu.yield
    }) : () -> ()
    %run_scoped3A_6 = arith.constant 3 : i32
    %run_scoped3A_7 = arith.constant 3 : i32
    "tpu.region"() ({
      %run_scoped3A_174 = tpu.sem_alloc : memref<!tpu.dma_semaphore, #tpu.memory_space<semaphore_mem>>
      %dma_start3A_175 = arith.constant 0 : i32
      %dma_start3A_176 = tpu.memref_slice %arg8[%run_scoped3A_7, %dma_start3A_175] : memref<8x1008xf32, #tpu.memory_space<vmem>> -> memref<1x1000xf32, #tpu.memory_space<vmem>>
      %dma_start3A_177 = tpu.memref_squeeze %dma_start3A_176 : memref<1x1000xf32, #tpu.memory_space<vmem>> -> memref<1000xf32, #tpu.memory_space<vmem>>
      %dma_start3A_178 = arith.constant 0 : i32
      %dma_start3A_179 = tpu.memref_slice %arg4[%run_scoped3A_6, %dma_start3A_178] : memref<8x1000xf32, #tpu.memory_space<hbm>> -> memref<1x1000xf32, #tpu.memory_space<hbm>>
      %dma_start3A_180 = tpu.memref_squeeze %dma_start3A_179 : memref<1x1000xf32, #tpu.memory_space<hbm>> -> memref<1000xf32, #tpu.memory_space<hbm>>
      %dma_start3A_181 = arith.constant 0 : i32
      %dma_start3A_182 = tpu.memref_slice %arg8[%run_scoped3A_7, %dma_start3A_181] : memref<8x1008xf32, #tpu.memory_space<vmem>> -> memref<1x1000xf32, #tpu.memory_space<vmem>>
      %dma_start3A_183 = tpu.memref_squeeze %dma_start3A_182 : memref<1x1000xf32, #tpu.memory_space<vmem>> -> memref<1000xf32, #tpu.memory_space<vmem>>
      %dma_start3A_184 = arith.constant 0 : i32
      %dma_start3A_185 = tpu.memref_slice %arg4[%run_scoped3A_6, %dma_start3A_184] : memref<8x1000xf32, #tpu.memory_space<hbm>> -> memref<1x1000xf32, #tpu.memory_space<hbm>>
      %dma_start3A_186 = tpu.memref_squeeze %dma_start3A_185 : memref<1x1000xf32, #tpu.memory_space<hbm>> -> memref<1000xf32, #tpu.memory_space<hbm>>
      tpu.enqueue_dma source(%dma_start3A_186 : memref<1000xf32, #tpu.memory_space<hbm>>) target(%dma_start3A_183 : memref<1000xf32, #tpu.memory_space<vmem>>) target_semaphore(%run_scoped3A_174 : memref<!tpu.dma_semaphore, #tpu.memory_space<semaphore_mem>>)
      %dma_wait3A_187 = arith.constant 0 : i32
      %dma_wait3A_188 = tpu.memref_slice %arg8[%run_scoped3A_7, %dma_wait3A_187] : memref<8x1008xf32, #tpu.memory_space<vmem>> -> memref<1x1000xf32, #tpu.memory_space<vmem>>
      %dma_wait3A_189 = tpu.memref_squeeze %dma_wait3A_188 : memref<1x1000xf32, #tpu.memory_space<vmem>> -> memref<1000xf32, #tpu.memory_space<vmem>>
      %dma_wait3A_190 = arith.constant 0 : i32
      %dma_wait3A_191 = tpu.memref_slice %arg4[%run_scoped3A_6, %dma_wait3A_190] : memref<8x1000xf32, #tpu.memory_space<hbm>> -> memref<1x1000xf32, #tpu.memory_space<hbm>>
      %dma_wait3A_192 = tpu.memref_squeeze %dma_wait3A_191 : memref<1x1000xf32, #tpu.memory_space<hbm>> -> memref<1000xf32, #tpu.memory_space<hbm>>
      %dma_wait3A_193 = arith.constant 0 : i32
      %dma_wait3A_194 = tpu.memref_slice %arg8[%run_scoped3A_7, %dma_wait3A_193] : memref<8x1008xf32, #tpu.memory_space<vmem>> -> memref<1x1000xf32, #tpu.memory_space<vmem>>
      %dma_wait3A_195 = tpu.memref_squeeze %dma_wait3A_194 : memref<1x1000xf32, #tpu.memory_space<vmem>> -> memref<1000xf32, #tpu.memory_space<vmem>>
      %dma_wait3A_196 = arith.constant 0 : i32
      %dma_wait3A_197 = tpu.memref_slice %arg4[%run_scoped3A_6, %dma_wait3A_196] : memref<8x1000xf32, #tpu.memory_space<hbm>> -> memref<1x1000xf32, #tpu.memory_space<hbm>>
      %dma_wait3A_198 = tpu.memref_squeeze %dma_wait3A_197 : memref<1x1000xf32, #tpu.memory_space<hbm>> -> memref<1000xf32, #tpu.memory_space<hbm>>
      tpu.wait_dma2 semaphore(%run_scoped3A_174 : memref<!tpu.dma_semaphore, #tpu.memory_space<semaphore_mem>>) src(%dma_wait3A_198 : memref<1000xf32, #tpu.memory_space<hbm>>) dst(%dma_wait3A_195 : memref<1000xf32, #tpu.memory_space<vmem>>)
      tpu.yield
    }) : () -> ()
    %run_scoped3A_8 = arith.constant 4 : i32
    %run_scoped3A_9 = arith.constant 4 : i32
    "tpu.region"() ({
      %run_scoped3A_174 = tpu.sem_alloc : memref<!tpu.dma_semaphore, #tpu.memory_space<semaphore_mem>>
      %dma_start3A_175 = arith.constant 0 : i32
      %dma_start3A_176 = tpu.memref_slice %arg8[%run_scoped3A_9, %dma_start3A_175] : memref<8x1008xf32, #tpu.memory_space<vmem>> -> memref<1x1000xf32, #tpu.memory_space<vmem>>
      %dma_start3A_177 = tpu.memref_squeeze %dma_start3A_176 : memref<1x1000xf32, #tpu.memory_space<vmem>> -> memref<1000xf32, #tpu.memory_space<vmem>>
      %dma_start3A_178 = arith.constant 0 : i32
      %dma_start3A_179 = tpu.memref_slice %arg4[%run_scoped3A_8, %dma_start3A_178] : memref<8x1000xf32, #tpu.memory_space<hbm>> -> memref<1x1000xf32, #tpu.memory_space<hbm>>
      %dma_start3A_180 = tpu.memref_squeeze %dma_start3A_179 : memref<1x1000xf32, #tpu.memory_space<hbm>> -> memref<1000xf32, #tpu.memory_space<hbm>>
      %dma_start3A_181 = arith.constant 0 : i32
      %dma_start3A_182 = tpu.memref_slice %arg8[%run_scoped3A_9, %dma_start3A_181] : memref<8x1008xf32, #tpu.memory_space<vmem>> -> memref<1x1000xf32, #tpu.memory_space<vmem>>
      %dma_start3A_183 = tpu.memref_squeeze %dma_start3A_182 : memref<1x1000xf32, #tpu.memory_space<vmem>> -> memref<1000xf32, #tpu.memory_space<vmem>>
      %dma_start3A_184 = arith.constant 0 : i32
      %dma_start3A_185 = tpu.memref_slice %arg4[%run_scoped3A_8, %dma_start3A_184] : memref<8x1000xf32, #tpu.memory_space<hbm>> -> memref<1x1000xf32, #tpu.memory_space<hbm>>
      %dma_start3A_186 = tpu.memref_squeeze %dma_start3A_185 : memref<1x1000xf32, #tpu.memory_space<hbm>> -> memref<1000xf32, #tpu.memory_space<hbm>>
      tpu.enqueue_dma source(%dma_start3A_186 : memref<1000xf32, #tpu.memory_space<hbm>>) target(%dma_start3A_183 : memref<1000xf32, #tpu.memory_space<vmem>>) target_semaphore(%run_scoped3A_174 : memref<!tpu.dma_semaphore, #tpu.memory_space<semaphore_mem>>)
      %dma_wait3A_187 = arith.constant 0 : i32
      %dma_wait3A_188 = tpu.memref_slice %arg8[%run_scoped3A_9, %dma_wait3A_187] : memref<8x1008xf32, #tpu.memory_space<vmem>> -> memref<1x1000xf32, #tpu.memory_space<vmem>>
      %dma_wait3A_189 = tpu.memref_squeeze %dma_wait3A_188 : memref<1x1000xf32, #tpu.memory_space<vmem>> -> memref<1000xf32, #tpu.memory_space<vmem>>
      %dma_wait3A_190 = arith.constant 0 : i32
      %dma_wait3A_191 = tpu.memref_slice %arg4[%run_scoped3A_8, %dma_wait3A_190] : memref<8x1000xf32, #tpu.memory_space<hbm>> -> memref<1x1000xf32, #tpu.memory_space<hbm>>
      %dma_wait3A_192 = tpu.memref_squeeze %dma_wait3A_191 : memref<1x1000xf32, #tpu.memory_space<hbm>> -> memref<1000xf32, #tpu.memory_space<hbm>>
      %dma_wait3A_193 = arith.constant 0 : i32
      %dma_wait3A_194 = tpu.memref_slice %arg8[%run_scoped3A_9, %dma_wait3A_193] : memref<8x1008xf32, #tpu.memory_space<vmem>> -> memref<1x1000xf32, #tpu.memory_space<vmem>>
      %dma_wait3A_195 = tpu.memref_squeeze %dma_wait3A_194 : memref<1x1000xf32, #tpu.memory_space<vmem>> -> memref<1000xf32, #tpu.memory_space<vmem>>
      %dma_wait3A_196 = arith.constant 0 : i32
      %dma_wait3A_197 = tpu.memref_slice %arg4[%run_scoped3A_8, %dma_wait3A_196] : memref<8x1000xf32, #tpu.memory_space<hbm>> -> memref<1x1000xf32, #tpu.memory_space<hbm>>
      %dma_wait3A_198 = tpu.memref_squeeze %dma_wait3A_197 : memref<1x1000xf32, #tpu.memory_space<hbm>> -> memref<1000xf32, #tpu.memory_space<hbm>>
      tpu.wait_dma2 semaphore(%run_scoped3A_174 : memref<!tpu.dma_semaphore, #tpu.memory_space<semaphore_mem>>) src(%dma_wait3A_198 : memref<1000xf32, #tpu.memory_space<hbm>>) dst(%dma_wait3A_195 : memref<1000xf32, #tpu.memory_space<vmem>>)
      tpu.yield
    }) : () -> ()
    %run_scoped3A_10 = arith.constant 5 : i32
    %run_scoped3A_11 = arith.constant 5 : i32
    "tpu.region"() ({
      %run_scoped3A_174 = tpu.sem_alloc : memref<!tpu.dma_semaphore, #tpu.memory_space<semaphore_mem>>
      %dma_start3A_175 = arith.constant 0 : i32
      %dma_start3A_176 = tpu.memref_slice %arg8[%run_scoped3A_11, %dma_start3A_175] : memref<8x1008xf32, #tpu.memory_space<vmem>> -> memref<1x1000xf32, #tpu.memory_space<vmem>>
      %dma_start3A_177 = tpu.memref_squeeze %dma_start3A_176 : memref<1x1000xf32, #tpu.memory_space<vmem>> -> memref<1000xf32, #tpu.memory_space<vmem>>
      %dma_start3A_178 = arith.constant 0 : i32
      %dma_start3A_179 = tpu.memref_slice %arg4[%run_scoped3A_10, %dma_start3A_178] : memref<8x1000xf32, #tpu.memory_space<hbm>> -> memref<1x1000xf32, #tpu.memory_space<hbm>>
      %dma_start3A_180 = tpu.memref_squeeze %dma_start3A_179 : memref<1x1000xf32, #tpu.memory_space<hbm>> -> memref<1000xf32, #tpu.memory_space<hbm>>
      %dma_start3A_181 = arith.constant 0 : i32
      %dma_start3A_182 = tpu.memref_slice %arg8[%run_scoped3A_11, %dma_start3A_181] : memref<8x1008xf32, #tpu.memory_space<vmem>> -> memref<1x1000xf32, #tpu.memory_space<vmem>>
      %dma_start3A_183 = tpu.memref_squeeze %dma_start3A_182 : memref<1x1000xf32, #tpu.memory_space<vmem>> -> memref<1000xf32, #tpu.memory_space<vmem>>
      %dma_start3A_184 = arith.constant 0 : i32
      %dma_start3A_185 = tpu.memref_slice %arg4[%run_scoped3A_10, %dma_start3A_184] : memref<8x1000xf32, #tpu.memory_space<hbm>> -> memref<1x1000xf32, #tpu.memory_space<hbm>>
      %dma_start3A_186 = tpu.memref_squeeze %dma_start3A_185 : memref<1x1000xf32, #tpu.memory_space<hbm>> -> memref<1000xf32, #tpu.memory_space<hbm>>
      tpu.enqueue_dma source(%dma_start3A_186 : memref<1000xf32, #tpu.memory_space<hbm>>) target(%dma_start3A_183 : memref<1000xf32, #tpu.memory_space<vmem>>) target_semaphore(%run_scoped3A_174 : memref<!tpu.dma_semaphore, #tpu.memory_space<semaphore_mem>>)
      %dma_wait3A_187 = arith.constant 0 : i32
      %dma_wait3A_188 = tpu.memref_slice %arg8[%run_scoped3A_11, %dma_wait3A_187] : memref<8x1008xf32, #tpu.memory_space<vmem>> -> memref<1x1000xf32, #tpu.memory_space<vmem>>
      %dma_wait3A_189 = tpu.memref_squeeze %dma_wait3A_188 : memref<1x1000xf32, #tpu.memory_space<vmem>> -> memref<1000xf32, #tpu.memory_space<vmem>>
      %dma_wait3A_190 = arith.constant 0 : i32
      %dma_wait3A_191 = tpu.memref_slice %arg4[%run_scoped3A_10, %dma_wait3A_190] : memref<8x1000xf32, #tpu.memory_space<hbm>> -> memref<1x1000xf32, #tpu.memory_space<hbm>>
      %dma_wait3A_192 = tpu.memref_squeeze %dma_wait3A_191 : memref<1x1000xf32, #tpu.memory_space<hbm>> -> memref<1000xf32, #tpu.memory_space<hbm>>
      %dma_wait3A_193 = arith.constant 0 : i32
      %dma_wait3A_194 = tpu.memref_slice %arg8[%run_scoped3A_11, %dma_wait3A_193] : memref<8x1008xf32, #tpu.memory_space<vmem>> -> memref<1x1000xf32, #tpu.memory_space<vmem>>
      %dma_wait3A_195 = tpu.memref_squeeze %dma_wait3A_194 : memref<1x1000xf32, #tpu.memory_space<vmem>> -> memref<1000xf32, #tpu.memory_space<vmem>>
      %dma_wait3A_196 = arith.constant 0 : i32
      %dma_wait3A_197 = tpu.memref_slice %arg4[%run_scoped3A_10, %dma_wait3A_196] : memref<8x1000xf32, #tpu.memory_space<hbm>> -> memref<1x1000xf32, #tpu.memory_space<hbm>>
      %dma_wait3A_198 = tpu.memref_squeeze %dma_wait3A_197 : memref<1x1000xf32, #tpu.memory_space<hbm>> -> memref<1000xf32, #tpu.memory_space<hbm>>
      tpu.wait_dma2 semaphore(%run_scoped3A_174 : memref<!tpu.dma_semaphore, #tpu.memory_space<semaphore_mem>>) src(%dma_wait3A_198 : memref<1000xf32, #tpu.memory_space<hbm>>) dst(%dma_wait3A_195 : memref<1000xf32, #tpu.memory_space<vmem>>)
      tpu.yield
    }) : () -> ()
    %run_scoped3A_12 = arith.constant 6 : i32
    %run_scoped3A_13 = arith.constant 6 : i32
    "tpu.region"() ({
      %run_scoped3A_174 = tpu.sem_alloc : memref<!tpu.dma_semaphore, #tpu.memory_space<semaphore_mem>>
      %dma_start3A_175 = arith.constant 0 : i32
      %dma_start3A_176 = tpu.memref_slice %arg8[%run_scoped3A_13, %dma_start3A_175] : memref<8x1008xf32, #tpu.memory_space<vmem>> -> memref<1x1000xf32, #tpu.memory_space<vmem>>
      %dma_start3A_177 = tpu.memref_squeeze %dma_start3A_176 : memref<1x1000xf32, #tpu.memory_space<vmem>> -> memref<1000xf32, #tpu.memory_space<vmem>>
      %dma_start3A_178 = arith.constant 0 : i32
      %dma_start3A_179 = tpu.memref_slice %arg4[%run_scoped3A_12, %dma_start3A_178] : memref<8x1000xf32, #tpu.memory_space<hbm>> -> memref<1x1000xf32, #tpu.memory_space<hbm>>
      %dma_start3A_180 = tpu.memref_squeeze %dma_start3A_179 : memref<1x1000xf32, #tpu.memory_space<hbm>> -> memref<1000xf32, #tpu.memory_space<hbm>>
      %dma_start3A_181 = arith.constant 0 : i32
      %dma_start3A_182 = tpu.memref_slice %arg8[%run_scoped3A_13, %dma_start3A_181] : memref<8x1008xf32, #tpu.memory_space<vmem>> -> memref<1x1000xf32, #tpu.memory_space<vmem>>
      %dma_start3A_183 = tpu.memref_squeeze %dma_start3A_182 : memref<1x1000xf32, #tpu.memory_space<vmem>> -> memref<1000xf32, #tpu.memory_space<vmem>>
      %dma_start3A_184 = arith.constant 0 : i32
      %dma_start3A_185 = tpu.memref_slice %arg4[%run_scoped3A_12, %dma_start3A_184] : memref<8x1000xf32, #tpu.memory_space<hbm>> -> memref<1x1000xf32, #tpu.memory_space<hbm>>
      %dma_start3A_186 = tpu.memref_squeeze %dma_start3A_185 : memref<1x1000xf32, #tpu.memory_space<hbm>> -> memref<1000xf32, #tpu.memory_space<hbm>>
      tpu.enqueue_dma source(%dma_start3A_186 : memref<1000xf32, #tpu.memory_space<hbm>>) target(%dma_start3A_183 : memref<1000xf32, #tpu.memory_space<vmem>>) target_semaphore(%run_scoped3A_174 : memref<!tpu.dma_semaphore, #tpu.memory_space<semaphore_mem>>)
      %dma_wait3A_187 = arith.constant 0 : i32
      %dma_wait3A_188 = tpu.memref_slice %arg8[%run_scoped3A_13, %dma_wait3A_187] : memref<8x1008xf32, #tpu.memory_space<vmem>> -> memref<1x1000xf32, #tpu.memory_space<vmem>>
      %dma_wait3A_189 = tpu.memref_squeeze %dma_wait3A_188 : memref<1x1000xf32, #tpu.memory_space<vmem>> -> memref<1000xf32, #tpu.memory_space<vmem>>
      %dma_wait3A_190 = arith.constant 0 : i32
      %dma_wait3A_191 = tpu.memref_slice %arg4[%run_scoped3A_12, %dma_wait3A_190] : memref<8x1000xf32, #tpu.memory_space<hbm>> -> memref<1x1000xf32, #tpu.memory_space<hbm>>
      %dma_wait3A_192 = tpu.memref_squeeze %dma_wait3A_191 : memref<1x1000xf32, #tpu.memory_space<hbm>> -> memref<1000xf32, #tpu.memory_space<hbm>>
      %dma_wait3A_193 = arith.constant 0 : i32
      %dma_wait3A_194 = tpu.memref_slice %arg8[%run_scoped3A_13, %dma_wait3A_193] : memref<8x1008xf32, #tpu.memory_space<vmem>> -> memref<1x1000xf32, #tpu.memory_space<vmem>>
      %dma_wait3A_195 = tpu.memref_squeeze %dma_wait3A_194 : memref<1x1000xf32, #tpu.memory_space<vmem>> -> memref<1000xf32, #tpu.memory_space<vmem>>
      %dma_wait3A_196 = arith.constant 0 : i32
      %dma_wait3A_197 = tpu.memref_slice %arg4[%run_scoped3A_12, %dma_wait3A_196] : memref<8x1000xf32, #tpu.memory_space<hbm>> -> memref<1x1000xf32, #tpu.memory_space<hbm>>
      %dma_wait3A_198 = tpu.memref_squeeze %dma_wait3A_197 : memref<1x1000xf32, #tpu.memory_space<hbm>> -> memref<1000xf32, #tpu.memory_space<hbm>>
      tpu.wait_dma2 semaphore(%run_scoped3A_174 : memref<!tpu.dma_semaphore, #tpu.memory_space<semaphore_mem>>) src(%dma_wait3A_198 : memref<1000xf32, #tpu.memory_space<hbm>>) dst(%dma_wait3A_195 : memref<1000xf32, #tpu.memory_space<vmem>>)
      tpu.yield
    }) : () -> ()
    %run_scoped3A_14 = arith.constant 7 : i32
    %run_scoped3A_15 = arith.constant 7 : i32
    "tpu.region"() ({
      %run_scoped3A_174 = tpu.sem_alloc : memref<!tpu.dma_semaphore, #tpu.memory_space<semaphore_mem>>
      %dma_start3A_175 = arith.constant 0 : i32
      %dma_start3A_176 = tpu.memref_slice %arg8[%run_scoped3A_15, %dma_start3A_175] : memref<8x1008xf32, #tpu.memory_space<vmem>> -> memref<1x1000xf32, #tpu.memory_space<vmem>>
      %dma_start3A_177 = tpu.memref_squeeze %dma_start3A_176 : memref<1x1000xf32, #tpu.memory_space<vmem>> -> memref<1000xf32, #tpu.memory_space<vmem>>
      %dma_start3A_178 = arith.constant 0 : i32
      %dma_start3A_179 = tpu.memref_slice %arg4[%run_scoped3A_14, %dma_start3A_178] : memref<8x1000xf32, #tpu.memory_space<hbm>> -> memref<1x1000xf32, #tpu.memory_space<hbm>>
      %dma_start3A_180 = tpu.memref_squeeze %dma_start3A_179 : memref<1x1000xf32, #tpu.memory_space<hbm>> -> memref<1000xf32, #tpu.memory_space<hbm>>
      %dma_start3A_181 = arith.constant 0 : i32
      %dma_start3A_182 = tpu.memref_slice %arg8[%run_scoped3A_15, %dma_start3A_181] : memref<8x1008xf32, #tpu.memory_space<vmem>> -> memref<1x1000xf32, #tpu.memory_space<vmem>>
      %dma_start3A_183 = tpu.memref_squeeze %dma_start3A_182 : memref<1x1000xf32, #tpu.memory_space<vmem>> -> memref<1000xf32, #tpu.memory_space<vmem>>
      %dma_start3A_184 = arith.constant 0 : i32
      %dma_start3A_185 = tpu.memref_slice %arg4[%run_scoped3A_14, %dma_start3A_184] : memref<8x1000xf32, #tpu.memory_space<hbm>> -> memref<1x1000xf32, #tpu.memory_space<hbm>>
      %dma_start3A_186 = tpu.memref_squeeze %dma_start3A_185 : memref<1x1000xf32, #tpu.memory_space<hbm>> -> memref<1000xf32, #tpu.memory_space<hbm>>
      tpu.enqueue_dma source(%dma_start3A_186 : memref<1000xf32, #tpu.memory_space<hbm>>) target(%dma_start3A_183 : memref<1000xf32, #tpu.memory_space<vmem>>) target_semaphore(%run_scoped3A_174 : memref<!tpu.dma_semaphore, #tpu.memory_space<semaphore_mem>>)
      %dma_wait3A_187 = arith.constant 0 : i32
      %dma_wait3A_188 = tpu.memref_slice %arg8[%run_scoped3A_15, %dma_wait3A_187] : memref<8x1008xf32, #tpu.memory_space<vmem>> -> memref<1x1000xf32, #tpu.memory_space<vmem>>
      %dma_wait3A_189 = tpu.memref_squeeze %dma_wait3A_188 : memref<1x1000xf32, #tpu.memory_space<vmem>> -> memref<1000xf32, #tpu.memory_space<vmem>>
      %dma_wait3A_190 = arith.constant 0 : i32
      %dma_wait3A_191 = tpu.memref_slice %arg4[%run_scoped3A_14, %dma_wait3A_190] : memref<8x1000xf32, #tpu.memory_space<hbm>> -> memref<1x1000xf32, #tpu.memory_space<hbm>>
      %dma_wait3A_192 = tpu.memref_squeeze %dma_wait3A_191 : memref<1x1000xf32, #tpu.memory_space<hbm>> -> memref<1000xf32, #tpu.memory_space<hbm>>
      %dma_wait3A_193 = arith.constant 0 : i32
      %dma_wait3A_194 = tpu.memref_slice %arg8[%run_scoped3A_15, %dma_wait3A_193] : memref<8x1008xf32, #tpu.memory_space<vmem>> -> memref<1x1000xf32, #tpu.memory_space<vmem>>
      %dma_wait3A_195 = tpu.memref_squeeze %dma_wait3A_194 : memref<1x1000xf32, #tpu.memory_space<vmem>> -> memref<1000xf32, #tpu.memory_space<vmem>>
      %dma_wait3A_196 = arith.constant 0 : i32
      %dma_wait3A_197 = tpu.memref_slice %arg4[%run_scoped3A_14, %dma_wait3A_196] : memref<8x1000xf32, #tpu.memory_space<hbm>> -> memref<1x1000xf32, #tpu.memory_space<hbm>>
      %dma_wait3A_198 = tpu.memref_squeeze %dma_wait3A_197 : memref<1x1000xf32, #tpu.memory_space<hbm>> -> memref<1000xf32, #tpu.memory_space<hbm>>
      tpu.wait_dma2 semaphore(%run_scoped3A_174 : memref<!tpu.dma_semaphore, #tpu.memory_space<semaphore_mem>>) src(%dma_wait3A_198 : memref<1000xf32, #tpu.memory_space<hbm>>) dst(%dma_wait3A_195 : memref<1000xf32, #tpu.memory_space<vmem>>)
      tpu.yield
    }) : () -> ()
    %add3A_16 = arith.constant 992 : i32
    %add3A_17 = vector.broadcast %add3A_16 : i32 to vector<16xi32>
    %add3A_18 = arith.addi %add3A_17, %iota3A : vector<16xi32>
    %min3A = arith.constant 999 : i32
    %min3A_19 = vector.broadcast %min3A : i32 to vector<16xi32>
    %min3A_20 = arith.minsi %add3A_18, %min3A_19 : vector<16xi32>
    %gather3A = arith.constant 0 : i32
    %gather3A_21 = arith.constant 0 : i32
    %gather3A_22 = tpu.memref_slice %arg8[%gather3A, %gather3A_21] : memref<8x1008xf32, #tpu.memory_space<vmem>> -> memref<1x1008xf32, #tpu.memory_space<vmem>>
    %gather3A_23 = tpu.memref_squeeze %gather3A_22 : memref<1x1008xf32, #tpu.memory_space<vmem>> -> memref<1008xf32, #tpu.memory_space<vmem>>
    %gather3A_24 = tpu.vector_load_idx %gather3A_23[%min3A_20] : memref<1008xf32, #tpu.memory_space<vmem>>[vector<16xi32>], vector<16xf32>,
    %swap3A = arith.constant 0 : i32
    %swap3A_25 = arith.index_cast %swap3A : i32 to index
    %swap3A_26 = arith.constant 992 : index
    %swap3A_27 = tpu.vector_load %arg8[%swap3A_25, %swap3A_26] {strides = array<i32>} : memref<8x1008xf32, #tpu.memory_space<vmem>>, vector<16xf32>,
    tpu.vector_store %arg8[%swap3A_25, %swap3A_26], %gather3A_24 {strides = array<i32>} : memref<8x1008xf32, #tpu.memory_space<vmem>>, vector<16xf32>,
    %add3A_28 = arith.constant 992 : i32
    %add3A_29 = vector.broadcast %add3A_28 : i32 to vector<16xi32>
    %add3A_30 = arith.addi %add3A_29, %iota3A : vector<16xi32>
    %min3A_31 = arith.constant 999 : i32
    %min3A_32 = vector.broadcast %min3A_31 : i32 to vector<16xi32>
    %min3A_33 = arith.minsi %add3A_30, %min3A_32 : vector<16xi32>
    %gather3A_34 = arith.constant 1 : i32
    %gather3A_35 = arith.constant 0 : i32
    %gather3A_36 = tpu.memref_slice %arg8[%gather3A_34, %gather3A_35] : memref<8x1008xf32, #tpu.memory_space<vmem>> -> memref<1x1008xf32, #tpu.memory_space<vmem>>
    %gather3A_37 = tpu.memref_squeeze %gather3A_36 : memref<1x1008xf32, #tpu.memory_space<vmem>> -> memref<1008xf32, #tpu.memory_space<vmem>>
    %gather3A_38 = tpu.vector_load_idx %gather3A_37[%min3A_33] : memref<1008xf32, #tpu.memory_space<vmem>>[vector<16xi32>], vector<16xf32>,
    %swap3A_39 = arith.constant 1 : i32
    %swap3A_40 = arith.index_cast %swap3A_39 : i32 to index
    %swap3A_41 = arith.constant 992 : index
    %swap3A_42 = tpu.vector_load %arg8[%swap3A_40, %swap3A_41] {strides = array<i32>} : memref<8x1008xf32, #tpu.memory_space<vmem>>, vector<16xf32>,
    tpu.vector_store %arg8[%swap3A_40, %swap3A_41], %gather3A_38 {strides = array<i32>} : memref<8x1008xf32, #tpu.memory_space<vmem>>, vector<16xf32>,
    %add3A_43 = arith.constant 992 : i32
    %add3A_44 = vector.broadcast %add3A_43 : i32 to vector<16xi32>
    %add3A_45 = arith.addi %add3A_44, %iota3A : vector<16xi32>
    %min3A_46 = arith.constant 999 : i32
    %min3A_47 = vector.broadcast %min3A_46 : i32 to vector<16xi32>
    %min3A_48 = arith.minsi %add3A_45, %min3A_47 : vector<16xi32>
    %gather3A_49 = arith.constant 2 : i32
    %gather3A_50 = arith.constant 0 : i32
    %gather3A_51 = tpu.memref_slice %arg8[%gather3A_49, %gather3A_50] : memref<8x1008xf32, #tpu.memory_space<vmem>> -> memref<1x1008xf32, #tpu.memory_space<vmem>>
    %gather3A_52 = tpu.memref_squeeze %gather3A_51 : memref<1x1008xf32, #tpu.memory_space<vmem>> -> memref<1008xf32, #tpu.memory_space<vmem>>
    %gather3A_53 = tpu.vector_load_idx %gather3A_52[%min3A_48] : memref<1008xf32, #tpu.memory_space<vmem>>[vector<16xi32>], vector<16xf32>,
    %swap3A_54 = arith.constant 2 : i32
    %swap3A_55 = arith.index_cast %swap3A_54 : i32 to index
    %swap3A_56 = arith.constant 992 : index
    %swap3A_57 = tpu.vector_load %arg8[%swap3A_55, %swap3A_56] {strides = array<i32>} : memref<8x1008xf32, #tpu.memory_space<vmem>>, vector<16xf32>,
    tpu.vector_store %arg8[%swap3A_55, %swap3A_56], %gather3A_53 {strides = array<i32>} : memref<8x1008xf32, #tpu.memory_space<vmem>>, vector<16xf32>,
    %add3A_58 = arith.constant 992 : i32
    %add3A_59 = vector.broadcast %add3A_58 : i32 to vector<16xi32>
    %add3A_60 = arith.addi %add3A_59, %iota3A : vector<16xi32>
    %min3A_61 = arith.constant 999 : i32
    %min3A_62 = vector.broadcast %min3A_61 : i32 to vector<16xi32>
    %min3A_63 = arith.minsi %add3A_60, %min3A_62 : vector<16xi32>
    %gather3A_64 = arith.constant 3 : i32
    %gather3A_65 = arith.constant 0 : i32
    %gather3A_66 = tpu.memref_slice %arg8[%gather3A_64, %gather3A_65] : memref<8x1008xf32, #tpu.memory_space<vmem>> -> memref<1x1008xf32, #tpu.memory_space<vmem>>
    %gather3A_67 = tpu.memref_squeeze %gather3A_66 : memref<1x1008xf32, #tpu.memory_space<vmem>> -> memref<1008xf32, #tpu.memory_space<vmem>>
    %gather3A_68 = tpu.vector_load_idx %gather3A_67[%min3A_63] : memref<1008xf32, #tpu.memory_space<vmem>>[vector<16xi32>], vector<16xf32>,
    %swap3A_69 = arith.constant 3 : i32
    %swap3A_70 = arith.index_cast %swap3A_69 : i32 to index
    %swap3A_71 = arith.constant 992 : index
    %swap3A_72 = tpu.vector_load %arg8[%swap3A_70, %swap3A_71] {strides = array<i32>} : memref<8x1008xf32, #tpu.memory_space<vmem>>, vector<16xf32>,
    tpu.vector_store %arg8[%swap3A_70, %swap3A_71], %gather3A_68 {strides = array<i32>} : memref<8x1008xf32, #tpu.memory_space<vmem>>, vector<16xf32>,
    %add3A_73 = arith.constant 992 : i32
    %add3A_74 = vector.broadcast %add3A_73 : i32 to vector<16xi32>
    %add3A_75 = arith.addi %add3A_74, %iota3A : vector<16xi32>
    %min3A_76 = arith.constant 999 : i32
    %min3A_77 = vector.broadcast %min3A_76 : i32 to vector<16xi32>
    %min3A_78 = arith.minsi %add3A_75, %min3A_77 : vector<16xi32>
    %gather3A_79 = arith.constant 4 : i32
    %gather3A_80 = arith.constant 0 : i32
    %gather3A_81 = tpu.memref_slice %arg8[%gather3A_79, %gather3A_80] : memref<8x1008xf32, #tpu.memory_space<vmem>> -> memref<1x1008xf32, #tpu.memory_space<vmem>>
    %gather3A_82 = tpu.memref_squeeze %gather3A_81 : memref<1x1008xf32, #tpu.memory_space<vmem>> -> memref<1008xf32, #tpu.memory_space<vmem>>
    %gather3A_83 = tpu.vector_load_idx %gather3A_82[%min3A_78] : memref<1008xf32, #tpu.memory_space<vmem>>[vector<16xi32>], vector<16xf32>,
    %swap3A_84 = arith.constant 4 : i32
    %swap3A_85 = arith.index_cast %swap3A_84 : i32 to index
    %swap3A_86 = arith.constant 992 : index
    %swap3A_87 = tpu.vector_load %arg8[%swap3A_85, %swap3A_86] {strides = array<i32>} : memref<8x1008xf32, #tpu.memory_space<vmem>>, vector<16xf32>,
    tpu.vector_store %arg8[%swap3A_85, %swap3A_86], %gather3A_83 {strides = array<i32>} : memref<8x1008xf32, #tpu.memory_space<vmem>>, vector<16xf32>,
    %add3A_88 = arith.constant 992 : i32
    %add3A_89 = vector.broadcast %add3A_88 : i32 to vector<16xi32>
    %add3A_90 = arith.addi %add3A_89, %iota3A : vector<16xi32>
    %min3A_91 = arith.constant 999 : i32
    %min3A_92 = vector.broadcast %min3A_91 : i32 to vector<16xi32>
    %min3A_93 = arith.minsi %add3A_90, %min3A_92 : vector<16xi32>
    %gather3A_94 = arith.constant 5 : i32
    %gather3A_95 = arith.constant 0 : i32
    %gather3A_96 = tpu.memref_slice %arg8[%gather3A_94, %gather3A_95] : memref<8x1008xf32, #tpu.memory_space<vmem>> -> memref<1x1008xf32, #tpu.memory_space<vmem>>
    %gather3A_97 = tpu.memref_squeeze %gather3A_96 : memref<1x1008xf32, #tpu.memory_space<vmem>> -> memref<1008xf32, #tpu.memory_space<vmem>>
    %gather3A_98 = tpu.vector_load_idx %gather3A_97[%min3A_93] : memref<1008xf32, #tpu.memory_space<vmem>>[vector<16xi32>], vector<16xf32>,
    %swap3A_99 = arith.constant 5 : i32
    %swap3A_100 = arith.index_cast %swap3A_99 : i32 to index
    %swap3A_101 = arith.constant 992 : index
    %swap3A_102 = tpu.vector_load %arg8[%swap3A_100, %swap3A_101] {strides = array<i32>} : memref<8x1008xf32, #tpu.memory_space<vmem>>, vector<16xf32>,
    tpu.vector_store %arg8[%swap3A_100, %swap3A_101], %gather3A_98 {strides = array<i32>} : memref<8x1008xf32, #tpu.memory_space<vmem>>, vector<16xf32>,
    %add3A_103 = arith.constant 992 : i32
    %add3A_104 = vector.broadcast %add3A_103 : i32 to vector<16xi32>
    %add3A_105 = arith.addi %add3A_104, %iota3A : vector<16xi32>
    %min3A_106 = arith.constant 999 : i32
    %min3A_107 = vector.broadcast %min3A_106 : i32 to vector<16xi32>
    %min3A_108 = arith.minsi %add3A_105, %min3A_107 : vector<16xi32>
    %gather3A_109 = arith.constant 6 : i32
    %gather3A_110 = arith.constant 0 : i32
    %gather3A_111 = tpu.memref_slice %arg8[%gather3A_109, %gather3A_110] : memref<8x1008xf32, #tpu.memory_space<vmem>> -> memref<1x1008xf32, #tpu.memory_space<vmem>>
    %gather3A_112 = tpu.memref_squeeze %gather3A_111 : memref<1x1008xf32, #tpu.memory_space<vmem>> -> memref<1008xf32, #tpu.memory_space<vmem>>
    %gather3A_113 = tpu.vector_load_idx %gather3A_112[%min3A_108] : memref<1008xf32, #tpu.memory_space<vmem>>[vector<16xi32>], vector<16xf32>,
    %swap3A_114 = arith.constant 6 : i32
    %swap3A_115 = arith.index_cast %swap3A_114 : i32 to index
    %swap3A_116 = arith.constant 992 : index
    %swap3A_117 = tpu.vector_load %arg8[%swap3A_115, %swap3A_116] {strides = array<i32>} : memref<8x1008xf32, #tpu.memory_space<vmem>>, vector<16xf32>,
    tpu.vector_store %arg8[%swap3A_115, %swap3A_116], %gather3A_113 {strides = array<i32>} : memref<8x1008xf32, #tpu.memory_space<vmem>>, vector<16xf32>,
    %add3A_118 = arith.constant 992 : i32
    %add3A_119 = vector.broadcast %add3A_118 : i32 to vector<16xi32>
    %add3A_120 = arith.addi %add3A_119, %iota3A : vector<16xi32>
    %min3A_121 = arith.constant 999 : i32
    %min3A_122 = vector.broadcast %min3A_121 : i32 to vector<16xi32>
    %min3A_123 = arith.minsi %add3A_120, %min3A_122 : vector<16xi32>
    %gather3A_124 = arith.constant 7 : i32
    %gather3A_125 = arith.constant 0 : i32
    %gather3A_126 = tpu.memref_slice %arg8[%gather3A_124, %gather3A_125] : memref<8x1008xf32, #tpu.memory_space<vmem>> -> memref<1x1008xf32, #tpu.memory_space<vmem>>
    %gather3A_127 = tpu.memref_squeeze %gather3A_126 : memref<1x1008xf32, #tpu.memory_space<vmem>> -> memref<1008xf32, #tpu.memory_space<vmem>>
    %gather3A_128 = tpu.vector_load_idx %gather3A_127[%min3A_123] : memref<1008xf32, #tpu.memory_space<vmem>>[vector<16xi32>], vector<16xf32>,
    %swap3A_129 = arith.constant 7 : i32
    %swap3A_130 = arith.index_cast %swap3A_129 : i32 to index
    %swap3A_131 = arith.constant 992 : index
    %swap3A_132 = tpu.vector_load %arg8[%swap3A_130, %swap3A_131] {strides = array<i32>} : memref<8x1008xf32, #tpu.memory_space<vmem>>, vector<16xf32>,
    tpu.vector_store %arg8[%swap3A_130, %swap3A_131], %gather3A_128 {strides = array<i32>} : memref<8x1008xf32, #tpu.memory_space<vmem>>, vector<16xf32>,
    %mul3A_133 = arith.constant 256 : i32
    %mul3A_134 = arith.muli %add3A, %mul3A_133 : i32
    %add3A_135 = arith.constant 0 : i32
    %add3A_136 = arith.addi %mul3A_134, %add3A_135 : i32
    %multiple_of3A = tpu.assume_multiple %add3A_136, 16 : i32
    %dma_start3A = arith.constant 0 : i32
    %dma_start3A_137 = arith.constant 0 : i32
    %dma_start3A_138 = tpu.memref_slice %arg2[%multiple_of3A, %dma_start3A, %dma_start3A_137] : memref<8192x8x128xf32, #tpu.memory_space<hbm>> -> memref<16x8x128xf32, #tpu.memory_space<hbm>>
    %dma_start3A_139 = arith.constant 0 : i32
    %dma_start3A_140 = arith.constant 0 : i32
    %dma_start3A_141 = tpu.memref_slice %arg2[%multiple_of3A, %dma_start3A_139, %dma_start3A_140] : memref<8192x8x128xf32, #tpu.memory_space<hbm>> -> memref<16x8x128xf32, #tpu.memory_space<hbm>>
    tpu.enqueue_dma source(%dma_start3A_141 : memref<16x8x128xf32, #tpu.memory_space<hbm>>) target(%arg9 : memref<16x8x128xf32, #tpu.memory_space<vmem>>) target_semaphore(%arg15 : memref<!tpu.dma_semaphore, #tpu.memory_space<semaphore_mem>>)
    %scan3A = arith.constant 0 : i32
    %scan3A_142 = arith.constant 0 : i32
    %scan3A_143 = arith.constant 8 : i32
    %scan3A_144 = arith.addi %scan3A_142, %scan3A_143 : i32
    %scan3A_145 = arith.constant 1 : i32
    scf.for %scan3A_174 = %scan3A_142 to %scan3A_144 step %scan3A_145  : i32 {
      %mul3A_175 = arith.constant 2 : i32
      %mul3A_176 = arith.muli %scan3A_174, %mul3A_175 : i32
      %add3A_177 = arith.constant 0 : i32
      %add3A_178 = arith.addi %mul3A_176, %add3A_177 : i32
      %mul3A_179 = arith.constant 16 : i32
      %mul3A_180 = arith.muli %add3A_178, %mul3A_179 : i32
      %add3A_181 = arith.addi %mul3A_134, %mul3A_180 : i32
      %multiple_of3A_182 = tpu.assume_multiple %add3A_181, 16 : i32
      %dma_wait3A_183 = arith.constant 0 : i32
      %dma_wait3A_184 = arith.constant 0 : i32
      %dma_wait3A_185 = tpu.memref_slice %arg2[%multiple_of3A_182, %dma_wait3A_183, %dma_wait3A_184] : memref<8192x8x128xf32, #tpu.memory_space<hbm>> -> memref<16x8x128xf32, #tpu.memory_space<hbm>>
      %dma_wait3A_186 = arith.constant 0 : i32
      %dma_wait3A_187 = arith.constant 0 : i32
      %dma_wait3A_188 = tpu.memref_slice %arg2[%multiple_of3A_182, %dma_wait3A_186, %dma_wait3A_187] : memref<8192x8x128xf32, #tpu.memory_space<hbm>> -> memref<16x8x128xf32, #tpu.memory_space<hbm>>
      tpu.wait_dma2 semaphore(%arg15 : memref<!tpu.dma_semaphore, #tpu.memory_space<semaphore_mem>>) src(%dma_wait3A_188 : memref<16x8x128xf32, #tpu.memory_space<hbm>>) dst(%arg9 : memref<16x8x128xf32, #tpu.memory_space<vmem>>)
      %add3A_189 = arith.constant 1 : i32
      %add3A_190 = arith.addi %add3A_178, %add3A_189 : i32
      %lt3A = arith.constant 16 : i32
      %lt3A_191 = arith.cmpi slt, %add3A_190, %lt3A : i32
      %convert_element_type3A = arith.extui %lt3A_191 : i1 to i32
      %cond3A = arith.constant 0 : i32
      %cond3A_192 = arith.cmpi ne, %convert_element_type3A, %cond3A : i32
      scf.if %cond3A_192 {
        %add3A_258 = arith.constant 1 : i32
        %add3A_259 = arith.addi %add3A_178, %add3A_258 : i32
        %mul3A_260 = arith.constant 16 : i32
        %mul3A_261 = arith.muli %add3A_259, %mul3A_260 : i32
        %add3A_262 = arith.addi %mul3A_134, %mul3A_261 : i32
        %multiple_of3A_263 = tpu.assume_multiple %add3A_262, 16 : i32
        %dma_start3A_264 = arith.constant 0 : i32
        %dma_start3A_265 = arith.constant 0 : i32
        %dma_start3A_266 = tpu.memref_slice %arg2[%multiple_of3A_263, %dma_start3A_264, %dma_start3A_265] : memref<8192x8x128xf32, #tpu.memory_space<hbm>> -> memref<16x8x128xf32, #tpu.memory_space<hbm>>
        %dma_start3A_267 = arith.constant 0 : i32
        %dma_start3A_268 = arith.constant 0 : i32
        %dma_start3A_269 = tpu.memref_slice %arg2[%multiple_of3A_263, %dma_start3A_267, %dma_start3A_268] : memref<8192x8x128xf32, #tpu.memory_space<hbm>> -> memref<16x8x128xf32, #tpu.memory_space<hbm>>
        tpu.enqueue_dma source(%dma_start3A_269 : memref<16x8x128xf32, #tpu.memory_space<hbm>>) target(%arg10 : memref<16x8x128xf32, #tpu.memory_space<vmem>>) target_semaphore(%arg16 : memref<!tpu.dma_semaphore, #tpu.memory_space<semaphore_mem>>)
      } else {
      }
      %ge3A = arith.constant 2 : i32
      %ge3A_193 = arith.cmpi sge, %add3A_178, %ge3A : i32
      %convert_element_type3A_194 = arith.extui %ge3A_193 : i1 to i32
      %cond3A_195 = arith.constant 0 : i32
      %cond3A_196 = arith.cmpi ne, %convert_element_type3A_194, %cond3A_195 : i32
      scf.if %cond3A_196 {
        %sub3A = arith.constant 2 : i32
        %sub3A_258 = arith.subi %add3A_178, %sub3A : i32
        %mul3A_259 = arith.constant 16 : i32
        %mul3A_260 = arith.muli %sub3A_258, %mul3A_259 : i32
        %add3A_261 = arith.addi %mul3A_134, %mul3A_260 : i32
        %multiple_of3A_262 = tpu.assume_multiple %add3A_261, 16 : i32
        %dma_wait3A_263 = arith.constant 0 : i32
        %dma_wait3A_264 = arith.constant 0 : i32
        %dma_wait3A_265 = tpu.memref_slice %arg5[%multiple_of3A_262, %dma_wait3A_263, %dma_wait3A_264] : memref<8192x8x128xf32, #tpu.memory_space<hbm>> -> memref<16x8x128xf32, #tpu.memory_space<hbm>>
        %dma_wait3A_266 = arith.constant 0 : i32
        %dma_wait3A_267 = arith.constant 0 : i32
        %dma_wait3A_268 = tpu.memref_slice %arg5[%multiple_of3A_262, %dma_wait3A_266, %dma_wait3A_267] : memref<8192x8x128xf32, #tpu.memory_space<hbm>> -> memref<16x8x128xf32, #tpu.memory_space<hbm>>
        tpu.wait_dma2 semaphore(%arg17 : memref<!tpu.dma_semaphore, #tpu.memory_space<semaphore_mem>>) src(%arg11 : memref<16x8x128xf32, #tpu.memory_space<vmem>>) dst(%dma_wait3A_268 : memref<16x8x128xf32, #tpu.memory_space<hbm>>)
        %mul3A_269 = arith.constant 128 : i32
        %mul3A_270 = arith.muli %multiple_of3A_262, %mul3A_269 : i32
        %multiple_of3A_271 = tpu.assume_multiple %mul3A_270, 2048 : i32
        %dma_wait3A_272 = tpu.memref_slice %arg6[%multiple_of3A_271] : memref<1048576xf32, #tpu.memory_space<hbm>> -> memref<2048xf32, #tpu.memory_space<hbm>>
        %dma_wait3A_273 = tpu.memref_slice %arg6[%multiple_of3A_271] : memref<1048576xf32, #tpu.memory_space<hbm>> -> memref<2048xf32, #tpu.memory_space<hbm>>
        tpu.wait_dma2 semaphore(%arg19 : memref<!tpu.dma_semaphore, #tpu.memory_space<semaphore_mem>>) src(%arg13 : memref<2048xf32, #tpu.memory_space<vmem>>) dst(%dma_wait3A_273 : memref<2048xf32, #tpu.memory_space<hbm>>)
      } else {
      }
      %parallel_loop3A = arith.constant 0 : i32
      %parallel_loop3A_197 = arith.constant 128 : i32
      %parallel_loop3A_198 = arith.constant 1 : i32
      scf.for %parallel_loop3A_258 = %parallel_loop3A to %parallel_loop3A_197 step %parallel_loop3A_198  : i32 {
        %parallel_loop3A_259 = arith.constant 3 : i32
        %parallel_loop3A_260 = arith.shrsi %parallel_loop3A_258, %parallel_loop3A_259 : i32
        %parallel_loop3A_261 = arith.constant 7 : i32
        %parallel_loop3A_262 = arith.andi %parallel_loop3A_258, %parallel_loop3A_261 : i32
        %parallel_loop3A_263 = arith.constant 16 : i32
        %parallel_loop3A_264 = arith.muli %parallel_loop3A_262, %parallel_loop3A_263 : i32
        %parallel_loop3A_265 = arith.constant 0 : i32
        %parallel_loop3A_266 = arith.index_cast %parallel_loop3A_260 : i32 to index
        %parallel_loop3A_267 = arith.index_cast %parallel_loop3A_265 : i32 to index
        %parallel_loop3A_268 = arith.index_cast %parallel_loop3A_264 : i32 to index
        %parallel_loop3A_269 = tpu.vector_load %arg9[%parallel_loop3A_266, %parallel_loop3A_267, %parallel_loop3A_268] {strides = array<i32>} : memref<16x8x128xf32, #tpu.memory_space<vmem>>, vector<16xf32>,
        %parallel_loop3A_270 = arith.constant 1.000000e+03 : f32
        %parallel_loop3A_271 = vector.broadcast %parallel_loop3A_270 : f32 to vector<16xf32>
        %parallel_loop3A_272 = arith.mulf %parallel_loop3A_269, %parallel_loop3A_271 : vector<16xf32>
        %parallel_loop3A_273 = arith.fptosi %parallel_loop3A_272 : vector<16xf32> to vector<16xi32>
        %parallel_loop3A_274 = arith.sitofp %parallel_loop3A_273 : vector<16xi32> to vector<16xf32>
        %parallel_loop3A_275 = arith.subf %parallel_loop3A_272, %parallel_loop3A_274 : vector<16xf32>
        %parallel_loop3A_276 = arith.constant 0 : i32
        %parallel_loop3A_277 = arith.constant 0 : i32
        %parallel_loop3A_278 = tpu.memref_slice %arg7[%parallel_loop3A_276, %parallel_loop3A_277] : memref<8x1001xf32, #tpu.memory_space<vmem>> -> memref<1x1001xf32, #tpu.memory_space<vmem>>
        %parallel_loop3A_279 = tpu.memref_squeeze %parallel_loop3A_278 : memref<1x1001xf32, #tpu.memory_space<vmem>> -> memref<1001xf32, #tpu.memory_space<vmem>>
        %parallel_loop3A_280 = tpu.vector_load_idx %parallel_loop3A_279[%parallel_loop3A_273] : memref<1001xf32, #tpu.memory_space<vmem>>[vector<16xi32>], vector<16xf32>,
        %parallel_loop3A_281 = arith.constant 0 : i32
        %parallel_loop3A_282 = arith.constant 0 : i32
        %parallel_loop3A_283 = tpu.memref_slice %arg8[%parallel_loop3A_281, %parallel_loop3A_282] : memref<8x1008xf32, #tpu.memory_space<vmem>> -> memref<1x1008xf32, #tpu.memory_space<vmem>>
        %parallel_loop3A_284 = tpu.memref_squeeze %parallel_loop3A_283 : memref<1x1008xf32, #tpu.memory_space<vmem>> -> memref<1008xf32, #tpu.memory_space<vmem>>
        %parallel_loop3A_285 = tpu.vector_load_idx %parallel_loop3A_284[%parallel_loop3A_273] : memref<1008xf32, #tpu.memory_space<vmem>>[vector<16xi32>], vector<16xf32>,
        %parallel_loop3A_286 = arith.mulf %parallel_loop3A_285, %parallel_loop3A_275 : vector<16xf32>
        %parallel_loop3A_287 = arith.addf %parallel_loop3A_280, %parallel_loop3A_286 : vector<16xf32>
        %parallel_loop3A_288 = arith.constant 0 : i32
        %parallel_loop3A_289 = arith.index_cast %parallel_loop3A_260 : i32 to index
        %parallel_loop3A_290 = arith.index_cast %parallel_loop3A_288 : i32 to index
        %parallel_loop3A_291 = arith.index_cast %parallel_loop3A_264 : i32 to index
        %parallel_loop3A_292 = tpu.vector_load %arg11[%parallel_loop3A_289, %parallel_loop3A_290, %parallel_loop3A_291] {strides = array<i32>} : memref<16x8x128xf32, #tpu.memory_space<vmem>>, vector<16xf32>,
        tpu.vector_store %arg11[%parallel_loop3A_289, %parallel_loop3A_290, %parallel_loop3A_291], %parallel_loop3A_287 {strides = array<i32>} : memref<16x8x128xf32, #tpu.memory_space<vmem>>, vector<16xf32>,
        %parallel_loop3A_293 = arith.constant 1 : i32
        %parallel_loop3A_294 = arith.index_cast %parallel_loop3A_260 : i32 to index
        %parallel_loop3A_295 = arith.index_cast %parallel_loop3A_293 : i32 to index
        %parallel_loop3A_296 = arith.index_cast %parallel_loop3A_264 : i32 to index
        %parallel_loop3A_297 = tpu.vector_load %arg9[%parallel_loop3A_294, %parallel_loop3A_295, %parallel_loop3A_296] {strides = array<i32>} : memref<16x8x128xf32, #tpu.memory_space<vmem>>, vector<16xf32>,
        %parallel_loop3A_298 = arith.constant 1.000000e+03 : f32
        %parallel_loop3A_299 = vector.broadcast %parallel_loop3A_298 : f32 to vector<16xf32>
        %parallel_loop3A_300 = arith.mulf %parallel_loop3A_297, %parallel_loop3A_299 : vector<16xf32>
        %parallel_loop3A_301 = arith.fptosi %parallel_loop3A_300 : vector<16xf32> to vector<16xi32>
        %parallel_loop3A_302 = arith.sitofp %parallel_loop3A_301 : vector<16xi32> to vector<16xf32>
        %parallel_loop3A_303 = arith.subf %parallel_loop3A_300, %parallel_loop3A_302 : vector<16xf32>
        %parallel_loop3A_304 = arith.constant 1 : i32
        %parallel_loop3A_305 = arith.constant 0 : i32
        %parallel_loop3A_306 = tpu.memref_slice %arg7[%parallel_loop3A_304, %parallel_loop3A_305] : memref<8x1001xf32, #tpu.memory_space<vmem>> -> memref<1x1001xf32, #tpu.memory_space<vmem>>
        %parallel_loop3A_307 = tpu.memref_squeeze %parallel_loop3A_306 : memref<1x1001xf32, #tpu.memory_space<vmem>> -> memref<1001xf32, #tpu.memory_space<vmem>>
        %parallel_loop3A_308 = tpu.vector_load_idx %parallel_loop3A_307[%parallel_loop3A_301] : memref<1001xf32, #tpu.memory_space<vmem>>[vector<16xi32>], vector<16xf32>,
        %parallel_loop3A_309 = arith.constant 1 : i32
        %parallel_loop3A_310 = arith.constant 0 : i32
        %parallel_loop3A_311 = tpu.memref_slice %arg8[%parallel_loop3A_309, %parallel_loop3A_310] : memref<8x1008xf32, #tpu.memory_space<vmem>> -> memref<1x1008xf32, #tpu.memory_space<vmem>>
        %parallel_loop3A_312 = tpu.memref_squeeze %parallel_loop3A_311 : memref<1x1008xf32, #tpu.memory_space<vmem>> -> memref<1008xf32, #tpu.memory_space<vmem>>
        %parallel_loop3A_313 = tpu.vector_load_idx %parallel_loop3A_312[%parallel_loop3A_301] : memref<1008xf32, #tpu.memory_space<vmem>>[vector<16xi32>], vector<16xf32>,
        %parallel_loop3A_314 = arith.mulf %parallel_loop3A_313, %parallel_loop3A_303 : vector<16xf32>
        %parallel_loop3A_315 = arith.addf %parallel_loop3A_308, %parallel_loop3A_314 : vector<16xf32>
        %parallel_loop3A_316 = arith.constant 1 : i32
        %parallel_loop3A_317 = arith.index_cast %parallel_loop3A_260 : i32 to index
        %parallel_loop3A_318 = arith.index_cast %parallel_loop3A_316 : i32 to index
        %parallel_loop3A_319 = arith.index_cast %parallel_loop3A_264 : i32 to index
        %parallel_loop3A_320 = tpu.vector_load %arg11[%parallel_loop3A_317, %parallel_loop3A_318, %parallel_loop3A_319] {strides = array<i32>} : memref<16x8x128xf32, #tpu.memory_space<vmem>>, vector<16xf32>,
        tpu.vector_store %arg11[%parallel_loop3A_317, %parallel_loop3A_318, %parallel_loop3A_319], %parallel_loop3A_315 {strides = array<i32>} : memref<16x8x128xf32, #tpu.memory_space<vmem>>, vector<16xf32>,
        %parallel_loop3A_321 = arith.mulf %parallel_loop3A_285, %parallel_loop3A_313 : vector<16xf32>
        %parallel_loop3A_322 = arith.constant 2 : i32
        %parallel_loop3A_323 = arith.index_cast %parallel_loop3A_260 : i32 to index
        %parallel_loop3A_324 = arith.index_cast %parallel_loop3A_322 : i32 to index
        %parallel_loop3A_325 = arith.index_cast %parallel_loop3A_264 : i32 to index
        %parallel_loop3A_326 = tpu.vector_load %arg9[%parallel_loop3A_323, %parallel_loop3A_324, %parallel_loop3A_325] {strides = array<i32>} : memref<16x8x128xf32, #tpu.memory_space<vmem>>, vector<16xf32>,
        %parallel_loop3A_327 = arith.constant 1.000000e+03 : f32
        %parallel_loop3A_328 = vector.broadcast %parallel_loop3A_327 : f32 to vector<16xf32>
        %parallel_loop3A_329 = arith.mulf %parallel_loop3A_326, %parallel_loop3A_328 : vector<16xf32>
        %parallel_loop3A_330 = arith.fptosi %parallel_loop3A_329 : vector<16xf32> to vector<16xi32>
        %parallel_loop3A_331 = arith.sitofp %parallel_loop3A_330 : vector<16xi32> to vector<16xf32>
        %parallel_loop3A_332 = arith.subf %parallel_loop3A_329, %parallel_loop3A_331 : vector<16xf32>
        %parallel_loop3A_333 = arith.constant 2 : i32
        %parallel_loop3A_334 = arith.constant 0 : i32
        %parallel_loop3A_335 = tpu.memref_slice %arg7[%parallel_loop3A_333, %parallel_loop3A_334] : memref<8x1001xf32, #tpu.memory_space<vmem>> -> memref<1x1001xf32, #tpu.memory_space<vmem>>
        %parallel_loop3A_336 = tpu.memref_squeeze %parallel_loop3A_335 : memref<1x1001xf32, #tpu.memory_space<vmem>> -> memref<1001xf32, #tpu.memory_space<vmem>>
        %parallel_loop3A_337 = tpu.vector_load_idx %parallel_loop3A_336[%parallel_loop3A_330] : memref<1001xf32, #tpu.memory_space<vmem>>[vector<16xi32>], vector<16xf32>,
        %parallel_loop3A_338 = arith.constant 2 : i32
        %parallel_loop3A_339 = arith.constant 0 : i32
        %parallel_loop3A_340 = tpu.memref_slice %arg8[%parallel_loop3A_338, %parallel_loop3A_339] : memref<8x1008xf32, #tpu.memory_space<vmem>> -> memref<1x1008xf32, #tpu.memory_space<vmem>>
        %parallel_loop3A_341 = tpu.memref_squeeze %parallel_loop3A_340 : memref<1x1008xf32, #tpu.memory_space<vmem>> -> memref<1008xf32, #tpu.memory_space<vmem>>
        %parallel_loop3A_342 = tpu.vector_load_idx %parallel_loop3A_341[%parallel_loop3A_330] : memref<1008xf32, #tpu.memory_space<vmem>>[vector<16xi32>], vector<16xf32>,
        %parallel_loop3A_343 = arith.mulf %parallel_loop3A_342, %parallel_loop3A_332 : vector<16xf32>
        %parallel_loop3A_344 = arith.addf %parallel_loop3A_337, %parallel_loop3A_343 : vector<16xf32>
        %parallel_loop3A_345 = arith.constant 2 : i32
        %parallel_loop3A_346 = arith.index_cast %parallel_loop3A_260 : i32 to index
        %parallel_loop3A_347 = arith.index_cast %parallel_loop3A_345 : i32 to index
        %parallel_loop3A_348 = arith.index_cast %parallel_loop3A_264 : i32 to index
        %parallel_loop3A_349 = tpu.vector_load %arg11[%parallel_loop3A_346, %parallel_loop3A_347, %parallel_loop3A_348] {strides = array<i32>} : memref<16x8x128xf32, #tpu.memory_space<vmem>>, vector<16xf32>,
        tpu.vector_store %arg11[%parallel_loop3A_346, %parallel_loop3A_347, %parallel_loop3A_348], %parallel_loop3A_344 {strides = array<i32>} : memref<16x8x128xf32, #tpu.memory_space<vmem>>, vector<16xf32>,
        %parallel_loop3A_350 = arith.mulf %parallel_loop3A_321, %parallel_loop3A_342 : vector<16xf32>
        %parallel_loop3A_351 = arith.constant 3 : i32
        %parallel_loop3A_352 = arith.index_cast %parallel_loop3A_260 : i32 to index
        %parallel_loop3A_353 = arith.index_cast %parallel_loop3A_351 : i32 to index
        %parallel_loop3A_354 = arith.index_cast %parallel_loop3A_264 : i32 to index
        %parallel_loop3A_355 = tpu.vector_load %arg9[%parallel_loop3A_352, %parallel_loop3A_353, %parallel_loop3A_354] {strides = array<i32>} : memref<16x8x128xf32, #tpu.memory_space<vmem>>, vector<16xf32>,
        %parallel_loop3A_356 = arith.constant 1.000000e+03 : f32
        %parallel_loop3A_357 = vector.broadcast %parallel_loop3A_356 : f32 to vector<16xf32>
        %parallel_loop3A_358 = arith.mulf %parallel_loop3A_355, %parallel_loop3A_357 : vector<16xf32>
        %parallel_loop3A_359 = arith.fptosi %parallel_loop3A_358 : vector<16xf32> to vector<16xi32>
        %parallel_loop3A_360 = arith.sitofp %parallel_loop3A_359 : vector<16xi32> to vector<16xf32>
        %parallel_loop3A_361 = arith.subf %parallel_loop3A_358, %parallel_loop3A_360 : vector<16xf32>
        %parallel_loop3A_362 = arith.constant 3 : i32
        %parallel_loop3A_363 = arith.constant 0 : i32
        %parallel_loop3A_364 = tpu.memref_slice %arg7[%parallel_loop3A_362, %parallel_loop3A_363] : memref<8x1001xf32, #tpu.memory_space<vmem>> -> memref<1x1001xf32, #tpu.memory_space<vmem>>
        %parallel_loop3A_365 = tpu.memref_squeeze %parallel_loop3A_364 : memref<1x1001xf32, #tpu.memory_space<vmem>> -> memref<1001xf32, #tpu.memory_space<vmem>>
        %parallel_loop3A_366 = tpu.vector_load_idx %parallel_loop3A_365[%parallel_loop3A_359] : memref<1001xf32, #tpu.memory_space<vmem>>[vector<16xi32>], vector<16xf32>,
        %parallel_loop3A_367 = arith.constant 3 : i32
        %parallel_loop3A_368 = arith.constant 0 : i32
        %parallel_loop3A_369 = tpu.memref_slice %arg8[%parallel_loop3A_367, %parallel_loop3A_368] : memref<8x1008xf32, #tpu.memory_space<vmem>> -> memref<1x1008xf32, #tpu.memory_space<vmem>>
        %parallel_loop3A_370 = tpu.memref_squeeze %parallel_loop3A_369 : memref<1x1008xf32, #tpu.memory_space<vmem>> -> memref<1008xf32, #tpu.memory_space<vmem>>
        %parallel_loop3A_371 = tpu.vector_load_idx %parallel_loop3A_370[%parallel_loop3A_359] : memref<1008xf32, #tpu.memory_space<vmem>>[vector<16xi32>], vector<16xf32>,
        %parallel_loop3A_372 = arith.mulf %parallel_loop3A_371, %parallel_loop3A_361 : vector<16xf32>
        %parallel_loop3A_373 = arith.addf %parallel_loop3A_366, %parallel_loop3A_372 : vector<16xf32>
        %parallel_loop3A_374 = arith.constant 3 : i32
        %parallel_loop3A_375 = arith.index_cast %parallel_loop3A_260 : i32 to index
        %parallel_loop3A_376 = arith.index_cast %parallel_loop3A_374 : i32 to index
        %parallel_loop3A_377 = arith.index_cast %parallel_loop3A_264 : i32 to index
        %parallel_loop3A_378 = tpu.vector_load %arg11[%parallel_loop3A_375, %parallel_loop3A_376, %parallel_loop3A_377] {strides = array<i32>} : memref<16x8x128xf32, #tpu.memory_space<vmem>>, vector<16xf32>,
        tpu.vector_store %arg11[%parallel_loop3A_375, %parallel_loop3A_376, %parallel_loop3A_377], %parallel_loop3A_373 {strides = array<i32>} : memref<16x8x128xf32, #tpu.memory_space<vmem>>, vector<16xf32>,
        %parallel_loop3A_379 = arith.mulf %parallel_loop3A_350, %parallel_loop3A_371 : vector<16xf32>
        %parallel_loop3A_380 = arith.constant 4 : i32
        %parallel_loop3A_381 = arith.index_cast %parallel_loop3A_260 : i32 to index
        %parallel_loop3A_382 = arith.index_cast %parallel_loop3A_380 : i32 to index
        %parallel_loop3A_383 = arith.index_cast %parallel_loop3A_264 : i32 to index
        %parallel_loop3A_384 = tpu.vector_load %arg9[%parallel_loop3A_381, %parallel_loop3A_382, %parallel_loop3A_383] {strides = array<i32>} : memref<16x8x128xf32, #tpu.memory_space<vmem>>, vector<16xf32>,
        %parallel_loop3A_385 = arith.constant 1.000000e+03 : f32
        %parallel_loop3A_386 = vector.broadcast %parallel_loop3A_385 : f32 to vector<16xf32>
        %parallel_loop3A_387 = arith.mulf %parallel_loop3A_384, %parallel_loop3A_386 : vector<16xf32>
        %parallel_loop3A_388 = arith.fptosi %parallel_loop3A_387 : vector<16xf32> to vector<16xi32>
        %parallel_loop3A_389 = arith.sitofp %parallel_loop3A_388 : vector<16xi32> to vector<16xf32>
        %parallel_loop3A_390 = arith.subf %parallel_loop3A_387, %parallel_loop3A_389 : vector<16xf32>
        %parallel_loop3A_391 = arith.constant 4 : i32
        %parallel_loop3A_392 = arith.constant 0 : i32
        %parallel_loop3A_393 = tpu.memref_slice %arg7[%parallel_loop3A_391, %parallel_loop3A_392] : memref<8x1001xf32, #tpu.memory_space<vmem>> -> memref<1x1001xf32, #tpu.memory_space<vmem>>
        %parallel_loop3A_394 = tpu.memref_squeeze %parallel_loop3A_393 : memref<1x1001xf32, #tpu.memory_space<vmem>> -> memref<1001xf32, #tpu.memory_space<vmem>>
        %parallel_loop3A_395 = tpu.vector_load_idx %parallel_loop3A_394[%parallel_loop3A_388] : memref<1001xf32, #tpu.memory_space<vmem>>[vector<16xi32>], vector<16xf32>,
        %parallel_loop3A_396 = arith.constant 4 : i32
        %parallel_loop3A_397 = arith.constant 0 : i32
        %parallel_loop3A_398 = tpu.memref_slice %arg8[%parallel_loop3A_396, %parallel_loop3A_397] : memref<8x1008xf32, #tpu.memory_space<vmem>> -> memref<1x1008xf32, #tpu.memory_space<vmem>>
        %parallel_loop3A_399 = tpu.memref_squeeze %parallel_loop3A_398 : memref<1x1008xf32, #tpu.memory_space<vmem>> -> memref<1008xf32, #tpu.memory_space<vmem>>
        %parallel_loop3A_400 = tpu.vector_load_idx %parallel_loop3A_399[%parallel_loop3A_388] : memref<1008xf32, #tpu.memory_space<vmem>>[vector<16xi32>], vector<16xf32>,
        %parallel_loop3A_401 = arith.mulf %parallel_loop3A_400, %parallel_loop3A_390 : vector<16xf32>
        %parallel_loop3A_402 = arith.addf %parallel_loop3A_395, %parallel_loop3A_401 : vector<16xf32>
        %parallel_loop3A_403 = arith.constant 4 : i32
        %parallel_loop3A_404 = arith.index_cast %parallel_loop3A_260 : i32 to index
        %parallel_loop3A_405 = arith.index_cast %parallel_loop3A_403 : i32 to index
        %parallel_loop3A_406 = arith.index_cast %parallel_loop3A_264 : i32 to index
        %parallel_loop3A_407 = tpu.vector_load %arg11[%parallel_loop3A_404, %parallel_loop3A_405, %parallel_loop3A_406] {strides = array<i32>} : memref<16x8x128xf32, #tpu.memory_space<vmem>>, vector<16xf32>,
        tpu.vector_store %arg11[%parallel_loop3A_404, %parallel_loop3A_405, %parallel_loop3A_406], %parallel_loop3A_402 {strides = array<i32>} : memref<16x8x128xf32, #tpu.memory_space<vmem>>, vector<16xf32>,
        %parallel_loop3A_408 = arith.mulf %parallel_loop3A_379, %parallel_loop3A_400 : vector<16xf32>
        %parallel_loop3A_409 = arith.constant 5 : i32
        %parallel_loop3A_410 = arith.index_cast %parallel_loop3A_260 : i32 to index
        %parallel_loop3A_411 = arith.index_cast %parallel_loop3A_409 : i32 to index
        %parallel_loop3A_412 = arith.index_cast %parallel_loop3A_264 : i32 to index
        %parallel_loop3A_413 = tpu.vector_load %arg9[%parallel_loop3A_410, %parallel_loop3A_411, %parallel_loop3A_412] {strides = array<i32>} : memref<16x8x128xf32, #tpu.memory_space<vmem>>, vector<16xf32>,
        %parallel_loop3A_414 = arith.constant 1.000000e+03 : f32
        %parallel_loop3A_415 = vector.broadcast %parallel_loop3A_414 : f32 to vector<16xf32>
        %parallel_loop3A_416 = arith.mulf %parallel_loop3A_413, %parallel_loop3A_415 : vector<16xf32>
        %parallel_loop3A_417 = arith.fptosi %parallel_loop3A_416 : vector<16xf32> to vector<16xi32>
        %parallel_loop3A_418 = arith.sitofp %parallel_loop3A_417 : vector<16xi32> to vector<16xf32>
        %parallel_loop3A_419 = arith.subf %parallel_loop3A_416, %parallel_loop3A_418 : vector<16xf32>
        %parallel_loop3A_420 = arith.constant 5 : i32
        %parallel_loop3A_421 = arith.constant 0 : i32
        %parallel_loop3A_422 = tpu.memref_slice %arg7[%parallel_loop3A_420, %parallel_loop3A_421] : memref<8x1001xf32, #tpu.memory_space<vmem>> -> memref<1x1001xf32, #tpu.memory_space<vmem>>
        %parallel_loop3A_423 = tpu.memref_squeeze %parallel_loop3A_422 : memref<1x1001xf32, #tpu.memory_space<vmem>> -> memref<1001xf32, #tpu.memory_space<vmem>>
        %parallel_loop3A_424 = tpu.vector_load_idx %parallel_loop3A_423[%parallel_loop3A_417] : memref<1001xf32, #tpu.memory_space<vmem>>[vector<16xi32>], vector<16xf32>,
        %parallel_loop3A_425 = arith.constant 5 : i32
        %parallel_loop3A_426 = arith.constant 0 : i32
        %parallel_loop3A_427 = tpu.memref_slice %arg8[%parallel_loop3A_425, %parallel_loop3A_426] : memref<8x1008xf32, #tpu.memory_space<vmem>> -> memref<1x1008xf32, #tpu.memory_space<vmem>>
        %parallel_loop3A_428 = tpu.memref_squeeze %parallel_loop3A_427 : memref<1x1008xf32, #tpu.memory_space<vmem>> -> memref<1008xf32, #tpu.memory_space<vmem>>
        %parallel_loop3A_429 = tpu.vector_load_idx %parallel_loop3A_428[%parallel_loop3A_417] : memref<1008xf32, #tpu.memory_space<vmem>>[vector<16xi32>], vector<16xf32>,
        %parallel_loop3A_430 = arith.mulf %parallel_loop3A_429, %parallel_loop3A_419 : vector<16xf32>
        %parallel_loop3A_431 = arith.addf %parallel_loop3A_424, %parallel_loop3A_430 : vector<16xf32>
        %parallel_loop3A_432 = arith.constant 5 : i32
        %parallel_loop3A_433 = arith.index_cast %parallel_loop3A_260 : i32 to index
        %parallel_loop3A_434 = arith.index_cast %parallel_loop3A_432 : i32 to index
        %parallel_loop3A_435 = arith.index_cast %parallel_loop3A_264 : i32 to index
        %parallel_loop3A_436 = tpu.vector_load %arg11[%parallel_loop3A_433, %parallel_loop3A_434, %parallel_loop3A_435] {strides = array<i32>} : memref<16x8x128xf32, #tpu.memory_space<vmem>>, vector<16xf32>,
        tpu.vector_store %arg11[%parallel_loop3A_433, %parallel_loop3A_434, %parallel_loop3A_435], %parallel_loop3A_431 {strides = array<i32>} : memref<16x8x128xf32, #tpu.memory_space<vmem>>, vector<16xf32>,
        %parallel_loop3A_437 = arith.mulf %parallel_loop3A_408, %parallel_loop3A_429 : vector<16xf32>
        %parallel_loop3A_438 = arith.constant 6 : i32
        %parallel_loop3A_439 = arith.index_cast %parallel_loop3A_260 : i32 to index
        %parallel_loop3A_440 = arith.index_cast %parallel_loop3A_438 : i32 to index
        %parallel_loop3A_441 = arith.index_cast %parallel_loop3A_264 : i32 to index
        %parallel_loop3A_442 = tpu.vector_load %arg9[%parallel_loop3A_439, %parallel_loop3A_440, %parallel_loop3A_441] {strides = array<i32>} : memref<16x8x128xf32, #tpu.memory_space<vmem>>, vector<16xf32>,
        %parallel_loop3A_443 = arith.constant 1.000000e+03 : f32
        %parallel_loop3A_444 = vector.broadcast %parallel_loop3A_443 : f32 to vector<16xf32>
        %parallel_loop3A_445 = arith.mulf %parallel_loop3A_442, %parallel_loop3A_444 : vector<16xf32>
        %parallel_loop3A_446 = arith.fptosi %parallel_loop3A_445 : vector<16xf32> to vector<16xi32>
        %parallel_loop3A_447 = arith.sitofp %parallel_loop3A_446 : vector<16xi32> to vector<16xf32>
        %parallel_loop3A_448 = arith.subf %parallel_loop3A_445, %parallel_loop3A_447 : vector<16xf32>
        %parallel_loop3A_449 = arith.constant 6 : i32
        %parallel_loop3A_450 = arith.constant 0 : i32
        %parallel_loop3A_451 = tpu.memref_slice %arg7[%parallel_loop3A_449, %parallel_loop3A_450] : memref<8x1001xf32, #tpu.memory_space<vmem>> -> memref<1x1001xf32, #tpu.memory_space<vmem>>
        %parallel_loop3A_452 = tpu.memref_squeeze %parallel_loop3A_451 : memref<1x1001xf32, #tpu.memory_space<vmem>> -> memref<1001xf32, #tpu.memory_space<vmem>>
        %parallel_loop3A_453 = tpu.vector_load_idx %parallel_loop3A_452[%parallel_loop3A_446] : memref<1001xf32, #tpu.memory_space<vmem>>[vector<16xi32>], vector<16xf32>,
        %parallel_loop3A_454 = arith.constant 6 : i32
        %parallel_loop3A_455 = arith.constant 0 : i32
        %parallel_loop3A_456 = tpu.memref_slice %arg8[%parallel_loop3A_454, %parallel_loop3A_455] : memref<8x1008xf32, #tpu.memory_space<vmem>> -> memref<1x1008xf32, #tpu.memory_space<vmem>>
        %parallel_loop3A_457 = tpu.memref_squeeze %parallel_loop3A_456 : memref<1x1008xf32, #tpu.memory_space<vmem>> -> memref<1008xf32, #tpu.memory_space<vmem>>
        %parallel_loop3A_458 = tpu.vector_load_idx %parallel_loop3A_457[%parallel_loop3A_446] : memref<1008xf32, #tpu.memory_space<vmem>>[vector<16xi32>], vector<16xf32>,
        %parallel_loop3A_459 = arith.mulf %parallel_loop3A_458, %parallel_loop3A_448 : vector<16xf32>
        %parallel_loop3A_460 = arith.addf %parallel_loop3A_453, %parallel_loop3A_459 : vector<16xf32>
        %parallel_loop3A_461 = arith.constant 6 : i32
        %parallel_loop3A_462 = arith.index_cast %parallel_loop3A_260 : i32 to index
        %parallel_loop3A_463 = arith.index_cast %parallel_loop3A_461 : i32 to index
        %parallel_loop3A_464 = arith.index_cast %parallel_loop3A_264 : i32 to index
        %parallel_loop3A_465 = tpu.vector_load %arg11[%parallel_loop3A_462, %parallel_loop3A_463, %parallel_loop3A_464] {strides = array<i32>} : memref<16x8x128xf32, #tpu.memory_space<vmem>>, vector<16xf32>,
        tpu.vector_store %arg11[%parallel_loop3A_462, %parallel_loop3A_463, %parallel_loop3A_464], %parallel_loop3A_460 {strides = array<i32>} : memref<16x8x128xf32, #tpu.memory_space<vmem>>, vector<16xf32>,
        %parallel_loop3A_466 = arith.mulf %parallel_loop3A_437, %parallel_loop3A_458 : vector<16xf32>
        %parallel_loop3A_467 = arith.constant 7 : i32
        %parallel_loop3A_468 = arith.index_cast %parallel_loop3A_260 : i32 to index
        %parallel_loop3A_469 = arith.index_cast %parallel_loop3A_467 : i32 to index
        %parallel_loop3A_470 = arith.index_cast %parallel_loop3A_264 : i32 to index
        %parallel_loop3A_471 = tpu.vector_load %arg9[%parallel_loop3A_468, %parallel_loop3A_469, %parallel_loop3A_470] {strides = array<i32>} : memref<16x8x128xf32, #tpu.memory_space<vmem>>, vector<16xf32>,
        %parallel_loop3A_472 = arith.constant 1.000000e+03 : f32
        %parallel_loop3A_473 = vector.broadcast %parallel_loop3A_472 : f32 to vector<16xf32>
        %parallel_loop3A_474 = arith.mulf %parallel_loop3A_471, %parallel_loop3A_473 : vector<16xf32>
        %parallel_loop3A_475 = arith.fptosi %parallel_loop3A_474 : vector<16xf32> to vector<16xi32>
        %parallel_loop3A_476 = arith.sitofp %parallel_loop3A_475 : vector<16xi32> to vector<16xf32>
        %parallel_loop3A_477 = arith.subf %parallel_loop3A_474, %parallel_loop3A_476 : vector<16xf32>
        %parallel_loop3A_478 = arith.constant 7 : i32
        %parallel_loop3A_479 = arith.constant 0 : i32
        %parallel_loop3A_480 = tpu.memref_slice %arg7[%parallel_loop3A_478, %parallel_loop3A_479] : memref<8x1001xf32, #tpu.memory_space<vmem>> -> memref<1x1001xf32, #tpu.memory_space<vmem>>
        %parallel_loop3A_481 = tpu.memref_squeeze %parallel_loop3A_480 : memref<1x1001xf32, #tpu.memory_space<vmem>> -> memref<1001xf32, #tpu.memory_space<vmem>>
        %parallel_loop3A_482 = tpu.vector_load_idx %parallel_loop3A_481[%parallel_loop3A_475] : memref<1001xf32, #tpu.memory_space<vmem>>[vector<16xi32>], vector<16xf32>,
        %parallel_loop3A_483 = arith.constant 7 : i32
        %parallel_loop3A_484 = arith.constant 0 : i32
        %parallel_loop3A_485 = tpu.memref_slice %arg8[%parallel_loop3A_483, %parallel_loop3A_484] : memref<8x1008xf32, #tpu.memory_space<vmem>> -> memref<1x1008xf32, #tpu.memory_space<vmem>>
        %parallel_loop3A_486 = tpu.memref_squeeze %parallel_loop3A_485 : memref<1x1008xf32, #tpu.memory_space<vmem>> -> memref<1008xf32, #tpu.memory_space<vmem>>
        %parallel_loop3A_487 = tpu.vector_load_idx %parallel_loop3A_486[%parallel_loop3A_475] : memref<1008xf32, #tpu.memory_space<vmem>>[vector<16xi32>], vector<16xf32>,
        %parallel_loop3A_488 = arith.mulf %parallel_loop3A_487, %parallel_loop3A_477 : vector<16xf32>
        %parallel_loop3A_489 = arith.addf %parallel_loop3A_482, %parallel_loop3A_488 : vector<16xf32>
        %parallel_loop3A_490 = arith.constant 7 : i32
        %parallel_loop3A_491 = arith.index_cast %parallel_loop3A_260 : i32 to index
        %parallel_loop3A_492 = arith.index_cast %parallel_loop3A_490 : i32 to index
        %parallel_loop3A_493 = arith.index_cast %parallel_loop3A_264 : i32 to index
        %parallel_loop3A_494 = tpu.vector_load %arg11[%parallel_loop3A_491, %parallel_loop3A_492, %parallel_loop3A_493] {strides = array<i32>} : memref<16x8x128xf32, #tpu.memory_space<vmem>>, vector<16xf32>,
        tpu.vector_store %arg11[%parallel_loop3A_491, %parallel_loop3A_492, %parallel_loop3A_493], %parallel_loop3A_489 {strides = array<i32>} : memref<16x8x128xf32, #tpu.memory_space<vmem>>, vector<16xf32>,
        %parallel_loop3A_495 = arith.mulf %parallel_loop3A_466, %parallel_loop3A_487 : vector<16xf32>
        %parallel_loop3A_496 = arith.constant 1.000000e+24 : f32
        %parallel_loop3A_497 = vector.broadcast %parallel_loop3A_496 : f32 to vector<16xf32>
        %parallel_loop3A_498 = arith.mulf %parallel_loop3A_495, %parallel_loop3A_497 : vector<16xf32>
        %parallel_loop3A_499 = arith.constant 16 : i32
        %parallel_loop3A_500 = arith.muli %parallel_loop3A_258, %parallel_loop3A_499 : i32
        %parallel_loop3A_501 = arith.index_cast %parallel_loop3A_500 : i32 to index
        %parallel_loop3A_502 = tpu.vector_load %arg13[%parallel_loop3A_501] {strides = array<i32>} : memref<2048xf32, #tpu.memory_space<vmem>>, vector<16xf32>,
        tpu.vector_store %arg13[%parallel_loop3A_501], %parallel_loop3A_498 {strides = array<i32>} : memref<2048xf32, #tpu.memory_space<vmem>>, vector<16xf32>,
      } {sc.loop_unroll_factor = 8 : i64, sc.parallel_access}
      %mul3A_199 = arith.constant 16 : i32
      %mul3A_200 = arith.muli %add3A_178, %mul3A_199 : i32
      %add3A_201 = arith.addi %mul3A_134, %mul3A_200 : i32
      %multiple_of3A_202 = tpu.assume_multiple %add3A_201, 16 : i32
      %dma_start3A_203 = arith.constant 0 : i32
      %dma_start3A_204 = arith.constant 0 : i32
      %dma_start3A_205 = tpu.memref_slice %arg5[%multiple_of3A_202, %dma_start3A_203, %dma_start3A_204] : memref<8192x8x128xf32, #tpu.memory_space<hbm>> -> memref<16x8x128xf32, #tpu.memory_space<hbm>>
      %dma_start3A_206 = arith.constant 0 : i32
      %dma_start3A_207 = arith.constant 0 : i32
      %dma_start3A_208 = tpu.memref_slice %arg5[%multiple_of3A_202, %dma_start3A_206, %dma_start3A_207] : memref<8192x8x128xf32, #tpu.memory_space<hbm>> -> memref<16x8x128xf32, #tpu.memory_space<hbm>>
      tpu.enqueue_dma source(%arg11 : memref<16x8x128xf32, #tpu.memory_space<vmem>>) target(%dma_start3A_208 : memref<16x8x128xf32, #tpu.memory_space<hbm>>) target_semaphore(%arg17 : memref<!tpu.dma_semaphore, #tpu.memory_space<semaphore_mem>>)
      %mul3A_209 = arith.constant 128 : i32
      %mul3A_210 = arith.muli %multiple_of3A_202, %mul3A_209 : i32
      %multiple_of3A_211 = tpu.assume_multiple %mul3A_210, 2048 : i32
      %dma_start3A_212 = tpu.memref_slice %arg6[%multiple_of3A_211] : memref<1048576xf32, #tpu.memory_space<hbm>> -> memref<2048xf32, #tpu.memory_space<hbm>>
      %dma_start3A_213 = tpu.memref_slice %arg6[%multiple_of3A_211] : memref<1048576xf32, #tpu.memory_space<hbm>> -> memref<2048xf32, #tpu.memory_space<hbm>>
      tpu.enqueue_dma source(%arg13 : memref<2048xf32, #tpu.memory_space<vmem>>) target(%dma_start3A_213 : memref<2048xf32, #tpu.memory_space<hbm>>) target_semaphore(%arg19 : memref<!tpu.dma_semaphore, #tpu.memory_space<semaphore_mem>>)
      %mul3A_214 = arith.constant 2 : i32
      %mul3A_215 = arith.muli %scan3A_174, %mul3A_214 : i32
      %add3A_216 = arith.constant 1 : i32
      %add3A_217 = arith.addi %mul3A_215, %add3A_216 : i32
      %mul3A_218 = arith.constant 16 : i32
      %mul3A_219 = arith.muli %add3A_217, %mul3A_218 : i32
      %add3A_220 = arith.addi %mul3A_134, %mul3A_219 : i32
      %multiple_of3A_221 = tpu.assume_multiple %add3A_220, 16 : i32
      %dma_wait3A_222 = arith.constant 0 : i32
      %dma_wait3A_223 = arith.constant 0 : i32
      %dma_wait3A_224 = tpu.memref_slice %arg2[%multiple_of3A_221, %dma_wait3A_222, %dma_wait3A_223] : memref<8192x8x128xf32, #tpu.memory_space<hbm>> -> memref<16x8x128xf32, #tpu.memory_space<hbm>>
      %dma_wait3A_225 = arith.constant 0 : i32
      %dma_wait3A_226 = arith.constant 0 : i32
      %dma_wait3A_227 = tpu.memref_slice %arg2[%multiple_of3A_221, %dma_wait3A_225, %dma_wait3A_226] : memref<8192x8x128xf32, #tpu.memory_space<hbm>> -> memref<16x8x128xf32, #tpu.memory_space<hbm>>
      tpu.wait_dma2 semaphore(%arg16 : memref<!tpu.dma_semaphore, #tpu.memory_space<semaphore_mem>>) src(%dma_wait3A_227 : memref<16x8x128xf32, #tpu.memory_space<hbm>>) dst(%arg10 : memref<16x8x128xf32, #tpu.memory_space<vmem>>)
      %add3A_228 = arith.constant 1 : i32
      %add3A_229 = arith.addi %add3A_217, %add3A_228 : i32
      %lt3A_230 = arith.constant 16 : i32
      %lt3A_231 = arith.cmpi slt, %add3A_229, %lt3A_230 : i32
      %convert_element_type3A_232 = arith.extui %lt3A_231 : i1 to i32
      %cond3A_233 = arith.constant 0 : i32
      %cond3A_234 = arith.cmpi ne, %convert_element_type3A_232, %cond3A_233 : i32
      scf.if %cond3A_234 {
        %add3A_258 = arith.constant 1 : i32
        %add3A_259 = arith.addi %add3A_217, %add3A_258 : i32
        %mul3A_260 = arith.constant 16 : i32
        %mul3A_261 = arith.muli %add3A_259, %mul3A_260 : i32
        %add3A_262 = arith.addi %mul3A_134, %mul3A_261 : i32
        %multiple_of3A_263 = tpu.assume_multiple %add3A_262, 16 : i32
        %dma_start3A_264 = arith.constant 0 : i32
        %dma_start3A_265 = arith.constant 0 : i32
        %dma_start3A_266 = tpu.memref_slice %arg2[%multiple_of3A_263, %dma_start3A_264, %dma_start3A_265] : memref<8192x8x128xf32, #tpu.memory_space<hbm>> -> memref<16x8x128xf32, #tpu.memory_space<hbm>>
        %dma_start3A_267 = arith.constant 0 : i32
        %dma_start3A_268 = arith.constant 0 : i32
        %dma_start3A_269 = tpu.memref_slice %arg2[%multiple_of3A_263, %dma_start3A_267, %dma_start3A_268] : memref<8192x8x128xf32, #tpu.memory_space<hbm>> -> memref<16x8x128xf32, #tpu.memory_space<hbm>>
        tpu.enqueue_dma source(%dma_start3A_269 : memref<16x8x128xf32, #tpu.memory_space<hbm>>) target(%arg9 : memref<16x8x128xf32, #tpu.memory_space<vmem>>) target_semaphore(%arg15 : memref<!tpu.dma_semaphore, #tpu.memory_space<semaphore_mem>>)
      } else {
      }
      %ge3A_235 = arith.constant 2 : i32
      %ge3A_236 = arith.cmpi sge, %add3A_217, %ge3A_235 : i32
      %convert_element_type3A_237 = arith.extui %ge3A_236 : i1 to i32
      %cond3A_238 = arith.constant 0 : i32
      %cond3A_239 = arith.cmpi ne, %convert_element_type3A_237, %cond3A_238 : i32
      scf.if %cond3A_239 {
        %sub3A = arith.constant 2 : i32
        %sub3A_258 = arith.subi %add3A_217, %sub3A : i32
        %mul3A_259 = arith.constant 16 : i32
        %mul3A_260 = arith.muli %sub3A_258, %mul3A_259 : i32
        %add3A_261 = arith.addi %mul3A_134, %mul3A_260 : i32
        %multiple_of3A_262 = tpu.assume_multiple %add3A_261, 16 : i32
        %dma_wait3A_263 = arith.constant 0 : i32
        %dma_wait3A_264 = arith.constant 0 : i32
        %dma_wait3A_265 = tpu.memref_slice %arg5[%multiple_of3A_262, %dma_wait3A_263, %dma_wait3A_264] : memref<8192x8x128xf32, #tpu.memory_space<hbm>> -> memref<16x8x128xf32, #tpu.memory_space<hbm>>
        %dma_wait3A_266 = arith.constant 0 : i32
        %dma_wait3A_267 = arith.constant 0 : i32
        %dma_wait3A_268 = tpu.memref_slice %arg5[%multiple_of3A_262, %dma_wait3A_266, %dma_wait3A_267] : memref<8192x8x128xf32, #tpu.memory_space<hbm>> -> memref<16x8x128xf32, #tpu.memory_space<hbm>>
        tpu.wait_dma2 semaphore(%arg18 : memref<!tpu.dma_semaphore, #tpu.memory_space<semaphore_mem>>) src(%arg12 : memref<16x8x128xf32, #tpu.memory_space<vmem>>) dst(%dma_wait3A_268 : memref<16x8x128xf32, #tpu.memory_space<hbm>>)
        %mul3A_269 = arith.constant 128 : i32
        %mul3A_270 = arith.muli %multiple_of3A_262, %mul3A_269 : i32
        %multiple_of3A_271 = tpu.assume_multiple %mul3A_270, 2048 : i32
        %dma_wait3A_272 = tpu.memref_slice %arg6[%multiple_of3A_271] : memref<1048576xf32, #tpu.memory_space<hbm>> -> memref<2048xf32, #tpu.memory_space<hbm>>
        %dma_wait3A_273 = tpu.memref_slice %arg6[%multiple_of3A_271] : memref<1048576xf32, #tpu.memory_space<hbm>> -> memref<2048xf32, #tpu.memory_space<hbm>>
        tpu.wait_dma2 semaphore(%arg20 : memref<!tpu.dma_semaphore, #tpu.memory_space<semaphore_mem>>) src(%arg14 : memref<2048xf32, #tpu.memory_space<vmem>>) dst(%dma_wait3A_273 : memref<2048xf32, #tpu.memory_space<hbm>>)
      } else {
      }
      %parallel_loop3A_240 = arith.constant 0 : i32
      %parallel_loop3A_241 = arith.constant 128 : i32
      %parallel_loop3A_242 = arith.constant 1 : i32
      scf.for %parallel_loop3A_258 = %parallel_loop3A_240 to %parallel_loop3A_241 step %parallel_loop3A_242  : i32 {
        %parallel_loop3A_259 = arith.constant 3 : i32
        %parallel_loop3A_260 = arith.shrsi %parallel_loop3A_258, %parallel_loop3A_259 : i32
        %parallel_loop3A_261 = arith.constant 7 : i32
        %parallel_loop3A_262 = arith.andi %parallel_loop3A_258, %parallel_loop3A_261 : i32
        %parallel_loop3A_263 = arith.constant 16 : i32
        %parallel_loop3A_264 = arith.muli %parallel_loop3A_262, %parallel_loop3A_263 : i32
        %parallel_loop3A_265 = arith.constant 0 : i32
        %parallel_loop3A_266 = arith.index_cast %parallel_loop3A_260 : i32 to index
        %parallel_loop3A_267 = arith.index_cast %parallel_loop3A_265 : i32 to index
        %parallel_loop3A_268 = arith.index_cast %parallel_loop3A_264 : i32 to index
        %parallel_loop3A_269 = tpu.vector_load %arg10[%parallel_loop3A_266, %parallel_loop3A_267, %parallel_loop3A_268] {strides = array<i32>} : memref<16x8x128xf32, #tpu.memory_space<vmem>>, vector<16xf32>,
        %parallel_loop3A_270 = arith.constant 1.000000e+03 : f32
        %parallel_loop3A_271 = vector.broadcast %parallel_loop3A_270 : f32 to vector<16xf32>
        %parallel_loop3A_272 = arith.mulf %parallel_loop3A_269, %parallel_loop3A_271 : vector<16xf32>
        %parallel_loop3A_273 = arith.fptosi %parallel_loop3A_272 : vector<16xf32> to vector<16xi32>
        %parallel_loop3A_274 = arith.sitofp %parallel_loop3A_273 : vector<16xi32> to vector<16xf32>
        %parallel_loop3A_275 = arith.subf %parallel_loop3A_272, %parallel_loop3A_274 : vector<16xf32>
        %parallel_loop3A_276 = arith.constant 0 : i32
        %parallel_loop3A_277 = arith.constant 0 : i32
        %parallel_loop3A_278 = tpu.memref_slice %arg7[%parallel_loop3A_276, %parallel_loop3A_277] : memref<8x1001xf32, #tpu.memory_space<vmem>> -> memref<1x1001xf32, #tpu.memory_space<vmem>>
        %parallel_loop3A_279 = tpu.memref_squeeze %parallel_loop3A_278 : memref<1x1001xf32, #tpu.memory_space<vmem>> -> memref<1001xf32, #tpu.memory_space<vmem>>
        %parallel_loop3A_280 = tpu.vector_load_idx %parallel_loop3A_279[%parallel_loop3A_273] : memref<1001xf32, #tpu.memory_space<vmem>>[vector<16xi32>], vector<16xf32>,
        %parallel_loop3A_281 = arith.constant 0 : i32
        %parallel_loop3A_282 = arith.constant 0 : i32
        %parallel_loop3A_283 = tpu.memref_slice %arg8[%parallel_loop3A_281, %parallel_loop3A_282] : memref<8x1008xf32, #tpu.memory_space<vmem>> -> memref<1x1008xf32, #tpu.memory_space<vmem>>
        %parallel_loop3A_284 = tpu.memref_squeeze %parallel_loop3A_283 : memref<1x1008xf32, #tpu.memory_space<vmem>> -> memref<1008xf32, #tpu.memory_space<vmem>>
        %parallel_loop3A_285 = tpu.vector_load_idx %parallel_loop3A_284[%parallel_loop3A_273] : memref<1008xf32, #tpu.memory_space<vmem>>[vector<16xi32>], vector<16xf32>,
        %parallel_loop3A_286 = arith.mulf %parallel_loop3A_285, %parallel_loop3A_275 : vector<16xf32>
        %parallel_loop3A_287 = arith.addf %parallel_loop3A_280, %parallel_loop3A_286 : vector<16xf32>
        %parallel_loop3A_288 = arith.constant 0 : i32
        %parallel_loop3A_289 = arith.index_cast %parallel_loop3A_260 : i32 to index
        %parallel_loop3A_290 = arith.index_cast %parallel_loop3A_288 : i32 to index
        %parallel_loop3A_291 = arith.index_cast %parallel_loop3A_264 : i32 to index
        %parallel_loop3A_292 = tpu.vector_load %arg12[%parallel_loop3A_289, %parallel_loop3A_290, %parallel_loop3A_291] {strides = array<i32>} : memref<16x8x128xf32, #tpu.memory_space<vmem>>, vector<16xf32>,
        tpu.vector_store %arg12[%parallel_loop3A_289, %parallel_loop3A_290, %parallel_loop3A_291], %parallel_loop3A_287 {strides = array<i32>} : memref<16x8x128xf32, #tpu.memory_space<vmem>>, vector<16xf32>,
        %parallel_loop3A_293 = arith.constant 1 : i32
        %parallel_loop3A_294 = arith.index_cast %parallel_loop3A_260 : i32 to index
        %parallel_loop3A_295 = arith.index_cast %parallel_loop3A_293 : i32 to index
        %parallel_loop3A_296 = arith.index_cast %parallel_loop3A_264 : i32 to index
        %parallel_loop3A_297 = tpu.vector_load %arg10[%parallel_loop3A_294, %parallel_loop3A_295, %parallel_loop3A_296] {strides = array<i32>} : memref<16x8x128xf32, #tpu.memory_space<vmem>>, vector<16xf32>,
        %parallel_loop3A_298 = arith.constant 1.000000e+03 : f32
        %parallel_loop3A_299 = vector.broadcast %parallel_loop3A_298 : f32 to vector<16xf32>
        %parallel_loop3A_300 = arith.mulf %parallel_loop3A_297, %parallel_loop3A_299 : vector<16xf32>
        %parallel_loop3A_301 = arith.fptosi %parallel_loop3A_300 : vector<16xf32> to vector<16xi32>
        %parallel_loop3A_302 = arith.sitofp %parallel_loop3A_301 : vector<16xi32> to vector<16xf32>
        %parallel_loop3A_303 = arith.subf %parallel_loop3A_300, %parallel_loop3A_302 : vector<16xf32>
        %parallel_loop3A_304 = arith.constant 1 : i32
        %parallel_loop3A_305 = arith.constant 0 : i32
        %parallel_loop3A_306 = tpu.memref_slice %arg7[%parallel_loop3A_304, %parallel_loop3A_305] : memref<8x1001xf32, #tpu.memory_space<vmem>> -> memref<1x1001xf32, #tpu.memory_space<vmem>>
        %parallel_loop3A_307 = tpu.memref_squeeze %parallel_loop3A_306 : memref<1x1001xf32, #tpu.memory_space<vmem>> -> memref<1001xf32, #tpu.memory_space<vmem>>
        %parallel_loop3A_308 = tpu.vector_load_idx %parallel_loop3A_307[%parallel_loop3A_301] : memref<1001xf32, #tpu.memory_space<vmem>>[vector<16xi32>], vector<16xf32>,
        %parallel_loop3A_309 = arith.constant 1 : i32
        %parallel_loop3A_310 = arith.constant 0 : i32
        %parallel_loop3A_311 = tpu.memref_slice %arg8[%parallel_loop3A_309, %parallel_loop3A_310] : memref<8x1008xf32, #tpu.memory_space<vmem>> -> memref<1x1008xf32, #tpu.memory_space<vmem>>
        %parallel_loop3A_312 = tpu.memref_squeeze %parallel_loop3A_311 : memref<1x1008xf32, #tpu.memory_space<vmem>> -> memref<1008xf32, #tpu.memory_space<vmem>>
        %parallel_loop3A_313 = tpu.vector_load_idx %parallel_loop3A_312[%parallel_loop3A_301] : memref<1008xf32, #tpu.memory_space<vmem>>[vector<16xi32>], vector<16xf32>,
        %parallel_loop3A_314 = arith.mulf %parallel_loop3A_313, %parallel_loop3A_303 : vector<16xf32>
        %parallel_loop3A_315 = arith.addf %parallel_loop3A_308, %parallel_loop3A_314 : vector<16xf32>
        %parallel_loop3A_316 = arith.constant 1 : i32
        %parallel_loop3A_317 = arith.index_cast %parallel_loop3A_260 : i32 to index
        %parallel_loop3A_318 = arith.index_cast %parallel_loop3A_316 : i32 to index
        %parallel_loop3A_319 = arith.index_cast %parallel_loop3A_264 : i32 to index
        %parallel_loop3A_320 = tpu.vector_load %arg12[%parallel_loop3A_317, %parallel_loop3A_318, %parallel_loop3A_319] {strides = array<i32>} : memref<16x8x128xf32, #tpu.memory_space<vmem>>, vector<16xf32>,
        tpu.vector_store %arg12[%parallel_loop3A_317, %parallel_loop3A_318, %parallel_loop3A_319], %parallel_loop3A_315 {strides = array<i32>} : memref<16x8x128xf32, #tpu.memory_space<vmem>>, vector<16xf32>,
        %parallel_loop3A_321 = arith.mulf %parallel_loop3A_285, %parallel_loop3A_313 : vector<16xf32>
        %parallel_loop3A_322 = arith.constant 2 : i32
        %parallel_loop3A_323 = arith.index_cast %parallel_loop3A_260 : i32 to index
        %parallel_loop3A_324 = arith.index_cast %parallel_loop3A_322 : i32 to index
        %parallel_loop3A_325 = arith.index_cast %parallel_loop3A_264 : i32 to index
        %parallel_loop3A_326 = tpu.vector_load %arg10[%parallel_loop3A_323, %parallel_loop3A_324, %parallel_loop3A_325] {strides = array<i32>} : memref<16x8x128xf32, #tpu.memory_space<vmem>>, vector<16xf32>,
        %parallel_loop3A_327 = arith.constant 1.000000e+03 : f32
        %parallel_loop3A_328 = vector.broadcast %parallel_loop3A_327 : f32 to vector<16xf32>
        %parallel_loop3A_329 = arith.mulf %parallel_loop3A_326, %parallel_loop3A_328 : vector<16xf32>
        %parallel_loop3A_330 = arith.fptosi %parallel_loop3A_329 : vector<16xf32> to vector<16xi32>
        %parallel_loop3A_331 = arith.sitofp %parallel_loop3A_330 : vector<16xi32> to vector<16xf32>
        %parallel_loop3A_332 = arith.subf %parallel_loop3A_329, %parallel_loop3A_331 : vector<16xf32>
        %parallel_loop3A_333 = arith.constant 2 : i32
        %parallel_loop3A_334 = arith.constant 0 : i32
        %parallel_loop3A_335 = tpu.memref_slice %arg7[%parallel_loop3A_333, %parallel_loop3A_334] : memref<8x1001xf32, #tpu.memory_space<vmem>> -> memref<1x1001xf32, #tpu.memory_space<vmem>>
        %parallel_loop3A_336 = tpu.memref_squeeze %parallel_loop3A_335 : memref<1x1001xf32, #tpu.memory_space<vmem>> -> memref<1001xf32, #tpu.memory_space<vmem>>
        %parallel_loop3A_337 = tpu.vector_load_idx %parallel_loop3A_336[%parallel_loop3A_330] : memref<1001xf32, #tpu.memory_space<vmem>>[vector<16xi32>], vector<16xf32>,
        %parallel_loop3A_338 = arith.constant 2 : i32
        %parallel_loop3A_339 = arith.constant 0 : i32
        %parallel_loop3A_340 = tpu.memref_slice %arg8[%parallel_loop3A_338, %parallel_loop3A_339] : memref<8x1008xf32, #tpu.memory_space<vmem>> -> memref<1x1008xf32, #tpu.memory_space<vmem>>
        %parallel_loop3A_341 = tpu.memref_squeeze %parallel_loop3A_340 : memref<1x1008xf32, #tpu.memory_space<vmem>> -> memref<1008xf32, #tpu.memory_space<vmem>>
        %parallel_loop3A_342 = tpu.vector_load_idx %parallel_loop3A_341[%parallel_loop3A_330] : memref<1008xf32, #tpu.memory_space<vmem>>[vector<16xi32>], vector<16xf32>,
        %parallel_loop3A_343 = arith.mulf %parallel_loop3A_342, %parallel_loop3A_332 : vector<16xf32>
        %parallel_loop3A_344 = arith.addf %parallel_loop3A_337, %parallel_loop3A_343 : vector<16xf32>
        %parallel_loop3A_345 = arith.constant 2 : i32
        %parallel_loop3A_346 = arith.index_cast %parallel_loop3A_260 : i32 to index
        %parallel_loop3A_347 = arith.index_cast %parallel_loop3A_345 : i32 to index
        %parallel_loop3A_348 = arith.index_cast %parallel_loop3A_264 : i32 to index
        %parallel_loop3A_349 = tpu.vector_load %arg12[%parallel_loop3A_346, %parallel_loop3A_347, %parallel_loop3A_348] {strides = array<i32>} : memref<16x8x128xf32, #tpu.memory_space<vmem>>, vector<16xf32>,
        tpu.vector_store %arg12[%parallel_loop3A_346, %parallel_loop3A_347, %parallel_loop3A_348], %parallel_loop3A_344 {strides = array<i32>} : memref<16x8x128xf32, #tpu.memory_space<vmem>>, vector<16xf32>,
        %parallel_loop3A_350 = arith.mulf %parallel_loop3A_321, %parallel_loop3A_342 : vector<16xf32>
        %parallel_loop3A_351 = arith.constant 3 : i32
        %parallel_loop3A_352 = arith.index_cast %parallel_loop3A_260 : i32 to index
        %parallel_loop3A_353 = arith.index_cast %parallel_loop3A_351 : i32 to index
        %parallel_loop3A_354 = arith.index_cast %parallel_loop3A_264 : i32 to index
        %parallel_loop3A_355 = tpu.vector_load %arg10[%parallel_loop3A_352, %parallel_loop3A_353, %parallel_loop3A_354] {strides = array<i32>} : memref<16x8x128xf32, #tpu.memory_space<vmem>>, vector<16xf32>,
        %parallel_loop3A_356 = arith.constant 1.000000e+03 : f32
        %parallel_loop3A_357 = vector.broadcast %parallel_loop3A_356 : f32 to vector<16xf32>
        %parallel_loop3A_358 = arith.mulf %parallel_loop3A_355, %parallel_loop3A_357 : vector<16xf32>
        %parallel_loop3A_359 = arith.fptosi %parallel_loop3A_358 : vector<16xf32> to vector<16xi32>
        %parallel_loop3A_360 = arith.sitofp %parallel_loop3A_359 : vector<16xi32> to vector<16xf32>
        %parallel_loop3A_361 = arith.subf %parallel_loop3A_358, %parallel_loop3A_360 : vector<16xf32>
        %parallel_loop3A_362 = arith.constant 3 : i32
        %parallel_loop3A_363 = arith.constant 0 : i32
        %parallel_loop3A_364 = tpu.memref_slice %arg7[%parallel_loop3A_362, %parallel_loop3A_363] : memref<8x1001xf32, #tpu.memory_space<vmem>> -> memref<1x1001xf32, #tpu.memory_space<vmem>>
        %parallel_loop3A_365 = tpu.memref_squeeze %parallel_loop3A_364 : memref<1x1001xf32, #tpu.memory_space<vmem>> -> memref<1001xf32, #tpu.memory_space<vmem>>
        %parallel_loop3A_366 = tpu.vector_load_idx %parallel_loop3A_365[%parallel_loop3A_359] : memref<1001xf32, #tpu.memory_space<vmem>>[vector<16xi32>], vector<16xf32>,
        %parallel_loop3A_367 = arith.constant 3 : i32
        %parallel_loop3A_368 = arith.constant 0 : i32
        %parallel_loop3A_369 = tpu.memref_slice %arg8[%parallel_loop3A_367, %parallel_loop3A_368] : memref<8x1008xf32, #tpu.memory_space<vmem>> -> memref<1x1008xf32, #tpu.memory_space<vmem>>
        %parallel_loop3A_370 = tpu.memref_squeeze %parallel_loop3A_369 : memref<1x1008xf32, #tpu.memory_space<vmem>> -> memref<1008xf32, #tpu.memory_space<vmem>>
        %parallel_loop3A_371 = tpu.vector_load_idx %parallel_loop3A_370[%parallel_loop3A_359] : memref<1008xf32, #tpu.memory_space<vmem>>[vector<16xi32>], vector<16xf32>,
        %parallel_loop3A_372 = arith.mulf %parallel_loop3A_371, %parallel_loop3A_361 : vector<16xf32>
        %parallel_loop3A_373 = arith.addf %parallel_loop3A_366, %parallel_loop3A_372 : vector<16xf32>
        %parallel_loop3A_374 = arith.constant 3 : i32
        %parallel_loop3A_375 = arith.index_cast %parallel_loop3A_260 : i32 to index
        %parallel_loop3A_376 = arith.index_cast %parallel_loop3A_374 : i32 to index
        %parallel_loop3A_377 = arith.index_cast %parallel_loop3A_264 : i32 to index
        %parallel_loop3A_378 = tpu.vector_load %arg12[%parallel_loop3A_375, %parallel_loop3A_376, %parallel_loop3A_377] {strides = array<i32>} : memref<16x8x128xf32, #tpu.memory_space<vmem>>, vector<16xf32>,
        tpu.vector_store %arg12[%parallel_loop3A_375, %parallel_loop3A_376, %parallel_loop3A_377], %parallel_loop3A_373 {strides = array<i32>} : memref<16x8x128xf32, #tpu.memory_space<vmem>>, vector<16xf32>,
        %parallel_loop3A_379 = arith.mulf %parallel_loop3A_350, %parallel_loop3A_371 : vector<16xf32>
        %parallel_loop3A_380 = arith.constant 4 : i32
        %parallel_loop3A_381 = arith.index_cast %parallel_loop3A_260 : i32 to index
        %parallel_loop3A_382 = arith.index_cast %parallel_loop3A_380 : i32 to index
        %parallel_loop3A_383 = arith.index_cast %parallel_loop3A_264 : i32 to index
        %parallel_loop3A_384 = tpu.vector_load %arg10[%parallel_loop3A_381, %parallel_loop3A_382, %parallel_loop3A_383] {strides = array<i32>} : memref<16x8x128xf32, #tpu.memory_space<vmem>>, vector<16xf32>,
        %parallel_loop3A_385 = arith.constant 1.000000e+03 : f32
        %parallel_loop3A_386 = vector.broadcast %parallel_loop3A_385 : f32 to vector<16xf32>
        %parallel_loop3A_387 = arith.mulf %parallel_loop3A_384, %parallel_loop3A_386 : vector<16xf32>
        %parallel_loop3A_388 = arith.fptosi %parallel_loop3A_387 : vector<16xf32> to vector<16xi32>
        %parallel_loop3A_389 = arith.sitofp %parallel_loop3A_388 : vector<16xi32> to vector<16xf32>
        %parallel_loop3A_390 = arith.subf %parallel_loop3A_387, %parallel_loop3A_389 : vector<16xf32>
        %parallel_loop3A_391 = arith.constant 4 : i32
        %parallel_loop3A_392 = arith.constant 0 : i32
        %parallel_loop3A_393 = tpu.memref_slice %arg7[%parallel_loop3A_391, %parallel_loop3A_392] : memref<8x1001xf32, #tpu.memory_space<vmem>> -> memref<1x1001xf32, #tpu.memory_space<vmem>>
        %parallel_loop3A_394 = tpu.memref_squeeze %parallel_loop3A_393 : memref<1x1001xf32, #tpu.memory_space<vmem>> -> memref<1001xf32, #tpu.memory_space<vmem>>
        %parallel_loop3A_395 = tpu.vector_load_idx %parallel_loop3A_394[%parallel_loop3A_388] : memref<1001xf32, #tpu.memory_space<vmem>>[vector<16xi32>], vector<16xf32>,
        %parallel_loop3A_396 = arith.constant 4 : i32
        %parallel_loop3A_397 = arith.constant 0 : i32
        %parallel_loop3A_398 = tpu.memref_slice %arg8[%parallel_loop3A_396, %parallel_loop3A_397] : memref<8x1008xf32, #tpu.memory_space<vmem>> -> memref<1x1008xf32, #tpu.memory_space<vmem>>
        %parallel_loop3A_399 = tpu.memref_squeeze %parallel_loop3A_398 : memref<1x1008xf32, #tpu.memory_space<vmem>> -> memref<1008xf32, #tpu.memory_space<vmem>>
        %parallel_loop3A_400 = tpu.vector_load_idx %parallel_loop3A_399[%parallel_loop3A_388] : memref<1008xf32, #tpu.memory_space<vmem>>[vector<16xi32>], vector<16xf32>,
        %parallel_loop3A_401 = arith.mulf %parallel_loop3A_400, %parallel_loop3A_390 : vector<16xf32>
        %parallel_loop3A_402 = arith.addf %parallel_loop3A_395, %parallel_loop3A_401 : vector<16xf32>
        %parallel_loop3A_403 = arith.constant 4 : i32
        %parallel_loop3A_404 = arith.index_cast %parallel_loop3A_260 : i32 to index
        %parallel_loop3A_405 = arith.index_cast %parallel_loop3A_403 : i32 to index
        %parallel_loop3A_406 = arith.index_cast %parallel_loop3A_264 : i32 to index
        %parallel_loop3A_407 = tpu.vector_load %arg12[%parallel_loop3A_404, %parallel_loop3A_405, %parallel_loop3A_406] {strides = array<i32>} : memref<16x8x128xf32, #tpu.memory_space<vmem>>, vector<16xf32>,
        tpu.vector_store %arg12[%parallel_loop3A_404, %parallel_loop3A_405, %parallel_loop3A_406], %parallel_loop3A_402 {strides = array<i32>} : memref<16x8x128xf32, #tpu.memory_space<vmem>>, vector<16xf32>,
        %parallel_loop3A_408 = arith.mulf %parallel_loop3A_379, %parallel_loop3A_400 : vector<16xf32>
        %parallel_loop3A_409 = arith.constant 5 : i32
        %parallel_loop3A_410 = arith.index_cast %parallel_loop3A_260 : i32 to index
        %parallel_loop3A_411 = arith.index_cast %parallel_loop3A_409 : i32 to index
        %parallel_loop3A_412 = arith.index_cast %parallel_loop3A_264 : i32 to index
        %parallel_loop3A_413 = tpu.vector_load %arg10[%parallel_loop3A_410, %parallel_loop3A_411, %parallel_loop3A_412] {strides = array<i32>} : memref<16x8x128xf32, #tpu.memory_space<vmem>>, vector<16xf32>,
        %parallel_loop3A_414 = arith.constant 1.000000e+03 : f32
        %parallel_loop3A_415 = vector.broadcast %parallel_loop3A_414 : f32 to vector<16xf32>
        %parallel_loop3A_416 = arith.mulf %parallel_loop3A_413, %parallel_loop3A_415 : vector<16xf32>
        %parallel_loop3A_417 = arith.fptosi %parallel_loop3A_416 : vector<16xf32> to vector<16xi32>
        %parallel_loop3A_418 = arith.sitofp %parallel_loop3A_417 : vector<16xi32> to vector<16xf32>
        %parallel_loop3A_419 = arith.subf %parallel_loop3A_416, %parallel_loop3A_418 : vector<16xf32>
        %parallel_loop3A_420 = arith.constant 5 : i32
        %parallel_loop3A_421 = arith.constant 0 : i32
        %parallel_loop3A_422 = tpu.memref_slice %arg7[%parallel_loop3A_420, %parallel_loop3A_421] : memref<8x1001xf32, #tpu.memory_space<vmem>> -> memref<1x1001xf32, #tpu.memory_space<vmem>>
        %parallel_loop3A_423 = tpu.memref_squeeze %parallel_loop3A_422 : memref<1x1001xf32, #tpu.memory_space<vmem>> -> memref<1001xf32, #tpu.memory_space<vmem>>
        %parallel_loop3A_424 = tpu.vector_load_idx %parallel_loop3A_423[%parallel_loop3A_417] : memref<1001xf32, #tpu.memory_space<vmem>>[vector<16xi32>], vector<16xf32>,
        %parallel_loop3A_425 = arith.constant 5 : i32
        %parallel_loop3A_426 = arith.constant 0 : i32
        %parallel_loop3A_427 = tpu.memref_slice %arg8[%parallel_loop3A_425, %parallel_loop3A_426] : memref<8x1008xf32, #tpu.memory_space<vmem>> -> memref<1x1008xf32, #tpu.memory_space<vmem>>
        %parallel_loop3A_428 = tpu.memref_squeeze %parallel_loop3A_427 : memref<1x1008xf32, #tpu.memory_space<vmem>> -> memref<1008xf32, #tpu.memory_space<vmem>>
        %parallel_loop3A_429 = tpu.vector_load_idx %parallel_loop3A_428[%parallel_loop3A_417] : memref<1008xf32, #tpu.memory_space<vmem>>[vector<16xi32>], vector<16xf32>,
        %parallel_loop3A_430 = arith.mulf %parallel_loop3A_429, %parallel_loop3A_419 : vector<16xf32>
        %parallel_loop3A_431 = arith.addf %parallel_loop3A_424, %parallel_loop3A_430 : vector<16xf32>
        %parallel_loop3A_432 = arith.constant 5 : i32
        %parallel_loop3A_433 = arith.index_cast %parallel_loop3A_260 : i32 to index
        %parallel_loop3A_434 = arith.index_cast %parallel_loop3A_432 : i32 to index
        %parallel_loop3A_435 = arith.index_cast %parallel_loop3A_264 : i32 to index
        %parallel_loop3A_436 = tpu.vector_load %arg12[%parallel_loop3A_433, %parallel_loop3A_434, %parallel_loop3A_435] {strides = array<i32>} : memref<16x8x128xf32, #tpu.memory_space<vmem>>, vector<16xf32>,
        tpu.vector_store %arg12[%parallel_loop3A_433, %parallel_loop3A_434, %parallel_loop3A_435], %parallel_loop3A_431 {strides = array<i32>} : memref<16x8x128xf32, #tpu.memory_space<vmem>>, vector<16xf32>,
        %parallel_loop3A_437 = arith.mulf %parallel_loop3A_408, %parallel_loop3A_429 : vector<16xf32>
        %parallel_loop3A_438 = arith.constant 6 : i32
        %parallel_loop3A_439 = arith.index_cast %parallel_loop3A_260 : i32 to index
        %parallel_loop3A_440 = arith.index_cast %parallel_loop3A_438 : i32 to index
        %parallel_loop3A_441 = arith.index_cast %parallel_loop3A_264 : i32 to index
        %parallel_loop3A_442 = tpu.vector_load %arg10[%parallel_loop3A_439, %parallel_loop3A_440, %parallel_loop3A_441] {strides = array<i32>} : memref<16x8x128xf32, #tpu.memory_space<vmem>>, vector<16xf32>,
        %parallel_loop3A_443 = arith.constant 1.000000e+03 : f32
        %parallel_loop3A_444 = vector.broadcast %parallel_loop3A_443 : f32 to vector<16xf32>
        %parallel_loop3A_445 = arith.mulf %parallel_loop3A_442, %parallel_loop3A_444 : vector<16xf32>
        %parallel_loop3A_446 = arith.fptosi %parallel_loop3A_445 : vector<16xf32> to vector<16xi32>
        %parallel_loop3A_447 = arith.sitofp %parallel_loop3A_446 : vector<16xi32> to vector<16xf32>
        %parallel_loop3A_448 = arith.subf %parallel_loop3A_445, %parallel_loop3A_447 : vector<16xf32>
        %parallel_loop3A_449 = arith.constant 6 : i32
        %parallel_loop3A_450 = arith.constant 0 : i32
        %parallel_loop3A_451 = tpu.memref_slice %arg7[%parallel_loop3A_449, %parallel_loop3A_450] : memref<8x1001xf32, #tpu.memory_space<vmem>> -> memref<1x1001xf32, #tpu.memory_space<vmem>>
        %parallel_loop3A_452 = tpu.memref_squeeze %parallel_loop3A_451 : memref<1x1001xf32, #tpu.memory_space<vmem>> -> memref<1001xf32, #tpu.memory_space<vmem>>
        %parallel_loop3A_453 = tpu.vector_load_idx %parallel_loop3A_452[%parallel_loop3A_446] : memref<1001xf32, #tpu.memory_space<vmem>>[vector<16xi32>], vector<16xf32>,
        %parallel_loop3A_454 = arith.constant 6 : i32
        %parallel_loop3A_455 = arith.constant 0 : i32
        %parallel_loop3A_456 = tpu.memref_slice %arg8[%parallel_loop3A_454, %parallel_loop3A_455] : memref<8x1008xf32, #tpu.memory_space<vmem>> -> memref<1x1008xf32, #tpu.memory_space<vmem>>
        %parallel_loop3A_457 = tpu.memref_squeeze %parallel_loop3A_456 : memref<1x1008xf32, #tpu.memory_space<vmem>> -> memref<1008xf32, #tpu.memory_space<vmem>>
        %parallel_loop3A_458 = tpu.vector_load_idx %parallel_loop3A_457[%parallel_loop3A_446] : memref<1008xf32, #tpu.memory_space<vmem>>[vector<16xi32>], vector<16xf32>,
        %parallel_loop3A_459 = arith.mulf %parallel_loop3A_458, %parallel_loop3A_448 : vector<16xf32>
        %parallel_loop3A_460 = arith.addf %parallel_loop3A_453, %parallel_loop3A_459 : vector<16xf32>
        %parallel_loop3A_461 = arith.constant 6 : i32
        %parallel_loop3A_462 = arith.index_cast %parallel_loop3A_260 : i32 to index
        %parallel_loop3A_463 = arith.index_cast %parallel_loop3A_461 : i32 to index
        %parallel_loop3A_464 = arith.index_cast %parallel_loop3A_264 : i32 to index
        %parallel_loop3A_465 = tpu.vector_load %arg12[%parallel_loop3A_462, %parallel_loop3A_463, %parallel_loop3A_464] {strides = array<i32>} : memref<16x8x128xf32, #tpu.memory_space<vmem>>, vector<16xf32>,
        tpu.vector_store %arg12[%parallel_loop3A_462, %parallel_loop3A_463, %parallel_loop3A_464], %parallel_loop3A_460 {strides = array<i32>} : memref<16x8x128xf32, #tpu.memory_space<vmem>>, vector<16xf32>,
        %parallel_loop3A_466 = arith.mulf %parallel_loop3A_437, %parallel_loop3A_458 : vector<16xf32>
        %parallel_loop3A_467 = arith.constant 7 : i32
        %parallel_loop3A_468 = arith.index_cast %parallel_loop3A_260 : i32 to index
        %parallel_loop3A_469 = arith.index_cast %parallel_loop3A_467 : i32 to index
        %parallel_loop3A_470 = arith.index_cast %parallel_loop3A_264 : i32 to index
        %parallel_loop3A_471 = tpu.vector_load %arg10[%parallel_loop3A_468, %parallel_loop3A_469, %parallel_loop3A_470] {strides = array<i32>} : memref<16x8x128xf32, #tpu.memory_space<vmem>>, vector<16xf32>,
        %parallel_loop3A_472 = arith.constant 1.000000e+03 : f32
        %parallel_loop3A_473 = vector.broadcast %parallel_loop3A_472 : f32 to vector<16xf32>
        %parallel_loop3A_474 = arith.mulf %parallel_loop3A_471, %parallel_loop3A_473 : vector<16xf32>
        %parallel_loop3A_475 = arith.fptosi %parallel_loop3A_474 : vector<16xf32> to vector<16xi32>
        %parallel_loop3A_476 = arith.sitofp %parallel_loop3A_475 : vector<16xi32> to vector<16xf32>
        %parallel_loop3A_477 = arith.subf %parallel_loop3A_474, %parallel_loop3A_476 : vector<16xf32>
        %parallel_loop3A_478 = arith.constant 7 : i32
        %parallel_loop3A_479 = arith.constant 0 : i32
        %parallel_loop3A_480 = tpu.memref_slice %arg7[%parallel_loop3A_478, %parallel_loop3A_479] : memref<8x1001xf32, #tpu.memory_space<vmem>> -> memref<1x1001xf32, #tpu.memory_space<vmem>>
        %parallel_loop3A_481 = tpu.memref_squeeze %parallel_loop3A_480 : memref<1x1001xf32, #tpu.memory_space<vmem>> -> memref<1001xf32, #tpu.memory_space<vmem>>
        %parallel_loop3A_482 = tpu.vector_load_idx %parallel_loop3A_481[%parallel_loop3A_475] : memref<1001xf32, #tpu.memory_space<vmem>>[vector<16xi32>], vector<16xf32>,
        %parallel_loop3A_483 = arith.constant 7 : i32
        %parallel_loop3A_484 = arith.constant 0 : i32
        %parallel_loop3A_485 = tpu.memref_slice %arg8[%parallel_loop3A_483, %parallel_loop3A_484] : memref<8x1008xf32, #tpu.memory_space<vmem>> -> memref<1x1008xf32, #tpu.memory_space<vmem>>
        %parallel_loop3A_486 = tpu.memref_squeeze %parallel_loop3A_485 : memref<1x1008xf32, #tpu.memory_space<vmem>> -> memref<1008xf32, #tpu.memory_space<vmem>>
        %parallel_loop3A_487 = tpu.vector_load_idx %parallel_loop3A_486[%parallel_loop3A_475] : memref<1008xf32, #tpu.memory_space<vmem>>[vector<16xi32>], vector<16xf32>,
        %parallel_loop3A_488 = arith.mulf %parallel_loop3A_487, %parallel_loop3A_477 : vector<16xf32>
        %parallel_loop3A_489 = arith.addf %parallel_loop3A_482, %parallel_loop3A_488 : vector<16xf32>
        %parallel_loop3A_490 = arith.constant 7 : i32
        %parallel_loop3A_491 = arith.index_cast %parallel_loop3A_260 : i32 to index
        %parallel_loop3A_492 = arith.index_cast %parallel_loop3A_490 : i32 to index
        %parallel_loop3A_493 = arith.index_cast %parallel_loop3A_264 : i32 to index
        %parallel_loop3A_494 = tpu.vector_load %arg12[%parallel_loop3A_491, %parallel_loop3A_492, %parallel_loop3A_493] {strides = array<i32>} : memref<16x8x128xf32, #tpu.memory_space<vmem>>, vector<16xf32>,
        tpu.vector_store %arg12[%parallel_loop3A_491, %parallel_loop3A_492, %parallel_loop3A_493], %parallel_loop3A_489 {strides = array<i32>} : memref<16x8x128xf32, #tpu.memory_space<vmem>>, vector<16xf32>,
        %parallel_loop3A_495 = arith.mulf %parallel_loop3A_466, %parallel_loop3A_487 : vector<16xf32>
        %parallel_loop3A_496 = arith.constant 1.000000e+24 : f32
        %parallel_loop3A_497 = vector.broadcast %parallel_loop3A_496 : f32 to vector<16xf32>
        %parallel_loop3A_498 = arith.mulf %parallel_loop3A_495, %parallel_loop3A_497 : vector<16xf32>
        %parallel_loop3A_499 = arith.constant 16 : i32
        %parallel_loop3A_500 = arith.muli %parallel_loop3A_258, %parallel_loop3A_499 : i32
        %parallel_loop3A_501 = arith.index_cast %parallel_loop3A_500 : i32 to index
        %parallel_loop3A_502 = tpu.vector_load %arg14[%parallel_loop3A_501] {strides = array<i32>} : memref<2048xf32, #tpu.memory_space<vmem>>, vector<16xf32>,
        tpu.vector_store %arg14[%parallel_loop3A_501], %parallel_loop3A_498 {strides = array<i32>} : memref<2048xf32, #tpu.memory_space<vmem>>, vector<16xf32>,
      } {sc.loop_unroll_factor = 8 : i64, sc.parallel_access}
      %mul3A_243 = arith.constant 16 : i32
      %mul3A_244 = arith.muli %add3A_217, %mul3A_243 : i32
      %add3A_245 = arith.addi %mul3A_134, %mul3A_244 : i32
      %multiple_of3A_246 = tpu.assume_multiple %add3A_245, 16 : i32
      %dma_start3A_247 = arith.constant 0 : i32
      %dma_start3A_248 = arith.constant 0 : i32
      %dma_start3A_249 = tpu.memref_slice %arg5[%multiple_of3A_246, %dma_start3A_247, %dma_start3A_248] : memref<8192x8x128xf32, #tpu.memory_space<hbm>> -> memref<16x8x128xf32, #tpu.memory_space<hbm>>
      %dma_start3A_250 = arith.constant 0 : i32
      %dma_start3A_251 = arith.constant 0 : i32
      %dma_start3A_252 = tpu.memref_slice %arg5[%multiple_of3A_246, %dma_start3A_250, %dma_start3A_251] : memref<8192x8x128xf32, #tpu.memory_space<hbm>> -> memref<16x8x128xf32, #tpu.memory_space<hbm>>
      tpu.enqueue_dma source(%arg12 : memref<16x8x128xf32, #tpu.memory_space<vmem>>) target(%dma_start3A_252 : memref<16x8x128xf32, #tpu.memory_space<hbm>>) target_semaphore(%arg18 : memref<!tpu.dma_semaphore, #tpu.memory_space<semaphore_mem>>)
      %mul3A_253 = arith.constant 128 : i32
      %mul3A_254 = arith.muli %multiple_of3A_246, %mul3A_253 : i32
      %multiple_of3A_255 = tpu.assume_multiple %mul3A_254, 2048 : i32
      %dma_start3A_256 = tpu.memref_slice %arg6[%multiple_of3A_255] : memref<1048576xf32, #tpu.memory_space<hbm>> -> memref<2048xf32, #tpu.memory_space<hbm>>
      %dma_start3A_257 = tpu.memref_slice %arg6[%multiple_of3A_255] : memref<1048576xf32, #tpu.memory_space<hbm>> -> memref<2048xf32, #tpu.memory_space<hbm>>
      tpu.enqueue_dma source(%arg14 : memref<2048xf32, #tpu.memory_space<vmem>>) target(%dma_start3A_257 : memref<2048xf32, #tpu.memory_space<hbm>>) target_semaphore(%arg20 : memref<!tpu.dma_semaphore, #tpu.memory_space<semaphore_mem>>)
    }
    %scan3A_146 = arith.constant 8 : i32
    %add3A_147 = arith.constant 224 : i32
    %add3A_148 = arith.addi %mul3A_134, %add3A_147 : i32
    %multiple_of3A_149 = tpu.assume_multiple %add3A_148, 16 : i32
    %dma_wait3A = arith.constant 0 : i32
    %dma_wait3A_150 = arith.constant 0 : i32
    %dma_wait3A_151 = tpu.memref_slice %arg5[%multiple_of3A_149, %dma_wait3A, %dma_wait3A_150] : memref<8192x8x128xf32, #tpu.memory_space<hbm>> -> memref<16x8x128xf32, #tpu.memory_space<hbm>>
    %dma_wait3A_152 = arith.constant 0 : i32
    %dma_wait3A_153 = arith.constant 0 : i32
    %dma_wait3A_154 = tpu.memref_slice %arg5[%multiple_of3A_149, %dma_wait3A_152, %dma_wait3A_153] : memref<8192x8x128xf32, #tpu.memory_space<hbm>> -> memref<16x8x128xf32, #tpu.memory_space<hbm>>
    tpu.wait_dma2 semaphore(%arg17 : memref<!tpu.dma_semaphore, #tpu.memory_space<semaphore_mem>>) src(%arg11 : memref<16x8x128xf32, #tpu.memory_space<vmem>>) dst(%dma_wait3A_154 : memref<16x8x128xf32, #tpu.memory_space<hbm>>)
    %mul3A_155 = arith.constant 128 : i32
    %mul3A_156 = arith.muli %multiple_of3A_149, %mul3A_155 : i32
    %multiple_of3A_157 = tpu.assume_multiple %mul3A_156, 2048 : i32
    %dma_wait3A_158 = tpu.memref_slice %arg6[%multiple_of3A_157] : memref<1048576xf32, #tpu.memory_space<hbm>> -> memref<2048xf32, #tpu.memory_space<hbm>>
    %dma_wait3A_159 = tpu.memref_slice %arg6[%multiple_of3A_157] : memref<1048576xf32, #tpu.memory_space<hbm>> -> memref<2048xf32, #tpu.memory_space<hbm>>
    tpu.wait_dma2 semaphore(%arg19 : memref<!tpu.dma_semaphore, #tpu.memory_space<semaphore_mem>>) src(%arg13 : memref<2048xf32, #tpu.memory_space<vmem>>) dst(%dma_wait3A_159 : memref<2048xf32, #tpu.memory_space<hbm>>)
    %add3A_160 = arith.constant 240 : i32
    %add3A_161 = arith.addi %mul3A_134, %add3A_160 : i32
    %multiple_of3A_162 = tpu.assume_multiple %add3A_161, 16 : i32
    %dma_wait3A_163 = arith.constant 0 : i32
    %dma_wait3A_164 = arith.constant 0 : i32
    %dma_wait3A_165 = tpu.memref_slice %arg5[%multiple_of3A_162, %dma_wait3A_163, %dma_wait3A_164] : memref<8192x8x128xf32, #tpu.memory_space<hbm>> -> memref<16x8x128xf32, #tpu.memory_space<hbm>>
    %dma_wait3A_166 = arith.constant 0 : i32
    %dma_wait3A_167 = arith.constant 0 : i32
    %dma_wait3A_168 = tpu.memref_slice %arg5[%multiple_of3A_162, %dma_wait3A_166, %dma_wait3A_167] : memref<8192x8x128xf32, #tpu.memory_space<hbm>> -> memref<16x8x128xf32, #tpu.memory_space<hbm>>
    tpu.wait_dma2 semaphore(%arg18 : memref<!tpu.dma_semaphore, #tpu.memory_space<semaphore_mem>>) src(%arg12 : memref<16x8x128xf32, #tpu.memory_space<vmem>>) dst(%dma_wait3A_168 : memref<16x8x128xf32, #tpu.memory_space<hbm>>)
    %mul3A_169 = arith.constant 128 : i32
    %mul3A_170 = arith.muli %multiple_of3A_162, %mul3A_169 : i32
    %multiple_of3A_171 = tpu.assume_multiple %mul3A_170, 2048 : i32
    %dma_wait3A_172 = tpu.memref_slice %arg6[%multiple_of3A_171] : memref<1048576xf32, #tpu.memory_space<hbm>> -> memref<2048xf32, #tpu.memory_space<hbm>>
    %dma_wait3A_173 = tpu.memref_slice %arg6[%multiple_of3A_171] : memref<1048576xf32, #tpu.memory_space<hbm>> -> memref<2048xf32, #tpu.memory_space<hbm>>
    tpu.wait_dma2 semaphore(%arg20 : memref<!tpu.dma_semaphore, #tpu.memory_space<semaphore_mem>>) src(%arg14 : memref<2048xf32, #tpu.memory_space<vmem>>) dst(%dma_wait3A_173 : memref<2048xf32, #tpu.memory_space<hbm>>)
    return
  }
}

</mosaic_0001>

<sc_bundles>
// kernel: kernel.3.cloned.1.call-start
scs
__scs_entry_jumppad:
0x0: {  	(pc) =	sbr.rel $0x88, $3  }
0x1: {  	(tag) =	ssettag $0x0;
	lr =	simm.s32 $0x1  }
0x2: {  	[smem:$0x3F9E] =	sst lr;
	_ =	strace $0xD0000000  }
0x3: {  	_ = 	snop  }
0x4: {  	_ = 	snop  }
0x5: {  	_ = 	snop  }
0x6: {  	_ = 	snop  }
0x7: {  	_ = 	snop  }
__scs_overlays_trampoline_lowered:
0x8: {  	[smem:$0x3FAD] =	sst s0  }
0x9: {  	[smem:$0x3FAE] =	sst s1  }
0xa: {  	[smem:$0x3FAF] =	sst s2  }
0xb: {  	[smem:$0x3FB0] =	sst s3  }
0xc: {  	[smem:$0x3FB1] =	sst s4  }
0xd: {  	[smem:$0x3FB2] =	sst s5  }
0xe: {  	[smem:$0x3FB3] =	sst s6  }
0xf: {  	[smem:$0x3FB4] =	sst s7  }
0x10: {  	[smem:$0x3FB5] =	sst s8  }
0x11: {  	[smem:$0x3FB6] =	sst s9;
	s0 =	simm.s32 @!p0 $0x0  }
0x12: {  	s1 =	sld [smem:$0x3F9C];
	s0 =	simm.s32 @p0 $0x1  }
0x13: {  	[smem:$0x3FB7] =	sst s0;
	s0 =	simm.s32 @!p1 $0x0  }
0x14: {  	s2 =	sld [smem:$0x3F9B];
	s0 =	simm.s32 @p1 $0x1  }
0x15: {  	[smem:$0x3FB8] =	sst s0;
	s0 =	simm.s32 @!p2 $0x0  }
0x16: {  	s3 =	sld [smem:$0x3FDB];
	s0 =	simm.s32 @p2 $0x1  }
0x17: {  	s4 =	simm.s32 $0x1BF5;
	[smem:$0x3FBA] =	sst s0  }
0x18: {  	s0 =	sld [smem:$0x3F9D];
	_ =	swait.ge [sflag:s4], $0x0  }
0x19: {  	s7 =	sld [smem:$0x3F9E]  }
0x1a: {  	s8 =	sadd.s32 $0xFFFFE003, lr  }
0x1b: {  	s9 =	sadd.s32 $0xFFFFFEF7, lr;
	s5 =	simm.s32 $0xFFFFFFFF;
	p2 =	slt.u32 s8, $0xFFFFF086  }
0x1c: {  	p1 =	slt.u32 s9, $0xF7A;
	s5 =	simm.s32 @!p2 $0x0  }
0x1d: {  	s5 =	simm.s32 @p1 $0x1;
	p0 =	seq.s32 s7, s2  }
0x1e: {  	s7 =	smul.u32 @!p0 $0xF7A, s2;
	p2 =	seq.s32 @!p0 s5, $0x0  }
0x1f: {  	s9 =	smul.u32 $0xF7A, s1;
	s8 =	simm.s32 @!p0 $0x1BF5;
	p2 =	por !p2, p0  }
0x20: {  	[sflag:s8] =	ssyncset.s32 @!p0 $0xFFFFF086;
	s6 =	sadd.s32 @!p0 s3, s7;
	s7 =	simm.s32 @!p0 $0x108  }
0x21: {  	s3 =	sadd.s32 s3, s9;
	s6 =	sadd.s32 @!p0 $0x88, s6;
	s7 =	simm.s32 @p2 $0x1082  }
0x22: {  	[simem:s7], [sflag:s8] =	dma.local @!p0 [hbm:s6], $0xF7A  }
0x23: {  	s9 =	sor.u32 $0xD0000000, s2;
	s6 =	simm.s32 $0x108;
	_ =	swait.ge @!p0 [sflag:s8], $0x0  }
0x24: {  	s3 =	sadd.s32 $0x88, s3;
	s6 =	simm.s32 @!p1 $0x1082;
	[sflag:s4] =	ssyncset.s32 $0xFFFFF086  }
0x25: {  	[simem:s6], [sflag:s4] =	dma.local [hbm:s3], $0xF7A  }
0x26: {  	[smem:$0x3F9E] =	sst s1;
	(tag) =	ssettag s2;
	_ =	strace s9  }
0x27: {  	s1 =	sld [smem:$0x3FAE]  }
0x28: {  	s2 =	sld [smem:$0x3FAF]  }
0x29: {  	s4 =	sld [smem:$0x3FB1]  }
0x2a: {  	p0 =	seq.s32 s5, $0x0;
	s5 =	sld [smem:$0x3FB2]  }
0x2b: {  	s6 =	sld [smem:$0x3FB3]  }
0x2c: {  	s7 =	sld [smem:$0x3FB4]  }
0x2d: {  	s3 =	simm.s32 $0x108;
	s8 =	sld [smem:$0x3FB5]  }
0x2e: {  	s3 =	simm.s32 @!p0 $0x1082;
	s9 =	sld [smem:$0x3FB6]  }
0x2f: {  	lr =	sadd.s32 s0, s3;
	s0 =	sld [smem:$0x3FAD]  }
0x30: {  	s3 =	sld [smem:$0x3FB0]  }
0x31: {  	[smem:$0x3FB9] =	sst s10  }
0x32: {  	s10 =	sld [smem:$0x3FB7];
	_ =	sdelay $0x3  }
0x33: {  	p0 =	seq.s32 s10, $0x1;
	s10 =	sld [smem:$0x3FB9];
	_ =	sdelay $0x3  }
0x34: {  	[smem:$0x3FB9] =	sst s10  }
0x35: {  	s10 =	sld [smem:$0x3FB8];
	_ =	sdelay $0x3  }
0x36: {  	p1 =	seq.s32 s10, $0x1;
	s10 =	sld [smem:$0x3FB9];
	_ =	sdelay $0x3  }
0x37: {  	[smem:$0x3FB9] =	sst s10  }
0x38: {  	s10 =	sld [smem:$0x3FBA]  }
0x39: {  	_ = 	snop;
	(pc) =	sbr.ind lr, $3  }
0x3a: {  	_ = 	snop  }
0x3b: {  	_ = 	snop  }
0x3c: {  	p2 =	seq.s32 s10, $0x1;
	s10 =	sld [smem:$0x3FB9]  }
0x3d: {  	_ =	shalt  }
0x3e: {  	_ =	shalt  }
0x3f: {  	_ =	shalt  }
0x40: {  	_ =	shalt  }
0x41: {  	_ =	shalt  }
0x42: {  	_ =	shalt  }
0x43: {  	_ =	shalt  }
0x44: {  	_ =	shalt  }
0x45: {  	_ =	shalt  }
0x46: {  	_ =	shalt  }
0x47: {  	_ =	shalt  }
0x48: {  	_ =	shalt  }
0x49: {  	_ =	shalt  }
0x4a: {  	_ =	shalt  }
0x4b: {  	_ =	shalt  }
0x4c: {  	_ =	shalt  }
0x4d: {  	_ =	shalt  }
0x4e: {  	_ =	shalt  }
0x4f: {  	_ =	shalt  }
0x50: {  	_ =	shalt  }
0x51: {  	_ =	shalt  }
0x52: {  	_ =	shalt  }
0x53: {  	_ =	shalt  }
0x54: {  	_ =	shalt  }
0x55: {  	_ =	shalt  }
0x56: {  	_ =	shalt  }
0x57: {  	_ =	shalt  }
0x58: {  	_ =	shalt  }
0x59: {  	_ =	shalt  }
0x5a: {  	_ =	shalt  }
0x5b: {  	_ =	shalt  }
0x5c: {  	_ =	shalt  }
0x5d: {  	_ =	shalt  }
0x5e: {  	_ =	shalt  }
0x5f: {  	_ =	shalt  }
0x60: {  	_ =	shalt  }
0x61: {  	_ =	shalt  }
0x62: {  	_ =	shalt  }
0x63: {  	_ =	shalt  }
0x64: {  	_ =	shalt  }
0x65: {  	_ =	shalt  }
0x66: {  	_ =	shalt  }
0x67: {  	_ =	shalt  }
0x68: {  	_ =	shalt  }
0x69: {  	_ =	shalt  }
0x6a: {  	_ =	shalt  }
0x6b: {  	_ =	shalt  }
0x6c: {  	_ =	shalt  }
0x6d: {  	_ =	shalt  }
0x6e: {  	_ =	shalt  }
0x6f: {  	_ =	shalt  }
0x70: {  	_ =	shalt  }
0x71: {  	_ =	shalt  }
0x72: {  	_ =	shalt  }
0x73: {  	_ =	shalt  }
0x74: {  	_ =	shalt  }
0x75: {  	_ =	shalt  }
0x76: {  	_ =	shalt  }
0x77: {  	_ =	shalt  }
0x78: {  	_ =	shalt  }
0x79: {  	_ =	shalt  }
0x7a: {  	_ =	shalt  }
0x7b: {  	_ =	shalt  }
0x7c: {  	_ =	shalt  }
0x7d: {  	_ =	shalt  }
0x7e: {  	_ =	shalt  }
0x7f: {  	_ =	shalt  }
0x80: {  	_ =	shalt  }
0x81: {  	_ =	shalt  }
0x82: {  	_ =	shalt  }
0x83: {  	_ =	shalt  }
0x84: {  	_ =	shalt  }
0x85: {  	_ =	shalt  }
0x86: {  	_ =	shalt  }
0x87: {  	_ =	shalt  }
.Lfunc_end0:
.L_simem_size_0:
called_computation_lowered:
.L_overlay_start_0:
0x88: {  	s2 =	sld [smem:$0x3FD9]  }
0x89: {  	s3 =	sld [smem:$0x3FFE];
	_ =	sdelay $0x1  }
0x8a: {  	s1 =	srdreg.scid  }
0x8b: {  	s0 =	sand.u32 $0x1, s1  }
0x8c: {  	s14 =	sshll.u32 s0, $0xA;
	s2 =	sadd.s32 s3, s2  }
0x8d: {  	s2 =	sadd.s32 s2, s14  }
0x8e: {  	[smem:$0x3FC5] =	sst s2  }
0x8f: {  	_ = 	snop  }
0x90: {  	s2 =	sld [smem:$0x3FD0];
	_ =	sdelay $0x2  }
0x91: {  	s4 =	simm.s32 $0xA;
	s5 =	simm.s32 $0x10;
	s15 =	sld [smem:$0x3FC9]  }
0x92: {  	[smem:s5], [sflag:s4] =	dma.local [hbm:s2], $0x1  }
0x93: {  	_ =	swait.eq [sflag:s4], $0x1  }
0x94: {  	[sflag:s4] =	ssyncset.done $0x0  }
0x95: {  	s16 =	sld [smem:$0x10];
	[sflag:s4] =	ssyncadd.s32 $0xFFFFFFFF  }
0x96: {  	s17 =	sld [smem:$0x11];
	(tm) =	ssettm $0x1  }
0x97: {  	s18 =	sld [smem:$0x3FFB];
	_ =	sdelay $0x3  }
0x98: {  	_ =	strace s18  }
0x99: {  	s5 =	sld [smem:$0x3FFC];
	_ =	sdelay $0x3  }
0x9a: {  	_ =	strace s5  }
0x9b: {  	s5 =	sld [smem:$0x3FFD];
	_ =	sdelay $0x3  }
0x9c: {  	_ =	strace s5  }
0x9d: {  	_ =	strace $0x8FFFFFFF  }
0x9e: {  	s19 =	sld [smem:$0x3FDB];
	_ =	sdelay $0x1  }
0x9f: {  	s6 =	simm.s32 $_scs_section_size  }
0xa0: {  	s7 =	simm.s32 $_size__tile_overlayer_lowered;
	s8 =	simm.s32 $_tile_overlayer_lowered  }
0xa1: {  	s22 =	simm.s32 $0x1BFF;
	s21 =	sshll.u32 s8, $0x1;
	s5 =	sadd.s32 s6, s19  }
0xa2: {  	s9 =	simm.s32 $0x0;
	s20 =	sshll.u32 s7, $0x1;
	s7 =	sadd.s32 s21, s5  }
0xa3: {  	[timem:s9], [sflag:s22] =	dma.local [hbm:s7], s20  }
0xa4: {  	_ =	swait.ge [sflag:s22], s20  }
0xa5: {  	s6 =	ssub.s32 $0x0, s20;
	[sflag:s22] =	ssyncset.done $0x0  }
0xa6: {  	[sflag:s22] =	ssyncadd.s32 s6;
	_ =	sdelay $0x1  }
0xa7: {  	s23 =	simm.s32 $0x1B8B  }
0xa8: {  	_ =	swait.ge [sflag:s23], $0x1  }
0xa9: {  	[sflag:s23] =	ssyncset.done $0x0  }
0xaa: {  	s25 =	simm.s32 $0x1B8E;
	s24 =	sld [smem:$0x3FFE];
	[sflag:s23] =	ssyncadd.s32 $0xFFFFFFFF  }
0xab: {  	s26 =	simm.s32 $execute0_lowered;
	[smem:$0x3FD2] =	sst s25  }
0xac: {  	s7 =	sshll.u32 s26, $0x1;
	_ =	strace $0x80000046;
	[dreg:$0x1] =	wrdreg $0xFFFFFFFF  }
0xad: {  	s28 =	simm.s32 $_size_execute0_lowered;
	s5 =	sadd.s32 s5, s7;
	[dreg:$0x0] =	wrdreg $0x0  }
0xae: {  	s7 =	sshll.u32 s28, $0x1;
	[dreg:$0x2] =	wrdreg s5  }
0xaf: {  	[dreg:$0x3] =	wrdreg s7  }
0xb0: {  	[dreg:$0x4] =	wrdreg $0xC0  }
0xb1: {  	_ =	task [dreg:s9], $0x5FFFF  }
0xb2: {  	[dreg:$0x1] =	wrdreg $0xFFFFFFFF  }
0xb3: {  	[dreg:$0x0] =	wrdreg $0x60  }
0xb4: {  	[dreg:$0x2] =	wrdreg s15  }
0xb5: {  	[dreg:$0x3] =	wrdreg s24  }
0xb6: {  	[dreg:$0x4] =	wrdreg s16  }
0xb7: {  	[dreg:$0x5] =	wrdreg s17  }
0xb8: {  	[dreg:$0x6] =	wrdreg $0x9  }
0xb9: {  	_ =	task.clear_ibuf [dreg:s9], $0x7FFFF;
	_ =	strace $0x90000046  }
0xba: {  	s29 =	simm.s32 $0x9;
	_ =	strace $0x80000048  }
0xbb: {  	_ =	swait.ge [sflag:s29], $0x1  }
0xbc: {  	[sflag:s29] =	ssyncadd.s32 $0xFFFFFFFF  }
0xbd: {  	_ =	strace $0x90000048  }
0xbe: {  	_ =	sfence  }
0xbf: {  	s30 =	sld [smem:$0x0];
	_ =	sdelay $0x2  }
0xc0: {  	s31 =	sshll.u32 s1, $0xD;
	s1 =	sshrl.u32 s1, $0x2  }
0xc1: {  	s3 =	sand.u32 $0x4000, s31;
	s1 =	sadd.s32 s1, s30  }
0xc2: {  	s0 =	sor.u32 s3, s0;
	s1 =	sshll.u32 s1, $0x11  }
0xc3: {  	s0 =	sor.u32 s1, s0  }
0xc4: {  	s0 =	sadd.s32 $0x8F2B, s0  }
0xc5: {  	[sflag:s0] =	ssyncadd.remote.s32 $0x1  }
0xc6: {  	_ =	sfence.sel $0xFFFF  }
0xc7: {  	[dreg:$0x0] =	wrdreg $0xFFFFFFFF;
	(pc) =	sbr.abs _section_cstart, $3  }
0xc8: {  	[dreg:$0x1] =	wrdreg $0xFFFFFFFF  }
0xc9: {  	_ =	task.clear_ibuf [dreg:s9], $0x2FFFF;
	_ =	strace $0x9FFFFFFF  }
0xca: {  	(tm) =	ssettm $0x7FFFFFFF  }
0xcb: {  	_ =	shalt  }
tec
execute0_lowered:
.L_overlay_start_1:
0x0: {  	(tag) =	ssettag $0x1  }
0x1: {  	s0 =	rddreg [dreg:$0x0]  }
0x2: {  	s1 =	rddreg [dreg:$0x1]  }
0x3: {  	s16 =	rddreg [dreg:$0x3]  }
0x4: {  	s3 =	simm.s32 $0x0;
	s2 =	srdreg.scid;
	s6 =	stileid.u32  }
0x5: {  	s29 =	simm.s32 $0x1;
	[smem:$0x7FF] =	sst s3;
	s4 =	sadd.s32 $0x800, s1  }
0x6: {  	s15 =	sadd.s32 $0xC00, s1;
	_ =	strace $0x80000047;
	[dreg:$0x5] =	wrdreg s4  }
0x7: {  	s31 =	simm.s32 $0x3F0;
	s18 =	sadd.s32 $0xC7D, s1;
	[dreg:$0x6] =	wrdreg s15  }
0x8: {  	s28 =	simm.s32 $0xFC0;
	s19 =	sadd.s32 $0xCFA, s1;
	[dreg:$0x7] =	wrdreg s18  }
0x9: {  	s7 =	simm.s32 $0x1B90;
	s20 =	sadd.s32 $0xD77, s1;
	[dreg:$0x8] =	wrdreg s19  }
0xa: {  	s11 =	simm.s32 $0x2;
	s22 =	sadd.s32 $0xDF4, s1;
	[dreg:$0x9] =	wrdreg s20  }
0xb: {  	s9 =	simm.s32 $0x0;
	s23 =	sadd.s32 $0xE71, s1;
	[dreg:$0xa] =	wrdreg s22  }
0xc: {  	s2 =	sand.u32 $0x1, s2;
	s24 =	sadd.s32 $0xEEE, s1;
	[dreg:$0xb] =	wrdreg s23  }
0xd: {  	v0 =	vimm.s32 $0x3E7;
	vm0 =	vcmask $0x300;
	s6 =	sshll.u32 s6, $0x9;
	s25 =	sadd.s32 $0xF6B, s1;
	[dreg:$0xc] =	wrdreg s24  }
0xe: {  	vm10 =	vcmask $0x704;
	v0 =	vsel vm0, $0x3E0, v0;
	s17 =	ssub.s32 $0x2, s2;
	s2 =	sshll.u32 s2, $0x8;
	[dreg:$0xd] =	wrdreg s25  }
0xf: {  	vm11 =	vcmask $0xB08;
	s19 =	simm.s32 $0x1F80;
	s20 =	simm.s32 $0x2370;
	s22 =	simm.s32 $0x2B50;
	v0 =	vsel vm10, $0x3E1, v0  }
0x10: {  	vm12 =	vcmask $0xF0C;
	s23 =	simm.s32 $0x2F40;
	s24 =	simm.s32 $0x3330;
	s25 =	simm.s32 $0x3720;
	v0 =	vsel vm11, $0x3E2, v0  }
0x11: {  	vm13 =	vcmask $0x1310;
	s5 =	sshrl.u32 s17, $0x1;
	s8 =	sor.u32 s2, s6;
	s6 =	simm.s32 $0x17A0;
	v0 =	vsel vm12, $0x3E3, v0  }
0x12: {  	vm14 =	vcmask $0x1714;
	s4 =	ssub.s32 s17, s5;
	s21 =	sshll.u32 s8, $0x7;
	s5 =	simm.s32 $0x13B0;
	v0 =	vsel vm13, $0x3E4, v0  }
0x13: {  	vm15 =	vcmask $0x1B18;
	s13 =	sadd.s32 s0, s21;
	s30 =	smax.u32 s4, $0x1;
	s21 =	simm.s32 $0x2760;
	v0 =	vsel vm14, $0x3E5, v0  }
0x14: {  	s0 =	simm.s32 $0x7E0;
	s26 =	sadd.s32 $0x1000, s13;
	[dreg:$0xf] =	wrdreg s30;
	v0 =	vsel vm15, $0x3E6, v0  }
0x15: {  	s4 =	simm.s32 $0xBD0;
	[dreg:$0xe] =	wrdreg s26;
	s26 =	simm.s32 $0x3B10;
	[tilespmem:$0x1FFF0] =	vst v0  }
.LBB2_1:
0x16: {  	[dreg:$0x10] =	wrdreg s9  }
0x17: {  	s1 =	rddreg [dreg:$0x5];
	s2 =	simm.s32 $0x7  }
0x18: {  	[tilespmem:s3], [sflag:$0x7] =	stream.linear.gather [hbm4b:s1+s3], $0x1F80, $0x38;
	[tilespmem:$0x14F00] =	vst v63  }
0x19: {  	_ =	swait.ge [sflag:s2], $0x1F80  }
0x1a: {  	[sflag:s2] =	ssyncset.done $0x0  }
0x1b: {  	s30 =	rddreg [dreg:$0x6];
	[sflag:s2] =	ssyncadd.s32 $0xFFFFE080  }
0x1c: {  	[tilespmem:s19], [sflag:$0x7] =	stream.linear.gather [hbm4b:s30+s3], $0x3E8, $0x38;
	[tilespmem:$0x14F00] =	vst v63  }
0x1d: {  	_ =	swait.ge [sflag:s2], $0x3E8  }
0x1e: {  	[sflag:s2] =	ssyncset.done $0x0  }
0x1f: {  	s9 =	rddreg [dreg:$0x7];
	[sflag:s2] =	ssyncadd.s32 $0xFFFFFC18  }
0x20: {  	[tilespmem:s20], [sflag:$0x7] =	stream.linear.gather [hbm4b:s9+s3], $0x3E8, $0x38;
	[tilespmem:$0x14F00] =	vst v63  }
0x21: {  	_ =	swait.ge [sflag:s2], $0x3E8  }
0x22: {  	[sflag:s2] =	ssyncset.done $0x0  }
0x23: {  	s10 =	rddreg [dreg:$0x8];
	[sflag:s2] =	ssyncadd.s32 $0xFFFFFC18  }
0x24: {  	[tilespmem:s21], [sflag:$0x7] =	stream.linear.gather [hbm4b:s10+s3], $0x3E8, $0x38;
	[tilespmem:$0x14F00] =	vst v63  }
0x25: {  	_ =	swait.ge [sflag:s2], $0x3E8  }
0x26: {  	[sflag:s2] =	ssyncset.done $0x0  }
0x27: {  	s12 =	rddreg [dreg:$0x9];
	[sflag:s2] =	ssyncadd.s32 $0xFFFFFC18  }
0x28: {  	[tilespmem:s22], [sflag:$0x7] =	stream.linear.gather [hbm4b:s12+s3], $0x3E8, $0x38;
	[tilespmem:$0x14F00] =	vst v63  }
0x29: {  	_ =	swait.ge [sflag:s2], $0x3E8  }
0x2a: {  	[sflag:s2] =	ssyncset.done $0x0  }
0x2b: {  	s14 =	rddreg [dreg:$0xa];
	[sflag:s2] =	ssyncadd.s32 $0xFFFFFC18  }
0x2c: {  	[tilespmem:s23], [sflag:$0x7] =	stream.linear.gather [hbm4b:s14+s3], $0x3E8, $0x38;
	[tilespmem:$0x14F00] =	vst v63  }
0x2d: {  	_ =	swait.ge [sflag:s2], $0x3E8  }
0x2e: {  	[sflag:s2] =	ssyncset.done $0x0  }
0x2f: {  	s15 =	rddreg [dreg:$0xb];
	[sflag:s2] =	ssyncadd.s32 $0xFFFFFC18  }
0x30: {  	[tilespmem:s24], [sflag:$0x7] =	stream.linear.gather [hbm4b:s15+s3], $0x3E8, $0x38;
	[tilespmem:$0x14F00] =	vst v63  }
0x31: {  	_ =	swait.ge [sflag:s2], $0x3E8  }
0x32: {  	[sflag:s2] =	ssyncset.done $0x0  }
0x33: {  	s17 =	rddreg [dreg:$0xc];
	[sflag:s2] =	ssyncadd.s32 $0xFFFFFC18  }
0x34: {  	[tilespmem:s25], [sflag:$0x7] =	stream.linear.gather [hbm4b:s17+s3], $0x3E8, $0x38;
	[tilespmem:$0x14F00] =	vst v63  }
0x35: {  	_ =	swait.ge [sflag:s2], $0x3E8  }
0x36: {  	[sflag:s2] =	ssyncset.done $0x0  }
0x37: {  	s18 =	rddreg [dreg:$0xd];
	[sflag:s2] =	ssyncadd.s32 $0xFFFFFC18  }
0x38: {  	[tilespmem:s26], [sflag:$0x7] =	stream.linear.gather [hbm4b:s18+s3], $0x3E8, $0x38;
	[tilespmem:$0x14F00] =	vst v63  }
0x39: {  	_ =	swait.ge [sflag:s2], $0x3E8  }
0x3a: {  	v0 =	vld [tilespmem:$0x1FFF0];
	_ =	sdelay $0x5  }
0x3b: {  	[sflag:s2] =	ssyncset.done $0x0  }
0x3c: {  	[sflag:s2] =	ssyncadd.s32 $0xFFFFFC18  }
0x3d: {  	v1 =	vld.idx.msk [tilespmem:v0+s19+$0x0], $0xffff;
	_ =	sdelay $0x4  }
0x3e: {  	[tilespmem:$0x2360] =	vst v1  }
0x3f: {  	v1 =	vld.idx.msk [tilespmem:v0+s20+$0x0], $0xffff;
	_ =	sdelay $0x4  }
0x40: {  	[tilespmem:$0x2750] =	vst v1  }
0x41: {  	v1 =	vld.idx.msk [tilespmem:v0+s21+$0x0], $0xffff;
	_ =	sdelay $0x4  }
0x42: {  	[tilespmem:$0x2B40] =	vst v1  }
0x43: {  	v1 =	vld.idx.msk [tilespmem:v0+s22+$0x0], $0xffff;
	_ =	sdelay $0x4  }
0x44: {  	[tilespmem:$0x2F30] =	vst v1  }
0x45: {  	v1 =	vld.idx.msk [tilespmem:v0+s23+$0x0], $0xffff;
	_ =	sdelay $0x4  }
0x46: {  	[tilespmem:$0x3320] =	vst v1  }
0x47: {  	v1 =	vld.idx.msk [tilespmem:v0+s24+$0x0], $0xffff;
	_ =	sdelay $0x4  }
0x48: {  	[tilespmem:$0x3710] =	vst v1  }
0x49: {  	v1 =	vld.idx.msk [tilespmem:v0+s25+$0x0], $0xffff;
	_ =	sdelay $0x4  }
0x4a: {  	[tilespmem:$0x3B00] =	vst v1  }
0x4b: {  	v1 =	vld.idx.msk [tilespmem:v0+s26+$0x0], $0xffff;
	_ =	sdelay $0x4  }
0x4c: {  	s30 =	simm.s32 $0x3F00;
	s18 =	simm.s32 $0x0;
	[tilespmem:$0x3EF0] =	vst v1  }
0x4d: {  	[tilespmem:s30], [sflag:$0x1] =	stream.linear.gather [hbm4b:s13+s3], $0x4000, $0x38;
	[tilespmem:$0x14F00] =	vst v63  }
.LBB2_2:
0x4e: {  	_ =	swait.ge [sflag:s29], $0x4000;
	s30 =	sshllo.u32 s18, $0x1  }
0x4f: {  	s2 =	simm.s32 $0x7F00;
	[sflag:s29] =	ssyncset.done $0x0;
	s1 =	sshll.u32 s30, $0xB  }
0x50: {  	p0 =	seq.s32 s18, $0x0;
	[sflag:s29] =	ssyncadd.s32 $0xFFFFC000;
	s1 =	sadd.s32 s1, s13  }
0x51: {  	[tilespmem:s2], [sflag:$0x2] =	stream.linear.gather [hbm4b:s1+s3], $0x4000, $0x38;
	[tilespmem:$0x14F00] =	vst v63  }
0x52: {  	s1 =	simm.s32 @!p0 $0x3  }
0x53: {  	_ =	swait.ge @!p0 [sflag:s1], $0x4000  }
0x54: {  	[sflag:s1] =	ssyncset.done @!p0 $0x0  }
0x55: {  	[sflag:s1] =	ssyncadd.s32 @!p0 $0xFFFFC000;
	s1 =	simm.s32 @!p0 $0x5  }
0x56: {  	_ =	swait.ge @!p0 [sflag:s1], $0x800  }
0x57: {  	[sflag:s1] =	ssyncset.done @!p0 $0x0  }
0x58: {  	s14 =	simm.s32 $0x4100;
	[sflag:s1] =	ssyncadd.s32 @!p0 $0xFFFFF800  }
0x59: {  	v1 =	vld [tilespmem:s14+$0xFFFFFE70];
	_ =	sdelay $0x1  }
0x5a: {  	v2 =	vld [tilespmem:s14+$0xFFFFFE10]  }
0x5b: {  	v4 =	vld [tilespmem:s14+$0xFFFFFE30]  }
0x5c: {  	v6 =	vld [tilespmem:s14+$0xFFFFFE40]  }
0x5d: {  	v7 =	vld [tilespmem:s14+$0xFFFFFE00];
	v3 =	vmul.f32 $1.000000000e+03, v1  }
0x5e: {  	v8 =	vld [tilespmem:s14+$0xFFFFFE50]  }
0x5f: {  	v5 =	vtrunc.f32 v3  }
0x60: {  	v5 =	vcvt.f32.s32 v5  }
0x61: {  	v1 =	vld [tilespmem:s14+$0xFFFFFE20];
	v2 =	vmul.f32 $1.000000000e+03, v2  }
0x62: {  	v13 =	vmul.f32 $1.000000000e+03, v6;
	v6 =	vmul.f32 $1.000000000e+03, v7  }
0x63: {  	v4 =	vmul.f32 $1.000000000e+03, v4;
	v16 =	vmul.f32 $1.000000000e+03, v8  }
0x64: {  	v10 =	vtrunc.f32 v2;
	v14 =	vtrunc.f32 v6  }
0x65: {  	v8 =	vtrunc.f32 v4;
	v15 =	vcvt.f32.s32 v10  }
0x66: {  	v14 =	vcvt.f32.s32 v14;
	v12 =	vmul.f32 $1.000000000e+03, v1;
	v1 =	vld.idx.msk [tilespmem:v5+s19+$0x0], $0xffff  }
0x67: {  	v9 =	vld [tilespmem:s14+$0xFFFFFE60];
	v19 =	vcvt.f32.s32 v8;
	v11 =	vcvt.s32.f32 v5  }
0x68: {  	v5 =	vld.idx.msk [tilespmem:v5+s3+$0x0], $0xffff  }
0x69: {  	v3 =	vsub.f32 v3, v11  }
0x6a: {  	v7 =	vtrunc.f32 v12  }
0x6b: {  	v18 =	vcvt.f32.s32 v7;
	v10 =	vld.idx.msk [tilespmem:v15+s19+$0x0], $0xffff;
	v3 =	vmul.f32 v3, v1  }
0x6c: {  	v7 =	vtrunc.f32 v13;
	v11 =	vld.idx.msk [tilespmem:v14+s19+$0x0], $0xffff  }
0x6d: {  	v17 =	vmul.f32 $1.000000000e+03, v9;
	v20 =	vcvt.f32.s32 v7;
	v9 =	vld.idx.msk [tilespmem:v19+s19+$0x0], $0xffff;
	v3 =	vadd.f32 v3, v5  }
0x6e: {  	s9 =	simm.s32 $0xC100;
	v8 =	vtrunc.f32 v16;
	v23 =	vcvt.s32.f32 v14;
	v14 =	vld.idx.msk [tilespmem:v14+s3+$0x0], $0xffff  }
0x6f: {  	v21 =	vcvt.f32.s32 v8;
	v24 =	vcvt.s32.f32 v15;
	v15 =	vld.idx.msk [tilespmem:v15+s3+$0x0], $0xffff;
	[tilespmem:s9+$0xFFFFFE70] =	vst v3  }
0x70: {  	v23 =	vsub.f32 v6, v23;
	v22 =	vld [tilespmem:s14+$0xFFFFFEF0]  }
0x71: {  	v25 =	vcvt.s32.f32 v18;
	v8 =	vld.idx.msk [tilespmem:v18+s19+$0x0], $0xffff;
	v5 =	vtrunc.f32 v17  }
0x72: {  	v2 =	vsub.f32 v2, v24;
	v23 =	vmul.f32 v23, v11;
	v18 =	vld.idx.msk [tilespmem:v18+s3+$0x0], $0xffff;
	v3 =	vcvt.f32.s32 v5  }
0x73: {  	v27 =	vcvt.s32.f32 v20;
	v7 =	vld.idx.msk [tilespmem:v20+s19+$0x0], $0xffff  }
0x74: {  	v12 =	vsub.f32 v12, v25;
	v2 =	vmul.f32 v2, v10;
	v20 =	vld.idx.msk [tilespmem:v20+s3+$0x0], $0xffff;
	v14 =	vadd.f32 v23, v14  }
0x75: {  	v23 =	vcvt.s32.f32 v21;
	v5 =	vld.idx.msk [tilespmem:v21+s19+$0x0], $0xffff;
	v22 =	vmul.f32 $1.000000000e+03, v22  }
0x76: {  	v13 =	vsub.f32 v13, v27;
	v21 =	vld.idx.msk [tilespmem:v21+s3+$0x0], $0xffff;
	[tilespmem:s9+$0xFFFFFE00] =	vst v14;
	v12 =	vmul.f32 v12, v8  }
0x77: {  	v2 =	vadd.f32 v2, v15;
	v14 =	vsub.f32 v16, v23;
	v15 =	vld [tilespmem:s14+$0xFFFFFE80];
	v26 =	vtrunc.f32 v22  }
0x78: {  	v13 =	vmul.f32 v13, v7;
	v12 =	vadd.f32 v12, v18;
	v6 =	vld.idx.msk [tilespmem:v3+s19+$0x0], $0xffff;
	v24 =	vcvt.f32.s32 v26  }
0x79: {  	v25 =	vld.idx.msk [tilespmem:v3+s3+$0x0], $0xffff;
	v3 =	vcvt.s32.f32 v3  }
0x7a: {  	v14 =	vmul.f32 v14, v5;
	[tilespmem:s9+$0xFFFFFE20] =	vst v12;
	v12 =	vadd.f32 v13, v20;
	v26 =	vcvt.s32.f32 v19  }
0x7b: {  	[tilespmem:s9+$0xFFFFFE10] =	vst v2;
	v3 =	vsub.f32 v17, v3;
	v19 =	vld.idx.msk [tilespmem:v19+s3+$0x0], $0xffff  }
0x7c: {  	v16 =	vld [tilespmem:s14+$0xFFFFFE90];
	v14 =	vadd.f32 v14, v21;
	[tilespmem:s9+$0xFFFFFE40] =	vst v12;
	v4 =	vsub.f32 v4, v26  }
0x7d: {  	v20 =	vmul.f32 $1.000000000e+03, v15;
	v15 =	vld [tilespmem:s14+$0xFFFFFEC0];
	v3 =	vmul.f32 v3, v6  }
0x7e: {  	[tilespmem:s9+$0xFFFFFE50] =	vst v14;
	v4 =	vmul.f32 v4, v9;
	v2 =	vld.idx.msk [tilespmem:v24+s20+$0x0], $0xffff  }
0x7f: {  	v14 =	vld [tilespmem:s14+$0xFFFFFED0];
	v17 =	vcvt.s32.f32 v24;
	v3 =	vadd.f32 v3, v25  }
0x80: {  	v4 =	vadd.f32 v4, v19;
	v13 =	vld.idx.msk [tilespmem:v24+s31+$0x0], $0xffff  }
0x81: {  	v21 =	vmul.f32 $1.000000000e+03, v16;
	v17 =	vsub.f32 v22, v17;
	[tilespmem:s9+$0xFFFFFE60] =	vst v3  }
0x82: {  	v22 =	vmul.f32 $1.000000000e+03, v15;
	v3 =	vtrunc.f32 v20;
	[tilespmem:s9+$0xFFFFFE30] =	vst v4;
	v4 =	vld [tilespmem:s14+$0xFFFFFEA0]  }
0x83: {  	v16 =	vld [tilespmem:s14+$0xFFFFFEE0];
	v3 =	vcvt.f32.s32 v3;
	v17 =	vmul.f32 v17, v2  }
0x84: {  	v24 =	vmul.f32 $1.000000000e+03, v14;
	v12 =	vld [tilespmem:s14+$0xFFFFFEB0]  }
0x85: {  	v14 =	vtrunc.f32 v22;
	v13 =	vadd.f32 v17, v13;
	v17 =	vtrunc.f32 v21  }
0x86: {  	v28 =	vcvt.f32.s32 v14;
	v23 =	vcvt.f32.s32 v17  }
0x87: {  	v4 =	vmul.f32 $1.000000000e+03, v4;
	[tilespmem:s9+$0xFFFFFEF0] =	vst v13  }
0x88: {  	v46 =	vcvt.s32.f32 v28;
	v25 =	vmul.f32 $1.000000000e+03, v16;
	v15 =	vld [tilespmem:s14+$0xFFFFFF70]  }
0x89: {  	v19 =	vld.idx.msk [tilespmem:v3+s20+$0x0], $0xffff;
	v12 =	vmul.f32 $1.000000000e+03, v12;
	v13 =	vtrunc.f32 v4  }
0x8a: {  	v30 =	vld.idx.msk [tilespmem:v3+s31+$0x0], $0xffff;
	v3 =	vcvt.s32.f32 v3;
	v26 =	vcvt.f32.s32 v13  }
0x8b: {  	v14 =	vtrunc.f32 v25;
	v17 =	vtrunc.f32 v12  }
0x8c: {  	v32 =	vcvt.f32.s32 v14;
	v20 =	vsub.f32 v20, v3;
	v27 =	vcvt.f32.s32 v17;
	v18 =	vld.idx.msk [tilespmem:v23+s20+$0x0], $0xffff  }
0x8d: {  	v13 =	vtrunc.f32 v24;
	v33 =	vld.idx.msk [tilespmem:v23+s31+$0x0], $0xffff;
	v29 =	vmul.f32 $1.000000000e+03, v15  }
0x8e: {  	v31 =	vcvt.f32.s32 v13;
	v20 =	vmul.f32 v20, v19;
	v15 =	vld.idx.msk [tilespmem:v28+s20+$0x0], $0xffff  }
0x8f: {  	v23 =	vcvt.s32.f32 v23;
	v28 =	vld.idx.msk [tilespmem:v28+s31+$0x0], $0xffff;
	v13 =	vtrunc.f32 v29  }
0x90: {  	v16 =	vld.idx.msk [tilespmem:v26+s20+$0x0], $0xffff;
	v34 =	vcvt.f32.s32 v13  }
0x91: {  	v20 =	vadd.f32 v20, v30;
	v21 =	vsub.f32 v21, v23;
	v23 =	vld.idx.msk [tilespmem:v26+s31+$0x0], $0xffff  }
0x92: {  	v35 =	vcvt.s32.f32 v26;
	v17 =	vld.idx.msk [tilespmem:v27+s20+$0x0], $0xffff  }
0x93: {  	v36 =	vcvt.s32.f32 v27;
	[tilespmem:s9+$0xFFFFFE80] =	vst v20;
	v20 =	vld.idx.msk [tilespmem:v32+s31+$0x0], $0xffff  }
0x94: {  	v4 =	vsub.f32 v4, v35;
	v27 =	vld.idx.msk [tilespmem:v27+s31+$0x0], $0xffff  }
0x95: {  	v12 =	vsub.f32 v12, v36;
	v14 =	vld.idx.msk [tilespmem:v31+s20+$0x0], $0xffff;
	v21 =	vmul.f32 v21, v18  }
0x96: {  	v22 =	vsub.f32 v22, v46;
	v4 =	vmul.f32 v4, v16;
	v3 =	vld.idx.msk [tilespmem:v34+s21+$0x0], $0xffff  }
0x97: {  	v13 =	vld.idx.msk [tilespmem:v32+s20+$0x0], $0xffff;
	v26 =	vcvt.s32.f32 v34;
	v21 =	vadd.f32 v21, v33;
	v12 =	vmul.f32 v12, v17  }
0x98: {  	v30 =	vcvt.s32.f32 v32;
	v4 =	vadd.f32 v4, v23;
	v23 =	vcvt.s32.f32 v31;
	v34 =	vld.idx.msk [tilespmem:v34+s0+$0x0], $0xffff  }
0x99: {  	v22 =	vmul.f32 v22, v15;
	v26 =	vsub.f32 v29, v26;
	[tilespmem:s9+$0xFFFFFE90] =	vst v21;
	v21 =	vld [tilespmem:s14+$0xFFFFFF00];
	v12 =	vadd.f32 v12, v27  }
0x9a: {  	v29 =	vld.idx.msk [tilespmem:v31+s31+$0x0], $0xffff;
	[tilespmem:s9+$0xFFFFFEA0] =	vst v4;
	v4 =	vsub.f32 v24, v23;
	v24 =	vsub.f32 v25, v30  }
0x9b: {  	v27 =	vld [tilespmem:s14+$0xFFFFFF10];
	[tilespmem:s9+$0xFFFFFEB0] =	vst v12;
	v12 =	vadd.f32 v22, v28;
	v26 =	vmul.f32 v26, v3  }
0x9c: {  	v23 =	vld [tilespmem:s14+$0xFFFFFF20];
	v24 =	vmul.f32 v24, v13  }
0x9d: {  	v25 =	vld [tilespmem:s14+$0xFFFFFF30];
	[tilespmem:s9+$0xFFFFFEC0] =	vst v12;
	v26 =	vadd.f32 v26, v34  }
0x9e: {  	v12 =	vmul.f32 $1.000000000e+03, v21;
	v21 =	vld [tilespmem:s14+$0xFFFFFF40];
	v20 =	vadd.f32 v24, v20  }
0x9f: {  	v4 =	vmul.f32 v4, v14;
	[tilespmem:s9+$0xFFFFFF70] =	vst v26  }
0xa0: {  	v27 =	vmul.f32 $1.000000000e+03, v27;
	v24 =	vtrunc.f32 v12;
	[tilespmem:s9+$0xFFFFFEE0] =	vst v20;
	v22 =	vld [tilespmem:s14+$0xFFFFFFF0]  }
0xa1: {  	v28 =	vmul.f32 $1.000000000e+03, v23;
	v23 =	vcvt.f32.s32 v24;
	v24 =	vld [tilespmem:s14+$0xFFFFFF60]  }
0xa2: {  	v4 =	vadd.f32 v4, v29;
	v29 =	vmul.f32 $1.000000000e+03, v25  }
0xa3: {  	v20 =	vtrunc.f32 v27;
	v30 =	vmul.f32 $1.000000000e+03, v21  }
0xa4: {  	[tilespmem:s9+$0xFFFFFED0] =	vst v4;
	v25 =	vcvt.f32.s32 v20;
	v31 =	vtrunc.f32 v29  }
0xa5: {  	v4 =	vld [tilespmem:s14+$0xFFFFFF50];
	v47 =	vtrunc.f32 v30;
	v22 =	vmul.f32 $1.000000000e+03, v22  }
0xa6: {  	v50 =	vmul.f32 $1.000000000e+03, v24;
	v32 =	vcvt.f32.s32 v47  }
0xa7: {  	v31 =	vcvt.f32.s32 v31;
	v20 =	vtrunc.f32 v22  }
0xa8: {  	v26 =	vld.idx.msk [tilespmem:v23+s21+$0x0], $0xffff;
	v24 =	vtrunc.f32 v50;
	v21 =	vcvt.f32.s32 v20  }
0xa9: {  	v51 =	vld.idx.msk [tilespmem:v23+s0+$0x0], $0xffff;
	v38 =	vcvt.f32.s32 v24  }
0xaa: {  	v48 =	vmul.f32 $1.000000000e+03, v4;
	v39 =	vld.idx.msk [tilespmem:v25+s0+$0x0], $0xffff;
	v20 =	vtrunc.f32 v28  }
0xab: {  	v49 =	vcvt.f32.s32 v20;
	v20 =	vld.idx.msk [tilespmem:v25+s21+$0x0], $0xffff;
	v24 =	vcvt.s32.f32 v21  }
0xac: {  	v41 =	vcvt.s32.f32 v23;
	v23 =	vld.idx.msk [tilespmem:v32+s21+$0x0], $0xffff  }
0xad: {  	v43 =	vcvt.s32.f32 v25;
	v4 =	vtrunc.f32 v48;
	v24 =	vsub.f32 v22, v24;
	v22 =	vld.idx.msk [tilespmem:v31+s21+$0x0], $0xffff  }
0xae: {  	v12 =	vsub.f32 v12, v41;
	v37 =	vcvt.f32.s32 v4;
	v4 =	vld.idx.msk [tilespmem:v21+s22+$0x0], $0xffff  }
0xaf: {  	v27 =	vsub.f32 v27, v43;
	v25 =	vld.idx.msk [tilespmem:v38+s21+$0x0], $0xffff  }
0xb0: {  	v52 =	vcvt.s32.f32 v31;
	v12 =	vmul.f32 v12, v26;
	v40 =	vld.idx.msk [tilespmem:v21+s4+$0x0], $0xffff  }
0xb1: {  	v53 =	vcvt.s32.f32 v32;
	v31 =	vld.idx.msk [tilespmem:v31+s0+$0x0], $0xffff;
	v27 =	vmul.f32 v27, v20  }
0xb2: {  	v29 =	vsub.f32 v29, v52;
	v12 =	vadd.f32 v12, v51;
	v21 =	vld.idx.msk [tilespmem:v49+s21+$0x0], $0xffff  }
0xb3: {  	v30 =	vsub.f32 v30, v53;
	v34 =	vld.idx.msk [tilespmem:v49+s0+$0x0], $0xffff;
	v27 =	vadd.f32 v27, v39;
	v42 =	vmul.f32 v24, v4  }
0xb4: {  	v44 =	vcvt.s32.f32 v49;
	[tilespmem:s9+$0xFFFFFF00] =	vst v12;
	v12 =	vmul.f32 v29, v22;
	v29 =	vld.idx.msk [tilespmem:v38+s0+$0x0], $0xffff  }
0xb5: {  	[tilespmem:s9+$0xFFFFFF10] =	vst v27;
	v27 =	vmul.f32 v30, v23;
	v30 =	vld [tilespmem:s14+$0xFFFFFF80];
	v40 =	vadd.f32 v42, v40  }
0xb6: {  	v56 =	vcvt.s32.f32 v38;
	v28 =	vsub.f32 v28, v44;
	v24 =	vld.idx.msk [tilespmem:v37+s21+$0x0], $0xffff  }
0xb7: {  	v55 =	vcvt.s32.f32 v37;
	v57 =	vld [tilespmem:s14+$0xFFFFFF90];
	[tilespmem:s9+$0xFFFFFFF0] =	vst v40  }
0xb8: {  	v12 =	vadd.f32 v12, v31;
	v31 =	vsub.f32 v50, v56;
	v28 =	vmul.f32 v28, v21;
	v54 =	vld [tilespmem:s14+$0x70]  }
0xb9: {  	v32 =	vld.idx.msk [tilespmem:v32+s0+$0x0], $0xffff;
	v33 =	vsub.f32 v48, v55  }
0xba: {  	v37 =	vld.idx.msk [tilespmem:v37+s0+$0x0], $0xffff;
	v31 =	vmul.f32 v31, v25;
	v28 =	vadd.f32 v28, v34;
	v30 =	vmul.f32 $1.000000000e+03, v30  }
0xbb: {  	v33 =	vmul.f32 v33, v24  }
0xbc: {  	v29 =	vadd.f32 v31, v29;
	[tilespmem:s9+$0xFFFFFF20] =	vst v28;
	v31 =	vmul.f32 $1.000000000e+03, v57;
	v60 =	vtrunc.f32 v30  }
0xbd: {  	[tilespmem:s9+$0xFFFFFF30] =	vst v12;
	v58 =	vld [tilespmem:s14+$0xFFFFFFA0];
	v35 =	vcvt.f32.s32 v60;
	v28 =	vmul.f32 $1.000000000e+03, v54  }
0xbe: {  	v27 =	vadd.f32 v27, v32;
	v59 =	vld [tilespmem:s14+$0xFFFFFFB0];
	[tilespmem:s9+$0xFFFFFF60] =	vst v29;
	v29 =	vtrunc.f32 v31  }
0xbf: {  	v33 =	vadd.f32 v33, v37;
	v61 =	vld [tilespmem:s14+$0xFFFFFFE0];
	v50 =	vcvt.f32.s32 v29;
	v12 =	vtrunc.f32 v28  }
0xc0: {  	[tilespmem:s9+$0xFFFFFF40] =	vst v27;
	v27 =	vcvt.f32.s32 v12  }
0xc1: {  	[tilespmem:s9+$0xFFFFFF50] =	vst v33;
	v12 =	vld [tilespmem:s14+$0xFFFFFFC0]  }
0xc2: {  	v33 =	vld [tilespmem:s14+$0xFFFFFFD0];
	v32 =	vmul.f32 $1.000000000e+03, v58  }
0xc3: {  	v34 =	vmul.f32 $1.000000000e+03, v59;
	v39 =	vcvt.s32.f32 v50;
	v40 =	vld.idx.msk [tilespmem:v35+s22+$0x0], $0xffff  }
0xc4: {  	v36 =	vmul.f32 $1.000000000e+03, v61;
	v62 =	vtrunc.f32 v32;
	v54 =	vld.idx.msk [tilespmem:v35+s4+$0x0], $0xffff  }
0xc5: {  	v35 =	vcvt.s32.f32 v35;
	v37 =	vcvt.f32.s32 v62;
	v46 =	vld.idx.msk [tilespmem:v50+s22+$0x0], $0xffff  }
0xc6: {  	v55 =	vtrunc.f32 v36;
	v63 =	vmul.f32 $1.000000000e+03, v12;
	v12 =	vld.idx.msk [tilespmem:v27+s23+$0x0], $0xffff  }
0xc7: {  	v47 =	vld.idx.msk [tilespmem:v50+s4+$0x0], $0xffff;
	v51 =	vcvt.s32.f32 v27;
	v44 =	vcvt.f32.s32 v55;
	v30 =	vsub.f32 v30, v35  }
0xc8: {  	v29 =	vtrunc.f32 v34;
	v31 =	vsub.f32 v31, v39;
	v33 =	vmul.f32 $1.000000000e+03, v33;
	v27 =	vld.idx.msk [tilespmem:v27+s28+$0x0], $0xffff  }
0xc9: {  	v53 =	vcvt.f32.s32 v29;
	v28 =	vsub.f32 v28, v51;
	v30 =	vmul.f32 v30, v40  }
0xca: {  	v29 =	vtrunc.f32 v33;
	v31 =	vmul.f32 v31, v46  }
0xcb: {  	v45 =	vcvt.f32.s32 v29;
	v29 =	vld.idx.msk [tilespmem:v37+s22+$0x0], $0xffff;
	v30 =	vadd.f32 v30, v54;
	v28 =	vmul.f32 v28, v12  }
0xcc: {  	v10 =	vmul.f32 v18, v10;
	v49 =	vcvt.s32.f32 v37;
	v37 =	vld.idx.msk [tilespmem:v37+s4+$0x0], $0xffff;
	v31 =	vadd.f32 v31, v47  }
0xcd: {  	v56 =	vmul.f32 v19, v11;
	v11 =	vld.idx.msk [tilespmem:v44+s22+$0x0], $0xffff;
	[tilespmem:s9+$0xFFFFFF80] =	vst v30;
	v28 =	vadd.f32 v28, v27  }
0xce: {  	v18 =	vcvt.s32.f32 v44;
	v52 =	vtrunc.f32 v63;
	v44 =	vld.idx.msk [tilespmem:v44+s4+$0x0], $0xffff;
	[tilespmem:s9+$0xFFFFFF90] =	vst v31  }
0xcf: {  	v41 =	vcvt.f32.s32 v52;
	v31 =	vld [tilespmem:s14+$0x0];
	[tilespmem:s9+$0x70] =	vst v28  }
0xd0: {  	v1 =	vmul.f32 v2, v1;
	v32 =	vsub.f32 v32, v49;
	v48 =	vld [tilespmem:s14+$0xF0]  }
0xd1: {  	v15 =	vmul.f32 v15, v7;
	v8 =	vmul.f32 v16, v8;
	v16 =	vsub.f32 v36, v18;
	v19 =	vld.idx.msk [tilespmem:v45+s22+$0x0], $0xffff  }
0xd2: {  	v59 =	vcvt.s32.f32 v45;
	v32 =	vmul.f32 v32, v29  }
0xd3: {  	v6 =	vmul.f32 v13, v6;
	v16 =	vmul.f32 v16, v11  }
0xd4: {  	v33 =	vsub.f32 v33, v59;
	v30 =	vld.idx.msk [tilespmem:v45+s4+$0x0], $0xffff;
	v32 =	vadd.f32 v32, v37;
	v31 =	vmul.f32 $1.000000000e+03, v31  }
0xd5: {  	v50 =	vcvt.s32.f32 v41;
	v28 =	vld.idx.msk [tilespmem:v41+s22+$0x0], $0xffff;
	v13 =	vadd.f32 v16, v44;
	v58 =	vmul.f32 $1.000000000e+03, v48  }
0xd6: {  	v60 =	vld.idx.msk [tilespmem:v41+s4+$0x0], $0xffff;
	[tilespmem:s9+$0xFFFFFFA0] =	vst v32;
	v7 =	vmul.f32 v33, v19;
	v16 =	vtrunc.f32 v31  }
0xd7: {  	v18 =	vld [tilespmem:s14+$0x20];
	[tilespmem:s9+$0xFFFFFFE0] =	vst v13;
	v13 =	vcvt.f32.s32 v16;
	v61 =	vtrunc.f32 v58  }
0xd8: {  	v9 =	vmul.f32 v17, v9;
	v62 =	vld [tilespmem:s14+$0x10];
	v38 =	vsub.f32 v63, v50;
	v41 =	vcvt.f32.s32 v61  }
0xd9: {  	v5 =	vmul.f32 v14, v5;
	v1 =	vmul.f32 v3, v1;
	v27 =	vld.idx.msk [tilespmem:v53+s22+$0x0], $0xffff;
	v14 =	vadd.f32 v7, v30  }
0xda: {  	v57 =	vcvt.s32.f32 v53;
	v42 =	vld.idx.msk [tilespmem:v53+s4+$0x0], $0xffff;
	v63 =	vmul.f32 v38, v28  }
0xdb: {  	v10 =	vmul.f32 v20, v10;
	v15 =	vmul.f32 v23, v15;
	v50 =	vld [tilespmem:s14+$0x60];
	[tilespmem:s9+$0xFFFFFFD0] =	vst v14  }
0xdc: {  	v34 =	vsub.f32 v34, v57;
	v17 =	vadd.f32 v63, v60;
	v16 =	vmul.f32 $1.000000000e+03, v18;
	v18 =	vld [tilespmem:s14+$0x50]  }
0xdd: {  	v9 =	vmul.f32 v22, v9;
	v6 =	vmul.f32 v25, v6;
	v54 =	vld.idx.msk [tilespmem:v13+s23+$0x0], $0xffff  }
0xde: {  	v34 =	vmul.f32 v34, v27;
	[tilespmem:s9+$0xFFFFFFC0] =	vst v17;
	v17 =	vmul.f32 $1.000000000e+03, v62;
	v7 =	vld.idx.msk [tilespmem:v41+s24+$0x0], $0xffff  }
0xdf: {  	v51 =	vtrunc.f32 v16;
	v30 =	vld [tilespmem:s14+$0x40];
	v48 =	vcvt.s32.f32 v41  }
0xe0: {  	v34 =	vadd.f32 v34, v42;
	v36 =	vcvt.f32.s32 v51;
	v14 =	vtrunc.f32 v17;
	v49 =	vld.idx.msk [tilespmem:v41+s5+$0x0], $0xffff  }
0xe1: {  	v20 =	vld.idx.msk [tilespmem:v13+s28+$0x0], $0xffff;
	v13 =	vcvt.s32.f32 v13;
	v14 =	vcvt.f32.s32 v14;
	v33 =	vsub.f32 v58, v48  }
0xe2: {  	v8 =	vmul.f32 v21, v8;
	v18 =	vmul.f32 $1.000000000e+03, v18  }
0xe3: {  	v26 =	vmul.f32 v26, v56;
	[tilespmem:s9+$0xFFFFFFB0] =	vst v34;
	v13 =	vsub.f32 v31, v13;
	v33 =	vmul.f32 v33, v7  }
0xe4: {  	v47 =	vld [tilespmem:s14+$0x30];
	v35 =	vmul.f32 $1.000000000e+03, v50;
	v56 =	vtrunc.f32 v18  }
0xe5: {  	v13 =	vmul.f32 v13, v54;
	v30 =	vmul.f32 $1.000000000e+03, v30;
	v33 =	vadd.f32 v33, v49  }
0xe6: {  	v58 =	vtrunc.f32 v35;
	v57 =	vcvt.f32.s32 v56;
	v21 =	vld.idx.msk [tilespmem:v36+s23+$0x0], $0xffff  }
0xe7: {  	v41 =	vcvt.f32.s32 v58;
	v13 =	vadd.f32 v13, v20;
	v53 =	vtrunc.f32 v30;
	v55 =	vld.idx.msk [tilespmem:v14+s23+$0x0], $0xffff;
	[tilespmem:s9+$0xF0] =	vst v33  }
0xe8: {  	v5 =	vmul.f32 v24, v5;
	v38 =	vcvt.f32.s32 v53;
	v59 =	vld [tilespmem:s14+$0x170]  }
0xe9: {  	v32 =	vmul.f32 $1.000000000e+03, v47;
	v22 =	vld.idx.msk [tilespmem:v14+s28+$0x0], $0xffff;
	v14 =	vcvt.s32.f32 v14;
	[tilespmem:s9+$0x0] =	vst v13  }
0xea: {  	v24 =	vmul.f32 v40, v26;
	v60 =	vcvt.s32.f32 v36;
	v51 =	vld [tilespmem:s14+$0x80]  }
0xeb: {  	v10 =	vmul.f32 v46, v10;
	v52 =	vtrunc.f32 v32;
	v14 =	vsub.f32 v17, v14;
	v17 =	vld.idx.msk [tilespmem:v36+s28+$0x0], $0xffff  }
0xec: {  	v8 =	vmul.f32 v29, v8;
	v16 =	vsub.f32 v16, v60;
	v37 =	vcvt.f32.s32 v52;
	v31 =	vld.idx.msk [tilespmem:v57+s23+$0x0], $0xffff  }
0xed: {  	v6 =	vmul.f32 v11, v6;
	v61 =	vld.idx.msk [tilespmem:v41+s23+$0x0], $0xffff;
	v26 =	vmul.f32 $1.000000000e+03, v59  }
0xee: {  	v50 =	vcvt.s32.f32 v57;
	v16 =	vmul.f32 v16, v21;
	v25 =	vld.idx.msk [tilespmem:v38+s23+$0x0], $0xffff  }
0xef: {  	v14 =	vmul.f32 v14, v55;
	v33 =	vld.idx.msk [tilespmem:v57+s28+$0x0], $0xffff;
	v62 =	vtrunc.f32 v26  }
0xf0: {  	v18 =	vsub.f32 v18, v50;
	v13 =	vld.idx.msk [tilespmem:v41+s28+$0x0], $0xffff;
	v49 =	vcvt.s32.f32 v38;
	v63 =	vcvt.f32.s32 v62  }
0xf1: {  	v20 =	vld.idx.msk [tilespmem:v38+s28+$0x0], $0xffff;
	v14 =	vadd.f32 v14, v22;
	v22 =	vcvt.s32.f32 v41;
	v16 =	vadd.f32 v16, v17  }
0xf2: {  	v5 =	vmul.f32 v19, v5;
	v23 =	vld.idx.msk [tilespmem:v37+s23+$0x0], $0xffff;
	v30 =	vsub.f32 v30, v49;
	v18 =	vmul.f32 v18, v31  }
0xf3: {  	v9 =	vmul.f32 v27, v9;
	v48 =	vcvt.s32.f32 v37;
	v37 =	vld.idx.msk [tilespmem:v37+s28+$0x0], $0xffff;
	v22 =	vsub.f32 v35, v22;
	[tilespmem:s9+$0x20] =	vst v16  }
0xf4: {  	v15 =	vmul.f32 v28, v15;
	[tilespmem:s9+$0x10] =	vst v14;
	v27 =	vld [tilespmem:s14+$0xA0];
	v14 =	vmul.f32 v30, v25;
	v18 =	vadd.f32 v18, v33  }
0xf5: {  	v24 =	vmul.f32 v54, v24;
	v30 =	vld [tilespmem:s14+$0x90];
	v22 =	vmul.f32 v22, v61  }
0xf6: {  	v32 =	vsub.f32 v32, v48;
	v14 =	vadd.f32 v14, v20;
	[tilespmem:s9+$0x50] =	vst v18;
	v17 =	vld.idx.msk [tilespmem:v63+s25+$0x0], $0xffff  }
0xf7: {  	v8 =	vmul.f32 v21, v8;
	v13 =	vadd.f32 v22, v13;
	v22 =	vld [tilespmem:s14+$0xD0];
	v16 =	vcvt.s32.f32 v63  }
0xf8: {  	v55 =	vmul.f32 v55, v10;
	v11 =	vmul.f32 $1.000000000e+03, v51;
	[tilespmem:s9+$0x40] =	vst v14;
	v20 =	vld.idx.msk [tilespmem:v63+s6+$0x0], $0xffff  }
0xf9: {  	v58 =	vmul.f32 v61, v6;
	v32 =	vmul.f32 v32, v23;
	v14 =	vsub.f32 v26, v16;
	v16 =	vld [tilespmem:s14+$0xC0]  }
0xfa: {  	v23 =	vmul.f32 v23, v9;
	v15 =	vmul.f32 v25, v15  }
0xfb: {  	v32 =	vadd.f32 v32, v37;
	[tilespmem:s9+$0x60] =	vst v13;
	v13 =	vtrunc.f32 v11;
	v14 =	vmul.f32 v14, v17  }
0xfc: {  	v27 =	vmul.f32 $1.000000000e+03, v27;
	v18 =	vmul.f32 $1.000000000e+03, v30  }
0xfd: {  	[tilespmem:s9+$0x30] =	vst v32;
	v13 =	vcvt.f32.s32 v13;
	v26 =	vld [tilespmem:s14+$0xE0];
	v22 =	vmul.f32 $1.000000000e+03, v22;
	v14 =	vadd.f32 v14, v20  }
0xfe: {  	v19 =	vld [tilespmem:s14+$0xB0];
	v28 =	vtrunc.f32 v18;
	v16 =	vmul.f32 $1.000000000e+03, v16  }
0xff: {  	v28 =	vcvt.f32.s32 v28;
	v52 =	vtrunc.f32 v22;
	[tilespmem:s9+$0x170] =	vst v14  }
0x100: {  	v32 =	vcvt.f32.s32 v52;
	v30 =	vtrunc.f32 v16;
	v29 =	vld [tilespmem:s14+$0x1F0]  }
0x101: {  	v30 =	vcvt.f32.s32 v30;
	v20 =	vtrunc.f32 v27  }
0x102: {  	v26 =	vmul.f32 $1.000000000e+03, v26;
	v20 =	vcvt.f32.s32 v20  }
0x103: {  	v25 =	vmul.f32 v31, v5;
	v19 =	vmul.f32 $1.000000000e+03, v19;
	v54 =	vld.idx.msk [tilespmem:v13+s24+$0x0], $0xffff  }
0x104: {  	v5 =	vcvt.s32.f32 v13;
	v56 =	vld.idx.msk [tilespmem:v13+s5+$0x0], $0xffff;
	v53 =	vtrunc.f32 v26  }
0x105: {  	v21 =	vld.idx.msk [tilespmem:v28+s24+$0x0], $0xffff;
	v14 =	vtrunc.f32 v19;
	v29 =	vmul.f32 $1.000000000e+03, v29  }
0x106: {  	v59 =	vld.idx.msk [tilespmem:v32+s24+$0x0], $0xffff;
	v14 =	vcvt.f32.s32 v14;
	v6 =	vcvt.s32.f32 v20  }
0x107: {  	v33 =	vcvt.f32.s32 v53;
	v13 =	vld.idx.msk [tilespmem:v30+s24+$0x0], $0xffff;
	v10 =	vtrunc.f32 v29  }
0x108: {  	v2 =	vsub.f32 v27, v6;
	v6 =	vcvt.s32.f32 v30;
	v57 =	vld.idx.msk [tilespmem:v20+s24+$0x0], $0xffff;
	v9 =	vcvt.f32.s32 v10  }
0x109: {  	v1 =	vmul.f32 v4, v1;
	v5 =	vsub.f32 v11, v5;
	v27 =	vld.idx.msk [tilespmem:v28+s5+$0x0], $0xffff  }
0x10a: {  	v6 =	vsub.f32 v16, v6;
	v16 =	vld.idx.msk [tilespmem:v20+s5+$0x0], $0xffff;
	v10 =	vcvt.s32.f32 v28  }
0x10b: {  	v1 =	vmul.f32 v12, v1;
	v3 =	vmul.f32 v5, v54;
	v4 =	vld.idx.msk [tilespmem:v30+s5+$0x0], $0xffff  }
0x10c: {  	v31 =	vld.idx.msk [tilespmem:v14+s24+$0x0], $0xffff;
	v11 =	vsub.f32 v18, v10  }
0x10d: {  	v1 =	vmul.f32 v7, v1;
	v3 =	vadd.f32 v3, v56;
	v2 =	vmul.f32 v2, v57;
	v18 =	vld.idx.msk [tilespmem:v33+s24+$0x0], $0xffff  }
0x10e: {  	v10 =	vcvt.s32.f32 v14;
	v11 =	vmul.f32 v11, v21;
	v61 =	vld.idx.msk [tilespmem:v9+s26+$0x0], $0xffff  }
0x10f: {  	[tilespmem:s9+$0x80] =	vst v3;
	v28 =	vcvt.s32.f32 v32;
	v14 =	vld.idx.msk [tilespmem:v14+s5+$0x0], $0xffff;
	v12 =	vcvt.s32.f32 v9;
	v2 =	vadd.f32 v2, v16  }
0x110: {  	v19 =	vsub.f32 v19, v10;
	v10 =	vmul.f32 v54, v24;
	v24 =	vld.idx.msk [tilespmem:v32+s5+$0x0], $0xffff;
	v11 =	vadd.f32 v11, v27  }
0x111: {  	s12 =	simm.s32 $0x4500;
	v60 =	vcvt.s32.f32 v33;
	v5 =	vmul.f32 v21, v55;
	v21 =	vld [tilespmem:s14+$0x100];
	v7 =	vsub.f32 v29, v12;
	[tilespmem:s9+$0xA0] =	vst v2  }
0x112: {  	v17 =	vmul.f32 v17, v1;
	v20 =	vsub.f32 v22, v28;
	v2 =	vld [tilespmem:s12+$0xFFFFFE70];
	[tilespmem:s9+$0x90] =	vst v11  }
0x113: {  	v22 =	vsub.f32 v26, v60;
	v26 =	vmul.f32 v6, v13;
	v11 =	vld [tilespmem:s14+$0x110];
	v0 =	vmul.f32 v7, v61  }
0x114: {  	v6 =	vmul.f32 v57, v8;
	v3 =	vmul.f32 v19, v31;
	v19 =	vld.idx.msk [tilespmem:v33+s5+$0x0], $0xffff  }
0x115: {  	v8 =	vmul.f32 v31, v23;
	v16 =	vmul.f32 v20, v59;
	v23 =	vld [tilespmem:s14+$0x120];
	[tilespmem:$0x1FFE0] =	vst v0  }
0x116: {  	v12 =	vmul.f32 v13, v15;
	v29 =	vmul.f32 $1.000000000e+03, v21;
	v13 =	vld [tilespmem:s12+$0xFFFFFE10]  }
0x117: {  	v20 =	vmul.f32 v22, v18;
	v22 =	vmul.f32 $1.000000000e+03, v2;
	v15 =	vld [tilespmem:s12+$0xFFFFFE20]  }
0x118: {  	v3 =	vadd.f32 v3, v14;
	v14 =	vtrunc.f32 v29;
	v21 =	vmul.f32 $1.000000000e+03, v11;
	v11 =	vld [tilespmem:s12+$0xFFFFFE30]  }
0x119: {  	v4 =	vadd.f32 v26, v4;
	v27 =	vmul.f32 v61, v17;
	v28 =	vcvt.f32.s32 v14;
	v17 =	vld [tilespmem:s12+$0xFFFFFE40]  }
0x11a: {  	v7 =	vmul.f32 v59, v25;
	v45 =	vmul.f32 $1.000000000e+03, v23;
	v14 =	vld [tilespmem:s12+$0xFFFFFE00];
	[tilespmem:s9+$0xB0] =	vst v3  }
0x11b: {  	v3 =	vtrunc.f32 v22;
	[tilespmem:s9+$0xC0] =	vst v4;
	v4 =	vld [tilespmem:s12+$0xFFFFFE60];
	v44 =	vcvt.s32.f32 v28  }
0x11c: {  	v3 =	vcvt.f32.s32 v3;
	v2 =	vtrunc.f32 v21  }
0x11d: {  	v16 =	vadd.f32 v16, v24;
	v24 =	vld [tilespmem:s14+$0x130];
	v30 =	vcvt.f32.s32 v2;
	v26 =	vmul.f32 $1.000000000e+03, v13  }
0x11e: {  	v62 =	vld [tilespmem:s14+$0x140];
	v31 =	vmul.f32 $1.000000000e+03, v15;
	v32 =	vmul.f32 $1.000000000e+03, v11  }
0x11f: {  	[tilespmem:s9+$0xD0] =	vst v16;
	v2 =	vld [tilespmem:s12+$0xFFFFFE50];
	v34 =	vmul.f32 $1.000000000e+03, v17;
	v63 =	vmul.f32 $1.000000000e+03, v14  }
0x120: {  	v35 =	vld [tilespmem:s14+$0x150];
	v13 =	vadd.f32 v20, v19;
	v4 =	vmul.f32 $1.000000000e+03, v4;
	v17 =	vcvt.s32.f32 v3  }
0x121: {  	v11 =	vld.idx.msk [tilespmem:v28+s25+$0x0], $0xffff;
	v15 =	vtrunc.f32 v26;
	v16 =	vtrunc.f32 v31  }
0x122: {  	[tilespmem:s9+$0xE0] =	vst v13;
	v13 =	vtrunc.f32 v63;
	v20 =	vld.idx.msk [tilespmem:v3+s3+$0x0], $0xffff;
	v40 =	vcvt.f32.s32 v15  }
0x123: {  	v14 =	vtrunc.f32 v32;
	v39 =	vld [tilespmem:s14+$0x160];
	v56 =	vcvt.f32.s32 v13  }
0x124: {  	v37 =	vmul.f32 $1.000000000e+03, v2;
	v2 =	vld.idx.msk [tilespmem:v3+s19+$0x0], $0xffff;
	v42 =	vcvt.f32.s32 v16  }
0x125: {  	v47 =	vmul.f32 $1.000000000e+03, v24;
	v43 =	vcvt.f32.s32 v14;
	v16 =	vld.idx.msk [tilespmem:v28+s6+$0x0], $0xffff  }
0x126: {  	v33 =	vmul.f32 $1.000000000e+03, v62;
	v19 =	vtrunc.f32 v34;
	v13 =	vld.idx.msk [tilespmem:v30+s25+$0x0], $0xffff  }
0x127: {  	v15 =	vmul.f32 v18, v58;
	v18 =	vcvt.f32.s32 v19;
	v3 =	vsub.f32 v22, v17;
	v17 =	vld.idx.msk [tilespmem:v30+s6+$0x0], $0xffff  }
0x128: {  	v19 =	vtrunc.f32 v4;
	v28 =	vtrunc.f32 v47;
	v22 =	vld.idx.msk [tilespmem:v40+s19+$0x0], $0xffff  }
0x129: {  	v58 =	vcvt.f32.s32 v19;
	v14 =	vtrunc.f32 v37;
	v25 =	vld.idx.msk [tilespmem:v56+s19+$0x0], $0xffff  }
0x12a: {  	v24 =	vcvt.s32.f32 v56;
	v38 =	vcvt.f32.s32 v14;
	v14 =	vld.idx.msk [tilespmem:v42+s19+$0x0], $0xffff  }
0x12b: {  	v59 =	vcvt.s32.f32 v40;
	v57 =	vmul.f32 v3, v2;
	v19 =	vld.idx.msk [tilespmem:v43+s19+$0x0], $0xffff  }
0x12c: {  	v3 =	vmul.f32 $1.000000010e+24, v27;
	v27 =	vtrunc.f32 v45;
	v41 =	vld.idx.msk [tilespmem:v56+s3+$0x0], $0xffff  }
0x12d: {  	v52 =	vcvt.s32.f32 v18;
	v54 =	vcvt.f32.s32 v27;
	v27 =	vld.idx.msk [tilespmem:v40+s3+$0x0], $0xffff  }
0x12e: {  	v29 =	vsub.f32 v29, v44;
	v60 =	vcvt.s32.f32 v42;
	v40 =	vcvt.f32.s32 v28;
	v42 =	vld.idx.msk [tilespmem:v42+s3+$0x0], $0xffff  }
0x12f: {  	v28 =	vsub.f32 v34, v52;
	v34 =	vmul.f32 $1.000000000e+03, v39;
	v39 =	vld.idx.msk [tilespmem:v43+s3+$0x0], $0xffff;
	v23 =	vadd.f32 v57, v20  }
0x130: {  	s10 =	simm.s32 $0xC500;
	v51 =	vcvt.s32.f32 v43;
	v36 =	vsub.f32 v63, v24;
	v63 =	vtrunc.f32 v33;
	v43 =	vld.idx.msk [tilespmem:v18+s3+$0x0], $0xffff  }
0x131: {  	v35 =	vmul.f32 $1.000000000e+03, v35;
	v49 =	vcvt.f32.s32 v63;
	v20 =	vld.idx.msk [tilespmem:v18+s19+$0x0], $0xffff;
	[tilespmem:s10+$0xFFFFFE70] =	vst v23  }
0x132: {  	v29 =	vmul.f32 v29, v11;
	v11 =	vmul.f32 v11, v10;
	v61 =	vld [tilespmem:s12+$0xFFFFFEF0]  }
0x133: {  	v62 =	vcvt.s32.f32 v58;
	v26 =	vsub.f32 v26, v59;
	v53 =	vcvt.s32.f32 v38;
	v24 =	vld.idx.msk [tilespmem:v58+s19+$0x0], $0xffff  }
0x134: {  	v31 =	vsub.f32 v31, v60;
	v32 =	vsub.f32 v32, v51;
	v23 =	vld.idx.msk [tilespmem:v38+s19+$0x0], $0xffff;
	v36 =	vmul.f32 v36, v25  }
0x135: {  	v4 =	vsub.f32 v4, v62;
	v37 =	vsub.f32 v37, v53;
	v58 =	vld.idx.msk [tilespmem:v58+s3+$0x0], $0xffff;
	v26 =	vmul.f32 v26, v22  }
0x136: {  	v38 =	vld.idx.msk [tilespmem:v38+s3+$0x0], $0xffff;
	v31 =	vmul.f32 v31, v14;
	v32 =	vmul.f32 v32, v19;
	v36 =	vadd.f32 v36, v41  }
0x137: {  	v51 =	vld.idx.msk [tilespmem:v49+s25+$0x0], $0xffff;
	v59 =	vmul.f32 v28, v20;
	v60 =	vadd.f32 v26, v27;
	v50 =	vmul.f32 $1.000000000e+03, v61  }
0x138: {  	v30 =	vcvt.s32.f32 v30;
	v28 =	vld.idx.msk [tilespmem:v40+s25+$0x0], $0xffff;
	v62 =	vmul.f32 v4, v24;
	v4 =	vadd.f32 v31, v42;
	[tilespmem:s10+$0xFFFFFE00] =	vst v36  }
0x139: {  	v32 =	vadd.f32 v32, v39;
	v61 =	vmul.f32 v37, v23;
	[tilespmem:s10+$0xFFFFFE10] =	vst v60;
	v31 =	vld [tilespmem:s12+$0xFFFFFE80];
	v18 =	vtrunc.f32 v50  }
0x13a: {  	v21 =	vsub.f32 v21, v30;
	v56 =	vtrunc.f32 v35;
	[tilespmem:s10+$0xFFFFFE20] =	vst v4;
	v63 =	vld [tilespmem:s12+$0xFFFFFE90];
	v57 =	vcvt.f32.s32 v18  }
0x13b: {  	v44 =	vcvt.s32.f32 v54;
	v43 =	vadd.f32 v59, v43;
	[tilespmem:s10+$0xFFFFFE30] =	vst v32;
	v59 =	vld [tilespmem:s12+$0xFFFFFEA0];
	v30 =	vadd.f32 v61, v38  }
0x13c: {  	v48 =	vcvt.s32.f32 v40;
	v26 =	vcvt.f32.s32 v56;
	v37 =	vadd.f32 v62, v58;
	v58 =	vld [tilespmem:s12+$0xFFFFFEB0]  }
0x13d: {  	v40 =	vld.idx.msk [tilespmem:v40+s6+$0x0], $0xffff;
	v39 =	vcvt.s32.f32 v49;
	v18 =	vtrunc.f32 v34;
	[tilespmem:s10+$0xFFFFFE50] =	vst v30  }
0x13e: {  	[tilespmem:s10+$0xFFFFFE40] =	vst v43;
	v43 =	vmul.f32 v21, v13;
	v18 =	vcvt.f32.s32 v18;
	v21 =	vld [tilespmem:s12+$0xFFFFFED0]  }
0x13f: {  	v30 =	vmul.f32 $1.000000000e+03, v31;
	v31 =	vld [tilespmem:s12+$0xFFFFFEC0];
	v41 =	vmul.f32 $1.000000000e+03, v63  }
0x140: {  	[tilespmem:s10+$0xFFFFFE60] =	vst v37;
	v56 =	vcvt.s32.f32 v57;
	v46 =	vmul.f32 $1.000000000e+03, v59;
	v4 =	vld.idx.msk [tilespmem:v57+s20+$0x0], $0xffff  }
0x141: {  	v63 =	vld [tilespmem:s12+$0xFFFFFEE0];
	v38 =	vmul.f32 $1.000000000e+03, v58;
	v59 =	vtrunc.f32 v41  }
0x142: {  	v53 =	vcvt.s32.f32 v26;
	v57 =	vld.idx.msk [tilespmem:v57+s31+$0x0], $0xffff;
	v37 =	vcvt.f32.s32 v59  }
0x143: {  	v27 =	vld.idx.msk [tilespmem:v54+s25+$0x0], $0xffff;
	v60 =	vsub.f32 v50, v56;
	v62 =	vtrunc.f32 v30;
	v56 =	vtrunc.f32 v38  }
0x144: {  	v54 =	vld.idx.msk [tilespmem:v54+s6+$0x0], $0xffff;
	v42 =	vcvt.f32.s32 v62;
	v56 =	vcvt.f32.s32 v56  }
0x145: {  	v49 =	vld.idx.msk [tilespmem:v49+s6+$0x0], $0xffff;
	v21 =	vmul.f32 $1.000000000e+03, v21;
	v61 =	vmul.f32 v60, v4  }
0x146: {  	v52 =	vld.idx.msk [tilespmem:v26+s25+$0x0], $0xffff;
	v31 =	vmul.f32 $1.000000000e+03, v31;
	v50 =	vmul.f32 $1.000000000e+03, v63  }
0x147: {  	v55 =	vld.idx.msk [tilespmem:v18+s25+$0x0], $0xffff;
	v10 =	vcvt.s32.f32 v42;
	v59 =	vtrunc.f32 v21;
	v32 =	vadd.f32 v61, v57  }
0x148: {  	v47 =	vsub.f32 v47, v48;
	v58 =	vtrunc.f32 v31;
	v48 =	vcvt.f32.s32 v59;
	v59 =	vld.idx.msk [tilespmem:v37+s20+$0x0], $0xffff  }
0x149: {  	v44 =	vsub.f32 v45, v44;
	v45 =	vtrunc.f32 v50;
	v58 =	vcvt.f32.s32 v58;
	v62 =	vld.idx.msk [tilespmem:v37+s31+$0x0], $0xffff;
	[tilespmem:s10+$0xFFFFFEF0] =	vst v32  }
0x14a: {  	v16 =	vadd.f32 v29, v16;
	v45 =	vcvt.f32.s32 v45;
	v37 =	vcvt.s32.f32 v37;
	v57 =	vld [tilespmem:s12+$0xFFFFFF70]  }
0x14b: {  	v33 =	vsub.f32 v33, v39;
	v10 =	vsub.f32 v30, v10;
	v60 =	vtrunc.f32 v46;
	v61 =	vld.idx.msk [tilespmem:v42+s31+$0x0], $0xffff  }
0x14c: {  	v30 =	vsub.f32 v41, v37;
	v37 =	vcvt.s32.f32 v58;
	v32 =	vcvt.f32.s32 v60;
	v60 =	vld.idx.msk [tilespmem:v42+s20+$0x0], $0xffff  }
0x14d: {  	v35 =	vsub.f32 v35, v53;
	v44 =	vmul.f32 v44, v27;
	v36 =	vcvt.s32.f32 v18;
	v42 =	vld.idx.msk [tilespmem:v56+s20+$0x0], $0xffff  }
0x14e: {  	v53 =	vcvt.s32.f32 v56;
	v41 =	vld.idx.msk [tilespmem:v48+s20+$0x0], $0xffff;
	v31 =	vsub.f32 v31, v37;
	v37 =	vcvt.s32.f32 v45  }
0x14f: {  	[tilespmem:s9+$0x100] =	vst v16;
	v34 =	vsub.f32 v34, v36;
	v36 =	vcvt.s32.f32 v32;
	v0 =	vld.idx.msk [tilespmem:v58+s20+$0x0], $0xffff;
	v57 =	vmul.f32 $1.000000000e+03, v57  }
0x150: {  	v16 =	vadd.f32 v44, v54;
	v38 =	vsub.f32 v38, v53;
	v53 =	vld.idx.msk [tilespmem:v45+s20+$0x0], $0xffff;
	v30 =	vmul.f32 v30, v59  }
0x151: {  	v37 =	vsub.f32 v50, v37;
	v50 =	vld.idx.msk [tilespmem:v56+s31+$0x0], $0xffff;
	v36 =	vsub.f32 v46, v36;
	v63 =	vtrunc.f32 v57  }
0x152: {  	v46 =	vcvt.s32.f32 v48;
	v30 =	vadd.f32 v30, v62;
	v62 =	vld.idx.msk [tilespmem:v45+s31+$0x0], $0xffff;
	v63 =	vcvt.f32.s32 v63  }
0x153: {  	v10 =	vmul.f32 v10, v60;
	v60 =	vmul.f32 v60, v25;
	v25 =	vld.idx.msk [tilespmem:v58+s31+$0x0], $0xffff  }
0x154: {  	v47 =	vmul.f32 v47, v28;
	v33 =	vmul.f32 v33, v51;
	[tilespmem:s9+$0x120] =	vst v16;
	v39 =	vld.idx.msk [tilespmem:v32+s20+$0x0], $0xffff  }
0x155: {  	v32 =	vld.idx.msk [tilespmem:v32+s31+$0x0], $0xffff;
	v1 =	vsub.f32 v21, v46;
	v21 =	vmul.f32 v34, v55;
	v10 =	vadd.f32 v10, v61  }
0x156: {  	[tilespmem:s10+$0xFFFFFE90] =	vst v30;
	v61 =	vld.idx.msk [tilespmem:v48+s31+$0x0], $0xffff;
	v31 =	vmul.f32 v31, v0;
	v37 =	vmul.f32 v37, v53  }
0x157: {  	v16 =	vadd.f32 v33, v49;
	[tilespmem:s10+$0xFFFFFE80] =	vst v10;
	v10 =	vmul.f32 v38, v42;
	v42 =	vmul.f32 v42, v19;
	v19 =	vld [tilespmem:s12+$0xFFFFFF10]  }
0x158: {  	v1 =	vmul.f32 v1, v41;
	v56 =	vcvt.s32.f32 v63;
	v46 =	vld.idx.msk [tilespmem:v63+s21+$0x0], $0xffff  }
0x159: {  	[tilespmem:s9+$0x140] =	vst v16;
	v48 =	vld [tilespmem:s12+$0xFFFFFF00];
	v36 =	vmul.f32 v36, v39;
	v30 =	vmul.f32 v39, v14  }
0x15a: {  	v10 =	vadd.f32 v10, v50;
	v14 =	vmul.f32 v13, v5;
	v13 =	vmul.f32 v27, v6;
	v34 =	vld.idx.msk [tilespmem:v63+s0+$0x0], $0xffff  }
0x15b: {  	v6 =	vmul.f32 v51, v12;
	v12 =	vld.idx.msk [tilespmem:v26+s6+$0x0], $0xffff;
	v26 =	vadd.f32 v37, v62;
	v56 =	vsub.f32 v57, v56  }
0x15c: {  	v8 =	vmul.f32 v28, v8;
	v33 =	vld [tilespmem:s14+$0x1A0];
	v1 =	vadd.f32 v1, v61;
	v32 =	vadd.f32 v36, v32;
	[tilespmem:s10+$0xFFFFFEB0] =	vst v10  }
0x15d: {  	v10 =	vmul.f32 v53, v24;
	v24 =	vadd.f32 v31, v25;
	[tilespmem:s10+$0xFFFFFEE0] =	vst v26;
	v25 =	vld [tilespmem:s12+$0xFFFFFF30];
	v63 =	vmul.f32 v56, v46  }
0x15e: {  	v5 =	vmul.f32 v55, v15;
	v15 =	vmul.f32 $1.000000000e+03, v19;
	v26 =	vld [tilespmem:s12+$0xFFFFFF60];
	[tilespmem:s10+$0xFFFFFEA0] =	vst v32  }
0x15f: {  	v35 =	vmul.f32 v35, v52;
	v0 =	vmul.f32 v0, v20;
	[tilespmem:s10+$0xFFFFFED0] =	vst v1;
	v20 =	vld [tilespmem:s12+$0xFFFFFF20];
	v50 =	vadd.f32 v63, v34  }
0x160: {  	v38 =	vld [tilespmem:s14+$0x1C0];
	[tilespmem:s10+$0xFFFFFEC0] =	vst v24;
	v24 =	vmul.f32 $1.000000000e+03, v48;
	v29 =	vtrunc.f32 v15  }
0x161: {  	v23 =	vmul.f32 v41, v23;
	v1 =	vadd.f32 v43, v17;
	v28 =	vld [tilespmem:s12+$0xFFFFFF40];
	v29 =	vcvt.f32.s32 v29;
	[tilespmem:s10+$0xFFFFFF70] =	vst v50  }
0x162: {  	v17 =	vtrunc.f32 v24;
	v25 =	vmul.f32 $1.000000000e+03, v25;
	v27 =	vld [tilespmem:s12+$0xFFFFFFF0]  }
0x163: {  	v19 =	vld [tilespmem:s12+$0xFFFFFF50];
	[tilespmem:s9+$0x110] =	vst v1;
	v1 =	vadd.f32 v47, v40;
	v17 =	vcvt.f32.s32 v17;
	v26 =	vmul.f32 $1.000000000e+03, v26  }
0x164: {  	v31 =	vld [tilespmem:s14+$0x180];
	v20 =	vmul.f32 $1.000000000e+03, v20;
	v55 =	vtrunc.f32 v25  }
0x165: {  	v32 =	vld [tilespmem:s14+$0x190];
	[tilespmem:s9+$0x130] =	vst v1;
	v57 =	vtrunc.f32 v26;
	v36 =	vcvt.f32.s32 v55  }
0x166: {  	v12 =	vadd.f32 v35, v12;
	v16 =	vmul.f32 $1.000000000e+03, v28;
	v28 =	vld [tilespmem:s14+$0x1B0];
	v35 =	vcvt.f32.s32 v57  }
0x167: {  	v1 =	vtrunc.f32 v20;
	v43 =	vld.idx.msk [tilespmem:v29+s21+$0x0], $0xffff;
	v27 =	vmul.f32 $1.000000000e+03, v27  }
0x168: {  	v37 =	vmul.f32 $1.000000000e+03, v19;
	v45 =	vld.idx.msk [tilespmem:v29+s0+$0x0], $0xffff;
	v1 =	vcvt.f32.s32 v1  }
0x169: {  	v19 =	vtrunc.f32 v16;
	v39 =	vld.idx.msk [tilespmem:v17+s21+$0x0], $0xffff;
	v54 =	vtrunc.f32 v27  }
0x16a: {  	v41 =	vld.idx.msk [tilespmem:v17+s0+$0x0], $0xffff;
	v61 =	vcvt.s32.f32 v36;
	v34 =	vcvt.f32.s32 v54  }
0x16b: {  	v7 =	vmul.f32 v52, v7;
	v44 =	vcvt.f32.s32 v19;
	v48 =	vld.idx.msk [tilespmem:v36+s21+$0x0], $0xffff  }
0x16c: {  	v22 =	vmul.f32 v59, v22;
	v49 =	vsub.f32 v25, v61;
	v25 =	vmul.f32 $1.000000000e+03, v31;
	v31 =	vld.idx.msk [tilespmem:v35+s21+$0x0], $0xffff  }
0x16d: {  	v56 =	vtrunc.f32 v37;
	v63 =	vcvt.s32.f32 v35;
	v35 =	vld.idx.msk [tilespmem:v35+s0+$0x0], $0xffff  }
0x16e: {  	v17 =	vcvt.s32.f32 v17;
	v19 =	vcvt.s32.f32 v29;
	v50 =	vld.idx.msk [tilespmem:v1+s21+$0x0], $0xffff  }
0x16f: {  	v40 =	vcvt.f32.s32 v56;
	v59 =	vcvt.s32.f32 v1;
	v1 =	vld.idx.msk [tilespmem:v1+s0+$0x0], $0xffff  }
0x170: {  	[tilespmem:s9+$0x150] =	vst v12;
	v17 =	vsub.f32 v24, v17;
	v15 =	vsub.f32 v15, v19;
	v12 =	vld.idx.msk [tilespmem:v34+s22+$0x0], $0xffff  }
0x171: {  	v24 =	vcvt.s32.f32 v44;
	v20 =	vsub.f32 v20, v59;
	v57 =	vld.idx.msk [tilespmem:v44+s21+$0x0], $0xffff;
	v58 =	vcvt.s32.f32 v34  }
0x172: {  	v26 =	vsub.f32 v26, v63;
	v59 =	vmul.f32 v15, v43;
	v15 =	vmul.f32 $1.000000000e+03, v28;
	v34 =	vld.idx.msk [tilespmem:v34+s4+$0x0], $0xffff  }
0x173: {  	v47 =	vmul.f32 v49, v48;
	v49 =	vld.idx.msk [tilespmem:v44+s0+$0x0], $0xffff;
	v28 =	vmul.f32 v20, v50;
	v27 =	vsub.f32 v27, v58  }
0x174: {  	v2 =	vmul.f32 v4, v2;
	v29 =	vld [tilespmem:s14+$0x1D0];
	v24 =	vsub.f32 v16, v24;
	v26 =	vmul.f32 v26, v31  }
0x175: {  	v62 =	vcvt.s32.f32 v40;
	v61 =	vld.idx.msk [tilespmem:v40+s21+$0x0], $0xffff;
	v1 =	vadd.f32 v28, v1;
	v27 =	vmul.f32 v27, v12  }
0x176: {  	v2 =	vmul.f32 v46, v2;
	v63 =	vld.idx.msk [tilespmem:v36+s0+$0x0], $0xffff;
	v24 =	vmul.f32 v24, v57;
	v26 =	vadd.f32 v26, v35  }
0x177: {  	v19 =	vmul.f32 $1.000000000e+03, v32;
	v62 =	vsub.f32 v37, v62;
	[tilespmem:s10+$0xFFFFFF20] =	vst v1;
	v27 =	vadd.f32 v27, v34  }
0x178: {  	v10 =	vmul.f32 v31, v10;
	v58 =	vmul.f32 v17, v39;
	[tilespmem:s10+$0xFFFFFF60] =	vst v26;
	v24 =	vadd.f32 v24, v49;
	v31 =	vld [tilespmem:s12+$0xFFFFFFA0]  }
0x179: {  	v16 =	vmul.f32 $1.000000000e+03, v38;
	v22 =	vmul.f32 v43, v22;
	v45 =	vadd.f32 v59, v45;
	v54 =	vld [tilespmem:s12+$0xFFFFFFE0];
	[tilespmem:s10+$0xFFFFFFF0] =	vst v27  }
0x17a: {  	v32 =	vmul.f32 v62, v61;
	v20 =	vmul.f32 $1.000000000e+03, v29;
	[tilespmem:s10+$0xFFFFFF40] =	vst v24;
	v27 =	vadd.f32 v58, v41;
	v29 =	vld [tilespmem:s12+$0x70]  }
0x17b: {  	[tilespmem:s10+$0xFFFFFF10] =	vst v45;
	v36 =	vmul.f32 v61, v23;
	v17 =	vmul.f32 $1.000000000e+03, v33;
	v33 =	vadd.f32 v47, v63;
	v52 =	vld [tilespmem:s12+$0xFFFFFFC0]  }
0x17c: {  	v0 =	vmul.f32 v57, v0;
	[tilespmem:s10+$0xFFFFFF00] =	vst v27;
	v27 =	vmul.f32 v50, v30;
	v30 =	vld.idx.msk [tilespmem:v40+s0+$0x0], $0xffff  }
0x17d: {  	v23 =	vld [tilespmem:s12+$0xFFFFFF90];
	[tilespmem:s10+$0xFFFFFF30] =	vst v33;
	v31 =	vmul.f32 $1.000000000e+03, v31;
	v34 =	vmul.f32 v39, v60  }
0x17e: {  	v51 =	vld [tilespmem:s12+$0xFFFFFFB0];
	v39 =	vmul.f32 v48, v42;
	v42 =	vmul.f32 $1.000000000e+03, v54  }
0x17f: {  	v55 =	vtrunc.f32 v31;
	v28 =	vld [tilespmem:s12+$0xFFFFFF80];
	v1 =	vmul.f32 $1.000000000e+03, v29  }
0x180: {  	v43 =	vcvt.f32.s32 v55;
	v40 =	vmul.f32 $1.000000000e+03, v52  }
0x181: {  	v60 =	vtrunc.f32 v42;
	v30 =	vadd.f32 v32, v30;
	v50 =	vtrunc.f32 v1  }
0x182: {  	v18 =	vld.idx.msk [tilespmem:v18+s6+$0x0], $0xffff;
	v58 =	vtrunc.f32 v40;
	v24 =	vcvt.f32.s32 v50  }
0x183: {  	v47 =	vcvt.f32.s32 v58;
	v32 =	vmul.f32 $1.000000000e+03, v51;
	[tilespmem:s10+$0xFFFFFF50] =	vst v30  }
0x184: {  	v28 =	vmul.f32 $1.000000000e+03, v28;
	v30 =	vmul.f32 $1.000000000e+03, v23;
	v23 =	vld [tilespmem:s12+$0xFFFFFFD0]  }
0x185: {  	v56 =	vtrunc.f32 v32;
	v50 =	vcvt.f32.s32 v60  }
0x186: {  	v9 =	vld.idx.msk [tilespmem:v9+s7+$0x0], $0xffff;
	v53 =	vtrunc.f32 v28;
	v44 =	vcvt.f32.s32 v56  }
0x187: {  	v18 =	vadd.f32 v21, v18;
	v54 =	vld.idx.msk [tilespmem:v43+s22+$0x0], $0xffff;
	v26 =	vtrunc.f32 v30;
	v35 =	vcvt.f32.s32 v53  }
0x188: {  	v57 =	vcvt.s32.f32 v24;
	v26 =	vcvt.f32.s32 v26;
	v21 =	vld.idx.msk [tilespmem:v24+s23+$0x0], $0xffff  }
0x189: {  	[tilespmem:s9+$0x160] =	vst v18;
	v61 =	vcvt.s32.f32 v44;
	v18 =	vmul.f32 $1.000000000e+03, v23;
	v23 =	vld.idx.msk [tilespmem:v24+s28+$0x0], $0xffff  }
0x18a: {  	v37 =	vtrunc.f32 v19;
	v62 =	vcvt.s32.f32 v47;
	v24 =	vld [tilespmem:s14+$0x1E0]  }
0x18b: {  	v38 =	vtrunc.f32 v17;
	v1 =	vsub.f32 v1, v57;
	v32 =	vsub.f32 v32, v61;
	v61 =	vld.idx.msk [tilespmem:v50+s22+$0x0], $0xffff  }
0x18c: {  	v33 =	vtrunc.f32 v15;
	v2 =	vmul.f32 v12, v2;
	v40 =	vsub.f32 v40, v62;
	v62 =	vld.idx.msk [tilespmem:v44+s4+$0x0], $0xffff  }
0x18d: {  	v41 =	vtrunc.f32 v16;
	v48 =	vld.idx.msk [tilespmem:v35+s22+$0x0], $0xffff;
	v1 =	vmul.f32 v1, v21  }
0x18e: {  	v29 =	vtrunc.f32 v25;
	v59 =	vtrunc.f32 v18;
	v49 =	vld.idx.msk [tilespmem:v35+s4+$0x0], $0xffff  }
0x18f: {  	v35 =	vcvt.s32.f32 v35;
	v45 =	vcvt.f32.s32 v59;
	v51 =	vld.idx.msk [tilespmem:v26+s22+$0x0], $0xffff;
	v1 =	vadd.f32 v1, v23  }
0x190: {  	v52 =	vld.idx.msk [tilespmem:v26+s4+$0x0], $0xffff;
	v23 =	vmul.f32 $1.000000000e+03, v24;
	v24 =	vcvt.s32.f32 v26  }
0x191: {  	v29 =	vcvt.f32.s32 v29;
	v53 =	vtrunc.f32 v20;
	v26 =	vld.idx.msk [tilespmem:v44+s22+$0x0], $0xffff;
	[tilespmem:s10+$0x70] =	vst v1;
	v1 =	vsub.f32 v28, v35  }
0x192: {  	v63 =	vcvt.s32.f32 v45;
	v28 =	vcvt.s32.f32 v43;
	v24 =	vsub.f32 v30, v24;
	v30 =	vld.idx.msk [tilespmem:v47+s22+$0x0], $0xffff  }
0x193: {  	v34 =	vmul.f32 v48, v34;
	v55 =	vld [tilespmem:s12+$0xF0];
	v1 =	vmul.f32 v1, v48  }
0x194: {  	v28 =	vsub.f32 v31, v28;
	v24 =	vmul.f32 v24, v51;
	v48 =	vmul.f32 v51, v22;
	v22 =	vld.idx.msk [tilespmem:v43+s4+$0x0], $0xffff  }
0x195: {  	v10 =	vmul.f32 v61, v10;
	v2 =	vmul.f32 v21, v2;
	v60 =	vld.idx.msk [tilespmem:v45+s22+$0x0], $0xffff;
	v1 =	vadd.f32 v1, v49  }
0x196: {  	v47 =	vld.idx.msk [tilespmem:v47+s4+$0x0], $0xffff;
	v39 =	vmul.f32 v26, v39;
	v24 =	vadd.f32 v24, v52;
	v28 =	vmul.f32 v28, v54  }
0x197: {  	v31 =	vcvt.s32.f32 v50;
	v49 =	vmul.f32 v54, v27;
	v27 =	vsub.f32 v18, v63;
	v63 =	vld.idx.msk [tilespmem:v45+s4+$0x0], $0xffff;
	[tilespmem:s10+$0xFFFFFF80] =	vst v1  }
0x198: {  	v0 =	vmul.f32 v30, v0;
	v44 =	vmul.f32 $1.000000000e+03, v55;
	[tilespmem:s10+$0xFFFFFF90] =	vst v24;
	v24 =	vld [tilespmem:s12+$0x0]  }
0x199: {  	v1 =	vmul.f32 v32, v26;
	v26 =	vmul.f32 v40, v30;
	v30 =	vld [tilespmem:s12+$0x10];
	v22 =	vadd.f32 v28, v22  }
0x19a: {  	v43 =	vcvt.f32.s32 v37;
	v31 =	vsub.f32 v42, v31;
	v54 =	vld.idx.msk [tilespmem:v50+s4+$0x0], $0xffff;
	v18 =	vtrunc.f32 v44  }
0x19b: {  	v45 =	vld.idx.msk [tilespmem:v29+s26+$0x0], $0xffff;
	v52 =	vmul.f32 v27, v60;
	v1 =	vadd.f32 v1, v62;
	v51 =	vcvt.f32.s32 v18;
	[tilespmem:s10+$0xFFFFFFA0] =	vst v22  }
0x19c: {  	v36 =	vmul.f32 v60, v36;
	v31 =	vmul.f32 v31, v61;
	v22 =	vadd.f32 v26, v47;
	v55 =	vld [tilespmem:s12+$0x20]  }
0x19d: {  	v27 =	vcvt.f32.s32 v33;
	v32 =	vadd.f32 v52, v63;
	v47 =	vcvt.s32.f32 v29;
	v29 =	vld.idx.msk [tilespmem:v29+s7+$0x0], $0xffff;
	[tilespmem:s10+$0xFFFFFFB0] =	vst v1  }
0x19e: {  	v56 =	vld [tilespmem:s12+$0x30];
	[tilespmem:s10+$0xFFFFFFC0] =	vst v22;
	v1 =	vmul.f32 $1.000000000e+03, v24;
	v37 =	vmul.f32 $1.000000000e+03, v30  }
0x19f: {  	v18 =	vcvt.f32.s32 v38;
	[tilespmem:s10+$0xFFFFFFD0] =	vst v32;
	v61 =	vcvt.s32.f32 v51;
	v30 =	vadd.f32 v31, v54;
	v59 =	vld [tilespmem:s12+$0x40]  }
0x1a0: {  	v63 =	vld [tilespmem:s12+$0x50];
	v31 =	vtrunc.f32 v1;
	v60 =	vtrunc.f32 v37  }
0x1a1: {  	[tilespmem:s10+$0xFFFFFFE0] =	vst v30;
	v24 =	vld.idx.msk [tilespmem:v51+s24+$0x0], $0xffff;
	v31 =	vcvt.f32.s32 v31;
	v33 =	vmul.f32 $1.000000000e+03, v55  }
0x1a2: {  	v58 =	vtrunc.f32 v23;
	v32 =	vcvt.f32.s32 v60;
	v57 =	vld [tilespmem:s12+$0x60]  }
0x1a3: {  	v22 =	vcvt.f32.s32 v58;
	v30 =	vsub.f32 v44, v61;
	v44 =	vld.idx.msk [tilespmem:v43+s26+$0x0], $0xffff;
	v58 =	vtrunc.f32 v33  }
0x1a4: {  	v28 =	vcvt.f32.s32 v41;
	v62 =	vld.idx.msk [tilespmem:v51+s5+$0x0], $0xffff;
	v40 =	vcvt.f32.s32 v58  }
0x1a5: {  	v26 =	vcvt.f32.s32 v53;
	v53 =	vld.idx.msk [tilespmem:v18+s26+$0x0], $0xffff;
	v35 =	vmul.f32 $1.000000000e+03, v56  }
0x1a6: {  	v51 =	vmul.f32 $1.000000000e+03, v59;
	v59 =	vmul.f32 v30, v24;
	v30 =	vld.idx.msk [tilespmem:v43+s7+$0x0], $0xffff  }
0x1a7: {  	v60 =	vtrunc.f32 v35;
	v50 =	vmul.f32 $1.000000000e+03, v57;
	v41 =	vld.idx.msk [tilespmem:v31+s23+$0x0], $0xffff  }
0x1a8: {  	v42 =	vmul.f32 $1.000000000e+03, v63;
	v52 =	vcvt.f32.s32 v60;
	v55 =	vld.idx.msk [tilespmem:v32+s23+$0x0], $0xffff  }
0x1a9: {  	v58 =	vcvt.s32.f32 v31;
	v31 =	vld.idx.msk [tilespmem:v31+s28+$0x0], $0xffff;
	v38 =	vadd.f32 v59, v62;
	v63 =	vtrunc.f32 v50  }
0x1aa: {  	v61 =	vtrunc.f32 v51;
	v59 =	vcvt.f32.s32 v63;
	v60 =	vld.idx.msk [tilespmem:v40+s23+$0x0], $0xffff  }
0x1ab: {  	v54 =	vcvt.f32.s32 v61;
	[tilespmem:s10+$0xF0] =	vst v38;
	v38 =	vcvt.s32.f32 v32;
	v32 =	vld.idx.msk [tilespmem:v32+s28+$0x0], $0xffff  }
0x1ac: {  	v25 =	vsub.f32 v25, v47;
	v47 =	vcvt.s32.f32 v40;
	v62 =	vtrunc.f32 v42;
	v57 =	vld [tilespmem:s12+$0x170]  }
0x1ad: {  	v1 =	vsub.f32 v1, v58;
	v58 =	vcvt.s32.f32 v52;
	v56 =	vcvt.f32.s32 v62;
	v40 =	vld.idx.msk [tilespmem:v40+s28+$0x0], $0xffff  }
0x1ae: {  	v2 =	vmul.f32 v24, v2;
	v61 =	vcvt.s32.f32 v54;
	v63 =	vld.idx.msk [tilespmem:v52+s23+$0x0], $0xffff;
	v37 =	vsub.f32 v37, v38  }
0x1af: {  	v33 =	vsub.f32 v33, v47;
	v35 =	vsub.f32 v35, v58;
	v62 =	vcvt.s32.f32 v56;
	v52 =	vld.idx.msk [tilespmem:v52+s28+$0x0], $0xffff  }
0x1b0: {  	v51 =	vsub.f32 v51, v61;
	v38 =	vcvt.s32.f32 v59;
	v58 =	vmul.f32 v37, v55;
	v61 =	vld.idx.msk [tilespmem:v59+s23+$0x0], $0xffff  }
0x1b1: {  	v42 =	vsub.f32 v42, v62;
	v37 =	vmul.f32 v55, v48;
	v59 =	vld.idx.msk [tilespmem:v59+s28+$0x0], $0xffff;
	v47 =	vmul.f32 $1.000000000e+03, v57  }
0x1b2: {  	v50 =	vsub.f32 v50, v38;
	v62 =	vmul.f32 v33, v60;
	v57 =	vmul.f32 v1, v41;
	v1 =	vld.idx.msk [tilespmem:v54+s23+$0x0], $0xffff  }
0x1b3: {  	v41 =	vmul.f32 v41, v34;
	v34 =	vld.idx.msk [tilespmem:v56+s23+$0x0], $0xffff;
	v32 =	vadd.f32 v58, v32;
	v55 =	vtrunc.f32 v47  }
0x1b4: {  	v54 =	vld.idx.msk [tilespmem:v54+s28+$0x0], $0xffff;
	v58 =	vmul.f32 v35, v63;
	v40 =	vadd.f32 v62, v40;
	v48 =	vcvt.f32.s32 v55  }
0x1b5: {  	v43 =	vcvt.s32.f32 v43;
	v38 =	vmul.f32 v60, v49;
	v56 =	vld.idx.msk [tilespmem:v56+s28+$0x0], $0xffff;
	v31 =	vadd.f32 v57, v31;
	[tilespmem:s10+$0x10] =	vst v32  }
0x1b6: {  	v49 =	vcvt.s32.f32 v27;
	v33 =	vmul.f32 v63, v39;
	v63 =	vadd.f32 v58, v52;
	v62 =	vld [tilespmem:s12+$0x90];
	[tilespmem:s10+$0x20] =	vst v40  }
0x1b7: {  	v19 =	vsub.f32 v19, v43;
	v52 =	vmul.f32 v25, v45;
	v25 =	vmul.f32 v45, v11;
	[tilespmem:s10+$0x0] =	vst v31;
	v11 =	vld [tilespmem:s12+$0xA0]  }
0x1b8: {  	[tilespmem:s10+$0x30] =	vst v63;
	v31 =	vmul.f32 v51, v1;
	v35 =	vmul.f32 v1, v0;
	v1 =	vld [tilespmem:s12+$0x80]  }
0x1b9: {  	v45 =	vmul.f32 v19, v44;
	v0 =	vmul.f32 v42, v34;
	v19 =	vld [tilespmem:s12+$0xB0]  }
0x1ba: {  	v57 =	vcvt.s32.f32 v28;
	v60 =	vmul.f32 v50, v61;
	v42 =	vld.idx.msk [tilespmem:v48+s25+$0x0], $0xffff  }
0x1bb: {  	v58 =	vcvt.s32.f32 v48;
	v31 =	vadd.f32 v31, v54;
	v0 =	vadd.f32 v0, v56;
	v56 =	vld.idx.msk [tilespmem:v22+s26+$0x0], $0xffff  }
0x1bc: {  	v32 =	vmul.f32 v34, v36;
	v36 =	vmul.f32 v61, v10;
	v34 =	vadd.f32 v60, v59;
	v48 =	vld.idx.msk [tilespmem:v48+s6+$0x0], $0xffff  }
0x1bd: {  	v55 =	vcvt.s32.f32 v18;
	v40 =	vsub.f32 v47, v58;
	[tilespmem:s10+$0x40] =	vst v31;
	v31 =	vmul.f32 v44, v14;
	v44 =	vld.idx.msk [tilespmem:v27+s26+$0x0], $0xffff  }
0x1be: {  	v10 =	vcvt.s32.f32 v26;
	[tilespmem:s10+$0x60] =	vst v34;
	v1 =	vmul.f32 $1.000000000e+03, v1;
	v59 =	vld [tilespmem:s12+$0xC0]  }
0x1bf: {  	[tilespmem:s10+$0x50] =	vst v0;
	v0 =	vmul.f32 $1.000000000e+03, v62;
	v62 =	vld [tilespmem:s12+$0xE0];
	v14 =	vmul.f32 v40, v42  }
0x1c0: {  	v51 =	vcvt.s32.f32 v22;
	v17 =	vsub.f32 v17, v55;
	v60 =	vld [tilespmem:s12+$0xD0];
	v61 =	vtrunc.f32 v1  }
0x1c1: {  	v50 =	vmul.f32 $1.000000000e+03, v19;
	v19 =	vld.idx.msk [tilespmem:v28+s7+$0x0], $0xffff;
	v34 =	vcvt.f32.s32 v61;
	v14 =	vadd.f32 v14, v48  }
0x1c2: {  	v40 =	vmul.f32 v17, v53;
	v17 =	vmul.f32 v53, v13;
	v53 =	vld.idx.msk [tilespmem:v26+s26+$0x0], $0xffff  }
0x1c3: {  	v54 =	vtrunc.f32 v50;
	v39 =	vmul.f32 $1.000000000e+03, v59;
	v59 =	vld.idx.msk [tilespmem:v18+s7+$0x0], $0xffff;
	[tilespmem:s10+$0x170] =	vst v14  }
0x1c4: {  	v15 =	vsub.f32 v15, v49;
	v49 =	vcvt.f32.s32 v54;
	v13 =	vtrunc.f32 v0;
	v55 =	vld [tilespmem:s12+$0x1F0]  }
0x1c5: {  	v43 =	vmul.f32 $1.000000000e+03, v60;
	v13 =	vcvt.f32.s32 v13;
	v60 =	vld.idx.msk [tilespmem:v27+s7+$0x0], $0xffff  }
0x1c6: {  	v11 =	vmul.f32 $1.000000000e+03, v11;
	v47 =	vmul.f32 $1.000000000e+03, v62;
	v48 =	vld.idx.msk [tilespmem:v28+s26+$0x0], $0xffff  }
0x1c7: {  	v63 =	vcvt.s32.f32 v34;
	v4 =	vcvt.s32.f32 v49;
	v18 =	vld [tilespmem:$0x1FFE0]  }
0x1c8: {  	v20 =	vsub.f32 v20, v10;
	v27 =	vtrunc.f32 v43;
	v14 =	vtrunc.f32 v11;
	v10 =	vld.idx.msk [tilespmem:v34+s24+$0x0], $0xffff  }
0x1c9: {  	v51 =	vsub.f32 v23, v51;
	v27 =	vcvt.f32.s32 v27;
	v23 =	vld.idx.msk [tilespmem:v34+s5+$0x0], $0xffff;
	v54 =	vmul.f32 $1.000000000e+03, v55  }
0x1ca: {  	v28 =	vtrunc.f32 v47;
	v14 =	vcvt.f32.s32 v14;
	v24 =	vld.idx.msk [tilespmem:v49+s5+$0x0], $0xffff  }
0x1cb: {  	v16 =	vsub.f32 v16, v57;
	v28 =	vcvt.f32.s32 v28;
	v57 =	vld.idx.msk [tilespmem:v13+s24+$0x0], $0xffff;
	v61 =	vtrunc.f32 v54  }
0x1cc: {  	v29 =	vadd.f32 v52, v29;
	v52 =	vcvt.s32.f32 v13;
	v13 =	vld.idx.msk [tilespmem:v13+s5+$0x0], $0xffff;
	v34 =	vcvt.f32.s32 v61  }
0x1cd: {  	v30 =	vadd.f32 v45, v30;
	v58 =	vtrunc.f32 v39;
	v9 =	vadd.f32 v18, v9;
	v18 =	vld.idx.msk [tilespmem:v26+s7+$0x0], $0xffff  }
0x1ce: {  	v1 =	vsub.f32 v1, v63;
	v4 =	vsub.f32 v50, v4;
	v63 =	vcvt.s32.f32 v28;
	v55 =	vld.idx.msk [tilespmem:v49+s24+$0x0], $0xffff  }
0x1cf: {  	v0 =	vsub.f32 v0, v52;
	[tilespmem:s9+$0x180] =	vst v29;
	v45 =	vcvt.s32.f32 v14;
	v26 =	vcvt.f32.s32 v58;
	v46 =	vld.idx.msk [tilespmem:v27+s24+$0x0], $0xffff  }
0x1d0: {  	s14 =	simm.s32 $0x13F40;
	v1 =	vmul.f32 v1, v10;
	v58 =	vld.idx.msk [tilespmem:v14+s24+$0x0], $0xffff;
	[tilespmem:s9+$0x1F0] =	vst v9;
	v9 =	vmul.f32 v10, v41  }
0x1d1: {  	v29 =	vsub.f32 v11, v45;
	v10 =	vld.idx.msk [tilespmem:v28+s24+$0x0], $0xffff;
	v0 =	vmul.f32 v0, v57;
	[tilespmem:s14+$0x30] =	vst v3;
	v3 =	vcvt.s32.f32 v27  }
0x1d2: {  	v11 =	vmul.f32 v57, v37;
	v1 =	vadd.f32 v1, v23;
	v61 =	vcvt.s32.f32 v26;
	v57 =	vld.idx.msk [tilespmem:v34+s26+$0x0], $0xffff  }
0x1d3: {  	[tilespmem:s9+$0x190] =	vst v30;
	v23 =	vld.idx.msk [tilespmem:v14+s5+$0x0], $0xffff;
	v3 =	vsub.f32 v43, v3;
	v30 =	vmul.f32 v4, v55;
	v4 =	vcvt.s32.f32 v34  }
0x1d4: {  	v2 =	vmul.f32 v42, v2;
	v20 =	vmul.f32 v20, v53;
	v21 =	vsub.f32 v47, v63;
	v34 =	vld.idx.msk [tilespmem:v34+s7+$0x0], $0xffff  }
0x1d5: {  	[tilespmem:s10+$0x80] =	vst v1;
	v12 =	vsub.f32 v39, v61;
	v61 =	vmul.f32 v3, v46;
	v3 =	vsub.f32 v54, v4  }
0x1d6: {  	v0 =	vadd.f32 v0, v13;
	v14 =	vmul.f32 v55, v33;
	v62 =	vld.idx.msk [tilespmem:v26+s24+$0x0], $0xffff;
	v29 =	vmul.f32 v29, v58  }
0x1d7: {  	v1 =	vld.idx.msk [tilespmem:v27+s5+$0x0], $0xffff;
	v4 =	vadd.f32 v40, v59;
	v21 =	vmul.f32 v21, v10;
	v27 =	vmul.f32 v3, v57  }
0x1d8: {  	v63 =	vld [tilespmem:s12+$0x100];
	[tilespmem:s10+$0x90] =	vst v0;
	v0 =	vadd.f32 v29, v23;
	v29 =	vmul.f32 v15, v44;
	v2 =	vmul.f32 v57, v2  }
0x1d9: {  	v26 =	vld.idx.msk [tilespmem:v26+s5+$0x0], $0xffff;
	v23 =	vmul.f32 v44, v8;
	v8 =	vmul.f32 v48, v6;
	v27 =	vadd.f32 v27, v34  }
0x1da: {  	v15 =	vmul.f32 v53, v7;
	[tilespmem:s9+$0x1A0] =	vst v4;
	v2 =	vmul.f32 $1.000000010e+24, v2  }
0x1db: {  	s15 =	simm.s32 $0x13FC0;
	v39 =	vmul.f32 v12, v62;
	v13 =	vmul.f32 v62, v35;
	v62 =	vld.idx.msk [tilespmem:v28+s5+$0x0], $0xffff;
	[tilespmem:s10+$0x1F0] =	vst v27  }
0x1dc: {  	v24 =	vadd.f32 v30, v24;
	v7 =	vmul.f32 $1.000000010e+24, v31;
	v4 =	vmul.f32 v46, v32;
	[tilespmem:s15+$0x30] =	vst v2;
	v2 =	vld [tilespmem:s12+$0x110]  }
0x1dd: {  	[tilespmem:s10+$0xA0] =	vst v0;
	v6 =	vmul.f32 $1.000000000e+03, v63;
	v12 =	vmul.f32 v58, v38;
	v28 =	vadd.f32 v61, v1  }
0x1de: {  	v1 =	vmul.f32 v51, v56;
	v30 =	vadd.f32 v39, v26;
	v3 =	vmul.f32 v10, v36;
	v10 =	vld.idx.msk [tilespmem:v22+s7+$0x0], $0xffff  }
0x1df: {  	s17 =	sshll.u32 s18, $0x5;
	[tilespmem:s10+$0xB0] =	vst v24;
	v26 =	vld [tilespmem:s12+$0x120];
	v22 =	vmul.f32 v16, v48;
	v16 =	vmul.f32 v56, v5  }
0x1e0: {  	s17 =	sadd.s32 s8, s17;
	s2 =	simm.s32 $0x4900;
	s1 =	simm.s32 $0x8;
	v5 =	vadd.f32 v29, v60;
	[tilespmem:s10+$0xC0] =	vst v30;
	v32 =	vadd.f32 v21, v62;
	v21 =	vmul.f32 $1.000000010e+24, v25;
	v27 =	vld [tilespmem:s12+$0x130]  }
.LBB2_3:
0x1e1: {  	v0 =	vld [tilespmem:s2+$0xFFFFFE70];
	v24 =	vtrunc.f32 v6;
	v2 =	vmul.f32 $1.000000000e+03, v2;
	[tilespmem:s10+$0xD0] =	vst v28;
	v19 =	vadd.f32 v22, v19  }
0x1e2: {  	s1 =	sadd.s32 $0x8, s1;
	v17 =	vmul.f32 $1.000000010e+24, v17;
	v20 =	vadd.f32 v20, v18;
	v22 =	vld [tilespmem:s2+$0xFFFFFE10];
	v24 =	vcvt.f32.s32 v24;
	[tilespmem:s10+$0xE0] =	vst v32  }
0x1e3: {  	v1 =	vadd.f32 v1, v10;
	p0 =	slt.u32 s1, $0x78;
	v25 =	vld [tilespmem:s2+$0xFFFFFE20];
	v18 =	vtrunc.f32 v2;
	[tilespmem:s14+$0xFFFFFFC0] =	vst v21;
	v21 =	vmul.f32 $1.000000010e+24, v23  }
0x1e4: {  	v23 =	vld [tilespmem:s2+$0xFFFFFE30];
	v18 =	vcvt.f32.s32 v18;
	v10 =	vmul.f32 $1.000000000e+03, v26;
	[tilespmem:s14+$0xFFFFFFD0] =	vst v7  }
0x1e5: {  	v28 =	vcvt.s32.f32 v24;
	v7 =	vld [tilespmem:s2+$0xFFFFFE40];
	v26 =	vmul.f32 $1.000000000e+03, v27;
	[tilespmem:s14+$0xFFFFFFE0] =	vst v17  }
0x1e6: {  	v17 =	vld [tilespmem:s2+$0xFFFFFE50];
	v0 =	vmul.f32 $1.000000000e+03, v0;
	v31 =	vtrunc.f32 v10;
	[tilespmem:s9+$0x1B0] =	vst v5  }
0x1e7: {  	v28 =	vsub.f32 v6, v28;
	v22 =	vmul.f32 $1.000000000e+03, v22;
	v5 =	vld [tilespmem:s2+$0xFFFFFE60];
	v32 =	vtrunc.f32 v26;
	[tilespmem:s14+$0xFFFFFFF0] =	vst v21  }
0x1e8: {  	v6 =	vld [tilespmem:s2+$0xFFFFFE00];
	v21 =	vmul.f32 $1.000000000e+03, v25;
	v25 =	vtrunc.f32 v0;
	[tilespmem:s9+$0x1C0] =	vst v19  }
0x1e9: {  	v23 =	vmul.f32 $1.000000000e+03, v23;
	v19 =	vcvt.f32.s32 v25;
	v25 =	vld [tilespmem:s12+$0x140];
	[tilespmem:s9+$0x1D0] =	vst v20  }
0x1ea: {  	v20 =	vtrunc.f32 v22;
	v33 =	vmul.f32 $1.000000000e+03, v7;
	v34 =	vld [tilespmem:s12+$0x150];
	[tilespmem:s9+$0x1E0] =	vst v1;
	s9 =	smov.u32 s10  }
0x1eb: {  	v7 =	vtrunc.f32 v21;
	v35 =	vmul.f32 $1.000000000e+03, v17;
	v36 =	vld [tilespmem:s12+$0x160]  }
0x1ec: {  	v17 =	vtrunc.f32 v23;
	v37 =	vmul.f32 $1.000000000e+03, v5;
	v27 =	vld.idx.msk [tilespmem:v24+s25+$0x0], $0xffff  }
0x1ed: {  	v38 =	vtrunc.f32 v33;
	v6 =	vmul.f32 $1.000000000e+03, v6;
	v5 =	vld.idx.msk [tilespmem:v18+s25+$0x0], $0xffff  }
0x1ee: {  	v39 =	vtrunc.f32 v35;
	v40 =	vtrunc.f32 v37;
	v30 =	vld.idx.msk [tilespmem:v24+s6+$0x0], $0xffff  }
0x1ef: {  	v41 =	vcvt.f32.s32 v20;
	v24 =	vtrunc.f32 v6;
	v1 =	vld.idx.msk [tilespmem:v19+s19+$0x0], $0xffff  }
0x1f0: {  	v42 =	vcvt.f32.s32 v7;
	v24 =	vcvt.f32.s32 v24;
	v29 =	vld.idx.msk [tilespmem:v18+s6+$0x0], $0xffff  }
0x1f1: {  	v7 =	vcvt.s32.f32 v19;
	v43 =	vcvt.f32.s32 v17;
	v17 =	vld.idx.msk [tilespmem:v19+s3+$0x0], $0xffff  }
0x1f2: {  	v38 =	vcvt.f32.s32 v38;
	v39 =	vcvt.f32.s32 v39  }
0x1f3: {  	v0 =	vsub.f32 v0, v7;
	v40 =	vcvt.f32.s32 v40;
	v19 =	vcvt.s32.f32 v24  }
0x1f4: {  	v44 =	vcvt.s32.f32 v41;
	v45 =	vcvt.s32.f32 v42  }
0x1f5: {  	v46 =	vsub.f32 v6, v19;
	v6 =	vcvt.s32.f32 v43;
	v0 =	vmul.f32 v0, v1;
	v7 =	vld.idx.msk [tilespmem:v41+s19+$0x0], $0xffff  }
0x1f6: {  	v22 =	vsub.f32 v22, v44;
	v44 =	vcvt.s32.f32 v38;
	v47 =	vcvt.s32.f32 v39;
	v20 =	vld.idx.msk [tilespmem:v24+s19+$0x0], $0xffff  }
0x1f7: {  	v45 =	vsub.f32 v21, v45;
	v21 =	vcvt.s32.f32 v40;
	v0 =	vadd.f32 v0, v17;
	v19 =	vld.idx.msk [tilespmem:v42+s19+$0x0], $0xffff  }
0x1f8: {  	s10 =	sadd.s32 $0x400, s10;
	v33 =	vsub.f32 v33, v44;
	v44 =	vmul.f32 $1.000000000e+03, v25;
	v23 =	vsub.f32 v23, v6;
	v17 =	vld.idx.msk [tilespmem:v43+s19+$0x0], $0xffff  }
0x1f9: {  	v25 =	vsub.f32 v35, v47;
	v35 =	vsub.f32 v37, v21;
	v6 =	vld.idx.msk [tilespmem:v38+s19+$0x0], $0xffff;
	[tilespmem:s10+$0xFFFFFE70] =	vst v0;
	v0 =	vmul.f32 $1.000000000e+03, v34  }
0x1fa: {  	v36 =	vmul.f32 $1.000000000e+03, v36;
	v37 =	vtrunc.f32 v44;
	v34 =	vld [tilespmem:s2+$0xFFFFFEF0]  }
0x1fb: {  	v47 =	vmul.f32 v22, v7;
	v21 =	vld.idx.msk [tilespmem:v39+s19+$0x0], $0xffff;
	v48 =	vtrunc.f32 v0  }
0x1fc: {  	v49 =	vtrunc.f32 v36;
	v46 =	vmul.f32 v46, v20;
	v22 =	vld.idx.msk [tilespmem:v40+s19+$0x0], $0xffff  }
0x1fd: {  	v31 =	vcvt.f32.s32 v31;
	v45 =	vmul.f32 v45, v19;
	v24 =	vld.idx.msk [tilespmem:v24+s3+$0x0], $0xffff  }
0x1fe: {  	v51 =	vcvt.f32.s32 v32;
	v50 =	vmul.f32 v23, v17;
	v41 =	vld.idx.msk [tilespmem:v41+s3+$0x0], $0xffff  }
0x1ff: {  	v33 =	vmul.f32 v33, v6;
	v32 =	vld.idx.msk [tilespmem:v42+s3+$0x0], $0xffff;
	v34 =	vmul.f32 $1.000000000e+03, v34  }
0x200: {  	v37 =	vcvt.f32.s32 v37;
	v23 =	vcvt.f32.s32 v48;
	v42 =	vld.idx.msk [tilespmem:v43+s3+$0x0], $0xffff  }
0x201: {  	v43 =	vmul.f32 v25, v21;
	v38 =	vld.idx.msk [tilespmem:v38+s3+$0x0], $0xffff;
	v25 =	vtrunc.f32 v34  }
0x202: {  	v35 =	vmul.f32 v35, v22;
	v39 =	vld.idx.msk [tilespmem:v39+s3+$0x0], $0xffff;
	v48 =	vcvt.f32.s32 v25  }
0x203: {  	v25 =	vadd.f32 v46, v24;
	v46 =	vcvt.s32.f32 v18;
	v18 =	vcvt.f32.s32 v49;
	v40 =	vld.idx.msk [tilespmem:v40+s3+$0x0], $0xffff  }
0x204: {  	v49 =	vcvt.s32.f32 v51;
	v41 =	vadd.f32 v47, v41;
	v47 =	vcvt.s32.f32 v31;
	v24 =	vld.idx.msk [tilespmem:v31+s25+$0x0], $0xffff  }
0x205: {  	v52 =	vcvt.s32.f32 v23;
	v32 =	vadd.f32 v45, v32;
	v45 =	vcvt.s32.f32 v37;
	[tilespmem:s10+$0xFFFFFE00] =	vst v25;
	v25 =	vld.idx.msk [tilespmem:v51+s25+$0x0], $0xffff  }
0x206: {  	v53 =	vld [tilespmem:s2+$0xFFFFFE80];
	[tilespmem:s10+$0xFFFFFE10] =	vst v41;
	v41 =	vadd.f32 v50, v42;
	v42 =	vsub.f32 v2, v46;
	v46 =	vcvt.s32.f32 v18  }
0x207: {  	v28 =	vmul.f32 v28, v27;
	v10 =	vsub.f32 v10, v47;
	v50 =	vld [tilespmem:s2+$0xFFFFFE90];
	[tilespmem:s10+$0xFFFFFE20] =	vst v32;
	v32 =	vadd.f32 v33, v38  }
0x208: {  	v8 =	vmul.f32 $1.000000010e+24, v8;
	v26 =	vsub.f32 v26, v49;
	v33 =	vadd.f32 v43, v39;
	[tilespmem:s10+$0xFFFFFE30] =	vst v41;
	v2 =	vld.idx.msk [tilespmem:v48+s20+$0x0], $0xffff  }
0x209: {  	v39 =	vsub.f32 v44, v45;
	v38 =	vld [tilespmem:s2+$0xFFFFFEA0];
	[tilespmem:s10+$0xFFFFFE40] =	vst v32;
	v32 =	vadd.f32 v35, v40;
	v35 =	vmul.f32 v42, v5  }
0x20a: {  	v0 =	vsub.f32 v0, v52;
	v36 =	vsub.f32 v36, v46;
	[tilespmem:s10+$0xFFFFFE50] =	vst v33;
	v33 =	vcvt.s32.f32 v48;
	v40 =	vld.idx.msk [tilespmem:v48+s31+$0x0], $0xffff  }
0x20b: {  	v28 =	vadd.f32 v28, v30;
	v30 =	vmul.f32 v10, v24;
	v41 =	vmul.f32 $1.000000000e+03, v53;
	v42 =	vld [tilespmem:s2+$0xFFFFFEB0];
	[tilespmem:s10+$0xFFFFFE60] =	vst v32  }
0x20c: {  	v26 =	vmul.f32 v26, v25;
	v43 =	vmul.f32 $1.000000000e+03, v50;
	v32 =	vld [tilespmem:s2+$0xFFFFFEC0];
	v33 =	vsub.f32 v34, v33;
	[tilespmem:s14+$0x0] =	vst v8  }
0x20d: {  	v10 =	vmul.f32 v27, v9;
	v9 =	vadd.f32 v35, v29;
	v8 =	vtrunc.f32 v41;
	v34 =	vld [tilespmem:s2+$0xFFFFFED0];
	[tilespmem:s9+$0x100] =	vst v28  }
0x20e: {  	v27 =	vmul.f32 $1.000000000e+03, v38;
	v28 =	vld [tilespmem:s2+$0xFFFFFEE0];
	v29 =	vmul.f32 v33, v2  }
0x20f: {  	v8 =	vcvt.f32.s32 v8;
	v33 =	vtrunc.f32 v43;
	[tilespmem:s9+$0x110] =	vst v9;
	v35 =	vld.idx.msk [tilespmem:v37+s25+$0x0], $0xffff  }
0x210: {  	v9 =	vtrunc.f32 v27;
	v38 =	vmul.f32 $1.000000000e+03, v42;
	v29 =	vadd.f32 v29, v40;
	v40 =	vld.idx.msk [tilespmem:v23+s25+$0x0], $0xffff  }
0x211: {  	v33 =	vcvt.f32.s32 v33;
	v42 =	vmul.f32 $1.000000000e+03, v32;
	v32 =	vld.idx.msk [tilespmem:v18+s25+$0x0], $0xffff  }
0x212: {  	v44 =	vtrunc.f32 v38;
	v34 =	vmul.f32 $1.000000000e+03, v34;
	[tilespmem:s10+$0xFFFFFEF0] =	vst v29;
	v29 =	vld.idx.msk [tilespmem:v31+s6+$0x0], $0xffff  }
0x213: {  	v31 =	vtrunc.f32 v42;
	v28 =	vmul.f32 $1.000000000e+03, v28;
	v45 =	vld [tilespmem:s2+$0xFFFFFF70]  }
0x214: {  	v9 =	vcvt.f32.s32 v9;
	v46 =	vtrunc.f32 v34;
	v47 =	vld.idx.msk [tilespmem:v51+s6+$0x0], $0xffff  }
0x215: {  	v44 =	vcvt.f32.s32 v44;
	v48 =	vld.idx.msk [tilespmem:v8+s20+$0x0], $0xffff;
	v49 =	vtrunc.f32 v28  }
0x216: {  	v31 =	vcvt.f32.s32 v31;
	v46 =	vcvt.f32.s32 v46;
	v50 =	vld.idx.msk [tilespmem:v8+s31+$0x0], $0xffff  }
0x217: {  	v8 =	vcvt.s32.f32 v8;
	v49 =	vcvt.f32.s32 v49;
	v51 =	vld.idx.msk [tilespmem:v33+s20+$0x0], $0xffff  }
0x218: {  	v52 =	vcvt.s32.f32 v33;
	v29 =	vadd.f32 v30, v29;
	v33 =	vld.idx.msk [tilespmem:v33+s31+$0x0], $0xffff;
	v45 =	vmul.f32 $1.000000000e+03, v45  }
0x219: {  	v30 =	vcvt.s32.f32 v9;
	v8 =	vsub.f32 v41, v8;
	v41 =	vcvt.s32.f32 v44;
	v37 =	vld.idx.msk [tilespmem:v37+s6+$0x0], $0xffff  }
0x21a: {  	v43 =	vsub.f32 v43, v52;
	v53 =	vcvt.s32.f32 v31;
	v52 =	vld.idx.msk [tilespmem:v9+s20+$0x0], $0xffff;
	v54 =	vtrunc.f32 v45;
	[tilespmem:s9+$0x120] =	vst v29  }
0x21b: {  	v27 =	vsub.f32 v27, v30;
	v29 =	vcvt.s32.f32 v46;
	v30 =	vld.idx.msk [tilespmem:v44+s20+$0x0], $0xffff;
	v54 =	vcvt.f32.s32 v54  }
0x21c: {  	v38 =	vsub.f32 v38, v41;
	v41 =	vsub.f32 v42, v53;
	v53 =	vcvt.s32.f32 v49;
	v42 =	vld.idx.msk [tilespmem:v31+s20+$0x0], $0xffff  }
0x21d: {  	v8 =	vmul.f32 v8, v48;
	v43 =	vmul.f32 v43, v51;
	v29 =	vsub.f32 v34, v29;
	v34 =	vld.idx.msk [tilespmem:v46+s20+$0x0], $0xffff  }
0x21e: {  	v39 =	vmul.f32 v39, v35;
	v0 =	vmul.f32 v0, v40;
	v28 =	vsub.f32 v28, v53;
	v53 =	vld.idx.msk [tilespmem:v49+s20+$0x0], $0xffff  }
0x21f: {  	v36 =	vmul.f32 v36, v32;
	v8 =	vadd.f32 v8, v50;
	v33 =	vadd.f32 v43, v33;
	v43 =	vld.idx.msk [tilespmem:v9+s31+$0x0], $0xffff  }
0x220: {  	v47 =	vadd.f32 v26, v47;
	v37 =	vadd.f32 v39, v37;
	v50 =	vmul.f32 v27, v52;
	v44 =	vld.idx.msk [tilespmem:v44+s31+$0x0], $0xffff  }
0x221: {  	v27 =	vmul.f32 v48, v20;
	[tilespmem:s10+$0xFFFFFE80] =	vst v8;
	v8 =	vmul.f32 v38, v30;
	v9 =	vld.idx.msk [tilespmem:v54+s21+$0x0], $0xffff  }
0x222: {  	v26 =	vmul.f32 v51, v7;
	v20 =	vmul.f32 v41, v42;
	[tilespmem:s10+$0xFFFFFE90] =	vst v33;
	v7 =	vld.idx.msk [tilespmem:v31+s31+$0x0], $0xffff  }
0x223: {  	v33 =	vmul.f32 v29, v34;
	v31 =	vcvt.s32.f32 v54;
	v38 =	vld.idx.msk [tilespmem:v54+s0+$0x0], $0xffff;
	[tilespmem:s9+$0x130] =	vst v47  }
0x224: {  	v29 =	vmul.f32 v52, v19;
	v39 =	vmul.f32 v28, v53;
	v19 =	vld.idx.msk [tilespmem:v46+s31+$0x0], $0xffff;
	[tilespmem:s9+$0x140] =	vst v37  }
0x225: {  	v30 =	vmul.f32 v30, v17;
	v37 =	vadd.f32 v50, v43;
	v17 =	vsub.f32 v45, v31;
	v41 =	vld.idx.msk [tilespmem:v49+s31+$0x0], $0xffff  }
0x226: {  	v28 =	vmul.f32 v34, v21;
	v31 =	vmul.f32 v42, v6;
	v8 =	vadd.f32 v8, v44;
	v43 =	vld [tilespmem:s2+$0xFFFFFF00]  }
0x227: {  	v22 =	vmul.f32 v53, v22;
	v6 =	vmul.f32 v17, v9;
	v21 =	vld [tilespmem:s2+$0xFFFFFF10];
	[tilespmem:s10+$0xFFFFFEA0] =	vst v37  }
0x228: {  	v17 =	vmul.f32 v5, v11;
	v11 =	vmul.f32 v24, v12;
	v7 =	vadd.f32 v20, v7;
	v34 =	vld [tilespmem:s2+$0xFFFFFF20];
	[tilespmem:s10+$0xFFFFFEB0] =	vst v8  }
0x229: {  	v5 =	vmul.f32 v35, v13;
	v20 =	vadd.f32 v6, v38;
	v8 =	vmul.f32 v25, v14;
	v12 =	vld [tilespmem:s2+$0xFFFFFF30]  }
0x22a: {  	v6 =	vmul.f32 v40, v4;
	v4 =	vmul.f32 $1.000000010e+24, v15;
	v13 =	vadd.f32 v33, v19;
	[tilespmem:s10+$0xFFFFFEC0] =	vst v7;
	v14 =	vld.idx.msk [tilespmem:v23+s6+$0x0], $0xffff  }
0x22b: {  	v23 =	vadd.f32 v39, v41;
	v7 =	vmul.f32 v32, v3;
	v15 =	vmul.f32 $1.000000000e+03, v43;
	v19 =	vld [tilespmem:s2+$0xFFFFFF40];
	[tilespmem:s10+$0xFFFFFF70] =	vst v20  }
0x22c: {  	v20 =	vmul.f32 $1.000000000e+03, v21;
	[tilespmem:s10+$0xFFFFFED0] =	vst v13;
	v3 =	vld [tilespmem:s2+$0xFFFFFFF0];
	v13 =	vmul.f32 $1.000000010e+24, v16  }
0x22d: {  	v16 =	vtrunc.f32 v15;
	v21 =	vmul.f32 $1.000000000e+03, v34;
	v24 =	vld [tilespmem:s2+$0xFFFFFF50];
	[tilespmem:s10+$0xFFFFFEE0] =	vst v23  }
0x22e: {  	v23 =	vtrunc.f32 v20;
	v12 =	vmul.f32 $1.000000000e+03, v12;
	v25 =	vld [tilespmem:s2+$0xFFFFFF60];
	[tilespmem:s14+$0x10] =	vst v4  }
0x22f: {  	v4 =	vcvt.f32.s32 v16;
	v16 =	vtrunc.f32 v21;
	v18 =	vld.idx.msk [tilespmem:v18+s6+$0x0], $0xffff;
	[tilespmem:s14+$0x20] =	vst v13;
	s14 =	smov.u32 s15  }
0x230: {  	v0 =	vadd.f32 v0, v14;
	v13 =	vtrunc.f32 v12;
	v19 =	vmul.f32 $1.000000000e+03, v19;
	v32 =	vld [tilespmem:s12+$0x180]  }
0x231: {  	v14 =	vcvt.f32.s32 v23;
	v23 =	vmul.f32 $1.000000000e+03, v3;
	v33 =	vld [tilespmem:s12+$0x190]  }
0x232: {  	v3 =	vtrunc.f32 v19;
	v24 =	vmul.f32 $1.000000000e+03, v24;
	v34 =	vld [tilespmem:s12+$0x1A0];
	[tilespmem:s9+$0x150] =	vst v0  }
0x233: {  	v0 =	vmul.f32 $1.000000000e+03, v25;
	v25 =	vtrunc.f32 v23;
	v35 =	vld [tilespmem:s12+$0x1B0]  }
0x234: {  	v37 =	vtrunc.f32 v24;
	v25 =	vcvt.f32.s32 v25;
	v38 =	vld [tilespmem:s12+$0x1C0]  }
0x235: {  	v16 =	vcvt.f32.s32 v16;
	v18 =	vadd.f32 v36, v18;
	v39 =	vld.idx.msk [tilespmem:v4+s21+$0x0], $0xffff;
	v40 =	vtrunc.f32 v0  }
0x236: {  	v13 =	vcvt.f32.s32 v13;
	v41 =	vcvt.f32.s32 v3;
	v36 =	vld.idx.msk [tilespmem:v4+s0+$0x0], $0xffff  }
0x237: {  	v37 =	vcvt.f32.s32 v37;
	v40 =	vcvt.f32.s32 v40;
	v42 =	vld.idx.msk [tilespmem:v14+s21+$0x0], $0xffff;
	[tilespmem:s9+$0x160] =	vst v18  }
0x238: {  	v3 =	vcvt.s32.f32 v4;
	v4 =	vcvt.s32.f32 v14;
	v14 =	vld.idx.msk [tilespmem:v14+s0+$0x0], $0xffff  }
0x239: {  	v43 =	vcvt.s32.f32 v13;
	v18 =	vcvt.s32.f32 v16;
	v44 =	vld [tilespmem:s12+$0x1D0]  }
0x23a: {  	v15 =	vsub.f32 v15, v3;
	v45 =	vcvt.s32.f32 v41;
	v46 =	vcvt.s32.f32 v37;
	v3 =	vld.idx.msk [tilespmem:v25+s22+$0x0], $0xffff  }
0x23b: {  	v4 =	vsub.f32 v20, v4;
	v20 =	vcvt.s32.f32 v40;
	v18 =	vsub.f32 v21, v18;
	v47 =	vld.idx.msk [tilespmem:v16+s21+$0x0], $0xffff  }
0x23c: {  	v43 =	vsub.f32 v12, v43;
	v12 =	vcvt.s32.f32 v25;
	v45 =	vsub.f32 v19, v45;
	v25 =	vld.idx.msk [tilespmem:v25+s4+$0x0], $0xffff  }
0x23d: {  	v24 =	vsub.f32 v24, v46;
	v15 =	vmul.f32 v15, v39;
	v0 =	vsub.f32 v0, v20;
	v48 =	vld.idx.msk [tilespmem:v13+s21+$0x0], $0xffff  }
0x23e: {  	v12 =	vsub.f32 v23, v12;
	v21 =	vmul.f32 $1.000000000e+03, v32;
	v4 =	vmul.f32 v4, v42;
	v46 =	vld.idx.msk [tilespmem:v41+s21+$0x0], $0xffff  }
0x23f: {  	v20 =	vmul.f32 $1.000000000e+03, v33;
	v23 =	vadd.f32 v15, v36;
	v15 =	vmul.f32 $1.000000000e+03, v34;
	v36 =	vld.idx.msk [tilespmem:v37+s21+$0x0], $0xffff  }
0x240: {  	v19 =	vmul.f32 $1.000000000e+03, v35;
	v4 =	vadd.f32 v4, v14;
	v12 =	vmul.f32 v12, v3;
	v14 =	vld.idx.msk [tilespmem:v40+s21+$0x0], $0xffff  }
0x241: {  	v18 =	vmul.f32 v18, v47;
	[tilespmem:s10+$0xFFFFFF00] =	vst v23;
	v23 =	vld.idx.msk [tilespmem:v16+s0+$0x0], $0xffff;
	v16 =	vmul.f32 $1.000000000e+03, v38  }
0x242: {  	v32 =	vmul.f32 v39, v27;
	[tilespmem:s10+$0xFFFFFF10] =	vst v4;
	v4 =	vld.idx.msk [tilespmem:v13+s0+$0x0], $0xffff;
	v13 =	vadd.f32 v12, v25;
	v12 =	vmul.f32 $1.000000000e+03, v44  }
0x243: {  	v33 =	vmul.f32 v42, v26;
	v25 =	vmul.f32 v43, v48;
	v34 =	vld.idx.msk [tilespmem:v41+s0+$0x0], $0xffff  }
0x244: {  	v26 =	vmul.f32 v47, v29;
	v29 =	vmul.f32 v45, v46;
	v35 =	vld.idx.msk [tilespmem:v37+s0+$0x0], $0xffff;
	[tilespmem:s10+$0xFFFFFFF0] =	vst v13  }
0x245: {  	v27 =	vmul.f32 v48, v30;
	v13 =	vmul.f32 v24, v36;
	v30 =	vld [tilespmem:s2+$0x70]  }
0x246: {  	v24 =	vmul.f32 v46, v31;
	v0 =	vmul.f32 v0, v14;
	v31 =	vld.idx.msk [tilespmem:v40+s0+$0x0], $0xffff  }
0x247: {  	v22 =	vmul.f32 v14, v22;
	v18 =	vadd.f32 v18, v23;
	v23 =	vmul.f32 v36, v28;
	v39 =	vld [tilespmem:s2+$0xFFFFFF80]  }
0x248: {  	v28 =	vtrunc.f32 v21;
	v36 =	vtrunc.f32 v20;
	v4 =	vadd.f32 v25, v4;
	v14 =	vld [tilespmem:s2+$0xFFFFFF90]  }
0x249: {  	v40 =	vtrunc.f32 v15;
	v25 =	vtrunc.f32 v19;
	[tilespmem:s10+$0xFFFFFF20] =	vst v18;
	v18 =	vadd.f32 v29, v34;
	v29 =	vld [tilespmem:s12+$0x1E0];
	s12 =	smov.u32 s2  }
0x24a: {  	v34 =	vld [tilespmem:s2+$0xFFFFFFA0];
	[tilespmem:s10+$0xFFFFFF30] =	vst v4;
	v4 =	vadd.f32 v13, v35;
	v35 =	vmul.f32 $1.000000000e+03, v30;
	v30 =	vtrunc.f32 v16  }
0x24b: {  	v38 =	vtrunc.f32 v12;
	v37 =	vcvt.f32.s32 v28;
	v41 =	vld [tilespmem:s2+$0xFFFFFFB0];
	[tilespmem:s10+$0xFFFFFF40] =	vst v18  }
0x24c: {  	v0 =	vadd.f32 v0, v31;
	v28 =	vmul.f32 $1.000000000e+03, v39;
	v18 =	vld [tilespmem:s2+$0xFFFFFFC0];
	[tilespmem:s10+$0xFFFFFF50] =	vst v4;
	v4 =	vtrunc.f32 v35  }
0x24d: {  	v31 =	vmul.f32 $1.000000000e+03, v14;
	v14 =	vld [tilespmem:s2+$0xFFFFFFD0];
	v39 =	vcvt.f32.s32 v4  }
0x24e: {  	v4 =	vtrunc.f32 v28;
	[tilespmem:s10+$0xFFFFFF60] =	vst v0;
	v13 =	vmul.f32 $1.000000000e+03, v29  }
0x24f: {  	v0 =	vtrunc.f32 v31;
	v29 =	vmul.f32 $1.000000000e+03, v34;
	v34 =	vld [tilespmem:s2+$0xFFFFFFE0]  }
0x250: {  	v42 =	vcvt.f32.s32 v4;
	v41 =	vmul.f32 $1.000000000e+03, v41  }
0x251: {  	v43 =	vtrunc.f32 v29;
	v44 =	vmul.f32 $1.000000000e+03, v18;
	v18 =	vld.idx.msk [tilespmem:v37+s26+$0x0], $0xffff  }
0x252: {  	v45 =	vtrunc.f32 v41;
	v46 =	vmul.f32 $1.000000000e+03, v14;
	v14 =	vld.idx.msk [tilespmem:v37+s7+$0x0], $0xffff  }
0x253: {  	v0 =	vcvt.f32.s32 v0;
	v47 =	vtrunc.f32 v44;
	v4 =	vld.idx.msk [tilespmem:v39+s23+$0x0], $0xffff  }
0x254: {  	v48 =	vtrunc.f32 v46;
	v34 =	vmul.f32 $1.000000000e+03, v34  }
0x255: {  	v49 =	vcvt.s32.f32 v39;
	v43 =	vcvt.f32.s32 v43;
	v39 =	vld.idx.msk [tilespmem:v39+s28+$0x0], $0xffff  }
0x256: {  	v45 =	vcvt.f32.s32 v45;
	v50 =	vld.idx.msk [tilespmem:v42+s22+$0x0], $0xffff;
	v51 =	vtrunc.f32 v34  }
0x257: {  	v35 =	vsub.f32 v35, v49;
	v47 =	vcvt.f32.s32 v47;
	v48 =	vcvt.f32.s32 v48;
	v52 =	vld.idx.msk [tilespmem:v42+s4+$0x0], $0xffff  }
0x258: {  	v42 =	vcvt.s32.f32 v42;
	v49 =	vcvt.f32.s32 v51  }
0x259: {  	v51 =	vcvt.s32.f32 v0;
	v35 =	vmul.f32 v35, v4;
	v53 =	vld.idx.msk [tilespmem:v0+s22+$0x0], $0xffff  }
0x25a: {  	v54 =	vcvt.s32.f32 v45;
	v28 =	vsub.f32 v28, v42;
	v42 =	vcvt.s32.f32 v43;
	v0 =	vld.idx.msk [tilespmem:v0+s4+$0x0], $0xffff  }
0x25b: {  	v56 =	vcvt.s32.f32 v47;
	v57 =	vcvt.s32.f32 v48;
	v35 =	vadd.f32 v35, v39;
	v55 =	vld.idx.msk [tilespmem:v43+s22+$0x0], $0xffff  }
0x25c: {  	v31 =	vsub.f32 v31, v51;
	v39 =	vsub.f32 v29, v42;
	v29 =	vcvt.s32.f32 v49;
	v42 =	vld.idx.msk [tilespmem:v45+s22+$0x0], $0xffff  }
0x25d: {  	v41 =	vsub.f32 v41, v54;
	v54 =	vtrunc.f32 v13;
	v44 =	vsub.f32 v44, v56;
	v51 =	vld.idx.msk [tilespmem:v47+s22+$0x0], $0xffff;
	[tilespmem:s10+$0x70] =	vst v35  }
0x25e: {  	v46 =	vsub.f32 v46, v57;
	v28 =	vmul.f32 v28, v50;
	v56 =	vsub.f32 v34, v29;
	v35 =	vld [tilespmem:s2+$0xF0]  }
0x25f: {  	v32 =	vmul.f32 v50, v32;
	v31 =	vmul.f32 v31, v53;
	v50 =	vld.idx.msk [tilespmem:v48+s22+$0x0], $0xffff  }
0x260: {  	v28 =	vadd.f32 v28, v52;
	v29 =	vmul.f32 v53, v33;
	v53 =	vcvt.f32.s32 v36;
	v52 =	vld.idx.msk [tilespmem:v49+s22+$0x0], $0xffff  }
0x261: {  	v0 =	vadd.f32 v31, v0;
	v36 =	vmul.f32 v39, v55;
	v33 =	vmul.f32 v55, v26;
	v31 =	vld.idx.msk [tilespmem:v43+s4+$0x0], $0xffff  }
0x262: {  	v34 =	vmul.f32 v42, v27;
	[tilespmem:s10+$0xFFFFFF80] =	vst v28;
	v26 =	vld.idx.msk [tilespmem:v45+s4+$0x0], $0xffff;
	v28 =	vmul.f32 v41, v42  }
0x263: {  	v27 =	vmul.f32 v44, v51;
	[tilespmem:s10+$0xFFFFFF90] =	vst v0;
	v0 =	vld.idx.msk [tilespmem:v47+s4+$0x0], $0xffff;
	v39 =	vmul.f32 $1.000000000e+03, v35  }
0x264: {  	v35 =	vmul.f32 v51, v24;
	v24 =	vcvt.f32.s32 v40;
	v42 =	vld.idx.msk [tilespmem:v48+s4+$0x0], $0xffff  }
0x265: {  	v40 =	vmul.f32 v46, v50;
	v43 =	vld.idx.msk [tilespmem:v49+s4+$0x0], $0xffff;
	v41 =	vtrunc.f32 v39  }
0x266: {  	v45 =	vmul.f32 v56, v52;
	v44 =	vld [tilespmem:s2+$0x0];
	v46 =	vcvt.f32.s32 v41  }
0x267: {  	v48 =	vadd.f32 v36, v31;
	v41 =	vmul.f32 v50, v23;
	v36 =	vmul.f32 v52, v22;
	v47 =	vld [tilespmem:s2+$0x10]  }
0x268: {  	v22 =	vadd.f32 v28, v26;
	v28 =	vcvt.f32.s32 v25;
	v26 =	vcvt.f32.s32 v30;
	v31 =	vld.idx.msk [tilespmem:v53+s26+$0x0], $0xffff  }
0x269: {  	v25 =	vcvt.f32.s32 v54;
	v0 =	vadd.f32 v27, v0;
	v27 =	vcvt.f32.s32 v38;
	[tilespmem:s10+$0xFFFFFFA0] =	vst v48;
	v30 =	vld.idx.msk [tilespmem:v53+s7+$0x0], $0xffff  }
0x26a: {  	v37 =	vcvt.s32.f32 v37;
	v38 =	vld [tilespmem:s2+$0x20];
	[tilespmem:s10+$0xFFFFFFB0] =	vst v22;
	v22 =	vadd.f32 v40, v42;
	v40 =	vcvt.s32.f32 v53  }
0x26b: {  	v42 =	vcvt.s32.f32 v24;
	v44 =	vmul.f32 $1.000000000e+03, v44;
	v48 =	vld [tilespmem:s2+$0x30];
	[tilespmem:s10+$0xFFFFFFC0] =	vst v0;
	v0 =	vadd.f32 v45, v43  }
0x26c: {  	v45 =	vmul.f32 $1.000000000e+03, v47;
	[tilespmem:s10+$0xFFFFFFD0] =	vst v22;
	v23 =	vld.idx.msk [tilespmem:v46+s24+$0x0], $0xffff;
	v47 =	vsub.f32 v21, v37;
	v21 =	vcvt.s32.f32 v28  }
0x26d: {  	v43 =	vsub.f32 v20, v40;
	v22 =	vtrunc.f32 v44;
	v37 =	vld [tilespmem:s2+$0x40];
	[tilespmem:s10+$0xFFFFFFE0] =	vst v0;
	v0 =	vcvt.s32.f32 v26  }
0x26e: {  	v40 =	vcvt.s32.f32 v46;
	v42 =	vsub.f32 v15, v42;
	v20 =	vtrunc.f32 v45;
	v46 =	vld.idx.msk [tilespmem:v46+s5+$0x0], $0xffff  }
0x26f: {  	v49 =	vcvt.f32.s32 v22;
	v15 =	vsub.f32 v19, v21;
	v38 =	vmul.f32 $1.000000000e+03, v38;
	v50 =	vld [tilespmem:s2+$0x50]  }
0x270: {  	v51 =	vcvt.f32.s32 v20;
	v20 =	vsub.f32 v39, v40;
	v48 =	vmul.f32 $1.000000000e+03, v48;
	v52 =	vld [tilespmem:s2+$0x60]  }
0x271: {  	v16 =	vsub.f32 v16, v0;
	v21 =	vcvt.s32.f32 v49;
	v39 =	vtrunc.f32 v38;
	v19 =	vld.idx.msk [tilespmem:v24+s26+$0x0], $0xffff  }
0x272: {  	v0 =	vmul.f32 $1.000000000e+03, v37;
	v37 =	vmul.f32 v20, v23;
	v22 =	vld.idx.msk [tilespmem:v28+s26+$0x0], $0xffff  }
0x273: {  	v40 =	vsub.f32 v44, v21;
	v44 =	vcvt.f32.s32 v39;
	v39 =	vtrunc.f32 v48;
	v20 =	vld.idx.msk [tilespmem:v26+s26+$0x0], $0xffff  }
0x274: {  	v53 =	vtrunc.f32 v0;
	v50 =	vmul.f32 $1.000000000e+03, v50;
	v37 =	vadd.f32 v37, v46;
	v21 =	vld.idx.msk [tilespmem:v27+s26+$0x0], $0xffff  }
0x275: {  	v54 =	vcvt.f32.s32 v39;
	v46 =	vld.idx.msk [tilespmem:v49+s23+$0x0], $0xffff;
	v39 =	vmul.f32 $1.000000000e+03, v52  }
0x276: {  	v53 =	vcvt.f32.s32 v53;
	v52 =	vld.idx.msk [tilespmem:v51+s23+$0x0], $0xffff;
	v55 =	vtrunc.f32 v50;
	[tilespmem:s10+$0xF0] =	vst v37  }
0x277: {  	v37 =	vcvt.f32.s32 v55;
	v55 =	vtrunc.f32 v39;
	v56 =	vld [tilespmem:s2+$0x170]  }
0x278: {  	v57 =	vcvt.s32.f32 v51;
	v49 =	vld.idx.msk [tilespmem:v49+s28+$0x0], $0xffff;
	v55 =	vcvt.f32.s32 v55  }
0x279: {  	v58 =	vcvt.s32.f32 v44;
	v60 =	vcvt.s32.f32 v54;
	v59 =	vld.idx.msk [tilespmem:v44+s23+$0x0], $0xffff  }
0x27a: {  	v45 =	vsub.f32 v45, v57;
	v57 =	vcvt.s32.f32 v53;
	v61 =	vcvt.s32.f32 v37;
	v51 =	vld.idx.msk [tilespmem:v51+s28+$0x0], $0xffff  }
0x27b: {  	v38 =	vsub.f32 v38, v58;
	v48 =	vsub.f32 v48, v60;
	v60 =	vcvt.s32.f32 v55;
	v58 =	vld.idx.msk [tilespmem:v54+s23+$0x0], $0xffff  }
0x27c: {  	v0 =	vsub.f32 v0, v57;
	v50 =	vsub.f32 v50, v61;
	v57 =	vld.idx.msk [tilespmem:v53+s23+$0x0], $0xffff;
	v56 =	vmul.f32 $1.000000000e+03, v56  }
0x27d: {  	v40 =	vmul.f32 v40, v46;
	v45 =	vmul.f32 v45, v52;
	v60 =	vsub.f32 v39, v60;
	v61 =	vld.idx.msk [tilespmem:v37+s23+$0x0], $0xffff  }
0x27e: {  	v39 =	vmul.f32 v46, v32;
	v46 =	vld.idx.msk [tilespmem:v55+s23+$0x0], $0xffff;
	v32 =	vtrunc.f32 v56  }
0x27f: {  	v49 =	vadd.f32 v40, v49;
	v62 =	vmul.f32 v38, v59;
	v44 =	vld.idx.msk [tilespmem:v44+s28+$0x0], $0xffff;
	v63 =	vcvt.f32.s32 v32  }
0x280: {  	v40 =	vmul.f32 v52, v29;
	v38 =	vmul.f32 v59, v33;
	v32 =	vadd.f32 v45, v51;
	v29 =	vld.idx.msk [tilespmem:v54+s28+$0x0], $0xffff  }
0x281: {  	v45 =	vmul.f32 v48, v58;
	v33 =	vmul.f32 v58, v34;
	[tilespmem:s10+$0x0] =	vst v49;
	v48 =	vld.idx.msk [tilespmem:v53+s28+$0x0], $0xffff  }
0x282: {  	v0 =	vmul.f32 v0, v57;
	v34 =	vmul.f32 v57, v35;
	[tilespmem:s10+$0x10] =	vst v32;
	v49 =	vld.idx.msk [tilespmem:v37+s28+$0x0], $0xffff  }
0x283: {  	v50 =	vmul.f32 v50, v61;
	v32 =	vmul.f32 v61, v41;
	v51 =	vld.idx.msk [tilespmem:v55+s28+$0x0], $0xffff  }
0x284: {  	v53 =	vmul.f32 v60, v46;
	v37 =	vmul.f32 v46, v36;
	v52 =	vld [tilespmem:s2+$0x80]  }
0x285: {  	v36 =	vcvt.s32.f32 v27;
	v35 =	vadd.f32 v62, v44;
	v44 =	vcvt.s32.f32 v25;
	v41 =	vld.idx.msk [tilespmem:v63+s25+$0x0], $0xffff  }
0x286: {  	v47 =	vmul.f32 v47, v18;
	v45 =	vadd.f32 v45, v29;
	v29 =	vmul.f32 v18, v10;
	v46 =	vld [tilespmem:s2+$0x90]  }
0x287: {  	v10 =	vcvt.s32.f32 v63;
	v0 =	vadd.f32 v0, v48;
	[tilespmem:s10+$0x20] =	vst v35;
	v18 =	vld.idx.msk [tilespmem:v63+s6+$0x0], $0xffff;
	v35 =	vsub.f32 v12, v36  }
0x288: {  	v43 =	vmul.f32 v43, v31;
	v36 =	vsub.f32 v13, v44;
	v12 =	vld [tilespmem:s2+$0xA0];
	[tilespmem:s10+$0x30] =	vst v45;
	v45 =	vadd.f32 v50, v49  }
0x289: {  	v10 =	vsub.f32 v56, v10;
	v13 =	vmul.f32 $1.000000000e+03, v52;
	v44 =	vld [tilespmem:s2+$0xB0];
	[tilespmem:s10+$0x40] =	vst v0;
	v0 =	vadd.f32 v53, v51  }
0x28a: {  	v31 =	vmul.f32 v31, v17;
	v14 =	vadd.f32 v47, v14;
	v42 =	vmul.f32 v42, v19;
	v48 =	vld [tilespmem:s2+$0xC0];
	[tilespmem:s10+$0x50] =	vst v45  }
0x28b: {  	v45 =	vmul.f32 $1.000000000e+03, v46;
	v46 =	vld [tilespmem:s2+$0xD0];
	[tilespmem:s10+$0x60] =	vst v0;
	v0 =	vmul.f32 v10, v41;
	v10 =	vadd.f32 v43, v30  }
0x28c: {  	v17 =	vmul.f32 v19, v11;
	v43 =	vtrunc.f32 v13;
	v47 =	vld [tilespmem:s2+$0xE0];
	[tilespmem:s9+$0x180] =	vst v14  }
0x28d: {  	v11 =	vtrunc.f32 v45;
	v12 =	vmul.f32 $1.000000000e+03, v12;
	v0 =	vadd.f32 v0, v18;
	[tilespmem:s9+$0x190] =	vst v10;
	v30 =	vld.idx.msk [tilespmem:v25+s26+$0x0], $0xffff  }
0x28e: {  	v14 =	vcvt.f32.s32 v43;
	v43 =	vmul.f32 $1.000000000e+03, v44;
	v44 =	vld.idx.msk [tilespmem:v24+s7+$0x0], $0xffff  }
0x28f: {  	v10 =	vtrunc.f32 v12;
	v48 =	vmul.f32 $1.000000000e+03, v48;
	[tilespmem:s10+$0x170] =	vst v0;
	v24 =	vld.idx.msk [tilespmem:v28+s7+$0x0], $0xffff  }
0x290: {  	v0 =	vtrunc.f32 v43;
	v28 =	vmul.f32 $1.000000000e+03, v46;
	v46 =	vld [tilespmem:s2+$0x1F0]  }
0x291: {  	v49 =	vtrunc.f32 v48;
	v47 =	vmul.f32 $1.000000000e+03, v47;
	v19 =	vld.idx.msk [tilespmem:v26+s7+$0x0], $0xffff  }
0x292: {  	v26 =	vcvt.f32.s32 v11;
	v11 =	vtrunc.f32 v28;
	v18 =	vld.idx.msk [tilespmem:v27+s7+$0x0], $0xffff  }
0x293: {  	v27 =	vcvt.f32.s32 v10;
	v50 =	vtrunc.f32 v47;
	v10 =	vld.idx.msk [tilespmem:v25+s7+$0x0], $0xffff  }
0x294: {  	v0 =	vcvt.f32.s32 v0;
	v49 =	vcvt.f32.s32 v49;
	v42 =	vadd.f32 v42, v44;
	v25 =	vld.idx.msk [tilespmem:v14+s24+$0x0], $0xffff  }
0x295: {  	v51 =	vcvt.f32.s32 v11;
	v44 =	vld.idx.msk [tilespmem:v14+s5+$0x0], $0xffff;
	v46 =	vmul.f32 $1.000000000e+03, v46  }
0x296: {  	v11 =	vcvt.s32.f32 v14;
	v50 =	vcvt.f32.s32 v50;
	[tilespmem:s9+$0x1A0] =	vst v42  }
0x297: {  	v14 =	vcvt.s32.f32 v26;
	v42 =	vtrunc.f32 v46  }
0x298: {  	v52 =	vcvt.s32.f32 v27;
	v11 =	vsub.f32 v13, v11;
	v13 =	vld.idx.msk [tilespmem:v26+s24+$0x0], $0xffff;
	v42 =	vcvt.f32.s32 v42  }
0x299: {  	v1 =	vmul.f32 v2, v1;
	v53 =	vcvt.s32.f32 v0;
	v14 =	vsub.f32 v45, v14;
	v45 =	vld.idx.msk [tilespmem:v27+s24+$0x0], $0xffff  }
0x29a: {  	v54 =	vcvt.s32.f32 v51;
	v2 =	vsub.f32 v12, v52;
	v12 =	vcvt.s32.f32 v49;
	v52 =	vld.idx.msk [tilespmem:v0+s24+$0x0], $0xffff  }
0x29b: {  	v1 =	vmul.f32 v9, v1;
	v43 =	vsub.f32 v43, v53;
	v55 =	vcvt.s32.f32 v50;
	v53 =	vld.idx.msk [tilespmem:v49+s24+$0x0], $0xffff  }
0x29c: {  	v28 =	vsub.f32 v28, v54;
	v12 =	vsub.f32 v48, v12;
	v11 =	vmul.f32 v11, v25;
	v48 =	vld.idx.msk [tilespmem:v51+s24+$0x0], $0xffff  }
0x29d: {  	v1 =	vmul.f32 v3, v1;
	v9 =	vmul.f32 v25, v39;
	v25 =	vsub.f32 v47, v55;
	v39 =	vld.idx.msk [tilespmem:v50+s24+$0x0], $0xffff  }
0x29e: {  	v3 =	vadd.f32 v11, v44;
	v44 =	vmul.f32 v14, v13;
	v11 =	vmul.f32 v13, v40;
	v40 =	vld.idx.msk [tilespmem:v42+s26+$0x0], $0xffff  }
0x29f: {  	v1 =	vmul.f32 v4, v1;
	v2 =	vmul.f32 v2, v45;
	v13 =	vld.idx.msk [tilespmem:v26+s5+$0x0], $0xffff  }
0x2a0: {  	v26 =	vmul.f32 v43, v52;
	[tilespmem:s10+$0x80] =	vst v3;
	v3 =	vcvt.s32.f32 v42;
	v42 =	vld.idx.msk [tilespmem:v42+s7+$0x0], $0xffff  }
0x2a1: {  	v1 =	vmul.f32 v23, v1;
	v43 =	vmul.f32 v12, v53;
	v27 =	vld.idx.msk [tilespmem:v27+s5+$0x0], $0xffff  }
0x2a2: {  	v12 =	vmul.f32 v45, v38;
	v28 =	vmul.f32 v28, v48;
	v0 =	vld.idx.msk [tilespmem:v0+s5+$0x0], $0xffff;
	v3 =	vsub.f32 v46, v3  }
0x2a3: {  	v1 =	vmul.f32 v41, v1;
	v25 =	vmul.f32 v25, v39;
	v38 =	vld.idx.msk [tilespmem:v49+s5+$0x0], $0xffff  }
0x2a4: {  	v14 =	vmul.f32 v52, v33;
	v33 =	vld.idx.msk [tilespmem:v51+s5+$0x0], $0xffff;
	v23 =	vmul.f32 v3, v40  }
0x2a5: {  	v1 =	vmul.f32 v40, v1;
	v41 =	vadd.f32 v44, v13;
	v13 =	vmul.f32 v53, v34;
	v34 =	vld.idx.msk [tilespmem:v50+s5+$0x0], $0xffff  }
0x2a6: {  	v4 =	vmul.f32 v48, v32;
	v3 =	vmul.f32 v39, v37;
	v40 =	vld [tilespmem:s2+$0x100];
	v23 =	vadd.f32 v23, v42  }
0x2a7: {  	v37 =	vmul.f32 v15, v22;
	v1 =	vmul.f32 $1.000000010e+24, v1;
	v27 =	vadd.f32 v2, v27;
	[tilespmem:s10+$0x90] =	vst v41  }
.Ltmp0:
0x2a8: {  	s15 =	sadd.s32 $0x80, s15;
	v0 =	vadd.f32 v26, v0;
	v2 =	vld [tilespmem:s2+$0x110];
	[tilespmem:s10+$0x1F0] =	vst v23;
	v23 =	vmul.f32 v22, v8;
	v22 =	vmul.f32 v16, v20;
	(pc) =	sbr.rel @p0 .LBB2_3-.Ltmp0, $4  }
0x2a9: {  	v38 =	vadd.f32 v43, v38;
	v8 =	vmul.f32 v20, v5;
	v20 =	vmul.f32 v35, v21;
	[tilespmem:s15+$0x30] =	vst v1  }
0x2aa: {  	v15 =	vmul.f32 v21, v6;
	v28 =	vadd.f32 v28, v33;
	v1 =	vmul.f32 v36, v30;
	[tilespmem:s10+$0xA0] =	vst v27  }
0x2ab: {  	v16 =	vmul.f32 v30, v7;
	v32 =	vadd.f32 v25, v34;
	v6 =	vmul.f32 $1.000000000e+03, v40;
	v26 =	vld [tilespmem:s2+$0x120];
	[tilespmem:s10+$0xB0] =	vst v0  }
0x2ac: {  	v21 =	vmul.f32 $1.000000010e+24, v29;
	v7 =	vmul.f32 $1.000000010e+24, v31;
	v5 =	vadd.f32 v37, v24;
	s2 =	sadd.s32 $0x400, s2;
	v27 =	vld [tilespmem:s12+$0x130];
	[tilespmem:s10+$0xC0] =	vst v38  }
0x2ad: {  	_ = 	snop  }
0x2ae: {  	v0 =	vtrunc.f32 v6;
	v24 =	vmul.f32 $1.000000000e+03, v2  }
0x2af: {  	[tilespmem:s10+$0xD0] =	vst v28;
	v2 =	vld [tilespmem:s12+$0x140];
	v0 =	vcvt.f32.s32 v0  }
0x2b0: {  	[tilespmem:s10+$0xE0] =	vst v32;
	v25 =	vld [tilespmem:s12+$0x150];
	v28 =	vtrunc.f32 v24;
	v26 =	vmul.f32 $1.000000000e+03, v26  }
0x2b1: {  	v30 =	vld [tilespmem:s12+$0x160];
	v28 =	vcvt.f32.s32 v28  }
0x2b2: {  	v27 =	vmul.f32 $1.000000000e+03, v27;
	v29 =	vtrunc.f32 v26  }
0x2b3: {  	v29 =	vcvt.f32.s32 v29  }
0x2b4: {  	v52 =	vmul.f32 $1.000000000e+03, v2;
	v31 =	vtrunc.f32 v27  }
0x2b5: {  	v25 =	vmul.f32 $1.000000000e+03, v25;
	v31 =	vcvt.f32.s32 v31;
	v33 =	vld.idx.msk [tilespmem:v0+s25+$0x0], $0xffff  }
0x2b6: {  	v30 =	vmul.f32 $1.000000000e+03, v30;
	v2 =	vtrunc.f32 v52;
	v37 =	vld.idx.msk [tilespmem:v0+s6+$0x0], $0xffff  }
0x2b7: {  	v0 =	vcvt.s32.f32 v0;
	v35 =	vcvt.f32.s32 v2;
	v36 =	vld.idx.msk [tilespmem:v28+s25+$0x0], $0xffff  }
0x2b8: {  	v34 =	vtrunc.f32 v25;
	v2 =	vtrunc.f32 v30;
	v38 =	vld.idx.msk [tilespmem:v28+s6+$0x0], $0xffff  }
0x2b9: {  	v42 =	vcvt.s32.f32 v29;
	v34 =	vcvt.f32.s32 v34;
	v40 =	vld.idx.msk [tilespmem:v29+s25+$0x0], $0xffff  }
0x2ba: {  	v39 =	vcvt.f32.s32 v2;
	v0 =	vsub.f32 v6, v0;
	v6 =	vcvt.s32.f32 v28;
	v29 =	vld.idx.msk [tilespmem:v29+s6+$0x0], $0xffff  }
0x2bb: {  	v41 =	vld.idx.msk [tilespmem:v31+s25+$0x0], $0xffff  }
0x2bc: {  	v6 =	vsub.f32 v24, v6;
	v24 =	vcvt.s32.f32 v31;
	v31 =	vld.idx.msk [tilespmem:v31+s6+$0x0], $0xffff  }
0x2bd: {  	v0 =	vmul.f32 v0, v33;
	v28 =	vld.idx.msk [tilespmem:v35+s25+$0x0], $0xffff  }
0x2be: {  	v26 =	vsub.f32 v26, v42;
	v53 =	vcvt.s32.f32 v35;
	v35 =	vld.idx.msk [tilespmem:v35+s6+$0x0], $0xffff  }
0x2bf: {  	v24 =	vsub.f32 v27, v24;
	v27 =	vmul.f32 v6, v36;
	v0 =	vadd.f32 v0, v37;
	v2 =	vld.idx.msk [tilespmem:v34+s25+$0x0], $0xffff  }
0x2c0: {  	v54 =	vcvt.s32.f32 v34;
	v32 =	vsub.f32 v52, v53;
	v6 =	vld.idx.msk [tilespmem:v39+s25+$0x0], $0xffff;
	v26 =	vmul.f32 v26, v40  }
0x2c1: {  	[tilespmem:s10+$0x100] =	vst v0;
	v0 =	vadd.f32 v27, v38;
	v27 =	vld.idx.msk [tilespmem:v34+s6+$0x0], $0xffff;
	v24 =	vmul.f32 v24, v41  }
0x2c2: {  	v55 =	vcvt.s32.f32 v39;
	v25 =	vsub.f32 v25, v54;
	v26 =	vadd.f32 v26, v29;
	v29 =	vld [tilespmem:s12+$0x180]  }
0x2c3: {  	v17 =	vmul.f32 $1.000000010e+24, v17;
	[tilespmem:s10+$0x110] =	vst v0;
	v0 =	vadd.f32 v24, v31;
	v24 =	vmul.f32 v32, v28;
	v31 =	vld.idx.msk [tilespmem:v39+s6+$0x0], $0xffff  }
0x2c4: {  	v23 =	vmul.f32 $1.000000010e+24, v23;
	v30 =	vsub.f32 v30, v55;
	v25 =	vmul.f32 v25, v2;
	[tilespmem:s10+$0x120] =	vst v26;
	v26 =	vld [tilespmem:s12+$0x190]  }
0x2c5: {  	v8 =	vmul.f32 $1.000000010e+24, v8;
	v9 =	vmul.f32 v33, v9;
	v24 =	vadd.f32 v24, v35;
	[tilespmem:s10+$0x130] =	vst v0;
	v0 =	vld [tilespmem:s12+$0x1A0]  }
0x2c6: {  	v11 =	vmul.f32 v36, v11;
	v30 =	vmul.f32 v30, v6;
	v25 =	vadd.f32 v25, v27;
	v27 =	vld [tilespmem:s12+$0x1B0]  }
0x2c7: {  	v12 =	vmul.f32 v40, v12;
	[tilespmem:s10+$0x140] =	vst v24;
	v24 =	vmul.f32 $1.000000000e+03, v29  }
0x2c8: {  	v14 =	vmul.f32 v41, v14;
	v13 =	vmul.f32 v28, v13;
	v29 =	vadd.f32 v30, v31  }
0x2c9: {  	[tilespmem:s10+$0x150] =	vst v25;
	v25 =	vld [tilespmem:s12+$0x1C0];
	v26 =	vmul.f32 $1.000000000e+03, v26;
	v31 =	vtrunc.f32 v24  }
0x2ca: {  	v30 =	vld [tilespmem:s12+$0x1D0];
	v0 =	vmul.f32 $1.000000000e+03, v0;
	v31 =	vcvt.f32.s32 v31;
	[tilespmem:s10+$0x160] =	vst v29  }
0x2cb: {  	v27 =	vmul.f32 $1.000000000e+03, v27;
	v29 =	vtrunc.f32 v26;
	v57 =	vld [tilespmem:s12+$0x1E0]  }
0x2cc: {  	[tilespmem:s9+$0x1B0] =	vst v5;
	v56 =	vtrunc.f32 v0;
	v29 =	vcvt.f32.s32 v29  }
0x2cd: {  	[tilespmem:s14+$0xFFFFFFF0] =	vst v23;
	v23 =	vcvt.s32.f32 v31;
	v32 =	vcvt.f32.s32 v56  }
0x2ce: {  	v19 =	vadd.f32 v22, v19;
	[tilespmem:s14+$0xFFFFFFD0] =	vst v7;
	v25 =	vmul.f32 $1.000000000e+03, v25;
	v7 =	vtrunc.f32 v27  }
0x2cf: {  	[tilespmem:s14+$0xFFFFFFC0] =	vst v21;
	v21 =	vmul.f32 $1.000000000e+03, v30;
	v7 =	vcvt.f32.s32 v7  }
0x2d0: {  	[tilespmem:s9+$0x1C0] =	vst v19;
	v19 =	vcvt.s32.f32 v29;
	v30 =	vld.idx.msk [tilespmem:v31+s26+$0x0], $0xffff;
	v5 =	vmul.f32 $1.000000000e+03, v57  }
0x2d1: {  	v18 =	vadd.f32 v20, v18;
	[tilespmem:s14+$0xFFFFFFE0] =	vst v17;
	v28 =	vtrunc.f32 v25;
	v17 =	vtrunc.f32 v21;
	v22 =	vld.idx.msk [tilespmem:v31+s7+$0x0], $0xffff  }
0x2d2: {  	v1 =	vadd.f32 v1, v10;
	v28 =	vcvt.f32.s32 v28;
	v20 =	vld.idx.msk [tilespmem:v29+s26+$0x0], $0xffff;
	v10 =	vtrunc.f32 v5  }
0x2d3: {  	v17 =	vcvt.f32.s32 v17;
	v31 =	vld.idx.msk [tilespmem:v32+s26+$0x0], $0xffff;
	[tilespmem:s9+$0x1D0] =	vst v18;
	v10 =	vcvt.f32.s32 v10  }
0x2d4: {  	v23 =	vsub.f32 v24, v23;
	[tilespmem:s9+$0x1E0] =	vst v1;
	v1 =	vmul.f32 $1.000000010e+24, v15;
	v18 =	vld.idx.msk [tilespmem:v29+s7+$0x0], $0xffff;
	v29 =	vcvt.s32.f32 v32  }
0x2d5: {  	v15 =	vmul.f32 $1.000000010e+24, v16;
	v16 =	vsub.f32 v26, v19;
	[tilespmem:s14+$0x0] =	vst v8;
	v8 =	vcvt.s32.f32 v7;
	v19 =	vld.idx.msk [tilespmem:v32+s7+$0x0], $0xffff  }
0x2d6: {  	v2 =	vmul.f32 v2, v4;
	v24 =	vld.idx.msk [tilespmem:v7+s26+$0x0], $0xffff;
	v23 =	vmul.f32 v23, v30;
	v0 =	vsub.f32 v0, v29  }
0x2d7: {  	v7 =	vld.idx.msk [tilespmem:v7+s7+$0x0], $0xffff;
	[tilespmem:s14+$0x10] =	vst v1;
	v8 =	vsub.f32 v27, v8;
	v16 =	vmul.f32 v16, v20  }
0x2d8: {  	v1 =	vcvt.s32.f32 v28;
	[tilespmem:s14+$0x20] =	vst v15;
	v26 =	vld.idx.msk [tilespmem:v28+s26+$0x0], $0xffff;
	v22 =	vadd.f32 v23, v22;
	v0 =	vmul.f32 v0, v31  }
0x2d9: {  	v9 =	vmul.f32 v30, v9;
	v27 =	vld.idx.msk [tilespmem:v17+s26+$0x0], $0xffff;
	v11 =	vmul.f32 v20, v11;
	v16 =	vadd.f32 v16, v18  }
0x2da: {  	v15 =	vcvt.s32.f32 v17;
	v12 =	vmul.f32 v31, v12;
	[tilespmem:s10+$0x180] =	vst v22;
	v20 =	vld.idx.msk [tilespmem:v10+s26+$0x0], $0xffff;
	v0 =	vadd.f32 v0, v19  }
0x2db: {  	v9 =	vmul.f32 $1.000000010e+24, v9;
	v18 =	vcvt.s32.f32 v10;
	[tilespmem:s10+$0x190] =	vst v16;
	v16 =	vld.idx.msk [tilespmem:v28+s7+$0x0], $0xffff  }
0x2dc: {  	v17 =	vld.idx.msk [tilespmem:v17+s7+$0x0], $0xffff;
	v1 =	vsub.f32 v25, v1;
	v12 =	vmul.f32 $1.000000010e+24, v12;
	[tilespmem:s10+$0x1A0] =	vst v0;
	v0 =	vmul.f32 v8, v24  }
0x2dd: {  	v10 =	vld.idx.msk [tilespmem:v10+s7+$0x0], $0xffff;
	v14 =	vmul.f32 v24, v14;
	[tilespmem:s15+$0xFFFFFFC0] =	vst v9;
	v8 =	vmul.f32 $1.000000010e+24, v11;
	v11 =	vsub.f32 v21, v15  }
0x2de: {  	v5 =	vsub.f32 v5, v18;
	v1 =	vmul.f32 v1, v26;
	[tilespmem:s15+$0xFFFFFFE0] =	vst v12;
	v0 =	vadd.f32 v0, v7  }
0x2df: {  	[tilespmem:s15+$0xFFFFFFD0] =	vst v8;
	v7 =	vmul.f32 v11, v27;
	v8 =	vmul.f32 $1.000000010e+24, v14  }
0x2e0: {  	v4 =	vmul.f32 v5, v20;
	v1 =	vadd.f32 v1, v16;
	[tilespmem:s10+$0x1B0] =	vst v0  }
0x2e1: {  	v2 =	vmul.f32 v27, v2;
	v0 =	vmul.f32 v6, v3;
	v5 =	vadd.f32 v7, v17;
	[tilespmem:s15+$0xFFFFFFF0] =	vst v8  }
0x2e2: {  	v3 =	vmul.f32 v26, v13;
	v4 =	vadd.f32 v4, v10;
	[tilespmem:s10+$0x1C0] =	vst v1  }
0x2e3: {  	v2 =	vmul.f32 $1.000000010e+24, v2;
	v0 =	vmul.f32 v20, v0;
	[tilespmem:s10+$0x1D0] =	vst v5  }
0x2e4: {  	v1 =	vmul.f32 $1.000000010e+24, v3;
	[tilespmem:s10+$0x1E0] =	vst v4  }
0x2e5: {  	[tilespmem:s15+$0x10] =	vst v2;
	v0 =	vmul.f32 $1.000000010e+24, v0  }
0x2e6: {  	s1 =	sshll.u32 s17, $0x7;
	s2 =	rddreg [dreg:$0x2];
	[tilespmem:s15+$0x0] =	vst v1  }
0x2e7: {  	s12 =	sshll.u32 s17, $0x4;
	s1 =	sadd.s32 s2, s1;
	s10 =	simm.s32 $0xBF00;
	[tilespmem:s15+$0x20] =	vst v0  }
0x2e8: {  	[hbm4b:s1+s3] =	stream.linear.scatter [tilespmem:s10], [sflag:$0x3], $0x4000, $0x38;
	[tilespmem:$0x14F00] =	vst v63  }
0x2e9: {  	p0 =	seq.s32 s18, $0x7;
	s14 =	simm.s32 $0x13F00;
	s1 =	sadd.s32 s16, s12  }
0x2ea: {  	[hbm4b:s1+s3] =	stream.linear.scatter [tilespmem:s14], [sflag:$0x5], $0x800, $0x38;
	[tilespmem:$0x14F00] =	vst v63  }
0x2eb: {  	p1 =	seq.s32 @!p0 s18, $0x0;
	s9 =	simm.s32 @!p0 $0x3F00;
	_ =	swait.ge [sflag:s11], $0x4000  }
0x2ec: {  	s1 =	sshll.u32 @!p0 s18, $0xC;
	[sflag:s11] =	ssyncset.done $0x0;
	s2 =	rddreg [dreg:$0xe]  }
0x2ed: {  	[sflag:s11] =	ssyncadd.s32 $0xFFFFC000;
	s1 =	sadd.s32 @!p0 s1, s2;
	s2 =	simm.s32 @!p0 $0x0  }
0x2ee: {  	[tilespmem:s9], [sflag:$0x1] =	stream.linear.gather @!p0 [hbm4b:s1+s2], $0x4000, $0x38;
	[tilespmem:$0x14F00] =	vst v63  }
0x2ef: {  	p0 =	por p0, !p1  }
0x2f0: {  	s1 =	simm.s32 @p0 $0x4  }
0x2f1: {  	_ =	swait.ge @p0 [sflag:s1], $0x4000  }
0x2f2: {  	[sflag:s1] =	ssyncset.done @p0 $0x0  }
0x2f3: {  	[sflag:s1] =	ssyncadd.s32 @p0 $0xFFFFC000;
	s1 =	simm.s32 @p0 $0x6  }
0x2f4: {  	_ =	swait.ge @p0 [sflag:s1], $0x800  }
0x2f5: {  	[sflag:s1] =	ssyncset.done @p0 $0x0  }
0x2f6: {  	s15 =	simm.s32 $0x8100;
	[sflag:s1] =	ssyncadd.s32 @p0 $0xFFFFF800  }
0x2f7: {  	v0 =	vld [tilespmem:s15+$0xFFFFFE70];
	_ =	sdelay $0x4  }
0x2f8: {  	v0 =	vmul.f32 $1.000000000e+03, v0;
	_ =	sdelay $0x1  }
0x2f9: {  	v4 =	vtrunc.f32 v0  }
0x2fa: {  	v6 =	vld [tilespmem:s15+$0xFFFFFE00];
	v4 =	vcvt.f32.s32 v4  }
0x2fb: {  	v1 =	vld [tilespmem:s15+$0xFFFFFE10]  }
0x2fc: {  	v2 =	vld [tilespmem:s15+$0xFFFFFE20]  }
0x2fd: {  	v3 =	vld [tilespmem:s15+$0xFFFFFE30]  }
0x2fe: {  	v5 =	vld [tilespmem:s15+$0xFFFFFE40]  }
0x2ff: {  	v6 =	vmul.f32 $1.000000000e+03, v6  }
0x300: {  	v12 =	vmul.f32 $1.000000000e+03, v1;
	v1 =	vld.idx.msk [tilespmem:v4+s19+$0x0], $0xffff  }
0x301: {  	v7 =	vld [tilespmem:s15+$0xFFFFFE50];
	v11 =	vtrunc.f32 v6;
	v10 =	vcvt.s32.f32 v4  }
0x302: {  	v2 =	vmul.f32 $1.000000000e+03, v2;
	v16 =	vcvt.f32.s32 v11;
	v4 =	vld.idx.msk [tilespmem:v4+s3+$0x0], $0xffff  }
0x303: {  	v3 =	vmul.f32 $1.000000000e+03, v3;
	v13 =	vmul.f32 $1.000000000e+03, v5;
	v0 =	vsub.f32 v0, v10  }
0x304: {  	v9 =	vtrunc.f32 v12;
	v5 =	vtrunc.f32 v2  }
0x305: {  	v14 =	vcvt.f32.s32 v9;
	v0 =	vmul.f32 v0, v1  }
0x306: {  	v8 =	vld [tilespmem:s15+$0xFFFFFE60];
	v18 =	vcvt.f32.s32 v5  }
0x307: {  	v15 =	vmul.f32 $1.000000000e+03, v7;
	v7 =	vtrunc.f32 v3;
	v0 =	vadd.f32 v0, v4  }
0x308: {  	s9 =	simm.s32 $0x10100;
	v19 =	vcvt.f32.s32 v7;
	v11 =	vld.idx.msk [tilespmem:v16+s19+$0x0], $0xffff  }
0x309: {  	v5 =	vtrunc.f32 v13;
	v22 =	vcvt.s32.f32 v16;
	v16 =	vld.idx.msk [tilespmem:v16+s3+$0x0], $0xffff;
	[tilespmem:s9+$0xFFFFFE70] =	vst v0  }
0x30a: {  	v20 =	vcvt.f32.s32 v5;
	v21 =	vld [tilespmem:s15+$0xFFFFFEF0]  }
0x30b: {  	v17 =	vmul.f32 $1.000000000e+03, v8;
	v22 =	vsub.f32 v6, v22;
	v10 =	vld.idx.msk [tilespmem:v14+s19+$0x0], $0xffff  }
0x30c: {  	v7 =	vtrunc.f32 v15;
	v23 =	vcvt.s32.f32 v14;
	v8 =	vld.idx.msk [tilespmem:v18+s19+$0x0], $0xffff  }
0x30d: {  	v14 =	vld.idx.msk [tilespmem:v14+s3+$0x0], $0xffff;
	v22 =	vmul.f32 v22, v11;
	v4 =	vcvt.f32.s32 v7  }
0x30e: {  	v5 =	vtrunc.f32 v17;
	v24 =	vcvt.s32.f32 v18;
	v12 =	vsub.f32 v12, v23;
	v9 =	vld.idx.msk [tilespmem:v19+s19+$0x0], $0xffff  }
0x30f: {  	v18 =	vld.idx.msk [tilespmem:v18+s3+$0x0], $0xffff;
	v16 =	vadd.f32 v22, v16;
	v0 =	vcvt.f32.s32 v5;
	v21 =	vmul.f32 $1.000000000e+03, v21  }
0x310: {  	v12 =	vmul.f32 v12, v10;
	v7 =	vld.idx.msk [tilespmem:v20+s19+$0x0], $0xffff;
	v22 =	vcvt.s32.f32 v4  }
0x311: {  	v26 =	vcvt.s32.f32 v20;
	v20 =	vld.idx.msk [tilespmem:v20+s3+$0x0], $0xffff;
	[tilespmem:s9+$0xFFFFFE00] =	vst v16;
	v25 =	vtrunc.f32 v21  }
0x312: {  	v12 =	vadd.f32 v12, v14;
	v14 =	vsub.f32 v15, v22;
	v15 =	vld [tilespmem:s15+$0xFFFFFE80];
	v23 =	vcvt.f32.s32 v25  }
0x313: {  	v2 =	vsub.f32 v2, v24;
	v5 =	vld.idx.msk [tilespmem:v4+s19+$0x0], $0xffff  }
0x314: {  	v13 =	vsub.f32 v13, v26;
	v4 =	vld.idx.msk [tilespmem:v4+s3+$0x0], $0xffff  }
0x315: {  	v2 =	vmul.f32 v2, v8;
	v6 =	vld.idx.msk [tilespmem:v0+s19+$0x0], $0xffff  }
0x316: {  	v13 =	vmul.f32 v13, v7;
	v24 =	vld.idx.msk [tilespmem:v0+s3+$0x0], $0xffff;
	v25 =	vcvt.s32.f32 v19  }
0x317: {  	v16 =	vadd.f32 v2, v18;
	v0 =	vcvt.s32.f32 v0;
	v19 =	vld.idx.msk [tilespmem:v19+s3+$0x0], $0xffff  }
0x318: {  	[tilespmem:s9+$0xFFFFFE10] =	vst v12;
	v13 =	vadd.f32 v13, v20;
	v3 =	vsub.f32 v3, v25;
	v2 =	vld.idx.msk [tilespmem:v23+s20+$0x0], $0xffff  }
0x319: {  	v12 =	vld [tilespmem:s15+$0xFFFFFE90];
	v0 =	vsub.f32 v17, v0;
	v14 =	vmul.f32 v14, v5;
	v17 =	vcvt.s32.f32 v23  }
0x31a: {  	[tilespmem:s9+$0xFFFFFE20] =	vst v16;
	v3 =	vmul.f32 v3, v9;
	v16 =	vld.idx.msk [tilespmem:v23+s31+$0x0], $0xffff  }
0x31b: {  	[tilespmem:s9+$0xFFFFFE40] =	vst v13;
	v0 =	vmul.f32 v0, v6;
	v4 =	vadd.f32 v14, v4;
	v17 =	vsub.f32 v21, v17  }
0x31c: {  	v14 =	vld [tilespmem:s15+$0xFFFFFEC0];
	v3 =	vadd.f32 v3, v19  }
0x31d: {  	v20 =	vmul.f32 $1.000000000e+03, v15;
	v0 =	vadd.f32 v0, v24;
	[tilespmem:s9+$0xFFFFFE50] =	vst v4;
	v15 =	vmul.f32 v17, v2  }
0x31e: {  	[tilespmem:s9+$0xFFFFFE30] =	vst v3;
	v3 =	vld [tilespmem:s15+$0xFFFFFEA0]  }
0x31f: {  	v4 =	vtrunc.f32 v20;
	[tilespmem:s9+$0xFFFFFE60] =	vst v0;
	v0 =	vmul.f32 $1.000000000e+03, v12;
	v13 =	vld [tilespmem:s15+$0xFFFFFEB0];
	v15 =	vadd.f32 v15, v16  }
0x320: {  	v4 =	vcvt.f32.s32 v4;
	v12 =	vld [tilespmem:s15+$0xFFFFFED0]  }
0x321: {  	v23 =	vmul.f32 $1.000000000e+03, v14;
	v16 =	vtrunc.f32 v0;
	[tilespmem:s9+$0xFFFFFEF0] =	vst v15  }
0x322: {  	v24 =	vcvt.f32.s32 v16;
	v14 =	vld [tilespmem:s15+$0xFFFFFF70]  }
0x323: {  	v21 =	vmul.f32 $1.000000000e+03, v3;
	v3 =	vld [tilespmem:s15+$0xFFFFFEE0];
	v16 =	vtrunc.f32 v23  }
0x324: {  	v22 =	vmul.f32 $1.000000000e+03, v13;
	v28 =	vcvt.f32.s32 v16  }
0x325: {  	v12 =	vmul.f32 $1.000000000e+03, v12;
	v13 =	vtrunc.f32 v21  }
0x326: {  	v19 =	vld.idx.msk [tilespmem:v4+s20+$0x0], $0xffff;
	v15 =	vtrunc.f32 v22;
	v26 =	vcvt.f32.s32 v13  }
0x327: {  	v30 =	vld.idx.msk [tilespmem:v4+s31+$0x0], $0xffff;
	v27 =	vcvt.f32.s32 v15;
	v29 =	vmul.f32 $1.000000000e+03, v14  }
0x328: {  	v25 =	vmul.f32 $1.000000000e+03, v3;
	v3 =	vtrunc.f32 v12;
	v18 =	vld.idx.msk [tilespmem:v24+s20+$0x0], $0xffff  }
0x329: {  	v31 =	vcvt.f32.s32 v3;
	v59 =	vld.idx.msk [tilespmem:v24+s31+$0x0], $0xffff;
	v3 =	vtrunc.f32 v29  }
0x32a: {  	v15 =	vld.idx.msk [tilespmem:v28+s20+$0x0], $0xffff;
	v60 =	vcvt.f32.s32 v3;
	v3 =	vcvt.s32.f32 v4  }
0x32b: {  	v62 =	vcvt.s32.f32 v28;
	v28 =	vld.idx.msk [tilespmem:v28+s31+$0x0], $0xffff  }
0x32c: {  	v13 =	vtrunc.f32 v25;
	v16 =	vld.idx.msk [tilespmem:v26+s20+$0x0], $0xffff;
	v20 =	vsub.f32 v20, v3  }
0x32d: {  	v58 =	vcvt.f32.s32 v13;
	v17 =	vld.idx.msk [tilespmem:v27+s20+$0x0], $0xffff;
	v4 =	vcvt.s32.f32 v24  }
0x32e: {  	v61 =	vcvt.s32.f32 v27;
	v27 =	vld.idx.msk [tilespmem:v27+s31+$0x0], $0xffff;
	v20 =	vmul.f32 v20, v19  }
0x32f: {  	v24 =	vcvt.s32.f32 v26;
	v0 =	vsub.f32 v0, v4;
	v4 =	vld.idx.msk [tilespmem:v26+s31+$0x0], $0xffff  }
0x330: {  	v22 =	vsub.f32 v22, v61;
	v3 =	vld.idx.msk [tilespmem:v60+s21+$0x0], $0xffff;
	v20 =	vadd.f32 v20, v30  }
0x331: {  	v14 =	vld.idx.msk [tilespmem:v31+s20+$0x0], $0xffff;
	v26 =	vcvt.s32.f32 v60;
	v21 =	vsub.f32 v21, v24;
	v0 =	vmul.f32 v0, v18  }
0x332: {  	v23 =	vsub.f32 v23, v62;
	v24 =	vld.idx.msk [tilespmem:v60+s0+$0x0], $0xffff;
	[tilespmem:s9+$0xFFFFFE80] =	vst v20;
	v20 =	vmul.f32 v22, v17  }
0x333: {  	v13 =	vld.idx.msk [tilespmem:v58+s20+$0x0], $0xffff;
	v26 =	vsub.f32 v29, v26;
	v21 =	vmul.f32 v21, v16;
	v0 =	vadd.f32 v0, v59  }
0x334: {  	v23 =	vmul.f32 v23, v15;
	v29 =	vld.idx.msk [tilespmem:v31+s31+$0x0], $0xffff;
	v20 =	vadd.f32 v20, v27  }
0x335: {  	v4 =	vadd.f32 v21, v4;
	v21 =	vld.idx.msk [tilespmem:v58+s31+$0x0], $0xffff;
	[tilespmem:s9+$0xFFFFFE90] =	vst v0;
	v26 =	vmul.f32 v26, v3  }
0x336: {  	v22 =	vcvt.s32.f32 v31;
	v0 =	vld [tilespmem:s15+$0xFFFFFF00];
	[tilespmem:s9+$0xFFFFFEB0] =	vst v20;
	v20 =	vadd.f32 v23, v28  }
0x337: {  	[tilespmem:s9+$0xFFFFFEA0] =	vst v4;
	v27 =	vld [tilespmem:s15+$0xFFFFFF10];
	v24 =	vadd.f32 v26, v24;
	v26 =	vcvt.s32.f32 v58  }
0x338: {  	v4 =	vsub.f32 v12, v22;
	v12 =	vld [tilespmem:s15+$0xFFFFFF20];
	[tilespmem:s9+$0xFFFFFEC0] =	vst v20  }
0x339: {  	[tilespmem:s9+$0xFFFFFF70] =	vst v24;
	v22 =	vsub.f32 v25, v26;
	v24 =	vld [tilespmem:s15+$0xFFFFFF30]  }
0x33a: {  	v4 =	vmul.f32 v4, v14;
	v20 =	vld [tilespmem:s15+$0xFFFFFF40]  }
0x33b: {  	v0 =	vmul.f32 $1.000000000e+03, v0;
	v23 =	vld [tilespmem:s15+$0xFFFFFFF0];
	v22 =	vmul.f32 v22, v13  }
0x33c: {  	v4 =	vadd.f32 v4, v29  }
0x33d: {  	v27 =	vmul.f32 $1.000000000e+03, v27;
	v21 =	vadd.f32 v22, v21;
	v22 =	vtrunc.f32 v0  }
0x33e: {  	v12 =	vmul.f32 $1.000000000e+03, v12;
	v25 =	vcvt.f32.s32 v22  }
0x33f: {  	[tilespmem:s9+$0xFFFFFED0] =	vst v4;
	v28 =	vmul.f32 $1.000000000e+03, v24;
	v29 =	vmul.f32 $1.000000000e+03, v20  }
0x340: {  	v4 =	vld [tilespmem:s15+$0xFFFFFF50];
	v20 =	vtrunc.f32 v12;
	v22 =	vmul.f32 $1.000000000e+03, v23  }
0x341: {  	[tilespmem:s9+$0xFFFFFEE0] =	vst v21;
	v21 =	vtrunc.f32 v27;
	v45 =	vcvt.f32.s32 v20  }
0x342: {  	v23 =	vld [tilespmem:s15+$0xFFFFFF60];
	v24 =	vcvt.f32.s32 v21;
	v21 =	vtrunc.f32 v22  }
0x343: {  	v21 =	vcvt.f32.s32 v21;
	_ =	sdelay $0x1  }
0x344: {  	v63 =	vmul.f32 $1.000000000e+03, v4  }
0x345: {  	v30 =	vtrunc.f32 v28;
	v26 =	vld.idx.msk [tilespmem:v25+s21+$0x0], $0xffff  }
0x346: {  	v4 =	vtrunc.f32 v63;
	v47 =	vld.idx.msk [tilespmem:v25+s0+$0x0], $0xffff;
	v46 =	vmul.f32 $1.000000000e+03, v23  }
0x347: {  	v31 =	vtrunc.f32 v29;
	v48 =	vcvt.f32.s32 v4;
	v33 =	vld.idx.msk [tilespmem:v45+s0+$0x0], $0xffff  }
0x348: {  	v30 =	vcvt.f32.s32 v30;
	v23 =	vtrunc.f32 v46;
	v4 =	vld.idx.msk [tilespmem:v21+s22+$0x0], $0xffff  }
0x349: {  	v20 =	vld.idx.msk [tilespmem:v24+s21+$0x0], $0xffff;
	v49 =	vcvt.f32.s32 v23;
	v23 =	vcvt.s32.f32 v21  }
0x34a: {  	v31 =	vcvt.f32.s32 v31;
	v51 =	vld.idx.msk [tilespmem:v21+s4+$0x0], $0xffff  }
0x34b: {  	v50 =	vld.idx.msk [tilespmem:v24+s0+$0x0], $0xffff;
	v52 =	vsub.f32 v22, v23  }
0x34c: {  	v25 =	vcvt.s32.f32 v25;
	v21 =	vld.idx.msk [tilespmem:v45+s21+$0x0], $0xffff  }
0x34d: {  	v53 =	vcvt.s32.f32 v24;
	v24 =	vld.idx.msk [tilespmem:v48+s21+$0x0], $0xffff;
	v40 =	vmul.f32 v52, v4  }
0x34e: {  	v0 =	vsub.f32 v0, v25;
	v36 =	vld.idx.msk [tilespmem:v48+s0+$0x0], $0xffff  }
0x34f: {  	v54 =	vcvt.s32.f32 v45;
	v27 =	vsub.f32 v27, v53;
	v22 =	vld.idx.msk [tilespmem:v30+s21+$0x0], $0xffff;
	v39 =	vadd.f32 v40, v51  }
0x350: {  	v55 =	vcvt.s32.f32 v30;
	v0 =	vmul.f32 v0, v26;
	v23 =	vld.idx.msk [tilespmem:v31+s21+$0x0], $0xffff  }
0x351: {  	v12 =	vsub.f32 v12, v54;
	v56 =	vcvt.s32.f32 v31;
	v30 =	vld.idx.msk [tilespmem:v30+s0+$0x0], $0xffff;
	v27 =	vmul.f32 v27, v20;
	[tilespmem:s9+$0xFFFFFFF0] =	vst v39  }
0x352: {  	v28 =	vsub.f32 v28, v55;
	v0 =	vadd.f32 v0, v47;
	v57 =	vld [tilespmem:s15+$0x70]  }
0x353: {  	v29 =	vsub.f32 v29, v56;
	v31 =	vld.idx.msk [tilespmem:v31+s0+$0x0], $0xffff;
	v12 =	vmul.f32 v12, v21;
	v27 =	vadd.f32 v27, v50  }
0x354: {  	v58 =	vcvt.s32.f32 v48;
	v59 =	vcvt.s32.f32 v49;
	[tilespmem:s9+$0xFFFFFF00] =	vst v0;
	v25 =	vld.idx.msk [tilespmem:v49+s21+$0x0], $0xffff  }
0x355: {  	v0 =	vmul.f32 v28, v22;
	v12 =	vadd.f32 v12, v33;
	[tilespmem:s9+$0xFFFFFF10] =	vst v27;
	v27 =	vmul.f32 v29, v23;
	v29 =	vld [tilespmem:s15+$0xFFFFFF80]  }
0x356: {  	v32 =	vsub.f32 v63, v58;
	v28 =	vld.idx.msk [tilespmem:v49+s0+$0x0], $0xffff  }
0x357: {  	v60 =	vld [tilespmem:s15+$0xFFFFFF90];
	v0 =	vadd.f32 v0, v30;
	[tilespmem:s9+$0xFFFFFF20] =	vst v12;
	v12 =	vsub.f32 v46, v59;
	v30 =	vmul.f32 $1.000000000e+03, v57  }
0x358: {  	v32 =	vmul.f32 v32, v24;
	v27 =	vadd.f32 v27, v31  }
0x359: {  	v31 =	vld [tilespmem:s15+$0xFFFFFFA0];
	[tilespmem:s9+$0xFFFFFF30] =	vst v0;
	v12 =	vmul.f32 v12, v25;
	v0 =	vtrunc.f32 v30  }
0x35a: {  	v32 =	vadd.f32 v32, v36;
	[tilespmem:s9+$0xFFFFFF40] =	vst v27;
	v61 =	vld [tilespmem:s15+$0xFFFFFFB0];
	v62 =	vmul.f32 $1.000000000e+03, v29;
	v0 =	vcvt.f32.s32 v0  }
0x35b: {  	v1 =	vmul.f32 v2, v1;
	v10 =	vmul.f32 v18, v10;
	v27 =	vld [tilespmem:s15+$0xFFFFFFC0]  }
0x35c: {  	[tilespmem:s9+$0xFFFFFF50] =	vst v32;
	v12 =	vadd.f32 v12, v28;
	v63 =	vmul.f32 $1.000000000e+03, v60;
	v29 =	vtrunc.f32 v62  }
0x35d: {  	v15 =	vmul.f32 v15, v7;
	v28 =	vld [tilespmem:s15+$0xFFFFFFD0];
	v51 =	vcvt.f32.s32 v29  }
0x35e: {  	v31 =	vmul.f32 $1.000000000e+03, v31;
	[tilespmem:s9+$0xFFFFFF60] =	vst v12;
	v12 =	vtrunc.f32 v63  }
0x35f: {  	v29 =	vld [tilespmem:s15+$0xFFFFFFE0];
	v54 =	vcvt.f32.s32 v12;
	v33 =	vmul.f32 $1.000000000e+03, v61  }
0x360: {  	v52 =	vtrunc.f32 v31;
	v53 =	vmul.f32 $1.000000000e+03, v27;
	v12 =	vld.idx.msk [tilespmem:v0+s23+$0x0], $0xffff  }
0x361: {  	v36 =	vcvt.f32.s32 v52;
	v55 =	vcvt.s32.f32 v0  }
0x362: {  	v56 =	vmul.f32 $1.000000000e+03, v28;
	v27 =	vtrunc.f32 v33;
	v0 =	vld.idx.msk [tilespmem:v0+s28+$0x0], $0xffff  }
0x363: {  	v28 =	vtrunc.f32 v53;
	v57 =	vcvt.f32.s32 v27;
	v42 =	vld.idx.msk [tilespmem:v51+s22+$0x0], $0xffff;
	v27 =	vsub.f32 v30, v55  }
0x364: {  	v8 =	vmul.f32 v16, v8;
	v44 =	vcvt.f32.s32 v28;
	v43 =	vld.idx.msk [tilespmem:v51+s4+$0x0], $0xffff  }
0x365: {  	v58 =	vmul.f32 $1.000000000e+03, v29;
	v45 =	vld.idx.msk [tilespmem:v54+s22+$0x0], $0xffff;
	v27 =	vmul.f32 v27, v12  }
0x366: {  	v48 =	vcvt.s32.f32 v36;
	v30 =	vtrunc.f32 v56;
	v47 =	vld.idx.msk [tilespmem:v54+s4+$0x0], $0xffff  }
0x367: {  	v28 =	vtrunc.f32 v58;
	v30 =	vcvt.f32.s32 v30;
	v29 =	vld.idx.msk [tilespmem:v36+s22+$0x0], $0xffff;
	v0 =	vadd.f32 v27, v0  }
0x368: {  	v46 =	vcvt.f32.s32 v28;
	v28 =	vcvt.s32.f32 v51;
	v36 =	vld.idx.msk [tilespmem:v36+s4+$0x0], $0xffff  }
0x369: {  	v9 =	vmul.f32 v17, v9;
	v27 =	vld.idx.msk [tilespmem:v57+s22+$0x0], $0xffff;
	[tilespmem:s9+$0x70] =	vst v0;
	v0 =	vcvt.s32.f32 v54  }
0x36a: {  	v5 =	vmul.f32 v14, v5;
	v61 =	vcvt.s32.f32 v57;
	v34 =	vsub.f32 v62, v28;
	v59 =	vld [tilespmem:s15+$0xF0]  }
0x36b: {  	v6 =	vmul.f32 v13, v6;
	v1 =	vmul.f32 v3, v1;
	v41 =	vld.idx.msk [tilespmem:v57+s4+$0x0], $0xffff;
	v0 =	vsub.f32 v63, v0  }
0x36c: {  	v10 =	vmul.f32 v20, v10;
	v32 =	vsub.f32 v33, v61;
	v28 =	vld.idx.msk [tilespmem:v44+s22+$0x0], $0xffff;
	v34 =	vmul.f32 v34, v42  }
0x36d: {  	v60 =	vmul.f32 v19, v11;
	v31 =	vsub.f32 v31, v48;
	v19 =	vld.idx.msk [tilespmem:v30+s22+$0x0], $0xffff;
	v0 =	vmul.f32 v0, v45  }
0x36e: {  	v49 =	vcvt.s32.f32 v44;
	v11 =	vld.idx.msk [tilespmem:v46+s22+$0x0], $0xffff;
	v34 =	vadd.f32 v34, v43;
	v32 =	vmul.f32 v32, v27  }
0x36f: {  	v31 =	vmul.f32 v31, v29;
	v63 =	vld.idx.msk [tilespmem:v44+s4+$0x0], $0xffff;
	v35 =	vmul.f32 $1.000000000e+03, v59;
	v0 =	vadd.f32 v0, v47  }
0x370: {  	v37 =	vsub.f32 v53, v49;
	v18 =	vcvt.s32.f32 v46;
	v52 =	vld.idx.msk [tilespmem:v46+s4+$0x0], $0xffff;
	[tilespmem:s9+$0xFFFFFF80] =	vst v34;
	v32 =	vadd.f32 v32, v41  }
0x371: {  	v62 =	vcvt.s32.f32 v30;
	v31 =	vadd.f32 v31, v36;
	v48 =	vtrunc.f32 v35;
	[tilespmem:s9+$0xFFFFFF90] =	vst v0;
	v0 =	vld [tilespmem:s15+$0x0]  }
0x372: {  	v16 =	vsub.f32 v58, v18;
	v30 =	vld.idx.msk [tilespmem:v30+s4+$0x0], $0xffff;
	v37 =	vmul.f32 v37, v28;
	[tilespmem:s9+$0xFFFFFFB0] =	vst v32;
	v34 =	vcvt.f32.s32 v48  }
0x373: {  	v8 =	vmul.f32 v21, v8;
	v1 =	vmul.f32 v4, v1;
	v51 =	vsub.f32 v56, v62;
	[tilespmem:s9+$0xFFFFFFA0] =	vst v31;
	v31 =	vld [tilespmem:s15+$0x30]  }
0x374: {  	v5 =	vmul.f32 v24, v5;
	v16 =	vmul.f32 v16, v11;
	v17 =	vadd.f32 v37, v63  }
0x375: {  	v9 =	vmul.f32 v22, v9;
	v7 =	vmul.f32 v51, v19;
	v50 =	vld [tilespmem:s15+$0x10]  }
0x376: {  	v15 =	vmul.f32 v23, v15;
	v18 =	vld [tilespmem:s15+$0x20];
	v13 =	vadd.f32 v16, v52;
	[tilespmem:s9+$0xFFFFFFC0] =	vst v17;
	v0 =	vmul.f32 $1.000000000e+03, v0  }
0x377: {  	v6 =	vmul.f32 v25, v6;
	v26 =	vmul.f32 v26, v60;
	v14 =	vadd.f32 v7, v30;
	v30 =	vld [tilespmem:s15+$0x40]  }
0x378: {  	[tilespmem:s9+$0xFFFFFFE0] =	vst v13;
	v31 =	vmul.f32 $1.000000000e+03, v31;
	v7 =	vld.idx.msk [tilespmem:v34+s24+$0x0], $0xffff;
	v16 =	vtrunc.f32 v0  }
0x379: {  	v55 =	vld [tilespmem:s15+$0x60];
	v53 =	vcvt.s32.f32 v34;
	v13 =	vcvt.f32.s32 v16  }
0x37a: {  	v17 =	vmul.f32 $1.000000000e+03, v50;
	v54 =	vld.idx.msk [tilespmem:v34+s5+$0x0], $0xffff;
	v57 =	vtrunc.f32 v31  }
0x37b: {  	v24 =	vmul.f32 v42, v26;
	v32 =	vsub.f32 v35, v53;
	v36 =	vcvt.f32.s32 v57  }
0x37c: {  	[tilespmem:s9+$0xFFFFFFD0] =	vst v14;
	v30 =	vmul.f32 $1.000000000e+03, v30;
	v14 =	vtrunc.f32 v17  }
0x37d: {  	v16 =	vmul.f32 $1.000000000e+03, v18;
	v18 =	vld [tilespmem:s15+$0x50];
	v32 =	vmul.f32 v32, v7  }
0x37e: {  	v34 =	vmul.f32 $1.000000000e+03, v55;
	v14 =	vcvt.f32.s32 v14  }
0x37f: {  	v10 =	vmul.f32 v45, v10;
	v58 =	vtrunc.f32 v30;
	v32 =	vadd.f32 v32, v54;
	v59 =	vld.idx.msk [tilespmem:v13+s23+$0x0], $0xffff  }
0x380: {  	v63 =	vtrunc.f32 v34;
	v37 =	vcvt.f32.s32 v58;
	v20 =	vld.idx.msk [tilespmem:v13+s28+$0x0], $0xffff  }
0x381: {  	v56 =	vtrunc.f32 v16;
	v39 =	vcvt.f32.s32 v63;
	v23 =	vld.idx.msk [tilespmem:v36+s23+$0x0], $0xffff;
	[tilespmem:s9+$0xF0] =	vst v32  }
0x382: {  	v35 =	vcvt.f32.s32 v56;
	v18 =	vmul.f32 $1.000000000e+03, v18;
	v44 =	vld [tilespmem:s15+$0x170]  }
0x383: {  	v8 =	vmul.f32 v29, v8;
	v50 =	vcvt.s32.f32 v36;
	v36 =	vld.idx.msk [tilespmem:v36+s28+$0x0], $0xffff  }
0x384: {  	v13 =	vcvt.s32.f32 v13;
	v60 =	vld.idx.msk [tilespmem:v14+s23+$0x0], $0xffff;
	v61 =	vtrunc.f32 v18  }
0x385: {  	v15 =	vmul.f32 v28, v15;
	v22 =	vld.idx.msk [tilespmem:v14+s28+$0x0], $0xffff;
	v62 =	vcvt.f32.s32 v61  }
0x386: {  	v5 =	vmul.f32 v19, v5;
	v25 =	vld.idx.msk [tilespmem:v37+s23+$0x0], $0xffff;
	v0 =	vsub.f32 v0, v13;
	v13 =	vcvt.s32.f32 v14  }
0x387: {  	v51 =	vcvt.s32.f32 v37;
	v31 =	vsub.f32 v31, v50;
	v47 =	vld.idx.msk [tilespmem:v39+s23+$0x0], $0xffff;
	v26 =	vmul.f32 $1.000000000e+03, v44  }
0x388: {  	v46 =	vcvt.s32.f32 v35;
	v21 =	vld.idx.msk [tilespmem:v35+s23+$0x0], $0xffff;
	v13 =	vsub.f32 v17, v13;
	v0 =	vmul.f32 v0, v59  }
0x389: {  	v17 =	vld.idx.msk [tilespmem:v35+s28+$0x0], $0xffff;
	v31 =	vmul.f32 v31, v23;
	v48 =	vtrunc.f32 v26  }
0x38a: {  	v13 =	vmul.f32 v13, v60;
	v0 =	vadd.f32 v0, v20;
	v20 =	vld.idx.msk [tilespmem:v37+s28+$0x0], $0xffff;
	v49 =	vcvt.f32.s32 v48  }
0x38b: {  	v6 =	vmul.f32 v11, v6;
	v16 =	vsub.f32 v16, v46;
	v31 =	vadd.f32 v31, v36;
	v14 =	vld.idx.msk [tilespmem:v62+s23+$0x0], $0xffff  }
0x38c: {  	v30 =	vsub.f32 v30, v51;
	v32 =	vld.idx.msk [tilespmem:v62+s28+$0x0], $0xffff;
	v13 =	vadd.f32 v13, v22;
	v22 =	vcvt.s32.f32 v39;
	[tilespmem:s9+$0x0] =	vst v0  }
0x38d: {  	v52 =	vcvt.s32.f32 v62;
	v16 =	vmul.f32 v16, v21;
	v0 =	vld.idx.msk [tilespmem:v39+s28+$0x0], $0xffff;
	[tilespmem:s9+$0x30] =	vst v31  }
0x38e: {  	v9 =	vmul.f32 v27, v9;
	v53 =	vld [tilespmem:s15+$0x80];
	[tilespmem:s9+$0x10] =	vst v13;
	v13 =	vmul.f32 v30, v25;
	v22 =	vsub.f32 v34, v22  }
0x38f: {  	v24 =	vmul.f32 v59, v24;
	v18 =	vsub.f32 v18, v52;
	v16 =	vadd.f32 v16, v17;
	v19 =	vld [tilespmem:s15+$0xB0]  }
0x390: {  	v23 =	vmul.f32 v23, v9;
	v13 =	vadd.f32 v13, v20;
	v22 =	vmul.f32 v22, v47;
	v17 =	vld.idx.msk [tilespmem:v49+s25+$0x0], $0xffff  }
0x391: {  	v30 =	vld [tilespmem:s15+$0x90];
	[tilespmem:s9+$0x20] =	vst v16;
	v18 =	vmul.f32 v18, v14;
	v16 =	vcvt.s32.f32 v49  }
0x392: {  	v56 =	vmul.f32 v60, v10;
	[tilespmem:s9+$0x40] =	vst v13;
	v0 =	vadd.f32 v22, v0;
	v20 =	vld.idx.msk [tilespmem:v49+s6+$0x0], $0xffff  }
0x393: {  	v18 =	vadd.f32 v18, v32;
	v13 =	vsub.f32 v26, v16;
	v11 =	vmul.f32 $1.000000000e+03, v53;
	v16 =	vld [tilespmem:s15+$0xC0]  }
0x394: {  	v60 =	vmul.f32 v47, v6;
	v8 =	vmul.f32 v21, v8;
	v27 =	vld [tilespmem:s15+$0xA0];
	[tilespmem:s9+$0x60] =	vst v0  }
0x395: {  	[tilespmem:s9+$0x50] =	vst v18;
	v0 =	vtrunc.f32 v11;
	v26 =	vld [tilespmem:s15+$0xE0];
	v13 =	vmul.f32 v13, v17  }
0x396: {  	v18 =	vmul.f32 $1.000000000e+03, v30;
	v22 =	vld [tilespmem:s15+$0xD0];
	v0 =	vcvt.f32.s32 v0  }
0x397: {  	v14 =	vmul.f32 v14, v5;
	v19 =	vmul.f32 $1.000000000e+03, v19;
	v13 =	vadd.f32 v13, v20  }
0x398: {  	v28 =	vtrunc.f32 v18;
	v16 =	vmul.f32 $1.000000000e+03, v16  }
0x399: {  	v27 =	vmul.f32 $1.000000000e+03, v27;
	v28 =	vcvt.f32.s32 v28;
	[tilespmem:s9+$0x170] =	vst v13  }
0x39a: {  	v30 =	vtrunc.f32 v16;
	v26 =	vmul.f32 $1.000000000e+03, v26;
	v29 =	vld [tilespmem:s15+$0x1F0]  }
0x39b: {  	v22 =	vmul.f32 $1.000000000e+03, v22;
	v30 =	vcvt.f32.s32 v30  }
0x39c: {  	v20 =	vtrunc.f32 v27;
	v54 =	vtrunc.f32 v26;
	v55 =	vld.idx.msk [tilespmem:v0+s24+$0x0], $0xffff  }
0x39d: {  	v57 =	vld.idx.msk [tilespmem:v0+s5+$0x0], $0xffff;
	v0 =	vcvt.s32.f32 v0;
	v20 =	vcvt.f32.s32 v20  }
0x39e: {  	v31 =	vtrunc.f32 v22;
	v32 =	vcvt.f32.s32 v54  }
0x39f: {  	v13 =	vtrunc.f32 v19;
	v21 =	vld.idx.msk [tilespmem:v28+s24+$0x0], $0xffff;
	v29 =	vmul.f32 $1.000000000e+03, v29  }
0x3a0: {  	v31 =	vcvt.f32.s32 v31;
	v0 =	vsub.f32 v11, v0;
	v11 =	vld.idx.msk [tilespmem:v28+s5+$0x0], $0xffff;
	v13 =	vcvt.f32.s32 v13  }
0x3a1: {  	v6 =	vcvt.s32.f32 v20;
	v59 =	vld.idx.msk [tilespmem:v30+s24+$0x0], $0xffff;
	v10 =	vtrunc.f32 v29  }
0x3a2: {  	v5 =	vcvt.s32.f32 v28;
	v4 =	vld.idx.msk [tilespmem:v30+s5+$0x0], $0xffff;
	v9 =	vcvt.f32.s32 v10  }
0x3a3: {  	v2 =	vsub.f32 v27, v6;
	v6 =	vcvt.s32.f32 v30;
	v58 =	vld.idx.msk [tilespmem:v20+s24+$0x0], $0xffff  }
0x3a4: {  	v5 =	vsub.f32 v18, v5;
	v0 =	vmul.f32 v0, v55;
	v18 =	vld.idx.msk [tilespmem:v32+s24+$0x0], $0xffff  }
0x3a5: {  	v3 =	vsub.f32 v16, v6;
	v6 =	vld.idx.msk [tilespmem:v20+s5+$0x0], $0xffff  }
0x3a6: {  	v1 =	vmul.f32 v12, v1;
	v20 =	vmul.f32 v5, v21;
	v0 =	vadd.f32 v0, v57;
	v61 =	vld.idx.msk [tilespmem:v31+s24+$0x0], $0xffff  }
0x3a7: {  	v15 =	vmul.f32 v25, v15;
	v25 =	vld.idx.msk [tilespmem:v13+s24+$0x0], $0xffff  }
0x3a8: {  	v1 =	vmul.f32 v7, v1;
	v11 =	vadd.f32 v20, v11;
	[tilespmem:s9+$0x80] =	vst v0;
	v62 =	vld.idx.msk [tilespmem:v9+s26+$0x0], $0xffff  }
0x3a9: {  	v20 =	vld [tilespmem:s15+$0x100];
	v10 =	vcvt.s32.f32 v13;
	v12 =	vcvt.s32.f32 v9  }
0x3aa: {  	v13 =	vld.idx.msk [tilespmem:v13+s5+$0x0], $0xffff;
	[tilespmem:s9+$0x90] =	vst v11;
	v2 =	vmul.f32 v2, v58  }
0x3ab: {  	v17 =	vmul.f32 v17, v1;
	v11 =	vld [tilespmem:s15+$0x110];
	v19 =	vsub.f32 v19, v10;
	v7 =	vsub.f32 v29, v12  }
0x3ac: {  	v28 =	vcvt.s32.f32 v32;
	v10 =	vmul.f32 v55, v24;
	v24 =	vld.idx.msk [tilespmem:v31+s5+$0x0], $0xffff;
	v2 =	vadd.f32 v2, v6  }
0x3ad: {  	s12 =	simm.s32 $0x8500;
	v0 =	vmul.f32 v19, v25;
	v19 =	vld.idx.msk [tilespmem:v32+s5+$0x0], $0xffff;
	v1 =	vmul.f32 v7, v62  }
0x3ae: {  	v27 =	vcvt.s32.f32 v31;
	v5 =	vmul.f32 v21, v56;
	[tilespmem:s9+$0xA0] =	vst v2;
	v2 =	vld [tilespmem:s12+$0xFFFFFE70]  }
0x3af: {  	v6 =	vmul.f32 v58, v8;
	v8 =	vmul.f32 v25, v23;
	v23 =	vld [tilespmem:s15+$0x120];
	[tilespmem:$0x1FFC0] =	vst v1  }
0x3b0: {  	v16 =	vsub.f32 v22, v27;
	v12 =	vmul.f32 v59, v15;
	v29 =	vmul.f32 $1.000000000e+03, v20;
	v15 =	vld [tilespmem:s12+$0xFFFFFE10]  }
0x3b1: {  	v22 =	vsub.f32 v26, v28;
	v3 =	vmul.f32 v3, v59;
	v26 =	vmul.f32 v62, v17;
	v17 =	vld [tilespmem:s12+$0xFFFFFE20]  }
0x3b2: {  	v21 =	vmul.f32 $1.000000000e+03, v11;
	v0 =	vadd.f32 v0, v13;
	v13 =	vtrunc.f32 v29;
	v11 =	vld [tilespmem:s12+$0xFFFFFE30]  }
0x3b3: {  	v27 =	vcvt.f32.s32 v13;
	v7 =	vmul.f32 v61, v14;
	v14 =	vld [tilespmem:s12+$0xFFFFFE40]  }
0x3b4: {  	v3 =	vadd.f32 v3, v4;
	v20 =	vmul.f32 $1.000000000e+03, v2;
	v2 =	vtrunc.f32 v21;
	v13 =	vld [tilespmem:s12+$0xFFFFFE00]  }
0x3b5: {  	[tilespmem:s9+$0xB0] =	vst v0;
	v0 =	vcvt.f32.s32 v2;
	v2 =	vld [tilespmem:s12+$0xFFFFFE50]  }
0x3b6: {  	v22 =	vmul.f32 v22, v18;
	[tilespmem:s9+$0xC0] =	vst v3;
	v3 =	vld [tilespmem:s12+$0xFFFFFE60]  }
0x3b7: {  	v16 =	vmul.f32 v16, v61;
	v4 =	vtrunc.f32 v20  }
0x3b8: {  	v4 =	vcvt.f32.s32 v4;
	v28 =	vmul.f32 $1.000000000e+03, v15  }
0x3b9: {  	v16 =	vadd.f32 v16, v24;
	v30 =	vmul.f32 $1.000000000e+03, v17;
	v31 =	vmul.f32 $1.000000000e+03, v11  }
0x3ba: {  	v24 =	vld [tilespmem:s15+$0x130];
	v33 =	vmul.f32 $1.000000000e+03, v14;
	v55 =	vmul.f32 $1.000000000e+03, v13  }
0x3bb: {  	[tilespmem:s9+$0xD0] =	vst v16;
	v32 =	vld [tilespmem:s15+$0x140];
	v15 =	vadd.f32 v22, v19;
	v36 =	vmul.f32 $1.000000000e+03, v2;
	v40 =	vmul.f32 $1.000000000e+03, v3  }
0x3bc: {  	v63 =	vld [tilespmem:s15+$0x150];
	v3 =	vcvt.s32.f32 v4;
	v16 =	vtrunc.f32 v28  }
0x3bd: {  	v11 =	vld.idx.msk [tilespmem:v27+s25+$0x0], $0xffff;
	[tilespmem:s9+$0xE0] =	vst v15;
	v14 =	vtrunc.f32 v30;
	v15 =	vtrunc.f32 v31  }
0x3be: {  	v1 =	vld.idx.msk [tilespmem:v4+s19+$0x0], $0xffff;
	v13 =	vtrunc.f32 v55;
	v39 =	vcvt.f32.s32 v16  }
0x3bf: {  	v4 =	vld.idx.msk [tilespmem:v4+s3+$0x0], $0xffff;
	v3 =	vsub.f32 v20, v3;
	v19 =	vtrunc.f32 v40;
	v56 =	vcvt.f32.s32 v13  }
0x3c0: {  	v17 =	vld.idx.msk [tilespmem:v0+s6+$0x0], $0xffff;
	v57 =	vcvt.f32.s32 v14;
	v14 =	vtrunc.f32 v33  }
0x3c1: {  	v37 =	vld [tilespmem:s15+$0x160];
	v58 =	vcvt.f32.s32 v15;
	v15 =	vmul.f32 v18, v60  }
0x3c2: {  	v13 =	vld.idx.msk [tilespmem:v0+s25+$0x0], $0xffff;
	v60 =	vcvt.f32.s32 v19;
	v18 =	vcvt.f32.s32 v14  }
0x3c3: {  	v16 =	vld.idx.msk [tilespmem:v27+s6+$0x0], $0xffff;
	v20 =	vmul.f32 v3, v1;
	v3 =	vmov v1;
	v1 =	vmul.f32 $1.000000010e+24, v26  }
0x3c4: {  	v22 =	vld.idx.msk [tilespmem:v39+s19+$0x0], $0xffff  }
0x3c5: {  	v47 =	vcvt.s32.f32 v27;
	v14 =	vtrunc.f32 v36;
	v25 =	vld.idx.msk [tilespmem:v56+s19+$0x0], $0xffff;
	[tilespmem:$0x1FFD0] =	vst v1  }
0x3c6: {  	v46 =	vmul.f32 $1.000000000e+03, v24;
	v59 =	vcvt.f32.s32 v14;
	v14 =	vld.idx.msk [tilespmem:v57+s19+$0x0], $0xffff  }
0x3c7: {  	v32 =	vmul.f32 $1.000000000e+03, v32;
	v24 =	vcvt.s32.f32 v56;
	v19 =	vld.idx.msk [tilespmem:v58+s19+$0x0], $0xffff  }
0x3c8: {  	v44 =	vmul.f32 $1.000000000e+03, v23;
	v34 =	vmul.f32 $1.000000000e+03, v63;
	v4 =	vadd.f32 v20, v4;
	v20 =	vld.idx.msk [tilespmem:v18+s19+$0x0], $0xffff  }
0x3c9: {  	v27 =	vtrunc.f32 v46;
	v63 =	vtrunc.f32 v32;
	v35 =	vsub.f32 v55, v24;
	v24 =	vld.idx.msk [tilespmem:v60+s19+$0x0], $0xffff  }
0x3ca: {  	v0 =	vcvt.s32.f32 v0;
	v26 =	vtrunc.f32 v44;
	v41 =	vld.idx.msk [tilespmem:v56+s3+$0x0], $0xffff  }
0x3cb: {  	s10 =	simm.s32 $0x10500;
	v29 =	vsub.f32 v29, v47;
	v48 =	vcvt.f32.s32 v63;
	v53 =	vcvt.f32.s32 v26;
	v26 =	vld.idx.msk [tilespmem:v39+s3+$0x0], $0xffff  }
0x3cc: {  	v61 =	vcvt.s32.f32 v57;
	v50 =	vcvt.s32.f32 v58;
	[tilespmem:s10+$0xFFFFFE70] =	vst v4;
	v42 =	vld.idx.msk [tilespmem:v57+s3+$0x0], $0xffff  }
0x3cd: {  	v29 =	vmul.f32 v29, v11;
	v4 =	vcvt.s32.f32 v39;
	v62 =	vld [tilespmem:s12+$0xFFFFFEF0]  }
0x3ce: {  	v51 =	vcvt.s32.f32 v18;
	v52 =	vcvt.s32.f32 v59;
	v56 =	vld.idx.msk [tilespmem:v58+s3+$0x0], $0xffff  }
0x3cf: {  	v31 =	vsub.f32 v31, v50;
	v47 =	vcvt.s32.f32 v53;
	v57 =	vld.idx.msk [tilespmem:v18+s3+$0x0], $0xffff;
	v4 =	vsub.f32 v28, v4  }
0x3d0: {  	v39 =	vcvt.f32.s32 v27;
	v27 =	vsub.f32 v33, v51;
	v23 =	vld.idx.msk [tilespmem:v59+s19+$0x0], $0xffff;
	v35 =	vmul.f32 v35, v25  }
0x3d1: {  	v30 =	vsub.f32 v30, v61;
	v38 =	vld.idx.msk [tilespmem:v59+s3+$0x0], $0xffff;
	v4 =	vmul.f32 v4, v22;
	v31 =	vmul.f32 v31, v19  }
0x3d2: {  	v58 =	vmul.f32 v27, v20;
	v27 =	vld.idx.msk [tilespmem:v53+s25+$0x0], $0xffff;
	v49 =	vmul.f32 $1.000000000e+03, v62;
	v35 =	vadd.f32 v35, v41  }
0x3d3: {  	v28 =	vcvt.s32.f32 v60;
	v30 =	vmul.f32 v30, v14;
	v53 =	vld.idx.msk [tilespmem:v53+s6+$0x0], $0xffff;
	v4 =	vadd.f32 v4, v26  }
0x3d4: {  	v36 =	vsub.f32 v36, v52;
	v41 =	vld.idx.msk [tilespmem:v60+s3+$0x0], $0xffff;
	v31 =	vadd.f32 v31, v56;
	v18 =	vtrunc.f32 v49;
	[tilespmem:s10+$0xFFFFFE00] =	vst v35  }
0x3d5: {  	v40 =	vsub.f32 v40, v28;
	v30 =	vadd.f32 v30, v42;
	[tilespmem:s10+$0xFFFFFE10] =	vst v4;
	v50 =	vcvt.f32.s32 v18;
	v61 =	vld [tilespmem:s12+$0xFFFFFE80]  }
0x3d6: {  	v11 =	vmul.f32 v11, v10;
	v59 =	vmul.f32 v36, v23;
	v63 =	vadd.f32 v58, v57;
	v62 =	vld [tilespmem:s12+$0xFFFFFE90];
	[tilespmem:s10+$0xFFFFFE30] =	vst v31  }
0x3d7: {  	v0 =	vsub.f32 v21, v0;
	v33 =	vmul.f32 $1.000000000e+03, v37;
	v60 =	vmul.f32 v40, v24;
	[tilespmem:s10+$0xFFFFFE20] =	vst v30;
	v58 =	vld [tilespmem:s12+$0xFFFFFEB0]  }
0x3d8: {  	v51 =	vcvt.s32.f32 v39;
	v28 =	vtrunc.f32 v34;
	v21 =	vadd.f32 v59, v38;
	[tilespmem:s10+$0xFFFFFE40] =	vst v63;
	v56 =	vld [tilespmem:s12+$0xFFFFFEA0]  }
0x3d9: {  	v26 =	vcvt.f32.s32 v28;
	v18 =	vtrunc.f32 v33;
	v36 =	vadd.f32 v60, v41;
	v60 =	vld [tilespmem:s12+$0xFFFFFEC0]  }
0x3da: {  	v28 =	vld.idx.msk [tilespmem:v39+s25+$0x0], $0xffff;
	v18 =	vcvt.f32.s32 v18;
	[tilespmem:s10+$0xFFFFFE50] =	vst v21;
	v21 =	vmul.f32 $1.000000000e+03, v61  }
0x3db: {  	v57 =	vcvt.s32.f32 v50;
	[tilespmem:s10+$0xFFFFFE60] =	vst v36;
	v41 =	vmul.f32 $1.000000000e+03, v62;
	v4 =	vld.idx.msk [tilespmem:v50+s20+$0x0], $0xffff  }
0x3dc: {  	v63 =	vld [tilespmem:s12+$0xFFFFFEE0];
	v37 =	vmul.f32 $1.000000000e+03, v58;
	v62 =	vtrunc.f32 v21  }
0x3dd: {  	v31 =	vld.idx.msk [tilespmem:v50+s31+$0x0], $0xffff;
	v43 =	vmul.f32 $1.000000000e+03, v56;
	v42 =	vcvt.f32.s32 v62  }
0x3de: {  	v59 =	vsub.f32 v49, v57;
	v61 =	vld [tilespmem:s12+$0xFFFFFED0];
	v40 =	vmul.f32 $1.000000000e+03, v60;
	v55 =	vtrunc.f32 v37  }
0x3df: {  	v39 =	vld.idx.msk [tilespmem:v39+s6+$0x0], $0xffff;
	v56 =	vtrunc.f32 v41;
	v55 =	vcvt.f32.s32 v55  }
0x3e0: {  	v49 =	vld.idx.msk [tilespmem:v48+s25+$0x0], $0xffff;
	v57 =	vtrunc.f32 v40;
	v38 =	vmul.f32 v59, v4  }
0x3e1: {  	v50 =	vld.idx.msk [tilespmem:v26+s25+$0x0], $0xffff;
	v45 =	vmul.f32 $1.000000000e+03, v63;
	v57 =	vcvt.f32.s32 v57  }
0x3e2: {  	v0 =	vmul.f32 v0, v13;
	v54 =	vld.idx.msk [tilespmem:v18+s25+$0x0], $0xffff;
	v31 =	vadd.f32 v38, v31;
	v38 =	vcvt.f32.s32 v56  }
0x3e3: {  	v44 =	vsub.f32 v44, v47;
	v36 =	vmul.f32 $1.000000000e+03, v61;
	v47 =	vtrunc.f32 v45;
	v59 =	vld.idx.msk [tilespmem:v42+s20+$0x0], $0xffff  }
0x3e4: {  	v47 =	vcvt.f32.s32 v47;
	v60 =	vld.idx.msk [tilespmem:v42+s31+$0x0], $0xffff;
	[tilespmem:s10+$0xFFFFFEF0] =	vst v31;
	v31 =	vtrunc.f32 v43  }
0x3e5: {  	v10 =	vcvt.s32.f32 v42;
	v42 =	vld.idx.msk [tilespmem:v55+s20+$0x0], $0xffff;
	v31 =	vcvt.f32.s32 v31  }
0x3e6: {  	v52 =	vcvt.s32.f32 v26;
	v58 =	vtrunc.f32 v36;
	v56 =	vld [tilespmem:s12+$0xFFFFFF70]  }
0x3e7: {  	v46 =	vsub.f32 v46, v51;
	v35 =	vcvt.s32.f32 v18;
	v51 =	vcvt.f32.s32 v58;
	v63 =	vld.idx.msk [tilespmem:v57+s20+$0x0], $0xffff  }
0x3e8: {  	v34 =	vsub.f32 v34, v52;
	v52 =	vcvt.s32.f32 v55;
	v10 =	vsub.f32 v21, v10;
	v58 =	vld.idx.msk [tilespmem:v38+s20+$0x0], $0xffff  }
0x3e9: {  	v30 =	vcvt.s32.f32 v48;
	v33 =	vsub.f32 v33, v35;
	v35 =	vcvt.s32.f32 v31;
	v61 =	vld.idx.msk [tilespmem:v38+s31+$0x0], $0xffff  }
0x3ea: {  	v37 =	vsub.f32 v37, v52;
	v38 =	vcvt.s32.f32 v38;
	v52 =	vld.idx.msk [tilespmem:v47+s20+$0x0], $0xffff;
	v10 =	vmul.f32 v10, v59  }
0x3eb: {  	v30 =	vsub.f32 v32, v30;
	v59 =	vmul.f32 v59, v25;
	v56 =	vmul.f32 $1.000000000e+03, v56;
	v32 =	vld.idx.msk [tilespmem:v31+s20+$0x0], $0xffff  }
0x3ec: {  	v25 =	vld.idx.msk [tilespmem:v57+s31+$0x0], $0xffff;
	v35 =	vsub.f32 v43, v35;
	v43 =	vcvt.s32.f32 v51;
	v21 =	vsub.f32 v41, v38  }
0x3ed: {  	v38 =	vcvt.s32.f32 v57;
	v41 =	vld.idx.msk [tilespmem:v51+s20+$0x0], $0xffff;
	v10 =	vadd.f32 v10, v60;
	v62 =	vtrunc.f32 v56  }
0x3ee: {  	v57 =	vld.idx.msk [tilespmem:v51+s31+$0x0], $0xffff;
	v62 =	vcvt.f32.s32 v62;
	v21 =	vmul.f32 v21, v58  }
0x3ef: {  	v31 =	vld.idx.msk [tilespmem:v31+s31+$0x0], $0xffff;
	v38 =	vsub.f32 v40, v38;
	v40 =	vcvt.s32.f32 v47;
	[tilespmem:s10+$0xFFFFFE80] =	vst v10;
	v10 =	vmul.f32 v37, v42  }
0x3f0: {  	v22 =	vmul.f32 v58, v22;
	v58 =	vld.idx.msk [tilespmem:v47+s31+$0x0], $0xffff;
	v60 =	vadd.f32 v21, v61;
	v35 =	vmul.f32 v35, v32  }
0x3f1: {  	v40 =	vsub.f32 v45, v40;
	v45 =	vld.idx.msk [tilespmem:v55+s31+$0x0], $0xffff;
	v32 =	vmul.f32 v32, v14;
	v14 =	vmul.f32 v13, v5  }
0x3f2: {  	v13 =	vmul.f32 v27, v6;
	v6 =	vmul.f32 v49, v12;
	v12 =	vld.idx.msk [tilespmem:v26+s6+$0x0], $0xffff;
	[tilespmem:s10+$0xFFFFFE90] =	vst v60  }
0x3f3: {  	v36 =	vsub.f32 v36, v43;
	v42 =	vmul.f32 v42, v19;
	v40 =	vmul.f32 v40, v52;
	v19 =	vld [tilespmem:s12+$0xFFFFFF10]  }
0x3f4: {  	v16 =	vadd.f32 v29, v16;
	v55 =	vcvt.s32.f32 v62;
	v43 =	vld.idx.msk [tilespmem:v62+s21+$0x0], $0xffff  }
0x3f5: {  	v21 =	vmul.f32 v33, v54;
	v36 =	vmul.f32 v36, v41;
	v26 =	vadd.f32 v40, v58;
	v33 =	vld.idx.msk [tilespmem:v62+s0+$0x0], $0xffff  }
0x3f6: {  	[tilespmem:s9+$0x100] =	vst v16;
	v44 =	vmul.f32 v44, v27;
	v38 =	vmul.f32 v38, v63;
	v62 =	vld [tilespmem:s12+$0xFFFFFF00];
	v10 =	vadd.f32 v10, v45  }
0x3f7: {  	v48 =	vld.idx.msk [tilespmem:v48+s6+$0x0], $0xffff;
	v55 =	vsub.f32 v56, v55;
	v27 =	vadd.f32 v36, v57;
	[tilespmem:s10+$0xFFFFFEE0] =	vst v26  }
0x3f8: {  	v46 =	vmul.f32 v46, v28;
	[tilespmem:s10+$0xFFFFFEB0] =	vst v10;
	v10 =	vmul.f32 v52, v24;
	v24 =	vadd.f32 v38, v25;
	v26 =	vld [tilespmem:s12+$0xFFFFFF60]  }
0x3f9: {  	v8 =	vmul.f32 v28, v8;
	v31 =	vadd.f32 v35, v31;
	[tilespmem:s10+$0xFFFFFED0] =	vst v27;
	v25 =	vld [tilespmem:s12+$0xFFFFFF30];
	v61 =	vmul.f32 v55, v43  }
0x3fa: {  	v0 =	vadd.f32 v0, v17;
	v5 =	vmul.f32 v54, v15;
	[tilespmem:s10+$0xFFFFFEC0] =	vst v24;
	v15 =	vmul.f32 $1.000000000e+03, v19;
	v19 =	vld [tilespmem:s12+$0xFFFFFF50]  }
0x3fb: {  	v30 =	vmul.f32 v30, v49;
	[tilespmem:s10+$0xFFFFFEA0] =	vst v31;
	v24 =	vmul.f32 $1.000000000e+03, v62;
	v29 =	vld [tilespmem:s12+$0xFFFFFF40];
	v31 =	vadd.f32 v61, v33  }
0x3fc: {  	[tilespmem:s9+$0x110] =	vst v0;
	v16 =	vadd.f32 v44, v53;
	v27 =	vtrunc.f32 v15;
	v33 =	vmul.f32 v63, v20;
	v20 =	vld [tilespmem:s12+$0xFFFFFF20]  }
0x3fd: {  	v34 =	vmul.f32 v34, v50;
	v27 =	vcvt.f32.s32 v27;
	[tilespmem:s10+$0xFFFFFF70] =	vst v31  }
0x3fe: {  	[tilespmem:s9+$0x120] =	vst v16;
	v16 =	vadd.f32 v30, v48;
	v17 =	vtrunc.f32 v24;
	v26 =	vmul.f32 $1.000000000e+03, v26;
	v28 =	vld [tilespmem:s12+$0xFFFFFFF0]  }
0x3ff: {  	v0 =	vadd.f32 v46, v39;
	v30 =	vld [tilespmem:s15+$0x190];
	v17 =	vcvt.f32.s32 v17;
	v25 =	vmul.f32 $1.000000000e+03, v25  }
0x400: {  	[tilespmem:s9+$0x140] =	vst v16;
	v35 =	vld [tilespmem:s15+$0x1A0];
	v38 =	vmul.f32 $1.000000000e+03, v19;
	v16 =	vmul.f32 $1.000000000e+03, v29  }
0x401: {  	[tilespmem:s9+$0x130] =	vst v0;
	v31 =	vld [tilespmem:s15+$0x180];
	v58 =	vtrunc.f32 v26;
	v20 =	vmul.f32 $1.000000000e+03, v20  }
0x402: {  	v12 =	vadd.f32 v34, v12;
	v29 =	vld [tilespmem:s15+$0x1B0];
	v34 =	vcvt.f32.s32 v58;
	v19 =	vtrunc.f32 v16  }
0x403: {  	v45 =	vld.idx.msk [tilespmem:v27+s21+$0x0], $0xffff;
	v0 =	vtrunc.f32 v20;
	v28 =	vmul.f32 $1.000000000e+03, v28  }
0x404: {  	[tilespmem:s9+$0x150] =	vst v12;
	v46 =	vcvt.f32.s32 v19;
	v47 =	vld.idx.msk [tilespmem:v27+s0+$0x0], $0xffff;
	v0 =	vcvt.f32.s32 v0  }
0x405: {  	v19 =	vcvt.s32.f32 v27;
	v27 =	vld [tilespmem:s15+$0x1D0];
	v55 =	vtrunc.f32 v28  }
0x406: {  	v56 =	vtrunc.f32 v25;
	v40 =	vld.idx.msk [tilespmem:v17+s21+$0x0], $0xffff;
	v36 =	vcvt.f32.s32 v55  }
0x407: {  	v37 =	vcvt.f32.s32 v56;
	v44 =	vld.idx.msk [tilespmem:v17+s0+$0x0], $0xffff  }
0x408: {  	v7 =	vmul.f32 v50, v7;
	v15 =	vsub.f32 v15, v19;
	v19 =	vmul.f32 $1.000000000e+03, v30;
	v30 =	vld.idx.msk [tilespmem:v34+s21+$0x0], $0xffff  }
0x409: {  	v57 =	vtrunc.f32 v38;
	v63 =	vcvt.s32.f32 v34;
	v34 =	vld.idx.msk [tilespmem:v34+s0+$0x0], $0xffff  }
0x40a: {  	v23 =	vmul.f32 v41, v23;
	v41 =	vcvt.f32.s32 v57;
	v51 =	vld.idx.msk [tilespmem:v0+s21+$0x0], $0xffff  }
0x40b: {  	v62 =	vcvt.s32.f32 v37;
	v61 =	vcvt.s32.f32 v0;
	v0 =	vld.idx.msk [tilespmem:v0+s0+$0x0], $0xffff  }
0x40c: {  	v17 =	vcvt.s32.f32 v17;
	v48 =	vcvt.s32.f32 v41;
	v12 =	vld.idx.msk [tilespmem:v36+s22+$0x0], $0xffff  }
0x40d: {  	v26 =	vsub.f32 v26, v63;
	v49 =	vld.idx.msk [tilespmem:v37+s21+$0x0], $0xffff;
	v20 =	vsub.f32 v20, v61;
	v60 =	vcvt.s32.f32 v36  }
0x40e: {  	v50 =	vsub.f32 v25, v62;
	v25 =	vmul.f32 $1.000000000e+03, v31;
	v61 =	vmul.f32 v15, v45;
	v36 =	vld.idx.msk [tilespmem:v36+s4+$0x0], $0xffff  }
0x40f: {  	v63 =	vld.idx.msk [tilespmem:v37+s0+$0x0], $0xffff;
	v15 =	vmul.f32 $1.000000000e+03, v29;
	v28 =	vsub.f32 v28, v60;
	v29 =	vmul.f32 v20, v51  }
0x410: {  	v17 =	vsub.f32 v24, v17;
	v24 =	vcvt.s32.f32 v46;
	v31 =	vsub.f32 v38, v48;
	v62 =	vld.idx.msk [tilespmem:v41+s21+$0x0], $0xffff  }
0x411: {  	v22 =	vmul.f32 v45, v22;
	v48 =	vld.idx.msk [tilespmem:v41+s0+$0x0], $0xffff;
	v0 =	vadd.f32 v29, v0;
	v28 =	vmul.f32 v28, v12  }
0x412: {  	v53 =	vld.idx.msk [tilespmem:v46+s21+$0x0], $0xffff;
	v26 =	vmul.f32 v26, v30;
	v45 =	vmul.f32 v50, v49  }
0x413: {  	v10 =	vmul.f32 v30, v10;
	v60 =	vmul.f32 v17, v40;
	[tilespmem:s10+$0xFFFFFF20] =	vst v0;
	v28 =	vadd.f32 v28, v36  }
0x414: {  	v17 =	vmul.f32 $1.000000000e+03, v35;
	v26 =	vadd.f32 v26, v34;
	v35 =	vadd.f32 v45, v63;
	v30 =	vld [tilespmem:s12+$0xFFFFFFA0]  }
0x415: {  	[tilespmem:s10+$0xFFFFFFF0] =	vst v28;
	v28 =	vadd.f32 v60, v44;
	v44 =	vadd.f32 v61, v47;
	v47 =	vld.idx.msk [tilespmem:v46+s0+$0x0], $0xffff  }
0x416: {  	v24 =	vsub.f32 v16, v24;
	v20 =	vmul.f32 $1.000000000e+03, v27;
	[tilespmem:s10+$0xFFFFFF30] =	vst v35;
	v27 =	vld [tilespmem:s12+$0x70]  }
0x417: {  	v4 =	vmul.f32 v4, v3;
	v31 =	vmul.f32 v31, v62;
	[tilespmem:s10+$0xFFFFFF60] =	vst v26;
	v52 =	vld [tilespmem:s12+$0xFFFFFFB0]  }
0x418: {  	v37 =	vmul.f32 v62, v23;
	v24 =	vmul.f32 v24, v53;
	v55 =	vld [tilespmem:s12+$0xFFFFFFE0];
	[tilespmem:s10+$0xFFFFFF00] =	vst v28  }
0x419: {  	v29 =	vmul.f32 v53, v33;
	v36 =	vmul.f32 v40, v59;
	[tilespmem:s10+$0xFFFFFF10] =	vst v44;
	v50 =	vld [tilespmem:s12+$0xFFFFFF80]  }
0x41a: {  	v40 =	vmul.f32 v49, v42;
	v23 =	vld [tilespmem:s12+$0xFFFFFF90];
	v30 =	vmul.f32 $1.000000000e+03, v30  }
0x41b: {  	v28 =	vmul.f32 v51, v32;
	v24 =	vadd.f32 v24, v47;
	v0 =	vmul.f32 $1.000000000e+03, v27  }
0x41c: {  	v31 =	vadd.f32 v31, v48;
	v32 =	vmul.f32 $1.000000000e+03, v52;
	v56 =	vtrunc.f32 v30  }
0x41d: {  	v18 =	vld.idx.msk [tilespmem:v18+s6+$0x0], $0xffff;
	v45 =	vcvt.f32.s32 v56;
	[tilespmem:s10+$0xFFFFFF40] =	vst v24;
	v51 =	vtrunc.f32 v0  }
0x41e: {  	[tilespmem:s10+$0xFFFFFF50] =	vst v31;
	v33 =	vmul.f32 $1.000000000e+03, v50;
	v53 =	vld [tilespmem:s12+$0xFFFFFFC0];
	v24 =	vcvt.f32.s32 v51  }
0x41f: {  	v44 =	vmul.f32 $1.000000000e+03, v55;
	v31 =	vmul.f32 $1.000000000e+03, v23;
	v23 =	vld [tilespmem:s12+$0xFFFFFFD0]  }
0x420: {  	v57 =	vtrunc.f32 v32;
	v54 =	vtrunc.f32 v33  }
0x421: {  	v61 =	vtrunc.f32 v44;
	v34 =	vcvt.f32.s32 v54  }
0x422: {  	v39 =	vld [tilespmem:s15+$0x1C0];
	v18 =	vadd.f32 v21, v18;
	v27 =	vtrunc.f32 v25;
	v26 =	vtrunc.f32 v31  }
0x423: {  	v26 =	vcvt.f32.s32 v26;
	v58 =	vcvt.s32.f32 v24;
	v55 =	vld.idx.msk [tilespmem:v45+s22+$0x0], $0xffff  }
0x424: {  	[tilespmem:s9+$0x160] =	vst v18;
	v41 =	vmul.f32 $1.000000000e+03, v53;
	v18 =	vmul.f32 $1.000000000e+03, v23;
	v21 =	vld.idx.msk [tilespmem:v24+s23+$0x0], $0xffff  }
0x425: {  	v53 =	vcvt.f32.s32 v27;
	v27 =	vcvt.f32.s32 v61;
	v23 =	vld.idx.msk [tilespmem:v24+s28+$0x0], $0xffff  }
0x426: {  	v46 =	vcvt.f32.s32 v57;
	v24 =	vld [tilespmem:s15+$0x1E0];
	v60 =	vtrunc.f32 v18  }
0x427: {  	v0 =	vsub.f32 v0, v58;
	v59 =	vtrunc.f32 v41;
	v47 =	vcvt.f32.s32 v60;
	v49 =	vld.idx.msk [tilespmem:v34+s22+$0x0], $0xffff  }
0x428: {  	v38 =	vtrunc.f32 v19;
	v48 =	vcvt.f32.s32 v59;
	v50 =	vld.idx.msk [tilespmem:v34+s4+$0x0], $0xffff  }
0x429: {  	v16 =	vmul.f32 $1.000000000e+03, v39;
	v52 =	vld.idx.msk [tilespmem:v26+s22+$0x0], $0xffff;
	v0 =	vmul.f32 v0, v21  }
0x42a: {  	v39 =	vtrunc.f32 v17;
	v62 =	vcvt.s32.f32 v45;
	v51 =	vld.idx.msk [tilespmem:v26+s4+$0x0], $0xffff  }
0x42b: {  	v35 =	vtrunc.f32 v15;
	v34 =	vcvt.s32.f32 v34;
	v63 =	vld.idx.msk [tilespmem:v27+s22+$0x0], $0xffff;
	v0 =	vadd.f32 v0, v23  }
0x42c: {  	v30 =	vsub.f32 v30, v62;
	v23 =	vmul.f32 $1.000000000e+03, v24;
	v24 =	vcvt.s32.f32 v26;
	v26 =	vld.idx.msk [tilespmem:v46+s22+$0x0], $0xffff  }
0x42d: {  	v42 =	vtrunc.f32 v16;
	v54 =	vtrunc.f32 v20;
	v60 =	vld.idx.msk [tilespmem:v47+s22+$0x0], $0xffff;
	[tilespmem:s10+$0x70] =	vst v0;
	v0 =	vsub.f32 v33, v34  }
0x42e: {  	v30 =	vmul.f32 v30, v55;
	v34 =	vcvt.s32.f32 v46;
	v24 =	vsub.f32 v31, v24;
	v31 =	vld.idx.msk [tilespmem:v48+s22+$0x0], $0xffff  }
0x42f: {  	v57 =	vcvt.s32.f32 v48;
	v56 =	vld [tilespmem:s12+$0xF0];
	v0 =	vmul.f32 v0, v49  }
0x430: {  	v32 =	vsub.f32 v32, v34;
	v34 =	vmul.f32 v49, v36;
	v49 =	vmul.f32 v52, v22;
	v22 =	vld.idx.msk [tilespmem:v45+s4+$0x0], $0xffff  }
0x431: {  	v58 =	vcvt.s32.f32 v47;
	v24 =	vmul.f32 v24, v52;
	v52 =	vld.idx.msk [tilespmem:v46+s4+$0x0], $0xffff  }
0x432: {  	v33 =	vcvt.s32.f32 v27;
	v0 =	vadd.f32 v0, v50;
	v50 =	vmul.f32 v55, v28;
	v28 =	vld.idx.msk [tilespmem:v48+s4+$0x0], $0xffff  }
0x433: {  	v59 =	vtrunc.f32 v23;
	v24 =	vadd.f32 v24, v51;
	v55 =	vsub.f32 v18, v58;
	v58 =	vld.idx.msk [tilespmem:v27+s4+$0x0], $0xffff  }
0x434: {  	v41 =	vsub.f32 v41, v57;
	v10 =	vmul.f32 v63, v10;
	v46 =	vmul.f32 $1.000000000e+03, v56;
	[tilespmem:s10+$0xFFFFFF80] =	vst v0;
	v56 =	vld.idx.msk [tilespmem:v47+s4+$0x0], $0xffff  }
0x435: {  	v33 =	vsub.f32 v44, v33;
	v40 =	vmul.f32 v26, v40;
	v0 =	vmul.f32 v32, v26;
	[tilespmem:s10+$0xFFFFFF90] =	vst v24;
	v24 =	vld [tilespmem:s12+$0x0]  }
0x436: {  	v26 =	vmul.f32 v41, v31;
	v31 =	vmul.f32 v31, v29;
	v29 =	vld [tilespmem:s12+$0x10];
	v22 =	vadd.f32 v30, v22  }
0x437: {  	v9 =	vld.idx.msk [tilespmem:v9+s7+$0x0], $0xffff;
	v30 =	vmul.f32 v55, v60;
	v18 =	vtrunc.f32 v46;
	v0 =	vadd.f32 v0, v52  }
0x438: {  	v45 =	vcvt.f32.s32 v38;
	v41 =	vld.idx.msk [tilespmem:v53+s26+$0x0], $0xffff;
	v57 =	vcvt.f32.s32 v18;
	[tilespmem:s10+$0xFFFFFFA0] =	vst v22;
	v22 =	vadd.f32 v26, v28  }
0x439: {  	v33 =	vmul.f32 v33, v63;
	v47 =	vmul.f32 v60, v37;
	v60 =	vld [tilespmem:s12+$0x20];
	[tilespmem:s10+$0xFFFFFFB0] =	vst v0;
	v30 =	vadd.f32 v30, v56  }
0x43a: {  	v44 =	vcvt.s32.f32 v53;
	v27 =	vcvt.f32.s32 v35;
	v61 =	vld [tilespmem:s12+$0x30];
	[tilespmem:s10+$0xFFFFFFC0] =	vst v22  }
0x43b: {  	v0 =	vmul.f32 $1.000000000e+03, v24;
	v32 =	vmul.f32 $1.000000000e+03, v29;
	v29 =	vadd.f32 v33, v58;
	v55 =	vld [tilespmem:s12+$0x40];
	[tilespmem:s10+$0xFFFFFFD0] =	vst v30  }
0x43c: {  	v18 =	vcvt.f32.s32 v39;
	v26 =	vcvt.f32.s32 v54;
	v62 =	vld [tilespmem:s12+$0x50]  }
0x43d: {  	v56 =	vcvt.s32.f32 v57;
	v54 =	vtrunc.f32 v0;
	[tilespmem:s10+$0xFFFFFFE0] =	vst v29;
	v29 =	vld.idx.msk [tilespmem:v53+s7+$0x0], $0xffff  }
0x43e: {  	v30 =	vtrunc.f32 v32;
	v24 =	vld.idx.msk [tilespmem:v57+s24+$0x0], $0xffff;
	v33 =	vcvt.f32.s32 v54  }
0x43f: {  	v35 =	vmul.f32 $1.000000000e+03, v60;
	v48 =	vcvt.f32.s32 v30;
	v63 =	vld [tilespmem:s12+$0x60]  }
0x440: {  	v28 =	vcvt.f32.s32 v42;
	v22 =	vcvt.f32.s32 v59;
	v57 =	vld.idx.msk [tilespmem:v57+s5+$0x0], $0xffff  }
0x441: {  	v30 =	vsub.f32 v46, v56;
	v46 =	vld.idx.msk [tilespmem:v45+s26+$0x0], $0xffff;
	v36 =	vmul.f32 $1.000000000e+03, v61;
	v58 =	vtrunc.f32 v35  }
0x442: {  	v54 =	vld.idx.msk [tilespmem:v18+s26+$0x0], $0xffff;
	v37 =	vmul.f32 $1.000000000e+03, v55;
	v53 =	vcvt.f32.s32 v58  }
0x443: {  	v60 =	vtrunc.f32 v36;
	v59 =	vmul.f32 v30, v24;
	v30 =	vld.idx.msk [tilespmem:v45+s7+$0x0], $0xffff  }
0x444: {  	v56 =	vcvt.f32.s32 v60;
	v51 =	vmul.f32 $1.000000000e+03, v63;
	v52 =	vld.idx.msk [tilespmem:v33+s23+$0x0], $0xffff  }
0x445: {  	v38 =	vcvt.s32.f32 v48;
	v42 =	vmul.f32 $1.000000000e+03, v62;
	v39 =	vadd.f32 v59, v57;
	v57 =	vld.idx.msk [tilespmem:v48+s23+$0x0], $0xffff  }
0x446: {  	v63 =	vtrunc.f32 v51;
	v59 =	vcvt.s32.f32 v33;
	v33 =	vld.idx.msk [tilespmem:v33+s28+$0x0], $0xffff  }
0x447: {  	v61 =	vtrunc.f32 v37;
	v48 =	vld.idx.msk [tilespmem:v48+s28+$0x0], $0xffff;
	v60 =	vcvt.f32.s32 v63  }
0x448: {  	v55 =	vcvt.f32.s32 v61;
	v62 =	vtrunc.f32 v42;
	[tilespmem:s10+$0xF0] =	vst v39;
	v61 =	vld.idx.msk [tilespmem:v53+s23+$0x0], $0xffff  }
0x449: {  	v4 =	vmul.f32 v43, v4;
	v39 =	vcvt.f32.s32 v62;
	v58 =	vld [tilespmem:s12+$0x170]  }
0x44a: {  	v0 =	vsub.f32 v0, v59;
	v59 =	vcvt.s32.f32 v56;
	v62 =	vcvt.s32.f32 v55;
	v1 =	vld.idx.msk [tilespmem:v56+s23+$0x0], $0xffff  }
0x44b: {  	v4 =	vmul.f32 v12, v4;
	v25 =	vsub.f32 v25, v44;
	v44 =	vcvt.s32.f32 v53;
	v56 =	vld.idx.msk [tilespmem:v56+s28+$0x0], $0xffff  }
0x44c: {  	v36 =	vsub.f32 v36, v59;
	v59 =	vsub.f32 v37, v62;
	v37 =	vmul.f32 v57, v49;
	v49 =	vld.idx.msk [tilespmem:v53+s28+$0x0], $0xffff  }
0x44d: {  	v32 =	vsub.f32 v32, v38;
	v0 =	vmul.f32 v0, v52;
	v62 =	vld.idx.msk [tilespmem:v60+s23+$0x0], $0xffff  }
0x44e: {  	v4 =	vmul.f32 v21, v4;
	v35 =	vsub.f32 v35, v44;
	v44 =	vmul.f32 $1.000000000e+03, v58;
	v58 =	vld.idx.msk [tilespmem:v55+s23+$0x0], $0xffff  }
0x44f: {  	v38 =	vmul.f32 v52, v34;
	v32 =	vmul.f32 v32, v57;
	v0 =	vadd.f32 v0, v33;
	v52 =	vld.idx.msk [tilespmem:v39+s23+$0x0], $0xffff  }
0x450: {  	v2 =	vcvt.s32.f32 v60;
	v63 =	vcvt.s32.f32 v39;
	v55 =	vld.idx.msk [tilespmem:v55+s28+$0x0], $0xffff  }
0x451: {  	v34 =	vmul.f32 v61, v50;
	v32 =	vadd.f32 v32, v48;
	v39 =	vld.idx.msk [tilespmem:v39+s28+$0x0], $0xffff;
	[tilespmem:s10+$0x0] =	vst v0;
	v57 =	vtrunc.f32 v44  }
0x452: {  	v42 =	vsub.f32 v42, v63;
	v33 =	vmul.f32 v1, v40;
	v63 =	vld [tilespmem:s12+$0x80];
	v53 =	vcvt.f32.s32 v57  }
0x453: {  	[tilespmem:s10+$0x10] =	vst v32;
	v57 =	vmul.f32 v35, v61;
	v61 =	vmul.f32 v36, v1;
	v1 =	vld.idx.msk [tilespmem:v60+s28+$0x0], $0xffff  }
0x454: {  	v45 =	vcvt.s32.f32 v45;
	v0 =	vmul.f32 v59, v58;
	v59 =	vld [tilespmem:s12+$0x90]  }
0x455: {  	v2 =	vsub.f32 v51, v2;
	v35 =	vmul.f32 v58, v31;
	v31 =	vmul.f32 v42, v52;
	v42 =	vld.idx.msk [tilespmem:v27+s26+$0x0], $0xffff  }
0x456: {  	v51 =	vcvt.s32.f32 v18;
	v32 =	vmul.f32 v52, v47;
	v58 =	vadd.f32 v57, v49;
	v47 =	vld.idx.msk [tilespmem:v28+s26+$0x0], $0xffff  }
0x457: {  	v4 =	vmul.f32 v24, v4;
	v19 =	vsub.f32 v19, v45;
	v60 =	vadd.f32 v61, v56;
	v56 =	vld.idx.msk [tilespmem:v22+s26+$0x0], $0xffff  }
0x458: {  	v17 =	vsub.f32 v17, v51;
	v2 =	vmul.f32 v2, v62;
	[tilespmem:s10+$0x20] =	vst v58;
	v58 =	vld.idx.msk [tilespmem:v18+s7+$0x0], $0xffff  }
0x459: {  	v51 =	vmul.f32 v25, v41;
	v25 =	vmul.f32 v41, v11;
	v0 =	vadd.f32 v0, v55;
	v11 =	vld [tilespmem:s12+$0xA0]  }
0x45a: {  	v50 =	vcvt.s32.f32 v27;
	v40 =	vmul.f32 $1.000000000e+03, v63;
	[tilespmem:s10+$0x30] =	vst v60;
	v1 =	vadd.f32 v2, v1;
	v45 =	vld.idx.msk [tilespmem:v53+s25+$0x0], $0xffff  }
0x45b: {  	v41 =	vmul.f32 v19, v46;
	v61 =	vcvt.s32.f32 v53;
	v39 =	vadd.f32 v31, v39;
	v19 =	vld [tilespmem:s12+$0xB0];
	[tilespmem:s10+$0x40] =	vst v0  }
0x45c: {  	v36 =	vmul.f32 v62, v10;
	v53 =	vld.idx.msk [tilespmem:v53+s6+$0x0], $0xffff;
	[tilespmem:s10+$0x60] =	vst v1;
	v1 =	vtrunc.f32 v40  }
0x45d: {  	v31 =	vmul.f32 v46, v14;
	v0 =	vsub.f32 v44, v61;
	[tilespmem:s10+$0x50] =	vst v39;
	v2 =	vld [tilespmem:s12+$0xC0];
	v1 =	vcvt.f32.s32 v1  }
0x45e: {  	v39 =	vmul.f32 v17, v54;
	v14 =	vmul.f32 $1.000000000e+03, v59;
	v62 =	vld [tilespmem:s12+$0xD0]  }
0x45f: {  	v17 =	vmul.f32 v54, v13;
	v59 =	vld.idx.msk [tilespmem:v27+s7+$0x0], $0xffff;
	v0 =	vmul.f32 v0, v45  }
0x460: {  	v63 =	vld [tilespmem:s12+$0xE0];
	v13 =	vtrunc.f32 v14;
	v49 =	vmul.f32 $1.000000000e+03, v19  }
0x461: {  	v10 =	vcvt.s32.f32 v26;
	v13 =	vcvt.f32.s32 v13;
	v19 =	vld.idx.msk [tilespmem:v28+s7+$0x0], $0xffff;
	v0 =	vadd.f32 v0, v53  }
0x462: {  	v48 =	vcvt.s32.f32 v28;
	v15 =	vsub.f32 v15, v50;
	v60 =	vtrunc.f32 v49;
	v53 =	vld.idx.msk [tilespmem:v26+s26+$0x0], $0xffff  }
0x463: {  	v20 =	vsub.f32 v20, v10;
	v11 =	vmul.f32 $1.000000000e+03, v11;
	v50 =	vcvt.f32.s32 v60;
	v10 =	vld.idx.msk [tilespmem:v1+s24+$0x0], $0xffff;
	[tilespmem:s10+$0x170] =	vst v0  }
0x464: {  	v52 =	vcvt.s32.f32 v22;
	v44 =	vmul.f32 $1.000000000e+03, v62;
	v61 =	vld [tilespmem:s12+$0x1F0]  }
0x465: {  	v46 =	vmul.f32 $1.000000000e+03, v63;
	v0 =	vtrunc.f32 v11;
	v18 =	vld [tilespmem:$0x1FFC0]  }
0x466: {  	v63 =	vcvt.s32.f32 v1;
	v1 =	vld.idx.msk [tilespmem:v1+s5+$0x0], $0xffff;
	v0 =	vcvt.f32.s32 v0  }
0x467: {  	v16 =	vsub.f32 v16, v48;
	v4 =	vmul.f32 v45, v4;
	v2 =	vmul.f32 $1.000000000e+03, v2;
	v55 =	vld.idx.msk [tilespmem:v13+s24+$0x0], $0xffff  }
0x468: {  	v29 =	vadd.f32 v51, v29;
	v51 =	vcvt.s32.f32 v13;
	v27 =	vtrunc.f32 v44;
	v13 =	vld.idx.msk [tilespmem:v13+s5+$0x0], $0xffff  }
0x469: {  	v52 =	vsub.f32 v23, v52;
	v28 =	vtrunc.f32 v46;
	v27 =	vcvt.f32.s32 v27;
	v54 =	vld.idx.msk [tilespmem:v50+s24+$0x0], $0xffff  }
0x46a: {  	v23 =	vcvt.f32.s32 v28;
	v24 =	vld.idx.msk [tilespmem:v50+s5+$0x0], $0xffff;
	v9 =	vadd.f32 v18, v9;
	v48 =	vmul.f32 $1.000000000e+03, v61  }
0x46b: {  	v30 =	vadd.f32 v41, v30;
	v62 =	vtrunc.f32 v2;
	v41 =	vcvt.s32.f32 v0;
	v18 =	vld.idx.msk [tilespmem:v26+s7+$0x0], $0xffff  }
0x46c: {  	v39 =	vadd.f32 v39, v58;
	v26 =	vcvt.f32.s32 v62;
	v57 =	vld.idx.msk [tilespmem:v0+s24+$0x0], $0xffff;
	v28 =	vtrunc.f32 v48;
	[tilespmem:s9+$0x1F0] =	vst v9  }
0x46d: {  	v9 =	vsub.f32 v40, v63;
	v40 =	vcvt.s32.f32 v50;
	v28 =	vcvt.f32.s32 v28;
	v3 =	vld [tilespmem:$0x1FFD0]  }
0x46e: {  	v20 =	vmul.f32 v20, v53;
	v0 =	vld.idx.msk [tilespmem:v0+s5+$0x0], $0xffff;
	v60 =	vcvt.s32.f32 v26;
	[tilespmem:s9+$0x180] =	vst v29;
	v29 =	vsub.f32 v11, v41  }
0x46f: {  	v61 =	vld.idx.msk [tilespmem:v27+s24+$0x0], $0xffff;
	v41 =	vcvt.s32.f32 v23;
	v11 =	vmul.f32 v55, v37;
	v40 =	vsub.f32 v49, v40  }
0x470: {  	v62 =	vld.idx.msk [tilespmem:v23+s5+$0x0], $0xffff;
	[tilespmem:s9+$0x190] =	vst v30;
	v43 =	vmul.f32 v9, v10;
	v9 =	vmul.f32 v10, v38  }
0x471: {  	s14 =	simm.s32 $0x14740;
	v10 =	vld.idx.msk [tilespmem:v23+s24+$0x0], $0xffff;
	v21 =	vsub.f32 v46, v41;
	v29 =	vmul.f32 v29, v57;
	v30 =	vmul.f32 v40, v54  }
0x472: {  	v1 =	vadd.f32 v43, v1;
	[tilespmem:s14+$0x30] =	vst v3;
	v3 =	vsub.f32 v14, v51;
	v14 =	vcvt.s32.f32 v27;
	v51 =	vld.idx.msk [tilespmem:v26+s24+$0x0], $0xffff  }
0x473: {  	v12 =	vmul.f32 v57, v34;
	v0 =	vadd.f32 v29, v0;
	v29 =	vmul.f32 v15, v42;
	v49 =	vld.idx.msk [tilespmem:v28+s26+$0x0], $0xffff  }
0x474: {  	v26 =	vld.idx.msk [tilespmem:v26+s5+$0x0], $0xffff;
	v3 =	vmul.f32 v3, v55;
	v14 =	vsub.f32 v44, v14;
	v55 =	vcvt.s32.f32 v28  }
0x475: {  	v2 =	vsub.f32 v2, v60;
	v15 =	vmul.f32 v53, v7;
	v7 =	vmul.f32 $1.000000010e+24, v31;
	v28 =	vld.idx.msk [tilespmem:v28+s7+$0x0], $0xffff  }
0x476: {  	[tilespmem:s10+$0x80] =	vst v1;
	v21 =	vmul.f32 v21, v10;
	v57 =	vmul.f32 v14, v61;
	v38 =	vsub.f32 v48, v55  }
0x477: {  	v1 =	vld.idx.msk [tilespmem:v27+s5+$0x0], $0xffff;
	v14 =	vmul.f32 v54, v33;
	v60 =	vadd.f32 v3, v13;
	v3 =	vmul.f32 v10, v36  }
0x478: {  	[tilespmem:s9+$0x1A0] =	vst v39;
	v24 =	vadd.f32 v30, v24;
	v63 =	vld [tilespmem:s12+$0x100];
	v2 =	vmul.f32 v2, v51;
	v27 =	vmul.f32 v38, v49  }
0x479: {  	v10 =	vld.idx.msk [tilespmem:v22+s7+$0x0], $0xffff;
	v22 =	vmul.f32 v16, v47;
	v23 =	vmul.f32 v49, v4;
	[tilespmem:s10+$0x90] =	vst v60  }
0x47a: {  	[tilespmem:s10+$0xA0] =	vst v0;
	v16 =	vmul.f32 v56, v5;
	v30 =	vadd.f32 v2, v26;
	v2 =	vld [tilespmem:s12+$0x110];
	v27 =	vadd.f32 v27, v28  }
0x47b: {  	[tilespmem:s10+$0xB0] =	vst v24;
	v13 =	vmul.f32 v51, v35;
	v28 =	vmul.f32 $1.000000010e+24, v23  }
0x47c: {  	s15 =	simm.s32 $0x147C0;
	v5 =	vadd.f32 v29, v59;
	v4 =	vmul.f32 v61, v32;
	v23 =	vmul.f32 v42, v8;
	[tilespmem:s10+$0x1F0] =	vst v27  }
0x47d: {  	s17 =	sshll.u32 s30, $0x4;
	v26 =	vld [tilespmem:s12+$0x120];
	v8 =	vmul.f32 v47, v6;
	v6 =	vmul.f32 $1.000000000e+03, v63;
	[tilespmem:s15+$0x30] =	vst v28;
	v28 =	vadd.f32 v57, v1  }
0x47e: {  	s30 =	sadd.s32 s8, s17;
	s2 =	simm.s32 $0x8900;
	s1 =	simm.s32 $0x8;
	v32 =	vadd.f32 v21, v62;
	v21 =	vmul.f32 $1.000000010e+24, v25;
	[tilespmem:s10+$0xC0] =	vst v30;
	v27 =	vld [tilespmem:s12+$0x130];
	v1 =	vmul.f32 v52, v56  }
.LBB2_5:
0x47f: {  	v0 =	vld [tilespmem:s2+$0xFFFFFE70];
	v24 =	vtrunc.f32 v6;
	v2 =	vmul.f32 $1.000000000e+03, v2;
	[tilespmem:s10+$0xD0] =	vst v28;
	v19 =	vadd.f32 v22, v19  }
0x480: {  	s1 =	sadd.s32 $0x8, s1;
	v17 =	vmul.f32 $1.000000010e+24, v17;
	v20 =	vadd.f32 v20, v18;
	v22 =	vld [tilespmem:s2+$0xFFFFFE10];
	v24 =	vcvt.f32.s32 v24;
	[tilespmem:s10+$0xE0] =	vst v32  }
0x481: {  	v1 =	vadd.f32 v1, v10;
	p0 =	slt.u32 s1, $0x78;
	v25 =	vld [tilespmem:s2+$0xFFFFFE20];
	v18 =	vtrunc.f32 v2;
	[tilespmem:s14+$0xFFFFFFC0] =	vst v21;
	v21 =	vmul.f32 $1.000000010e+24, v23  }
0x482: {  	v23 =	vld [tilespmem:s2+$0xFFFFFE30];
	v18 =	vcvt.f32.s32 v18;
	v10 =	vmul.f32 $1.000000000e+03, v26;
	[tilespmem:s14+$0xFFFFFFD0] =	vst v7  }
0x483: {  	v28 =	vcvt.s32.f32 v24;
	v7 =	vld [tilespmem:s2+$0xFFFFFE40];
	v26 =	vmul.f32 $1.000000000e+03, v27;
	[tilespmem:s14+$0xFFFFFFE0] =	vst v17  }
0x484: {  	v17 =	vld [tilespmem:s2+$0xFFFFFE50];
	v0 =	vmul.f32 $1.000000000e+03, v0;
	v31 =	vtrunc.f32 v10;
	[tilespmem:s9+$0x1B0] =	vst v5  }
0x485: {  	v28 =	vsub.f32 v6, v28;
	v22 =	vmul.f32 $1.000000000e+03, v22;
	v5 =	vld [tilespmem:s2+$0xFFFFFE60];
	v32 =	vtrunc.f32 v26;
	[tilespmem:s14+$0xFFFFFFF0] =	vst v21  }
0x486: {  	v6 =	vld [tilespmem:s2+$0xFFFFFE00];
	v21 =	vmul.f32 $1.000000000e+03, v25;
	v25 =	vtrunc.f32 v0;
	[tilespmem:s9+$0x1C0] =	vst v19  }
0x487: {  	v23 =	vmul.f32 $1.000000000e+03, v23;
	v19 =	vcvt.f32.s32 v25;
	v25 =	vld [tilespmem:s12+$0x140];
	[tilespmem:s9+$0x1D0] =	vst v20  }
0x488: {  	v20 =	vtrunc.f32 v22;
	v33 =	vmul.f32 $1.000000000e+03, v7;
	v34 =	vld [tilespmem:s12+$0x150];
	[tilespmem:s9+$0x1E0] =	vst v1;
	s9 =	smov.u32 s10  }
0x489: {  	v7 =	vtrunc.f32 v21;
	v35 =	vmul.f32 $1.000000000e+03, v17;
	v36 =	vld [tilespmem:s12+$0x160]  }
0x48a: {  	v17 =	vtrunc.f32 v23;
	v37 =	vmul.f32 $1.000000000e+03, v5;
	v27 =	vld.idx.msk [tilespmem:v24+s25+$0x0], $0xffff  }
0x48b: {  	v38 =	vtrunc.f32 v33;
	v6 =	vmul.f32 $1.000000000e+03, v6;
	v5 =	vld.idx.msk [tilespmem:v18+s25+$0x0], $0xffff  }
0x48c: {  	v39 =	vtrunc.f32 v35;
	v40 =	vtrunc.f32 v37;
	v30 =	vld.idx.msk [tilespmem:v24+s6+$0x0], $0xffff  }
0x48d: {  	v41 =	vcvt.f32.s32 v20;
	v24 =	vtrunc.f32 v6;
	v1 =	vld.idx.msk [tilespmem:v19+s19+$0x0], $0xffff  }
0x48e: {  	v42 =	vcvt.f32.s32 v7;
	v24 =	vcvt.f32.s32 v24;
	v29 =	vld.idx.msk [tilespmem:v18+s6+$0x0], $0xffff  }
0x48f: {  	v7 =	vcvt.s32.f32 v19;
	v43 =	vcvt.f32.s32 v17;
	v17 =	vld.idx.msk [tilespmem:v19+s3+$0x0], $0xffff  }
0x490: {  	v38 =	vcvt.f32.s32 v38;
	v39 =	vcvt.f32.s32 v39  }
0x491: {  	v0 =	vsub.f32 v0, v7;
	v40 =	vcvt.f32.s32 v40;
	v19 =	vcvt.s32.f32 v24  }
0x492: {  	v44 =	vcvt.s32.f32 v41;
	v45 =	vcvt.s32.f32 v42  }
0x493: {  	v46 =	vsub.f32 v6, v19;
	v6 =	vcvt.s32.f32 v43;
	v0 =	vmul.f32 v0, v1;
	v7 =	vld.idx.msk [tilespmem:v41+s19+$0x0], $0xffff  }
0x494: {  	v22 =	vsub.f32 v22, v44;
	v44 =	vcvt.s32.f32 v38;
	v47 =	vcvt.s32.f32 v39;
	v20 =	vld.idx.msk [tilespmem:v24+s19+$0x0], $0xffff  }
0x495: {  	v45 =	vsub.f32 v21, v45;
	v21 =	vcvt.s32.f32 v40;
	v0 =	vadd.f32 v0, v17;
	v19 =	vld.idx.msk [tilespmem:v42+s19+$0x0], $0xffff  }
0x496: {  	s10 =	sadd.s32 $0x400, s10;
	v33 =	vsub.f32 v33, v44;
	v44 =	vmul.f32 $1.000000000e+03, v25;
	v23 =	vsub.f32 v23, v6;
	v17 =	vld.idx.msk [tilespmem:v43+s19+$0x0], $0xffff  }
0x497: {  	v25 =	vsub.f32 v35, v47;
	v35 =	vsub.f32 v37, v21;
	v6 =	vld.idx.msk [tilespmem:v38+s19+$0x0], $0xffff;
	[tilespmem:s10+$0xFFFFFE70] =	vst v0;
	v0 =	vmul.f32 $1.000000000e+03, v34  }
0x498: {  	v36 =	vmul.f32 $1.000000000e+03, v36;
	v37 =	vtrunc.f32 v44;
	v34 =	vld [tilespmem:s2+$0xFFFFFEF0]  }
0x499: {  	v47 =	vmul.f32 v22, v7;
	v21 =	vld.idx.msk [tilespmem:v39+s19+$0x0], $0xffff;
	v48 =	vtrunc.f32 v0  }
0x49a: {  	v49 =	vtrunc.f32 v36;
	v46 =	vmul.f32 v46, v20;
	v22 =	vld.idx.msk [tilespmem:v40+s19+$0x0], $0xffff  }
0x49b: {  	v31 =	vcvt.f32.s32 v31;
	v45 =	vmul.f32 v45, v19;
	v24 =	vld.idx.msk [tilespmem:v24+s3+$0x0], $0xffff  }
0x49c: {  	v51 =	vcvt.f32.s32 v32;
	v50 =	vmul.f32 v23, v17;
	v41 =	vld.idx.msk [tilespmem:v41+s3+$0x0], $0xffff  }
0x49d: {  	v33 =	vmul.f32 v33, v6;
	v32 =	vld.idx.msk [tilespmem:v42+s3+$0x0], $0xffff;
	v34 =	vmul.f32 $1.000000000e+03, v34  }
0x49e: {  	v37 =	vcvt.f32.s32 v37;
	v23 =	vcvt.f32.s32 v48;
	v42 =	vld.idx.msk [tilespmem:v43+s3+$0x0], $0xffff  }
0x49f: {  	v43 =	vmul.f32 v25, v21;
	v38 =	vld.idx.msk [tilespmem:v38+s3+$0x0], $0xffff;
	v25 =	vtrunc.f32 v34  }
0x4a0: {  	v35 =	vmul.f32 v35, v22;
	v39 =	vld.idx.msk [tilespmem:v39+s3+$0x0], $0xffff;
	v48 =	vcvt.f32.s32 v25  }
0x4a1: {  	v25 =	vadd.f32 v46, v24;
	v46 =	vcvt.s32.f32 v18;
	v18 =	vcvt.f32.s32 v49;
	v40 =	vld.idx.msk [tilespmem:v40+s3+$0x0], $0xffff  }
0x4a2: {  	v49 =	vcvt.s32.f32 v51;
	v41 =	vadd.f32 v47, v41;
	v47 =	vcvt.s32.f32 v31;
	v24 =	vld.idx.msk [tilespmem:v31+s25+$0x0], $0xffff  }
0x4a3: {  	v52 =	vcvt.s32.f32 v23;
	v32 =	vadd.f32 v45, v32;
	v45 =	vcvt.s32.f32 v37;
	[tilespmem:s10+$0xFFFFFE00] =	vst v25;
	v25 =	vld.idx.msk [tilespmem:v51+s25+$0x0], $0xffff  }
0x4a4: {  	v53 =	vld [tilespmem:s2+$0xFFFFFE80];
	[tilespmem:s10+$0xFFFFFE10] =	vst v41;
	v41 =	vadd.f32 v50, v42;
	v42 =	vsub.f32 v2, v46;
	v46 =	vcvt.s32.f32 v18  }
0x4a5: {  	v28 =	vmul.f32 v28, v27;
	v10 =	vsub.f32 v10, v47;
	v50 =	vld [tilespmem:s2+$0xFFFFFE90];
	[tilespmem:s10+$0xFFFFFE20] =	vst v32;
	v32 =	vadd.f32 v33, v38  }
0x4a6: {  	v8 =	vmul.f32 $1.000000010e+24, v8;
	v26 =	vsub.f32 v26, v49;
	v33 =	vadd.f32 v43, v39;
	[tilespmem:s10+$0xFFFFFE30] =	vst v41;
	v2 =	vld.idx.msk [tilespmem:v48+s20+$0x0], $0xffff  }
0x4a7: {  	v39 =	vsub.f32 v44, v45;
	v38 =	vld [tilespmem:s2+$0xFFFFFEA0];
	[tilespmem:s10+$0xFFFFFE40] =	vst v32;
	v32 =	vadd.f32 v35, v40;
	v35 =	vmul.f32 v42, v5  }
0x4a8: {  	v0 =	vsub.f32 v0, v52;
	v36 =	vsub.f32 v36, v46;
	[tilespmem:s10+$0xFFFFFE50] =	vst v33;
	v33 =	vcvt.s32.f32 v48;
	v40 =	vld.idx.msk [tilespmem:v48+s31+$0x0], $0xffff  }
0x4a9: {  	v28 =	vadd.f32 v28, v30;
	v30 =	vmul.f32 v10, v24;
	v41 =	vmul.f32 $1.000000000e+03, v53;
	v42 =	vld [tilespmem:s2+$0xFFFFFEB0];
	[tilespmem:s10+$0xFFFFFE60] =	vst v32  }
0x4aa: {  	v26 =	vmul.f32 v26, v25;
	v43 =	vmul.f32 $1.000000000e+03, v50;
	v32 =	vld [tilespmem:s2+$0xFFFFFEC0];
	v33 =	vsub.f32 v34, v33;
	[tilespmem:s14+$0x0] =	vst v8  }
0x4ab: {  	v10 =	vmul.f32 v27, v9;
	v9 =	vadd.f32 v35, v29;
	v8 =	vtrunc.f32 v41;
	v34 =	vld [tilespmem:s2+$0xFFFFFED0];
	[tilespmem:s9+$0x100] =	vst v28  }
0x4ac: {  	v27 =	vmul.f32 $1.000000000e+03, v38;
	v28 =	vld [tilespmem:s2+$0xFFFFFEE0];
	v29 =	vmul.f32 v33, v2  }
0x4ad: {  	v8 =	vcvt.f32.s32 v8;
	v33 =	vtrunc.f32 v43;
	[tilespmem:s9+$0x110] =	vst v9;
	v35 =	vld.idx.msk [tilespmem:v37+s25+$0x0], $0xffff  }
0x4ae: {  	v9 =	vtrunc.f32 v27;
	v38 =	vmul.f32 $1.000000000e+03, v42;
	v29 =	vadd.f32 v29, v40;
	v40 =	vld.idx.msk [tilespmem:v23+s25+$0x0], $0xffff  }
0x4af: {  	v33 =	vcvt.f32.s32 v33;
	v42 =	vmul.f32 $1.000000000e+03, v32;
	v32 =	vld.idx.msk [tilespmem:v18+s25+$0x0], $0xffff  }
0x4b0: {  	v44 =	vtrunc.f32 v38;
	v34 =	vmul.f32 $1.000000000e+03, v34;
	[tilespmem:s10+$0xFFFFFEF0] =	vst v29;
	v29 =	vld.idx.msk [tilespmem:v31+s6+$0x0], $0xffff  }
0x4b1: {  	v31 =	vtrunc.f32 v42;
	v28 =	vmul.f32 $1.000000000e+03, v28;
	v45 =	vld [tilespmem:s2+$0xFFFFFF70]  }
0x4b2: {  	v9 =	vcvt.f32.s32 v9;
	v46 =	vtrunc.f32 v34;
	v47 =	vld.idx.msk [tilespmem:v51+s6+$0x0], $0xffff  }
0x4b3: {  	v44 =	vcvt.f32.s32 v44;
	v48 =	vld.idx.msk [tilespmem:v8+s20+$0x0], $0xffff;
	v49 =	vtrunc.f32 v28  }
0x4b4: {  	v31 =	vcvt.f32.s32 v31;
	v46 =	vcvt.f32.s32 v46;
	v50 =	vld.idx.msk [tilespmem:v8+s31+$0x0], $0xffff  }
0x4b5: {  	v8 =	vcvt.s32.f32 v8;
	v49 =	vcvt.f32.s32 v49;
	v51 =	vld.idx.msk [tilespmem:v33+s20+$0x0], $0xffff  }
0x4b6: {  	v52 =	vcvt.s32.f32 v33;
	v29 =	vadd.f32 v30, v29;
	v33 =	vld.idx.msk [tilespmem:v33+s31+$0x0], $0xffff;
	v45 =	vmul.f32 $1.000000000e+03, v45  }
0x4b7: {  	v30 =	vcvt.s32.f32 v9;
	v8 =	vsub.f32 v41, v8;
	v41 =	vcvt.s32.f32 v44;
	v37 =	vld.idx.msk [tilespmem:v37+s6+$0x0], $0xffff  }
0x4b8: {  	v43 =	vsub.f32 v43, v52;
	v53 =	vcvt.s32.f32 v31;
	v52 =	vld.idx.msk [tilespmem:v9+s20+$0x0], $0xffff;
	v54 =	vtrunc.f32 v45;
	[tilespmem:s9+$0x120] =	vst v29  }
0x4b9: {  	v27 =	vsub.f32 v27, v30;
	v29 =	vcvt.s32.f32 v46;
	v30 =	vld.idx.msk [tilespmem:v44+s20+$0x0], $0xffff;
	v54 =	vcvt.f32.s32 v54  }
0x4ba: {  	v38 =	vsub.f32 v38, v41;
	v41 =	vsub.f32 v42, v53;
	v53 =	vcvt.s32.f32 v49;
	v42 =	vld.idx.msk [tilespmem:v31+s20+$0x0], $0xffff  }
0x4bb: {  	v8 =	vmul.f32 v8, v48;
	v43 =	vmul.f32 v43, v51;
	v29 =	vsub.f32 v34, v29;
	v34 =	vld.idx.msk [tilespmem:v46+s20+$0x0], $0xffff  }
0x4bc: {  	v39 =	vmul.f32 v39, v35;
	v0 =	vmul.f32 v0, v40;
	v28 =	vsub.f32 v28, v53;
	v53 =	vld.idx.msk [tilespmem:v49+s20+$0x0], $0xffff  }
0x4bd: {  	v36 =	vmul.f32 v36, v32;
	v8 =	vadd.f32 v8, v50;
	v33 =	vadd.f32 v43, v33;
	v43 =	vld.idx.msk [tilespmem:v9+s31+$0x0], $0xffff  }
0x4be: {  	v47 =	vadd.f32 v26, v47;
	v37 =	vadd.f32 v39, v37;
	v50 =	vmul.f32 v27, v52;
	v44 =	vld.idx.msk [tilespmem:v44+s31+$0x0], $0xffff  }
0x4bf: {  	v27 =	vmul.f32 v48, v20;
	[tilespmem:s10+$0xFFFFFE80] =	vst v8;
	v8 =	vmul.f32 v38, v30;
	v9 =	vld.idx.msk [tilespmem:v54+s21+$0x0], $0xffff  }
0x4c0: {  	v26 =	vmul.f32 v51, v7;
	v20 =	vmul.f32 v41, v42;
	[tilespmem:s10+$0xFFFFFE90] =	vst v33;
	v7 =	vld.idx.msk [tilespmem:v31+s31+$0x0], $0xffff  }
0x4c1: {  	v33 =	vmul.f32 v29, v34;
	v31 =	vcvt.s32.f32 v54;
	v38 =	vld.idx.msk [tilespmem:v54+s0+$0x0], $0xffff;
	[tilespmem:s9+$0x130] =	vst v47  }
0x4c2: {  	v29 =	vmul.f32 v52, v19;
	v39 =	vmul.f32 v28, v53;
	v19 =	vld.idx.msk [tilespmem:v46+s31+$0x0], $0xffff;
	[tilespmem:s9+$0x140] =	vst v37  }
0x4c3: {  	v30 =	vmul.f32 v30, v17;
	v37 =	vadd.f32 v50, v43;
	v17 =	vsub.f32 v45, v31;
	v41 =	vld.idx.msk [tilespmem:v49+s31+$0x0], $0xffff  }
0x4c4: {  	v28 =	vmul.f32 v34, v21;
	v31 =	vmul.f32 v42, v6;
	v8 =	vadd.f32 v8, v44;
	v43 =	vld [tilespmem:s2+$0xFFFFFF00]  }
0x4c5: {  	v22 =	vmul.f32 v53, v22;
	v6 =	vmul.f32 v17, v9;
	v21 =	vld [tilespmem:s2+$0xFFFFFF10];
	[tilespmem:s10+$0xFFFFFEA0] =	vst v37  }
0x4c6: {  	v17 =	vmul.f32 v5, v11;
	v11 =	vmul.f32 v24, v12;
	v7 =	vadd.f32 v20, v7;
	v34 =	vld [tilespmem:s2+$0xFFFFFF20];
	[tilespmem:s10+$0xFFFFFEB0] =	vst v8  }
0x4c7: {  	v5 =	vmul.f32 v35, v13;
	v20 =	vadd.f32 v6, v38;
	v8 =	vmul.f32 v25, v14;
	v12 =	vld [tilespmem:s2+$0xFFFFFF30]  }
0x4c8: {  	v6 =	vmul.f32 v40, v4;
	v4 =	vmul.f32 $1.000000010e+24, v15;
	v13 =	vadd.f32 v33, v19;
	[tilespmem:s10+$0xFFFFFEC0] =	vst v7;
	v14 =	vld.idx.msk [tilespmem:v23+s6+$0x0], $0xffff  }
0x4c9: {  	v23 =	vadd.f32 v39, v41;
	v7 =	vmul.f32 v32, v3;
	v15 =	vmul.f32 $1.000000000e+03, v43;
	v19 =	vld [tilespmem:s2+$0xFFFFFF40];
	[tilespmem:s10+$0xFFFFFF70] =	vst v20  }
0x4ca: {  	v20 =	vmul.f32 $1.000000000e+03, v21;
	[tilespmem:s10+$0xFFFFFED0] =	vst v13;
	v3 =	vld [tilespmem:s2+$0xFFFFFFF0];
	v13 =	vmul.f32 $1.000000010e+24, v16  }
0x4cb: {  	v16 =	vtrunc.f32 v15;
	v21 =	vmul.f32 $1.000000000e+03, v34;
	v24 =	vld [tilespmem:s2+$0xFFFFFF50];
	[tilespmem:s10+$0xFFFFFEE0] =	vst v23  }
0x4cc: {  	v23 =	vtrunc.f32 v20;
	v12 =	vmul.f32 $1.000000000e+03, v12;
	v25 =	vld [tilespmem:s2+$0xFFFFFF60];
	[tilespmem:s14+$0x10] =	vst v4  }
0x4cd: {  	v4 =	vcvt.f32.s32 v16;
	v16 =	vtrunc.f32 v21;
	v18 =	vld.idx.msk [tilespmem:v18+s6+$0x0], $0xffff;
	[tilespmem:s14+$0x20] =	vst v13;
	s14 =	smov.u32 s15  }
0x4ce: {  	v0 =	vadd.f32 v0, v14;
	v13 =	vtrunc.f32 v12;
	v19 =	vmul.f32 $1.000000000e+03, v19;
	v32 =	vld [tilespmem:s12+$0x180]  }
0x4cf: {  	v14 =	vcvt.f32.s32 v23;
	v23 =	vmul.f32 $1.000000000e+03, v3;
	v33 =	vld [tilespmem:s12+$0x190]  }
0x4d0: {  	v3 =	vtrunc.f32 v19;
	v24 =	vmul.f32 $1.000000000e+03, v24;
	v34 =	vld [tilespmem:s12+$0x1A0];
	[tilespmem:s9+$0x150] =	vst v0  }
0x4d1: {  	v0 =	vmul.f32 $1.000000000e+03, v25;
	v25 =	vtrunc.f32 v23;
	v35 =	vld [tilespmem:s12+$0x1B0]  }
0x4d2: {  	v37 =	vtrunc.f32 v24;
	v25 =	vcvt.f32.s32 v25;
	v38 =	vld [tilespmem:s12+$0x1C0]  }
0x4d3: {  	v16 =	vcvt.f32.s32 v16;
	v18 =	vadd.f32 v36, v18;
	v39 =	vld.idx.msk [tilespmem:v4+s21+$0x0], $0xffff;
	v40 =	vtrunc.f32 v0  }
0x4d4: {  	v13 =	vcvt.f32.s32 v13;
	v41 =	vcvt.f32.s32 v3;
	v36 =	vld.idx.msk [tilespmem:v4+s0+$0x0], $0xffff  }
0x4d5: {  	v37 =	vcvt.f32.s32 v37;
	v40 =	vcvt.f32.s32 v40;
	v42 =	vld.idx.msk [tilespmem:v14+s21+$0x0], $0xffff;
	[tilespmem:s9+$0x160] =	vst v18  }
0x4d6: {  	v3 =	vcvt.s32.f32 v4;
	v4 =	vcvt.s32.f32 v14;
	v14 =	vld.idx.msk [tilespmem:v14+s0+$0x0], $0xffff  }
0x4d7: {  	v43 =	vcvt.s32.f32 v13;
	v18 =	vcvt.s32.f32 v16;
	v44 =	vld [tilespmem:s12+$0x1D0]  }
0x4d8: {  	v15 =	vsub.f32 v15, v3;
	v45 =	vcvt.s32.f32 v41;
	v46 =	vcvt.s32.f32 v37;
	v3 =	vld.idx.msk [tilespmem:v25+s22+$0x0], $0xffff  }
0x4d9: {  	v4 =	vsub.f32 v20, v4;
	v20 =	vcvt.s32.f32 v40;
	v18 =	vsub.f32 v21, v18;
	v47 =	vld.idx.msk [tilespmem:v16+s21+$0x0], $0xffff  }
0x4da: {  	v43 =	vsub.f32 v12, v43;
	v12 =	vcvt.s32.f32 v25;
	v45 =	vsub.f32 v19, v45;
	v25 =	vld.idx.msk [tilespmem:v25+s4+$0x0], $0xffff  }
0x4db: {  	v24 =	vsub.f32 v24, v46;
	v15 =	vmul.f32 v15, v39;
	v0 =	vsub.f32 v0, v20;
	v48 =	vld.idx.msk [tilespmem:v13+s21+$0x0], $0xffff  }
0x4dc: {  	v12 =	vsub.f32 v23, v12;
	v21 =	vmul.f32 $1.000000000e+03, v32;
	v4 =	vmul.f32 v4, v42;
	v46 =	vld.idx.msk [tilespmem:v41+s21+$0x0], $0xffff  }
0x4dd: {  	v20 =	vmul.f32 $1.000000000e+03, v33;
	v23 =	vadd.f32 v15, v36;
	v15 =	vmul.f32 $1.000000000e+03, v34;
	v36 =	vld.idx.msk [tilespmem:v37+s21+$0x0], $0xffff  }
0x4de: {  	v19 =	vmul.f32 $1.000000000e+03, v35;
	v4 =	vadd.f32 v4, v14;
	v12 =	vmul.f32 v12, v3;
	v14 =	vld.idx.msk [tilespmem:v40+s21+$0x0], $0xffff  }
0x4df: {  	v18 =	vmul.f32 v18, v47;
	[tilespmem:s10+$0xFFFFFF00] =	vst v23;
	v23 =	vld.idx.msk [tilespmem:v16+s0+$0x0], $0xffff;
	v16 =	vmul.f32 $1.000000000e+03, v38  }
0x4e0: {  	v32 =	vmul.f32 v39, v27;
	[tilespmem:s10+$0xFFFFFF10] =	vst v4;
	v4 =	vld.idx.msk [tilespmem:v13+s0+$0x0], $0xffff;
	v13 =	vadd.f32 v12, v25;
	v12 =	vmul.f32 $1.000000000e+03, v44  }
0x4e1: {  	v33 =	vmul.f32 v42, v26;
	v25 =	vmul.f32 v43, v48;
	v34 =	vld.idx.msk [tilespmem:v41+s0+$0x0], $0xffff  }
0x4e2: {  	v26 =	vmul.f32 v47, v29;
	v29 =	vmul.f32 v45, v46;
	v35 =	vld.idx.msk [tilespmem:v37+s0+$0x0], $0xffff;
	[tilespmem:s10+$0xFFFFFFF0] =	vst v13  }
0x4e3: {  	v27 =	vmul.f32 v48, v30;
	v13 =	vmul.f32 v24, v36;
	v30 =	vld [tilespmem:s2+$0x70]  }
0x4e4: {  	v24 =	vmul.f32 v46, v31;
	v0 =	vmul.f32 v0, v14;
	v31 =	vld.idx.msk [tilespmem:v40+s0+$0x0], $0xffff  }
0x4e5: {  	v22 =	vmul.f32 v14, v22;
	v18 =	vadd.f32 v18, v23;
	v23 =	vmul.f32 v36, v28;
	v39 =	vld [tilespmem:s2+$0xFFFFFF80]  }
0x4e6: {  	v28 =	vtrunc.f32 v21;
	v36 =	vtrunc.f32 v20;
	v4 =	vadd.f32 v25, v4;
	v14 =	vld [tilespmem:s2+$0xFFFFFF90]  }
0x4e7: {  	v40 =	vtrunc.f32 v15;
	v25 =	vtrunc.f32 v19;
	[tilespmem:s10+$0xFFFFFF20] =	vst v18;
	v18 =	vadd.f32 v29, v34;
	v29 =	vld [tilespmem:s12+$0x1E0];
	s12 =	smov.u32 s2  }
0x4e8: {  	v34 =	vld [tilespmem:s2+$0xFFFFFFA0];
	[tilespmem:s10+$0xFFFFFF30] =	vst v4;
	v4 =	vadd.f32 v13, v35;
	v35 =	vmul.f32 $1.000000000e+03, v30;
	v30 =	vtrunc.f32 v16  }
0x4e9: {  	v38 =	vtrunc.f32 v12;
	v37 =	vcvt.f32.s32 v28;
	v41 =	vld [tilespmem:s2+$0xFFFFFFB0];
	[tilespmem:s10+$0xFFFFFF40] =	vst v18  }
0x4ea: {  	v0 =	vadd.f32 v0, v31;
	v28 =	vmul.f32 $1.000000000e+03, v39;
	v18 =	vld [tilespmem:s2+$0xFFFFFFC0];
	[tilespmem:s10+$0xFFFFFF50] =	vst v4;
	v4 =	vtrunc.f32 v35  }
0x4eb: {  	v31 =	vmul.f32 $1.000000000e+03, v14;
	v14 =	vld [tilespmem:s2+$0xFFFFFFD0];
	v39 =	vcvt.f32.s32 v4  }
0x4ec: {  	v4 =	vtrunc.f32 v28;
	[tilespmem:s10+$0xFFFFFF60] =	vst v0;
	v13 =	vmul.f32 $1.000000000e+03, v29  }
0x4ed: {  	v0 =	vtrunc.f32 v31;
	v29 =	vmul.f32 $1.000000000e+03, v34;
	v34 =	vld [tilespmem:s2+$0xFFFFFFE0]  }
0x4ee: {  	v42 =	vcvt.f32.s32 v4;
	v41 =	vmul.f32 $1.000000000e+03, v41  }
0x4ef: {  	v43 =	vtrunc.f32 v29;
	v44 =	vmul.f32 $1.000000000e+03, v18;
	v18 =	vld.idx.msk [tilespmem:v37+s26+$0x0], $0xffff  }
0x4f0: {  	v45 =	vtrunc.f32 v41;
	v46 =	vmul.f32 $1.000000000e+03, v14;
	v14 =	vld.idx.msk [tilespmem:v37+s7+$0x0], $0xffff  }
0x4f1: {  	v0 =	vcvt.f32.s32 v0;
	v47 =	vtrunc.f32 v44;
	v4 =	vld.idx.msk [tilespmem:v39+s23+$0x0], $0xffff  }
0x4f2: {  	v48 =	vtrunc.f32 v46;
	v34 =	vmul.f32 $1.000000000e+03, v34  }
0x4f3: {  	v49 =	vcvt.s32.f32 v39;
	v43 =	vcvt.f32.s32 v43;
	v39 =	vld.idx.msk [tilespmem:v39+s28+$0x0], $0xffff  }
0x4f4: {  	v45 =	vcvt.f32.s32 v45;
	v50 =	vld.idx.msk [tilespmem:v42+s22+$0x0], $0xffff;
	v51 =	vtrunc.f32 v34  }
0x4f5: {  	v35 =	vsub.f32 v35, v49;
	v47 =	vcvt.f32.s32 v47;
	v48 =	vcvt.f32.s32 v48;
	v52 =	vld.idx.msk [tilespmem:v42+s4+$0x0], $0xffff  }
0x4f6: {  	v42 =	vcvt.s32.f32 v42;
	v49 =	vcvt.f32.s32 v51  }
0x4f7: {  	v51 =	vcvt.s32.f32 v0;
	v35 =	vmul.f32 v35, v4;
	v53 =	vld.idx.msk [tilespmem:v0+s22+$0x0], $0xffff  }
0x4f8: {  	v54 =	vcvt.s32.f32 v45;
	v28 =	vsub.f32 v28, v42;
	v42 =	vcvt.s32.f32 v43;
	v0 =	vld.idx.msk [tilespmem:v0+s4+$0x0], $0xffff  }
0x4f9: {  	v56 =	vcvt.s32.f32 v47;
	v57 =	vcvt.s32.f32 v48;
	v35 =	vadd.f32 v35, v39;
	v55 =	vld.idx.msk [tilespmem:v43+s22+$0x0], $0xffff  }
0x4fa: {  	v31 =	vsub.f32 v31, v51;
	v39 =	vsub.f32 v29, v42;
	v29 =	vcvt.s32.f32 v49;
	v42 =	vld.idx.msk [tilespmem:v45+s22+$0x0], $0xffff  }
0x4fb: {  	v41 =	vsub.f32 v41, v54;
	v54 =	vtrunc.f32 v13;
	v44 =	vsub.f32 v44, v56;
	v51 =	vld.idx.msk [tilespmem:v47+s22+$0x0], $0xffff;
	[tilespmem:s10+$0x70] =	vst v35  }
0x4fc: {  	v46 =	vsub.f32 v46, v57;
	v28 =	vmul.f32 v28, v50;
	v56 =	vsub.f32 v34, v29;
	v35 =	vld [tilespmem:s2+$0xF0]  }
0x4fd: {  	v32 =	vmul.f32 v50, v32;
	v31 =	vmul.f32 v31, v53;
	v50 =	vld.idx.msk [tilespmem:v48+s22+$0x0], $0xffff  }
0x4fe: {  	v28 =	vadd.f32 v28, v52;
	v29 =	vmul.f32 v53, v33;
	v53 =	vcvt.f32.s32 v36;
	v52 =	vld.idx.msk [tilespmem:v49+s22+$0x0], $0xffff  }
0x4ff: {  	v0 =	vadd.f32 v31, v0;
	v36 =	vmul.f32 v39, v55;
	v33 =	vmul.f32 v55, v26;
	v31 =	vld.idx.msk [tilespmem:v43+s4+$0x0], $0xffff  }
0x500: {  	v34 =	vmul.f32 v42, v27;
	[tilespmem:s10+$0xFFFFFF80] =	vst v28;
	v26 =	vld.idx.msk [tilespmem:v45+s4+$0x0], $0xffff;
	v28 =	vmul.f32 v41, v42  }
0x501: {  	v27 =	vmul.f32 v44, v51;
	[tilespmem:s10+$0xFFFFFF90] =	vst v0;
	v0 =	vld.idx.msk [tilespmem:v47+s4+$0x0], $0xffff;
	v39 =	vmul.f32 $1.000000000e+03, v35  }
0x502: {  	v35 =	vmul.f32 v51, v24;
	v24 =	vcvt.f32.s32 v40;
	v42 =	vld.idx.msk [tilespmem:v48+s4+$0x0], $0xffff  }
0x503: {  	v40 =	vmul.f32 v46, v50;
	v43 =	vld.idx.msk [tilespmem:v49+s4+$0x0], $0xffff;
	v41 =	vtrunc.f32 v39  }
0x504: {  	v45 =	vmul.f32 v56, v52;
	v44 =	vld [tilespmem:s2+$0x0];
	v46 =	vcvt.f32.s32 v41  }
0x505: {  	v48 =	vadd.f32 v36, v31;
	v41 =	vmul.f32 v50, v23;
	v36 =	vmul.f32 v52, v22;
	v47 =	vld [tilespmem:s2+$0x10]  }
0x506: {  	v22 =	vadd.f32 v28, v26;
	v28 =	vcvt.f32.s32 v25;
	v26 =	vcvt.f32.s32 v30;
	v31 =	vld.idx.msk [tilespmem:v53+s26+$0x0], $0xffff  }
0x507: {  	v25 =	vcvt.f32.s32 v54;
	v0 =	vadd.f32 v27, v0;
	v27 =	vcvt.f32.s32 v38;
	[tilespmem:s10+$0xFFFFFFA0] =	vst v48;
	v30 =	vld.idx.msk [tilespmem:v53+s7+$0x0], $0xffff  }
0x508: {  	v37 =	vcvt.s32.f32 v37;
	v38 =	vld [tilespmem:s2+$0x20];
	[tilespmem:s10+$0xFFFFFFB0] =	vst v22;
	v22 =	vadd.f32 v40, v42;
	v40 =	vcvt.s32.f32 v53  }
0x509: {  	v42 =	vcvt.s32.f32 v24;
	v44 =	vmul.f32 $1.000000000e+03, v44;
	v48 =	vld [tilespmem:s2+$0x30];
	[tilespmem:s10+$0xFFFFFFC0] =	vst v0;
	v0 =	vadd.f32 v45, v43  }
0x50a: {  	v45 =	vmul.f32 $1.000000000e+03, v47;
	[tilespmem:s10+$0xFFFFFFD0] =	vst v22;
	v23 =	vld.idx.msk [tilespmem:v46+s24+$0x0], $0xffff;
	v47 =	vsub.f32 v21, v37;
	v21 =	vcvt.s32.f32 v28  }
0x50b: {  	v43 =	vsub.f32 v20, v40;
	v22 =	vtrunc.f32 v44;
	v37 =	vld [tilespmem:s2+$0x40];
	[tilespmem:s10+$0xFFFFFFE0] =	vst v0;
	v0 =	vcvt.s32.f32 v26  }
0x50c: {  	v40 =	vcvt.s32.f32 v46;
	v42 =	vsub.f32 v15, v42;
	v20 =	vtrunc.f32 v45;
	v46 =	vld.idx.msk [tilespmem:v46+s5+$0x0], $0xffff  }
0x50d: {  	v49 =	vcvt.f32.s32 v22;
	v15 =	vsub.f32 v19, v21;
	v38 =	vmul.f32 $1.000000000e+03, v38;
	v50 =	vld [tilespmem:s2+$0x50]  }
0x50e: {  	v51 =	vcvt.f32.s32 v20;
	v20 =	vsub.f32 v39, v40;
	v48 =	vmul.f32 $1.000000000e+03, v48;
	v52 =	vld [tilespmem:s2+$0x60]  }
0x50f: {  	v16 =	vsub.f32 v16, v0;
	v21 =	vcvt.s32.f32 v49;
	v39 =	vtrunc.f32 v38;
	v19 =	vld.idx.msk [tilespmem:v24+s26+$0x0], $0xffff  }
0x510: {  	v0 =	vmul.f32 $1.000000000e+03, v37;
	v37 =	vmul.f32 v20, v23;
	v22 =	vld.idx.msk [tilespmem:v28+s26+$0x0], $0xffff  }
0x511: {  	v40 =	vsub.f32 v44, v21;
	v44 =	vcvt.f32.s32 v39;
	v39 =	vtrunc.f32 v48;
	v20 =	vld.idx.msk [tilespmem:v26+s26+$0x0], $0xffff  }
0x512: {  	v53 =	vtrunc.f32 v0;
	v50 =	vmul.f32 $1.000000000e+03, v50;
	v37 =	vadd.f32 v37, v46;
	v21 =	vld.idx.msk [tilespmem:v27+s26+$0x0], $0xffff  }
0x513: {  	v54 =	vcvt.f32.s32 v39;
	v46 =	vld.idx.msk [tilespmem:v49+s23+$0x0], $0xffff;
	v39 =	vmul.f32 $1.000000000e+03, v52  }
0x514: {  	v53 =	vcvt.f32.s32 v53;
	v52 =	vld.idx.msk [tilespmem:v51+s23+$0x0], $0xffff;
	v55 =	vtrunc.f32 v50;
	[tilespmem:s10+$0xF0] =	vst v37  }
0x515: {  	v37 =	vcvt.f32.s32 v55;
	v55 =	vtrunc.f32 v39;
	v56 =	vld [tilespmem:s2+$0x170]  }
0x516: {  	v57 =	vcvt.s32.f32 v51;
	v49 =	vld.idx.msk [tilespmem:v49+s28+$0x0], $0xffff;
	v55 =	vcvt.f32.s32 v55  }
0x517: {  	v58 =	vcvt.s32.f32 v44;
	v60 =	vcvt.s32.f32 v54;
	v59 =	vld.idx.msk [tilespmem:v44+s23+$0x0], $0xffff  }
0x518: {  	v45 =	vsub.f32 v45, v57;
	v57 =	vcvt.s32.f32 v53;
	v61 =	vcvt.s32.f32 v37;
	v51 =	vld.idx.msk [tilespmem:v51+s28+$0x0], $0xffff  }
0x519: {  	v38 =	vsub.f32 v38, v58;
	v48 =	vsub.f32 v48, v60;
	v60 =	vcvt.s32.f32 v55;
	v58 =	vld.idx.msk [tilespmem:v54+s23+$0x0], $0xffff  }
0x51a: {  	v0 =	vsub.f32 v0, v57;
	v50 =	vsub.f32 v50, v61;
	v57 =	vld.idx.msk [tilespmem:v53+s23+$0x0], $0xffff;
	v56 =	vmul.f32 $1.000000000e+03, v56  }
0x51b: {  	v40 =	vmul.f32 v40, v46;
	v45 =	vmul.f32 v45, v52;
	v60 =	vsub.f32 v39, v60;
	v61 =	vld.idx.msk [tilespmem:v37+s23+$0x0], $0xffff  }
0x51c: {  	v39 =	vmul.f32 v46, v32;
	v46 =	vld.idx.msk [tilespmem:v55+s23+$0x0], $0xffff;
	v32 =	vtrunc.f32 v56  }
0x51d: {  	v49 =	vadd.f32 v40, v49;
	v62 =	vmul.f32 v38, v59;
	v44 =	vld.idx.msk [tilespmem:v44+s28+$0x0], $0xffff;
	v63 =	vcvt.f32.s32 v32  }
0x51e: {  	v40 =	vmul.f32 v52, v29;
	v38 =	vmul.f32 v59, v33;
	v32 =	vadd.f32 v45, v51;
	v29 =	vld.idx.msk [tilespmem:v54+s28+$0x0], $0xffff  }
0x51f: {  	v45 =	vmul.f32 v48, v58;
	v33 =	vmul.f32 v58, v34;
	[tilespmem:s10+$0x0] =	vst v49;
	v48 =	vld.idx.msk [tilespmem:v53+s28+$0x0], $0xffff  }
0x520: {  	v0 =	vmul.f32 v0, v57;
	v34 =	vmul.f32 v57, v35;
	[tilespmem:s10+$0x10] =	vst v32;
	v49 =	vld.idx.msk [tilespmem:v37+s28+$0x0], $0xffff  }
0x521: {  	v50 =	vmul.f32 v50, v61;
	v32 =	vmul.f32 v61, v41;
	v51 =	vld.idx.msk [tilespmem:v55+s28+$0x0], $0xffff  }
0x522: {  	v53 =	vmul.f32 v60, v46;
	v37 =	vmul.f32 v46, v36;
	v52 =	vld [tilespmem:s2+$0x80]  }
0x523: {  	v36 =	vcvt.s32.f32 v27;
	v35 =	vadd.f32 v62, v44;
	v44 =	vcvt.s32.f32 v25;
	v41 =	vld.idx.msk [tilespmem:v63+s25+$0x0], $0xffff  }
0x524: {  	v47 =	vmul.f32 v47, v18;
	v45 =	vadd.f32 v45, v29;
	v29 =	vmul.f32 v18, v10;
	v46 =	vld [tilespmem:s2+$0x90]  }
0x525: {  	v10 =	vcvt.s32.f32 v63;
	v0 =	vadd.f32 v0, v48;
	[tilespmem:s10+$0x20] =	vst v35;
	v18 =	vld.idx.msk [tilespmem:v63+s6+$0x0], $0xffff;
	v35 =	vsub.f32 v12, v36  }
0x526: {  	v43 =	vmul.f32 v43, v31;
	v36 =	vsub.f32 v13, v44;
	v12 =	vld [tilespmem:s2+$0xA0];
	[tilespmem:s10+$0x30] =	vst v45;
	v45 =	vadd.f32 v50, v49  }
0x527: {  	v10 =	vsub.f32 v56, v10;
	v13 =	vmul.f32 $1.000000000e+03, v52;
	v44 =	vld [tilespmem:s2+$0xB0];
	[tilespmem:s10+$0x40] =	vst v0;
	v0 =	vadd.f32 v53, v51  }
0x528: {  	v31 =	vmul.f32 v31, v17;
	v14 =	vadd.f32 v47, v14;
	v42 =	vmul.f32 v42, v19;
	v48 =	vld [tilespmem:s2+$0xC0];
	[tilespmem:s10+$0x50] =	vst v45  }
0x529: {  	v45 =	vmul.f32 $1.000000000e+03, v46;
	v46 =	vld [tilespmem:s2+$0xD0];
	[tilespmem:s10+$0x60] =	vst v0;
	v0 =	vmul.f32 v10, v41;
	v10 =	vadd.f32 v43, v30  }
0x52a: {  	v17 =	vmul.f32 v19, v11;
	v43 =	vtrunc.f32 v13;
	v47 =	vld [tilespmem:s2+$0xE0];
	[tilespmem:s9+$0x180] =	vst v14  }
0x52b: {  	v11 =	vtrunc.f32 v45;
	v12 =	vmul.f32 $1.000000000e+03, v12;
	v0 =	vadd.f32 v0, v18;
	[tilespmem:s9+$0x190] =	vst v10;
	v30 =	vld.idx.msk [tilespmem:v25+s26+$0x0], $0xffff  }
0x52c: {  	v14 =	vcvt.f32.s32 v43;
	v43 =	vmul.f32 $1.000000000e+03, v44;
	v44 =	vld.idx.msk [tilespmem:v24+s7+$0x0], $0xffff  }
0x52d: {  	v10 =	vtrunc.f32 v12;
	v48 =	vmul.f32 $1.000000000e+03, v48;
	[tilespmem:s10+$0x170] =	vst v0;
	v24 =	vld.idx.msk [tilespmem:v28+s7+$0x0], $0xffff  }
0x52e: {  	v0 =	vtrunc.f32 v43;
	v28 =	vmul.f32 $1.000000000e+03, v46;
	v46 =	vld [tilespmem:s2+$0x1F0]  }
0x52f: {  	v49 =	vtrunc.f32 v48;
	v47 =	vmul.f32 $1.000000000e+03, v47;
	v19 =	vld.idx.msk [tilespmem:v26+s7+$0x0], $0xffff  }
0x530: {  	v26 =	vcvt.f32.s32 v11;
	v11 =	vtrunc.f32 v28;
	v18 =	vld.idx.msk [tilespmem:v27+s7+$0x0], $0xffff  }
0x531: {  	v27 =	vcvt.f32.s32 v10;
	v50 =	vtrunc.f32 v47;
	v10 =	vld.idx.msk [tilespmem:v25+s7+$0x0], $0xffff  }
0x532: {  	v0 =	vcvt.f32.s32 v0;
	v49 =	vcvt.f32.s32 v49;
	v42 =	vadd.f32 v42, v44;
	v25 =	vld.idx.msk [tilespmem:v14+s24+$0x0], $0xffff  }
0x533: {  	v51 =	vcvt.f32.s32 v11;
	v44 =	vld.idx.msk [tilespmem:v14+s5+$0x0], $0xffff;
	v46 =	vmul.f32 $1.000000000e+03, v46  }
0x534: {  	v11 =	vcvt.s32.f32 v14;
	v50 =	vcvt.f32.s32 v50;
	[tilespmem:s9+$0x1A0] =	vst v42  }
0x535: {  	v14 =	vcvt.s32.f32 v26;
	v42 =	vtrunc.f32 v46  }
0x536: {  	v52 =	vcvt.s32.f32 v27;
	v11 =	vsub.f32 v13, v11;
	v13 =	vld.idx.msk [tilespmem:v26+s24+$0x0], $0xffff;
	v42 =	vcvt.f32.s32 v42  }
0x537: {  	v1 =	vmul.f32 v2, v1;
	v53 =	vcvt.s32.f32 v0;
	v14 =	vsub.f32 v45, v14;
	v45 =	vld.idx.msk [tilespmem:v27+s24+$0x0], $0xffff  }
0x538: {  	v54 =	vcvt.s32.f32 v51;
	v2 =	vsub.f32 v12, v52;
	v12 =	vcvt.s32.f32 v49;
	v52 =	vld.idx.msk [tilespmem:v0+s24+$0x0], $0xffff  }
0x539: {  	v1 =	vmul.f32 v9, v1;
	v43 =	vsub.f32 v43, v53;
	v55 =	vcvt.s32.f32 v50;
	v53 =	vld.idx.msk [tilespmem:v49+s24+$0x0], $0xffff  }
0x53a: {  	v28 =	vsub.f32 v28, v54;
	v12 =	vsub.f32 v48, v12;
	v11 =	vmul.f32 v11, v25;
	v48 =	vld.idx.msk [tilespmem:v51+s24+$0x0], $0xffff  }
0x53b: {  	v1 =	vmul.f32 v3, v1;
	v9 =	vmul.f32 v25, v39;
	v25 =	vsub.f32 v47, v55;
	v39 =	vld.idx.msk [tilespmem:v50+s24+$0x0], $0xffff  }
0x53c: {  	v3 =	vadd.f32 v11, v44;
	v44 =	vmul.f32 v14, v13;
	v11 =	vmul.f32 v13, v40;
	v40 =	vld.idx.msk [tilespmem:v42+s26+$0x0], $0xffff  }
0x53d: {  	v1 =	vmul.f32 v4, v1;
	v2 =	vmul.f32 v2, v45;
	v13 =	vld.idx.msk [tilespmem:v26+s5+$0x0], $0xffff  }
0x53e: {  	v26 =	vmul.f32 v43, v52;
	[tilespmem:s10+$0x80] =	vst v3;
	v3 =	vcvt.s32.f32 v42;
	v42 =	vld.idx.msk [tilespmem:v42+s7+$0x0], $0xffff  }
0x53f: {  	v1 =	vmul.f32 v23, v1;
	v43 =	vmul.f32 v12, v53;
	v27 =	vld.idx.msk [tilespmem:v27+s5+$0x0], $0xffff  }
0x540: {  	v12 =	vmul.f32 v45, v38;
	v28 =	vmul.f32 v28, v48;
	v0 =	vld.idx.msk [tilespmem:v0+s5+$0x0], $0xffff;
	v3 =	vsub.f32 v46, v3  }
0x541: {  	v1 =	vmul.f32 v41, v1;
	v25 =	vmul.f32 v25, v39;
	v38 =	vld.idx.msk [tilespmem:v49+s5+$0x0], $0xffff  }
0x542: {  	v14 =	vmul.f32 v52, v33;
	v33 =	vld.idx.msk [tilespmem:v51+s5+$0x0], $0xffff;
	v23 =	vmul.f32 v3, v40  }
0x543: {  	v1 =	vmul.f32 v40, v1;
	v41 =	vadd.f32 v44, v13;
	v13 =	vmul.f32 v53, v34;
	v34 =	vld.idx.msk [tilespmem:v50+s5+$0x0], $0xffff  }
0x544: {  	v4 =	vmul.f32 v48, v32;
	v3 =	vmul.f32 v39, v37;
	v40 =	vld [tilespmem:s2+$0x100];
	v23 =	vadd.f32 v23, v42  }
0x545: {  	v37 =	vmul.f32 v15, v22;
	v1 =	vmul.f32 $1.000000010e+24, v1;
	v27 =	vadd.f32 v2, v27;
	[tilespmem:s10+$0x90] =	vst v41  }
.Ltmp1:
0x546: {  	s15 =	sadd.s32 $0x80, s15;
	v0 =	vadd.f32 v26, v0;
	v2 =	vld [tilespmem:s2+$0x110];
	[tilespmem:s10+$0x1F0] =	vst v23;
	v23 =	vmul.f32 v22, v8;
	v22 =	vmul.f32 v16, v20;
	(pc) =	sbr.rel @p0 .LBB2_5-.Ltmp1, $4  }
0x547: {  	v38 =	vadd.f32 v43, v38;
	v8 =	vmul.f32 v20, v5;
	v20 =	vmul.f32 v35, v21;
	[tilespmem:s15+$0x30] =	vst v1  }
0x548: {  	v15 =	vmul.f32 v21, v6;
	v28 =	vadd.f32 v28, v33;
	v1 =	vmul.f32 v36, v30;
	[tilespmem:s10+$0xA0] =	vst v27  }
0x549: {  	v16 =	vmul.f32 v30, v7;
	v32 =	vadd.f32 v25, v34;
	v6 =	vmul.f32 $1.000000000e+03, v40;
	v26 =	vld [tilespmem:s2+$0x120];
	[tilespmem:s10+$0xB0] =	vst v0  }
0x54a: {  	v21 =	vmul.f32 $1.000000010e+24, v29;
	v7 =	vmul.f32 $1.000000010e+24, v31;
	v5 =	vadd.f32 v37, v24;
	s2 =	sadd.s32 $0x400, s2;
	v27 =	vld [tilespmem:s12+$0x130];
	[tilespmem:s10+$0xC0] =	vst v38  }
0x54b: {  	_ = 	snop  }
0x54c: {  	v0 =	vtrunc.f32 v6;
	v24 =	vmul.f32 $1.000000000e+03, v2  }
0x54d: {  	v53 =	vld [tilespmem:s12+$0x140];
	v0 =	vcvt.f32.s32 v0  }
0x54e: {  	[tilespmem:s10+$0xD0] =	vst v28;
	v54 =	vtrunc.f32 v24;
	v26 =	vmul.f32 $1.000000000e+03, v26  }
0x54f: {  	[tilespmem:s10+$0xE0] =	vst v32;
	v25 =	vld [tilespmem:s12+$0x150];
	v28 =	vcvt.f32.s32 v54  }
0x550: {  	v30 =	vld [tilespmem:s12+$0x160];
	v27 =	vmul.f32 $1.000000000e+03, v27;
	v29 =	vtrunc.f32 v26  }
0x551: {  	v29 =	vcvt.f32.s32 v29  }
0x552: {  	v55 =	vmul.f32 $1.000000000e+03, v53;
	v31 =	vtrunc.f32 v27  }
0x553: {  	v57 =	vcvt.s32.f32 v28;
	v31 =	vcvt.f32.s32 v31;
	v33 =	vld.idx.msk [tilespmem:v0+s25+$0x0], $0xffff  }
0x554: {  	v25 =	vmul.f32 $1.000000000e+03, v25;
	v2 =	vtrunc.f32 v55;
	v37 =	vld.idx.msk [tilespmem:v0+s6+$0x0], $0xffff  }
0x555: {  	v30 =	vmul.f32 $1.000000000e+03, v30;
	v35 =	vcvt.f32.s32 v2;
	v36 =	vld.idx.msk [tilespmem:v28+s25+$0x0], $0xffff  }
0x556: {  	v0 =	vcvt.s32.f32 v0;
	v34 =	vtrunc.f32 v25;
	v38 =	vld.idx.msk [tilespmem:v28+s6+$0x0], $0xffff  }
0x557: {  	v56 =	vtrunc.f32 v30;
	v34 =	vcvt.f32.s32 v34;
	v40 =	vld.idx.msk [tilespmem:v29+s25+$0x0], $0xffff  }
0x558: {  	v42 =	vcvt.s32.f32 v29;
	v39 =	vcvt.f32.s32 v56;
	v0 =	vsub.f32 v6, v0;
	v29 =	vld.idx.msk [tilespmem:v29+s6+$0x0], $0xffff  }
0x559: {  	v41 =	vld.idx.msk [tilespmem:v31+s25+$0x0], $0xffff  }
0x55a: {  	v6 =	vsub.f32 v24, v57;
	v59 =	vcvt.s32.f32 v31;
	v0 =	vmul.f32 v0, v33;
	v31 =	vld.idx.msk [tilespmem:v31+s6+$0x0], $0xffff  }
0x55b: {  	v26 =	vsub.f32 v26, v42;
	v58 =	vld.idx.msk [tilespmem:v35+s25+$0x0], $0xffff  }
0x55c: {  	v60 =	vcvt.s32.f32 v35;
	v61 =	vmul.f32 v6, v36;
	v0 =	vadd.f32 v0, v37;
	v35 =	vld.idx.msk [tilespmem:v35+s6+$0x0], $0xffff  }
0x55d: {  	v24 =	vsub.f32 v27, v59;
	v2 =	vld.idx.msk [tilespmem:v34+s25+$0x0], $0xffff  }
0x55e: {  	v6 =	vld.idx.msk [tilespmem:v39+s25+$0x0], $0xffff;
	[tilespmem:s10+$0x100] =	vst v0;
	v63 =	vadd.f32 v61, v38;
	v26 =	vmul.f32 v26, v40  }
0x55f: {  	v62 =	vcvt.s32.f32 v34;
	v32 =	vsub.f32 v55, v60;
	v43 =	vld [tilespmem:s12+$0x180]  }
0x560: {  	v17 =	vmul.f32 $1.000000010e+24, v17;
	v38 =	vld.idx.msk [tilespmem:v34+s6+$0x0], $0xffff;
	v24 =	vmul.f32 v24, v41;
	[tilespmem:s10+$0x110] =	vst v63;
	v26 =	vadd.f32 v26, v29  }
0x561: {  	v23 =	vmul.f32 $1.000000010e+24, v23;
	v42 =	vcvt.s32.f32 v39;
	v25 =	vsub.f32 v25, v62;
	v47 =	vld [tilespmem:s12+$0x190]  }
0x562: {  	v8 =	vmul.f32 $1.000000010e+24, v8;
	v46 =	vld.idx.msk [tilespmem:v39+s6+$0x0], $0xffff;
	v45 =	vmul.f32 v32, v58;
	v44 =	vadd.f32 v24, v31;
	[tilespmem:s10+$0x120] =	vst v26  }
0x563: {  	v9 =	vmul.f32 v33, v9;
	v30 =	vsub.f32 v30, v42;
	v42 =	vmul.f32 $1.000000010e+24, v16;
	v48 =	vld [tilespmem:s12+$0x1A0]  }
0x564: {  	v25 =	vmul.f32 v25, v2;
	v24 =	vadd.f32 v45, v35;
	[tilespmem:s10+$0x130] =	vst v44;
	v50 =	vmul.f32 $1.000000000e+03, v43  }
0x565: {  	v11 =	vmul.f32 v36, v11;
	v30 =	vmul.f32 v30, v6;
	v49 =	vld [tilespmem:s12+$0x1B0]  }
0x566: {  	v25 =	vadd.f32 v25, v38;
	[tilespmem:s10+$0x140] =	vst v24;
	v26 =	vmul.f32 $1.000000000e+03, v47;
	v54 =	vtrunc.f32 v50  }
0x567: {  	v12 =	vmul.f32 v40, v12;
	v52 =	vadd.f32 v30, v46;
	v51 =	vld [tilespmem:s12+$0x1C0];
	v31 =	vcvt.f32.s32 v54  }
0x568: {  	[tilespmem:s10+$0x150] =	vst v25;
	v55 =	vtrunc.f32 v26;
	v0 =	vmul.f32 $1.000000000e+03, v48  }
0x569: {  	v14 =	vmul.f32 v41, v14;
	[tilespmem:s10+$0x160] =	vst v52;
	v53 =	vld [tilespmem:s12+$0x1D0];
	v29 =	vcvt.f32.s32 v55  }
0x56a: {  	v57 =	vld [tilespmem:s12+$0x1E0];
	v27 =	vmul.f32 $1.000000000e+03, v49;
	v56 =	vtrunc.f32 v0  }
0x56b: {  	v13 =	vmul.f32 v58, v13;
	v32 =	vcvt.f32.s32 v56  }
0x56c: {  	[tilespmem:s14+$0xFFFFFFC0] =	vst v21;
	v25 =	vmul.f32 $1.000000000e+03, v51;
	v59 =	vtrunc.f32 v27  }
0x56d: {  	[tilespmem:s14+$0xFFFFFFD0] =	vst v7;
	v35 =	vcvt.s32.f32 v31;
	v62 =	vld.idx.msk [tilespmem:v31+s26+$0x0], $0xffff;
	v7 =	vcvt.f32.s32 v59  }
0x56e: {  	v19 =	vadd.f32 v22, v19;
	[tilespmem:s9+$0x1B0] =	vst v5;
	v58 =	vmul.f32 $1.000000000e+03, v53;
	v60 =	vtrunc.f32 v25;
	v33 =	vld.idx.msk [tilespmem:v31+s7+$0x0], $0xffff  }
0x56f: {  	v18 =	vadd.f32 v20, v18;
	[tilespmem:s14+$0xFFFFFFE0] =	vst v17;
	v63 =	vmul.f32 $1.000000000e+03, v57;
	v28 =	vcvt.f32.s32 v60;
	v34 =	vld.idx.msk [tilespmem:v29+s26+$0x0], $0xffff  }
0x570: {  	v1 =	vadd.f32 v1, v10;
	[tilespmem:s14+$0xFFFFFFF0] =	vst v23;
	v37 =	vcvt.s32.f32 v29;
	v61 =	vtrunc.f32 v58;
	v39 =	vld.idx.msk [tilespmem:v29+s7+$0x0], $0xffff  }
0x571: {  	[tilespmem:s9+$0x1C0] =	vst v19;
	v23 =	vsub.f32 v50, v35;
	v36 =	vtrunc.f32 v63;
	v17 =	vcvt.f32.s32 v61;
	v38 =	vld.idx.msk [tilespmem:v32+s26+$0x0], $0xffff  }
0x572: {  	[tilespmem:s9+$0x1D0] =	vst v18;
	v40 =	vcvt.s32.f32 v32;
	v10 =	vcvt.f32.s32 v36;
	v44 =	vld.idx.msk [tilespmem:v32+s7+$0x0], $0xffff  }
0x573: {  	[tilespmem:s9+$0x1E0] =	vst v1;
	v41 =	vmul.f32 $1.000000010e+24, v15;
	v43 =	vsub.f32 v26, v37;
	v23 =	vmul.f32 v23, v62;
	v46 =	vld.idx.msk [tilespmem:v7+s26+$0x0], $0xffff  }
0x574: {  	[tilespmem:s14+$0x0] =	vst v8;
	v45 =	vcvt.s32.f32 v7;
	v0 =	vsub.f32 v0, v40;
	v9 =	vmul.f32 v62, v9;
	v7 =	vld.idx.msk [tilespmem:v7+s7+$0x0], $0xffff  }
0x575: {  	[tilespmem:s14+$0x20] =	vst v42;
	v47 =	vcvt.s32.f32 v28;
	v48 =	vld.idx.msk [tilespmem:v28+s26+$0x0], $0xffff;
	v16 =	vmul.f32 v43, v34;
	v22 =	vadd.f32 v23, v33  }
0x576: {  	[tilespmem:s14+$0x10] =	vst v41;
	v8 =	vsub.f32 v27, v45;
	v11 =	vmul.f32 v34, v11;
	v53 =	vld.idx.msk [tilespmem:v28+s7+$0x0], $0xffff;
	v9 =	vmul.f32 $1.000000010e+24, v9  }
0x577: {  	v50 =	vcvt.s32.f32 v17;
	v49 =	vld.idx.msk [tilespmem:v17+s26+$0x0], $0xffff;
	v16 =	vadd.f32 v16, v39;
	[tilespmem:s10+$0x180] =	vst v22;
	v0 =	vmul.f32 v0, v38  }
0x578: {  	v1 =	vsub.f32 v25, v47;
	v52 =	vld.idx.msk [tilespmem:v10+s26+$0x0], $0xffff;
	v55 =	vmul.f32 $1.000000010e+24, v11;
	v12 =	vmul.f32 v38, v12;
	[tilespmem:s15+$0xFFFFFFC0] =	vst v9  }
0x579: {  	v51 =	vcvt.s32.f32 v10;
	v17 =	vld.idx.msk [tilespmem:v17+s7+$0x0], $0xffff;
	[tilespmem:s10+$0x190] =	vst v16;
	v54 =	vmul.f32 v8, v46;
	v0 =	vadd.f32 v0, v44  }
0x57a: {  	v56 =	vsub.f32 v58, v50;
	v10 =	vld.idx.msk [tilespmem:v10+s7+$0x0], $0xffff;
	v12 =	vmul.f32 $1.000000010e+24, v12;
	v1 =	vmul.f32 v1, v48;
	[tilespmem:s15+$0xFFFFFFD0] =	vst v55  }
0x57b: {  	v5 =	vsub.f32 v63, v51;
	v14 =	vmul.f32 v46, v14;
	[tilespmem:s10+$0x1A0] =	vst v0;
	v0 =	vadd.f32 v54, v7  }
0x57c: {  	v2 =	vmul.f32 v2, v4;
	v57 =	vmul.f32 v56, v49;
	v1 =	vadd.f32 v1, v53;
	[tilespmem:s15+$0xFFFFFFE0] =	vst v12  }
0x57d: {  	v58 =	vmul.f32 $1.000000010e+24, v14;
	v59 =	vmul.f32 v5, v52;
	[tilespmem:s10+$0x1B0] =	vst v0  }
0x57e: {  	v60 =	vmul.f32 v6, v3;
	v61 =	vmul.f32 v48, v13;
	v62 =	vadd.f32 v57, v17;
	[tilespmem:s10+$0x1C0] =	vst v1  }
0x57f: {  	v2 =	vmul.f32 v49, v2;
	v4 =	vadd.f32 v59, v10;
	[tilespmem:s15+$0xFFFFFFF0] =	vst v58  }
0x580: {  	v63 =	vmul.f32 $1.000000010e+24, v61;
	v0 =	vmul.f32 v52, v60;
	[tilespmem:s10+$0x1D0] =	vst v62  }
0x581: {  	v2 =	vmul.f32 $1.000000010e+24, v2;
	[tilespmem:s10+$0x1E0] =	vst v4  }
0x582: {  	s1 =	sshll.u32 s30, $0x7;
	s2 =	rddreg [dreg:$0x2];
	s18 =	sadd.s32 $0x1, s18;
	[tilespmem:s15+$0x0] =	vst v63;
	v0 =	vmul.f32 $1.000000010e+24, v0  }
0x583: {  	s17 =	sshll.u32 s30, $0x4;
	s1 =	sand.u32 $0x1FFFF800, s1;
	p0 =	sne.s32 s18, $0x8;
	[tilespmem:s15+$0x10] =	vst v2  }
.Ltmp2:
0x584: {  	s1 =	sadd.s32 s2, s1;
	[tilespmem:s15+$0x20] =	vst v0;
	s15 =	simm.s32 $0xFF00;
	(pc) =	sbr.rel @p0 .LBB2_2-.Ltmp2, $4  }
0x585: {  	[hbm4b:s1+s3] =	stream.linear.scatter [tilespmem:s15], [sflag:$0x4], $0x4000, $0x38;
	[tilespmem:$0x14F00] =	vst v63  }
0x586: {  	s1 =	sand.u32 $0x1FFFFF00, s17  }
0x587: {  	s30 =	simm.s32 $0x14700;
	s1 =	sadd.s32 s16, s1  }
0x588: {  	[hbm4b:s1+s3] =	stream.linear.scatter [tilespmem:s30], [sflag:$0x6], $0x800, $0x38;
	[tilespmem:$0x14F00] =	vst v63  }
0x589: {  	s1 =	simm.s32 $0x3  }
0x58a: {  	_ =	swait.ge [sflag:s1], $0x4000  }
0x58b: {  	[sflag:s1] =	ssyncset.done $0x0  }
0x58c: {  	s17 =	simm.s32 $0x5;
	[sflag:s1] =	ssyncadd.s32 $0xFFFFC000  }
0x58d: {  	_ =	swait.ge [sflag:s17], $0x800  }
0x58e: {  	[sflag:s17] =	ssyncset.done $0x0  }
0x58f: {  	s18 =	simm.s32 $0x4;
	[sflag:s17] =	ssyncadd.s32 $0xFFFFF800  }
0x590: {  	_ =	swait.ge [sflag:s18], $0x4000  }
0x591: {  	[sflag:s18] =	ssyncset.done $0x0  }
0x592: {  	s2 =	simm.s32 $0x6;
	[sflag:s18] =	ssyncadd.s32 $0xFFFFC000  }
0x593: {  	_ =	swait.ge [sflag:s2], $0x800  }
0x594: {  	s9 =	rddreg [dreg:$0x10]  }
0x595: {  	s30 =	rddreg [dreg:$0xf];
	s9 =	sadd.s32 $0x1, s9  }
0x596: {  	p0 =	sne.s32 s9, s30  }
.Ltmp3:
0x597: {  	_ = 	snop;
	(pc) =	sbr.rel @p0 .LBB2_1-.Ltmp3, $3  }
0x598: {  	_ =	sdelay $0x1  }
0x599: {  	[sflag:s2] =	ssyncset.done $0x0  }
0x59a: {  	[sflag:s2] =	ssyncadd.s32 $0xFFFFF800  }
0x59b: {  	_ =	sfence.sel $0x180000  }
0x59c: {  	[bflag:$0x0] =	sbarrier.arrive $0xFFFF  }
0x59d: {  	_ =	strace $0x90000047  }
0x59e: {  	s0 =	stileid.u32;
	[bflag:$0x2] =	sbarrier.arrive $0xFFFF  }
0x59f: {  	p0 =	sne.s32 s0, $0x0;
	s0 =	rddreg [dreg:$0x4]  }
0x5a0: {  	s0 =	sadd.s32 @!p0 $0x100000, s0  }
0x5a1: {  	[sflag:s0] =	ssyncadd.tile.s32 @!p0 $0x1;
	_ =	shalt  }
.Lfunc_end2:
_tile_overlayer_lowered:
.L_overlay_start_2:
0x5a2: {  	(tag) =	ssettag $0x2  }
0x5a3: {  	s0 =	rddreg [dreg:$0x0];
	s2 =	stileid.u32  }
0x5a4: {  	s1 =	rddreg [dreg:$0x1];
	p0 =	sne.s32 s2, $0x0  }
0x5a5: {  	s3 =	rddreg [dreg:$0x2];
	[bflag:$0x3] =	sbarrier.arrive $0xFFFF;
	s2 =	simm.s32 @!p0 $0x1C07  }
0x5a6: {  	[timem:s3], [sflag:s2] =	dma.local @!p0 [hbm:s0], s1  }
0x5a7: {  	s0 =	simm.s32 @!p0 $0x7  }
0x5a8: {  	_ =	swait.ge @!p0 [sflag:s0], s1  }
0x5a9: {  	s1 =	ssub.s32 @!p0 $0x0, s1;
	[sflag:s0] =	ssyncset.done @!p0 $0x0  }
0x5aa: {  	[sflag:s0] =	ssyncadd.s32 @!p0 s1  }
0x5ab: {  	[bflag:$0x3] =	sbarrier.arrive $0xFFFF  }
0x5ac: {  	_ =	shalt  }

</sc_bundles>
